<compile_context>
chip_gen: v7x
topology: tpu7x:2x2x1
jax: 0.10.2.dev20260603
libtpu: 0.0.44.dev20260713+nightly
codegen_flags: <defaults>
</compile_context>

<pallas_src>
import functools

import jax
import jax.numpy as jnp
from jax import lax
from jax.experimental import pallas as pl
from jax.experimental.pallas import tpu as pltpu
from jax.experimental.pallas import tpu_sc as plsc

SEQ = 200
BATCH = 4096
D = 64
VOCAB = 1000000
NW = 32

SUB = 128
NSUB = 16
CB1 = SUB * NSUB
NBLK = (VOCAB + CB1 - 1) // CB1

BPW = BATCH // NW
NREG = D // 16
KH = 4
NGRP = SEQ // (2 * KH)
UB = 4

_mesh = plsc.VectorSubcoreMesh(core_axis_name="c", subcore_axis_name="s")


def _tc_transpose_body(tabt_ref, out_ref):
    q = lax.broadcasted_iota(jnp.int32, (D, SUB), 0)
    c = lax.broadcasted_iota(jnp.int32, (D, SUB), 1)
    sel_lo = (c == 2 * q).astype(jnp.bfloat16)
    sel_hi = (c == 2 * q + 1).astype(jnp.bfloat16)
    dn = (((1,), (1,)), ((), ()))
    for m in range(NSUB):
        xm = tabt_ref[:, m * SUB:(m + 1) * SUB].astype(jnp.bfloat16)
        out_ref[m * D:(m + 1) * D, 0:D] = lax.dot_general(
            sel_lo, xm, dn, preferred_element_type=jnp.float32)
        out_ref[m * D:(m + 1) * D, D:2 * D] = lax.dot_general(
            sel_hi, xm, dn, preferred_element_type=jnp.float32)


_tc_transpose = pl.pallas_call(
    _tc_transpose_body,
    grid=(NBLK,),
    in_specs=[pl.BlockSpec((D, CB1), lambda j: (0, j))],
    out_specs=pl.BlockSpec((CB1 // 2, 2 * D), lambda j: (j, 0)),
    out_shape=jax.ShapeDtypeStruct((VOCAB // 2, 2 * D), jnp.float32),
)


@functools.partial(
    pl.kernel,
    mesh=_mesh,
    out_type=jax.ShapeDtypeStruct((BATCH, D), jnp.float32),
    compiler_params=pltpu.CompilerParams(use_tc_tiling_on_sc=False),
    scratch_types=[
        pltpu.VMEM((SEQ, 2, BPW), jnp.int32),
        pltpu.VMEM((2, KH, 2 * BPW, 32), jnp.float32),
        pltpu.VMEM((BPW, D), jnp.float32),
        pltpu.SemaphoreType.DMA,
        pltpu.SemaphoreType.DMA,
    ],
)
def _sum_embed(idx_hbm, tab2_hbm, out_hbm, idx_v, ring_v, acc_v, sem_a, sem_b):
    wid = lax.axis_index("s") * 2 + lax.axis_index("c")
    pltpu.sync_copy(idx_hbm.at[:, wid], idx_v)

    def fire(s0, half, sem):
        for j in range(KH):
            for hh in range(2):
                pltpu.async_copy(
                    tab2_hbm.at[idx_v.at[s0 + j, hh]],
                    ring_v.at[half, j, pl.ds(hh * BPW, BPW)],
                    sem)

    def drain(half, sem):
        for j in range(KH):
            for hh in range(2):
                pltpu.make_async_copy(
                    tab2_hbm.at[idx_v.at[0, 0]],
                    ring_v.at[half, j, pl.ds(hh * BPW, BPW)],
                    sem).wait()

    def reduce_half(half):
        for j in range(KH):
            def red(bi, c, j=j):
                for u in range(UB):
                    b = bi * UB + u
                    for k in range(NREG):
                        plsc.addupdate(
                            acc_v.at[b, pl.ds(k * 16, 16)],
                            ring_v[half, j, 2 * b + k // 2,
                                   pl.ds((k % 2) * 16, 16)],
                        )
                return c
            lax.fori_loop(0, BPW // UB, red, 0)

    zvec = jnp.zeros((16,), jnp.float32)

    def zero(bi, c):
        for u in range(UB):
            for k in range(NREG):
                acc_v[bi * UB + u, pl.ds(k * 16, 16)] = zvec
        return c

    lax.fori_loop(0, BPW // UB, zero, 0)

    fire(0, 0, sem_a)

    def grp(g, carry):
        s0 = g * 2 * KH
        fire(s0 + KH, 1, sem_b)
        drain(0, sem_a)
        reduce_half(0)

        @pl.when(g < NGRP - 1)
        def _():
            fire(s0 + 2 * KH, 0, sem_a)

        drain(1, sem_b)
        reduce_half(1)
        return carry

    lax.fori_loop(0, NGRP, grp, 0)
    pltpu.sync_copy(acc_v, out_hbm.at[pl.ds(wid * BPW, BPW)])


def kernel(indices, table):
    pairs = jnp.stack((indices * 2, indices * 2 + 1), axis=-1)
    idx4 = pairs.reshape(SEQ, NW, 2, BPW)
    tab2 = _tc_transpose(table.T).reshape(2 * VOCAB, 32)
    return _sum_embed(idx4, tab2)

# --- scband reference (transcript-rebuilt; emitter-appended) ---
"""Pipeline reference for scband-edit-encoder-61383672594432 (READ-ONLY COPY).

The authoritative reference and input builder live on the scoring server;
editing this copy changes nothing except your own understanding.
"""

import jax, jax.numpy as jnp
import numpy as np

VOCAB = 1000000
EMBED_DIM = 64
SEQ_LEN = 200
BATCH = 4096
PAD = 0


def setup_inputs(seed: int = 0) -> dict:
    key = jax.random.key(seed)
    k_idx, k_tab = jax.random.split(key)
    indices = jax.random.randint(k_idx, (SEQ_LEN, BATCH), 0, VOCAB, dtype=jnp.int32)
    table = jax.random.normal(k_tab, (VOCAB, EMBED_DIM), dtype=jnp.float32) * 0.02
    # nn.Embedding(padding_idx=PAD) initializes the padding row to zeros
    table = table.at[PAD].set(0.0)
    return {"indices": indices, "table": table}


def reference(indices, table):
    # wordEmb = self.word_lut(input[0])  -> embedding gather [seq_len, batch, embed_dim]
    wordEmb = jnp.take(table, indices, axis=0)
    # hidden_t = torch.sum(wordEmb, dim=0) -> [batch, embed_dim]
    hidden_t = jnp.sum(wordEmb, axis=0)
    return hidden_t

if __name__ == "__main__":
    import jax
    _d = setup_inputs()
    print(jax.jit(kernel)(*tuple(_d.values())))

</pallas_src>

<mosaic_0001>
#map = affine_map<(d0, d1) -> (0, 0, 0, 0)>
#map1 = affine_map<(d0, d1) -> (0, 0)>
module attributes {stable_mosaic.version = 14 : i64} {
  func.func @_sum_embed(%arg0: i32, %arg1: i32, %arg2: memref<200x32x2x128xi32, #tpu.memory_space<hbm>>, %arg3: memref<2000000x32xf32, #tpu.memory_space<hbm>>, %arg4: memref<4096x64xf32, #tpu.memory_space<hbm>>, %arg5: memref<200x2x128xi32, #tpu.memory_space<vmem>>, %arg6: memref<2x4x256x32xf32, #tpu.memory_space<vmem>>, %arg7: memref<128x64xf32, #tpu.memory_space<vmem>>, %arg8: memref<!tpu.dma_semaphore, #tpu.memory_space<semaphore_mem>>, %arg9: memref<!tpu.dma_semaphore, #tpu.memory_space<semaphore_mem>>) attributes {dimension_semantics = [#tpu.dimension_semantics<core_parallel>, #tpu.dimension_semantics<subcore_parallel>], iteration_bounds = array<i64: 2, 16>, scalar_prefetch = 0 : i64, scratch_operands = 5 : i64, tpu.core_type = #tpu.core_type<sc_vector_subcore>, window_params = [{transform_indices = #map}, {transform_indices = #map1}, {transform_indices = #map1}]} {
    %mul3A = arith.constant 2 : i32
    %mul3A_0 = arith.muli %arg1, %mul3A : i32
    %add3A = arith.addi %mul3A_0, %arg0 : i32
    "tpu.region"() ({
      %run_scoped3A = tpu.sem_alloc : memref<!tpu.dma_semaphore, #tpu.memory_space<semaphore_mem>>
      %dma_start3A_126 = arith.constant 0 : i32
      %dma_start3A_127 = arith.constant 0 : i32
      %dma_start3A_128 = arith.constant 0 : i32
      %dma_start3A_129 = tpu.memref_slice %arg2[%dma_start3A_126, %add3A, %dma_start3A_127, %dma_start3A_128] : memref<200x32x2x128xi32, #tpu.memory_space<hbm>> -> memref<200x1x2x128xi32, #tpu.memory_space<hbm>>
      %dma_start3A_130 = tpu.memref_squeeze %dma_start3A_129 : memref<200x1x2x128xi32, #tpu.memory_space<hbm>> -> memref<200x2x128xi32, #tpu.memory_space<hbm>>
      %dma_start3A_131 = arith.constant 0 : i32
      %dma_start3A_132 = arith.constant 0 : i32
      %dma_start3A_133 = arith.constant 0 : i32
      %dma_start3A_134 = tpu.memref_slice %arg2[%dma_start3A_131, %add3A, %dma_start3A_132, %dma_start3A_133] : memref<200x32x2x128xi32, #tpu.memory_space<hbm>> -> memref<200x1x2x128xi32, #tpu.memory_space<hbm>>
      %dma_start3A_135 = tpu.memref_squeeze %dma_start3A_134 : memref<200x1x2x128xi32, #tpu.memory_space<hbm>> -> memref<200x2x128xi32, #tpu.memory_space<hbm>>
      tpu.enqueue_dma source(%dma_start3A_135 : memref<200x2x128xi32, #tpu.memory_space<hbm>>) target(%arg5 : memref<200x2x128xi32, #tpu.memory_space<vmem>>) target_semaphore(%run_scoped3A : memref<!tpu.dma_semaphore, #tpu.memory_space<semaphore_mem>>)
      %dma_wait3A = arith.constant 0 : i32
      %dma_wait3A_136 = arith.constant 0 : i32
      %dma_wait3A_137 = arith.constant 0 : i32
      %dma_wait3A_138 = tpu.memref_slice %arg2[%dma_wait3A, %add3A, %dma_wait3A_136, %dma_wait3A_137] : memref<200x32x2x128xi32, #tpu.memory_space<hbm>> -> memref<200x1x2x128xi32, #tpu.memory_space<hbm>>
      %dma_wait3A_139 = tpu.memref_squeeze %dma_wait3A_138 : memref<200x1x2x128xi32, #tpu.memory_space<hbm>> -> memref<200x2x128xi32, #tpu.memory_space<hbm>>
      %dma_wait3A_140 = arith.constant 0 : i32
      %dma_wait3A_141 = arith.constant 0 : i32
      %dma_wait3A_142 = arith.constant 0 : i32
      %dma_wait3A_143 = tpu.memref_slice %arg2[%dma_wait3A_140, %add3A, %dma_wait3A_141, %dma_wait3A_142] : memref<200x32x2x128xi32, #tpu.memory_space<hbm>> -> memref<200x1x2x128xi32, #tpu.memory_space<hbm>>
      %dma_wait3A_144 = tpu.memref_squeeze %dma_wait3A_143 : memref<200x1x2x128xi32, #tpu.memory_space<hbm>> -> memref<200x2x128xi32, #tpu.memory_space<hbm>>
      tpu.wait_dma2 semaphore(%run_scoped3A : memref<!tpu.dma_semaphore, #tpu.memory_space<semaphore_mem>>) src(%dma_wait3A_144 : memref<200x2x128xi32, #tpu.memory_space<hbm>>) dst(%arg5 : memref<200x2x128xi32, #tpu.memory_space<vmem>>)
      tpu.yield
    }) : () -> ()
    %broadcast_in_dim3A = arith.constant 0.000000e+00 : f32
    %broadcast_in_dim3A_1 = vector.broadcast %broadcast_in_dim3A : f32 to vector<16xf32>
    %scan3A = arith.constant 0 : i32
    %scan3A_2 = arith.constant 0 : i32
    %scan3A_3 = arith.constant 32 : i32
    %scan3A_4 = arith.addi %scan3A_2, %scan3A_3 : i32
    %scan3A_5 = arith.constant 1 : i32
    scf.for %scan3A_126 = %scan3A_2 to %scan3A_4 step %scan3A_5  : i32 {
      %mul3A_127 = arith.constant 4 : i32
      %mul3A_128 = arith.muli %scan3A_126, %mul3A_127 : i32
      %add3A_129 = arith.constant 0 : i32
      %add3A_130 = arith.addi %mul3A_128, %add3A_129 : i32
      %swap3A = arith.index_cast %add3A_130 : i32 to index
      %swap3A_131 = arith.constant 0 : index
      %swap3A_132 = tpu.vector_load %arg7[%swap3A, %swap3A_131] {strides = array<i32>} : memref<128x64xf32, #tpu.memory_space<vmem>>, vector<1x16xf32>,
      %swap3A_133 = vector.shape_cast %swap3A_132 : vector<1x16xf32> to vector<16xf32>
      %swap3A_134 = vector.shape_cast %broadcast_in_dim3A_1 : vector<16xf32> to vector<1x16xf32>
      tpu.vector_store %arg7[%swap3A, %swap3A_131], %swap3A_134 {strides = array<i32>} : memref<128x64xf32, #tpu.memory_space<vmem>>, vector<1x16xf32>,
      %mul3A_135 = arith.constant 4 : i32
      %mul3A_136 = arith.muli %scan3A_126, %mul3A_135 : i32
      %add3A_137 = arith.constant 0 : i32
      %add3A_138 = arith.addi %mul3A_136, %add3A_137 : i32
      %swap3A_139 = arith.index_cast %add3A_138 : i32 to index
      %swap3A_140 = arith.constant 16 : index
      %swap3A_141 = tpu.vector_load %arg7[%swap3A_139, %swap3A_140] {strides = array<i32>} : memref<128x64xf32, #tpu.memory_space<vmem>>, vector<1x16xf32>,
      %swap3A_142 = vector.shape_cast %swap3A_141 : vector<1x16xf32> to vector<16xf32>
      %swap3A_143 = vector.shape_cast %broadcast_in_dim3A_1 : vector<16xf32> to vector<1x16xf32>
      tpu.vector_store %arg7[%swap3A_139, %swap3A_140], %swap3A_143 {strides = array<i32>} : memref<128x64xf32, #tpu.memory_space<vmem>>, vector<1x16xf32>,
      %mul3A_144 = arith.constant 4 : i32
      %mul3A_145 = arith.muli %scan3A_126, %mul3A_144 : i32
      %add3A_146 = arith.constant 0 : i32
      %add3A_147 = arith.addi %mul3A_145, %add3A_146 : i32
      %swap3A_148 = arith.index_cast %add3A_147 : i32 to index
      %swap3A_149 = arith.constant 32 : index
      %swap3A_150 = tpu.vector_load %arg7[%swap3A_148, %swap3A_149] {strides = array<i32>} : memref<128x64xf32, #tpu.memory_space<vmem>>, vector<1x16xf32>,
      %swap3A_151 = vector.shape_cast %swap3A_150 : vector<1x16xf32> to vector<16xf32>
      %swap3A_152 = vector.shape_cast %broadcast_in_dim3A_1 : vector<16xf32> to vector<1x16xf32>
      tpu.vector_store %arg7[%swap3A_148, %swap3A_149], %swap3A_152 {strides = array<i32>} : memref<128x64xf32, #tpu.memory_space<vmem>>, vector<1x16xf32>,
      %mul3A_153 = arith.constant 4 : i32
      %mul3A_154 = arith.muli %scan3A_126, %mul3A_153 : i32
      %add3A_155 = arith.constant 0 : i32
      %add3A_156 = arith.addi %mul3A_154, %add3A_155 : i32
      %swap3A_157 = arith.index_cast %add3A_156 : i32 to index
      %swap3A_158 = arith.constant 48 : index
      %swap3A_159 = tpu.vector_load %arg7[%swap3A_157, %swap3A_158] {strides = array<i32>} : memref<128x64xf32, #tpu.memory_space<vmem>>, vector<1x16xf32>,
      %swap3A_160 = vector.shape_cast %swap3A_159 : vector<1x16xf32> to vector<16xf32>
      %swap3A_161 = vector.shape_cast %broadcast_in_dim3A_1 : vector<16xf32> to vector<1x16xf32>
      tpu.vector_store %arg7[%swap3A_157, %swap3A_158], %swap3A_161 {strides = array<i32>} : memref<128x64xf32, #tpu.memory_space<vmem>>, vector<1x16xf32>,
      %mul3A_162 = arith.constant 4 : i32
      %mul3A_163 = arith.muli %scan3A_126, %mul3A_162 : i32
      %add3A_164 = arith.constant 1 : i32
      %add3A_165 = arith.addi %mul3A_163, %add3A_164 : i32
      %swap3A_166 = arith.index_cast %add3A_165 : i32 to index
      %swap3A_167 = arith.constant 0 : index
      %swap3A_168 = tpu.vector_load %arg7[%swap3A_166, %swap3A_167] {strides = array<i32>} : memref<128x64xf32, #tpu.memory_space<vmem>>, vector<1x16xf32>,
      %swap3A_169 = vector.shape_cast %swap3A_168 : vector<1x16xf32> to vector<16xf32>
      %swap3A_170 = vector.shape_cast %broadcast_in_dim3A_1 : vector<16xf32> to vector<1x16xf32>
      tpu.vector_store %arg7[%swap3A_166, %swap3A_167], %swap3A_170 {strides = array<i32>} : memref<128x64xf32, #tpu.memory_space<vmem>>, vector<1x16xf32>,
      %mul3A_171 = arith.constant 4 : i32
      %mul3A_172 = arith.muli %scan3A_126, %mul3A_171 : i32
      %add3A_173 = arith.constant 1 : i32
      %add3A_174 = arith.addi %mul3A_172, %add3A_173 : i32
      %swap3A_175 = arith.index_cast %add3A_174 : i32 to index
      %swap3A_176 = arith.constant 16 : index
      %swap3A_177 = tpu.vector_load %arg7[%swap3A_175, %swap3A_176] {strides = array<i32>} : memref<128x64xf32, #tpu.memory_space<vmem>>, vector<1x16xf32>,
      %swap3A_178 = vector.shape_cast %swap3A_177 : vector<1x16xf32> to vector<16xf32>
      %swap3A_179 = vector.shape_cast %broadcast_in_dim3A_1 : vector<16xf32> to vector<1x16xf32>
      tpu.vector_store %arg7[%swap3A_175, %swap3A_176], %swap3A_179 {strides = array<i32>} : memref<128x64xf32, #tpu.memory_space<vmem>>, vector<1x16xf32>,
      %mul3A_180 = arith.constant 4 : i32
      %mul3A_181 = arith.muli %scan3A_126, %mul3A_180 : i32
      %add3A_182 = arith.constant 1 : i32
      %add3A_183 = arith.addi %mul3A_181, %add3A_182 : i32
      %swap3A_184 = arith.index_cast %add3A_183 : i32 to index
      %swap3A_185 = arith.constant 32 : index
      %swap3A_186 = tpu.vector_load %arg7[%swap3A_184, %swap3A_185] {strides = array<i32>} : memref<128x64xf32, #tpu.memory_space<vmem>>, vector<1x16xf32>,
      %swap3A_187 = vector.shape_cast %swap3A_186 : vector<1x16xf32> to vector<16xf32>
      %swap3A_188 = vector.shape_cast %broadcast_in_dim3A_1 : vector<16xf32> to vector<1x16xf32>
      tpu.vector_store %arg7[%swap3A_184, %swap3A_185], %swap3A_188 {strides = array<i32>} : memref<128x64xf32, #tpu.memory_space<vmem>>, vector<1x16xf32>,
      %mul3A_189 = arith.constant 4 : i32
      %mul3A_190 = arith.muli %scan3A_126, %mul3A_189 : i32
      %add3A_191 = arith.constant 1 : i32
      %add3A_192 = arith.addi %mul3A_190, %add3A_191 : i32
      %swap3A_193 = arith.index_cast %add3A_192 : i32 to index
      %swap3A_194 = arith.constant 48 : index
      %swap3A_195 = tpu.vector_load %arg7[%swap3A_193, %swap3A_194] {strides = array<i32>} : memref<128x64xf32, #tpu.memory_space<vmem>>, vector<1x16xf32>,
      %swap3A_196 = vector.shape_cast %swap3A_195 : vector<1x16xf32> to vector<16xf32>
      %swap3A_197 = vector.shape_cast %broadcast_in_dim3A_1 : vector<16xf32> to vector<1x16xf32>
      tpu.vector_store %arg7[%swap3A_193, %swap3A_194], %swap3A_197 {strides = array<i32>} : memref<128x64xf32, #tpu.memory_space<vmem>>, vector<1x16xf32>,
      %mul3A_198 = arith.constant 4 : i32
      %mul3A_199 = arith.muli %scan3A_126, %mul3A_198 : i32
      %add3A_200 = arith.constant 2 : i32
      %add3A_201 = arith.addi %mul3A_199, %add3A_200 : i32
      %swap3A_202 = arith.index_cast %add3A_201 : i32 to index
      %swap3A_203 = arith.constant 0 : index
      %swap3A_204 = tpu.vector_load %arg7[%swap3A_202, %swap3A_203] {strides = array<i32>} : memref<128x64xf32, #tpu.memory_space<vmem>>, vector<1x16xf32>,
      %swap3A_205 = vector.shape_cast %swap3A_204 : vector<1x16xf32> to vector<16xf32>
      %swap3A_206 = vector.shape_cast %broadcast_in_dim3A_1 : vector<16xf32> to vector<1x16xf32>
      tpu.vector_store %arg7[%swap3A_202, %swap3A_203], %swap3A_206 {strides = array<i32>} : memref<128x64xf32, #tpu.memory_space<vmem>>, vector<1x16xf32>,
      %mul3A_207 = arith.constant 4 : i32
      %mul3A_208 = arith.muli %scan3A_126, %mul3A_207 : i32
      %add3A_209 = arith.constant 2 : i32
      %add3A_210 = arith.addi %mul3A_208, %add3A_209 : i32
      %swap3A_211 = arith.index_cast %add3A_210 : i32 to index
      %swap3A_212 = arith.constant 16 : index
      %swap3A_213 = tpu.vector_load %arg7[%swap3A_211, %swap3A_212] {strides = array<i32>} : memref<128x64xf32, #tpu.memory_space<vmem>>, vector<1x16xf32>,
      %swap3A_214 = vector.shape_cast %swap3A_213 : vector<1x16xf32> to vector<16xf32>
      %swap3A_215 = vector.shape_cast %broadcast_in_dim3A_1 : vector<16xf32> to vector<1x16xf32>
      tpu.vector_store %arg7[%swap3A_211, %swap3A_212], %swap3A_215 {strides = array<i32>} : memref<128x64xf32, #tpu.memory_space<vmem>>, vector<1x16xf32>,
      %mul3A_216 = arith.constant 4 : i32
      %mul3A_217 = arith.muli %scan3A_126, %mul3A_216 : i32
      %add3A_218 = arith.constant 2 : i32
      %add3A_219 = arith.addi %mul3A_217, %add3A_218 : i32
      %swap3A_220 = arith.index_cast %add3A_219 : i32 to index
      %swap3A_221 = arith.constant 32 : index
      %swap3A_222 = tpu.vector_load %arg7[%swap3A_220, %swap3A_221] {strides = array<i32>} : memref<128x64xf32, #tpu.memory_space<vmem>>, vector<1x16xf32>,
      %swap3A_223 = vector.shape_cast %swap3A_222 : vector<1x16xf32> to vector<16xf32>
      %swap3A_224 = vector.shape_cast %broadcast_in_dim3A_1 : vector<16xf32> to vector<1x16xf32>
      tpu.vector_store %arg7[%swap3A_220, %swap3A_221], %swap3A_224 {strides = array<i32>} : memref<128x64xf32, #tpu.memory_space<vmem>>, vector<1x16xf32>,
      %mul3A_225 = arith.constant 4 : i32
      %mul3A_226 = arith.muli %scan3A_126, %mul3A_225 : i32
      %add3A_227 = arith.constant 2 : i32
      %add3A_228 = arith.addi %mul3A_226, %add3A_227 : i32
      %swap3A_229 = arith.index_cast %add3A_228 : i32 to index
      %swap3A_230 = arith.constant 48 : index
      %swap3A_231 = tpu.vector_load %arg7[%swap3A_229, %swap3A_230] {strides = array<i32>} : memref<128x64xf32, #tpu.memory_space<vmem>>, vector<1x16xf32>,
      %swap3A_232 = vector.shape_cast %swap3A_231 : vector<1x16xf32> to vector<16xf32>
      %swap3A_233 = vector.shape_cast %broadcast_in_dim3A_1 : vector<16xf32> to vector<1x16xf32>
      tpu.vector_store %arg7[%swap3A_229, %swap3A_230], %swap3A_233 {strides = array<i32>} : memref<128x64xf32, #tpu.memory_space<vmem>>, vector<1x16xf32>,
      %mul3A_234 = arith.constant 4 : i32
      %mul3A_235 = arith.muli %scan3A_126, %mul3A_234 : i32
      %add3A_236 = arith.constant 3 : i32
      %add3A_237 = arith.addi %mul3A_235, %add3A_236 : i32
      %swap3A_238 = arith.index_cast %add3A_237 : i32 to index
      %swap3A_239 = arith.constant 0 : index
      %swap3A_240 = tpu.vector_load %arg7[%swap3A_238, %swap3A_239] {strides = array<i32>} : memref<128x64xf32, #tpu.memory_space<vmem>>, vector<1x16xf32>,
      %swap3A_241 = vector.shape_cast %swap3A_240 : vector<1x16xf32> to vector<16xf32>
      %swap3A_242 = vector.shape_cast %broadcast_in_dim3A_1 : vector<16xf32> to vector<1x16xf32>
      tpu.vector_store %arg7[%swap3A_238, %swap3A_239], %swap3A_242 {strides = array<i32>} : memref<128x64xf32, #tpu.memory_space<vmem>>, vector<1x16xf32>,
      %mul3A_243 = arith.constant 4 : i32
      %mul3A_244 = arith.muli %scan3A_126, %mul3A_243 : i32
      %add3A_245 = arith.constant 3 : i32
      %add3A_246 = arith.addi %mul3A_244, %add3A_245 : i32
      %swap3A_247 = arith.index_cast %add3A_246 : i32 to index
      %swap3A_248 = arith.constant 16 : index
      %swap3A_249 = tpu.vector_load %arg7[%swap3A_247, %swap3A_248] {strides = array<i32>} : memref<128x64xf32, #tpu.memory_space<vmem>>, vector<1x16xf32>,
      %swap3A_250 = vector.shape_cast %swap3A_249 : vector<1x16xf32> to vector<16xf32>
      %swap3A_251 = vector.shape_cast %broadcast_in_dim3A_1 : vector<16xf32> to vector<1x16xf32>
      tpu.vector_store %arg7[%swap3A_247, %swap3A_248], %swap3A_251 {strides = array<i32>} : memref<128x64xf32, #tpu.memory_space<vmem>>, vector<1x16xf32>,
      %mul3A_252 = arith.constant 4 : i32
      %mul3A_253 = arith.muli %scan3A_126, %mul3A_252 : i32
      %add3A_254 = arith.constant 3 : i32
      %add3A_255 = arith.addi %mul3A_253, %add3A_254 : i32
      %swap3A_256 = arith.index_cast %add3A_255 : i32 to index
      %swap3A_257 = arith.constant 32 : index
      %swap3A_258 = tpu.vector_load %arg7[%swap3A_256, %swap3A_257] {strides = array<i32>} : memref<128x64xf32, #tpu.memory_space<vmem>>, vector<1x16xf32>,
      %swap3A_259 = vector.shape_cast %swap3A_258 : vector<1x16xf32> to vector<16xf32>
      %swap3A_260 = vector.shape_cast %broadcast_in_dim3A_1 : vector<16xf32> to vector<1x16xf32>
      tpu.vector_store %arg7[%swap3A_256, %swap3A_257], %swap3A_260 {strides = array<i32>} : memref<128x64xf32, #tpu.memory_space<vmem>>, vector<1x16xf32>,
      %mul3A_261 = arith.constant 4 : i32
      %mul3A_262 = arith.muli %scan3A_126, %mul3A_261 : i32
      %add3A_263 = arith.constant 3 : i32
      %add3A_264 = arith.addi %mul3A_262, %add3A_263 : i32
      %swap3A_265 = arith.index_cast %add3A_264 : i32 to index
      %swap3A_266 = arith.constant 48 : index
      %swap3A_267 = tpu.vector_load %arg7[%swap3A_265, %swap3A_266] {strides = array<i32>} : memref<128x64xf32, #tpu.memory_space<vmem>>, vector<1x16xf32>,
      %swap3A_268 = vector.shape_cast %swap3A_267 : vector<1x16xf32> to vector<16xf32>
      %swap3A_269 = vector.shape_cast %broadcast_in_dim3A_1 : vector<16xf32> to vector<1x16xf32>
      tpu.vector_store %arg7[%swap3A_265, %swap3A_266], %swap3A_269 {strides = array<i32>} : memref<128x64xf32, #tpu.memory_space<vmem>>, vector<1x16xf32>,
    }
    %scan3A_6 = arith.constant 32 : i32
    %dma_start3A = arith.constant 0 : i32
    %dma_start3A_7 = arith.constant 0 : i32
    %dma_start3A_8 = arith.constant 0 : i32
    %dma_start3A_9 = arith.constant 0 : i32
    %dma_start3A_10 = arith.constant 0 : i32
    %dma_start3A_11 = arith.constant 0 : i32
    %dma_start3A_12 = tpu.memref_slice %arg6[%dma_start3A_8, %dma_start3A_9, %dma_start3A_10, %dma_start3A_11] : memref<2x4x256x32xf32, #tpu.memory_space<vmem>> -> memref<1x1x128x32xf32, #tpu.memory_space<vmem>>
    %dma_start3A_13 = tpu.memref_squeeze %dma_start3A_12 : memref<1x1x128x32xf32, #tpu.memory_space<vmem>> -> memref<128x32xf32, #tpu.memory_space<vmem>>
    %dma_start3A_14 = arith.constant 0 : i32
    %dma_start3A_15 = tpu.memref_slice %arg5[%dma_start3A, %dma_start3A_7, %dma_start3A_14] : memref<200x2x128xi32, #tpu.memory_space<vmem>> -> memref<1x1x128xi32, #tpu.memory_space<vmem>>
    %dma_start3A_16 = tpu.memref_squeeze %dma_start3A_15 : memref<1x1x128xi32, #tpu.memory_space<vmem>> -> memref<128xi32, #tpu.memory_space<vmem>>
    %dma_start3A_17 = arith.constant 0 : i32
    %dma_start3A_18 = arith.constant 0 : i32
    %dma_start3A_19 = tpu.memref_slice %arg3[%dma_start3A_17, %dma_start3A_18] : memref<2000000x32xf32, #tpu.memory_space<hbm>> -> memref<2000000x32xf32, #tpu.memory_space<hbm>>
    tpu.enqueue_indirect_dma source(%dma_start3A_19 : memref<2000000x32xf32, #tpu.memory_space<hbm>>) target(%dma_start3A_13 : memref<128x32xf32, #tpu.memory_space<vmem>>) offsets(%dma_start3A_16 : memref<128xi32, #tpu.memory_space<vmem>>) semaphore(%arg8 : memref<!tpu.dma_semaphore, #tpu.memory_space<semaphore_mem>>)
    %dma_start3A_20 = arith.constant 0 : i32
    %dma_start3A_21 = arith.constant 1 : i32
    %dma_start3A_22 = arith.constant 0 : i32
    %dma_start3A_23 = arith.constant 0 : i32
    %dma_start3A_24 = arith.constant 128 : i32
    %dma_start3A_25 = arith.constant 0 : i32
    %dma_start3A_26 = tpu.memref_slice %arg6[%dma_start3A_22, %dma_start3A_23, %dma_start3A_24, %dma_start3A_25] : memref<2x4x256x32xf32, #tpu.memory_space<vmem>> -> memref<1x1x128x32xf32, #tpu.memory_space<vmem>>
    %dma_start3A_27 = tpu.memref_squeeze %dma_start3A_26 : memref<1x1x128x32xf32, #tpu.memory_space<vmem>> -> memref<128x32xf32, #tpu.memory_space<vmem>>
    %dma_start3A_28 = arith.constant 0 : i32
    %dma_start3A_29 = tpu.memref_slice %arg5[%dma_start3A_20, %dma_start3A_21, %dma_start3A_28] : memref<200x2x128xi32, #tpu.memory_space<vmem>> -> memref<1x1x128xi32, #tpu.memory_space<vmem>>
    %dma_start3A_30 = tpu.memref_squeeze %dma_start3A_29 : memref<1x1x128xi32, #tpu.memory_space<vmem>> -> memref<128xi32, #tpu.memory_space<vmem>>
    %dma_start3A_31 = arith.constant 0 : i32
    %dma_start3A_32 = arith.constant 0 : i32
    %dma_start3A_33 = tpu.memref_slice %arg3[%dma_start3A_31, %dma_start3A_32] : memref<2000000x32xf32, #tpu.memory_space<hbm>> -> memref<2000000x32xf32, #tpu.memory_space<hbm>>
    tpu.enqueue_indirect_dma source(%dma_start3A_33 : memref<2000000x32xf32, #tpu.memory_space<hbm>>) target(%dma_start3A_27 : memref<128x32xf32, #tpu.memory_space<vmem>>) offsets(%dma_start3A_30 : memref<128xi32, #tpu.memory_space<vmem>>) semaphore(%arg8 : memref<!tpu.dma_semaphore, #tpu.memory_space<semaphore_mem>>)
    %dma_start3A_34 = arith.constant 1 : i32
    %dma_start3A_35 = arith.constant 0 : i32
    %dma_start3A_36 = arith.constant 0 : i32
    %dma_start3A_37 = arith.constant 1 : i32
    %dma_start3A_38 = arith.constant 0 : i32
    %dma_start3A_39 = arith.constant 0 : i32
    %dma_start3A_40 = tpu.memref_slice %arg6[%dma_start3A_36, %dma_start3A_37, %dma_start3A_38, %dma_start3A_39] : memref<2x4x256x32xf32, #tpu.memory_space<vmem>> -> memref<1x1x128x32xf32, #tpu.memory_space<vmem>>
    %dma_start3A_41 = tpu.memref_squeeze %dma_start3A_40 : memref<1x1x128x32xf32, #tpu.memory_space<vmem>> -> memref<128x32xf32, #tpu.memory_space<vmem>>
    %dma_start3A_42 = arith.constant 0 : i32
    %dma_start3A_43 = tpu.memref_slice %arg5[%dma_start3A_34, %dma_start3A_35, %dma_start3A_42] : memref<200x2x128xi32, #tpu.memory_space<vmem>> -> memref<1x1x128xi32, #tpu.memory_space<vmem>>
    %dma_start3A_44 = tpu.memref_squeeze %dma_start3A_43 : memref<1x1x128xi32, #tpu.memory_space<vmem>> -> memref<128xi32, #tpu.memory_space<vmem>>
    %dma_start3A_45 = arith.constant 0 : i32
    %dma_start3A_46 = arith.constant 0 : i32
    %dma_start3A_47 = tpu.memref_slice %arg3[%dma_start3A_45, %dma_start3A_46] : memref<2000000x32xf32, #tpu.memory_space<hbm>> -> memref<2000000x32xf32, #tpu.memory_space<hbm>>
    tpu.enqueue_indirect_dma source(%dma_start3A_47 : memref<2000000x32xf32, #tpu.memory_space<hbm>>) target(%dma_start3A_41 : memref<128x32xf32, #tpu.memory_space<vmem>>) offsets(%dma_start3A_44 : memref<128xi32, #tpu.memory_space<vmem>>) semaphore(%arg8 : memref<!tpu.dma_semaphore, #tpu.memory_space<semaphore_mem>>)
    %dma_start3A_48 = arith.constant 1 : i32
    %dma_start3A_49 = arith.constant 1 : i32
    %dma_start3A_50 = arith.constant 0 : i32
    %dma_start3A_51 = arith.constant 1 : i32
    %dma_start3A_52 = arith.constant 128 : i32
    %dma_start3A_53 = arith.constant 0 : i32
    %dma_start3A_54 = tpu.memref_slice %arg6[%dma_start3A_50, %dma_start3A_51, %dma_start3A_52, %dma_start3A_53] : memref<2x4x256x32xf32, #tpu.memory_space<vmem>> -> memref<1x1x128x32xf32, #tpu.memory_space<vmem>>
    %dma_start3A_55 = tpu.memref_squeeze %dma_start3A_54 : memref<1x1x128x32xf32, #tpu.memory_space<vmem>> -> memref<128x32xf32, #tpu.memory_space<vmem>>
    %dma_start3A_56 = arith.constant 0 : i32
    %dma_start3A_57 = tpu.memref_slice %arg5[%dma_start3A_48, %dma_start3A_49, %dma_start3A_56] : memref<200x2x128xi32, #tpu.memory_space<vmem>> -> memref<1x1x128xi32, #tpu.memory_space<vmem>>
    %dma_start3A_58 = tpu.memref_squeeze %dma_start3A_57 : memref<1x1x128xi32, #tpu.memory_space<vmem>> -> memref<128xi32, #tpu.memory_space<vmem>>
    %dma_start3A_59 = arith.constant 0 : i32
    %dma_start3A_60 = arith.constant 0 : i32
    %dma_start3A_61 = tpu.memref_slice %arg3[%dma_start3A_59, %dma_start3A_60] : memref<2000000x32xf32, #tpu.memory_space<hbm>> -> memref<2000000x32xf32, #tpu.memory_space<hbm>>
    tpu.enqueue_indirect_dma source(%dma_start3A_61 : memref<2000000x32xf32, #tpu.memory_space<hbm>>) target(%dma_start3A_55 : memref<128x32xf32, #tpu.memory_space<vmem>>) offsets(%dma_start3A_58 : memref<128xi32, #tpu.memory_space<vmem>>) semaphore(%arg8 : memref<!tpu.dma_semaphore, #tpu.memory_space<semaphore_mem>>)
    %dma_start3A_62 = arith.constant 2 : i32
    %dma_start3A_63 = arith.constant 0 : i32
    %dma_start3A_64 = arith.constant 0 : i32
    %dma_start3A_65 = arith.constant 2 : i32
    %dma_start3A_66 = arith.constant 0 : i32
    %dma_start3A_67 = arith.constant 0 : i32
    %dma_start3A_68 = tpu.memref_slice %arg6[%dma_start3A_64, %dma_start3A_65, %dma_start3A_66, %dma_start3A_67] : memref<2x4x256x32xf32, #tpu.memory_space<vmem>> -> memref<1x1x128x32xf32, #tpu.memory_space<vmem>>
    %dma_start3A_69 = tpu.memref_squeeze %dma_start3A_68 : memref<1x1x128x32xf32, #tpu.memory_space<vmem>> -> memref<128x32xf32, #tpu.memory_space<vmem>>
    %dma_start3A_70 = arith.constant 0 : i32
    %dma_start3A_71 = tpu.memref_slice %arg5[%dma_start3A_62, %dma_start3A_63, %dma_start3A_70] : memref<200x2x128xi32, #tpu.memory_space<vmem>> -> memref<1x1x128xi32, #tpu.memory_space<vmem>>
    %dma_start3A_72 = tpu.memref_squeeze %dma_start3A_71 : memref<1x1x128xi32, #tpu.memory_space<vmem>> -> memref<128xi32, #tpu.memory_space<vmem>>
    %dma_start3A_73 = arith.constant 0 : i32
    %dma_start3A_74 = arith.constant 0 : i32
    %dma_start3A_75 = tpu.memref_slice %arg3[%dma_start3A_73, %dma_start3A_74] : memref<2000000x32xf32, #tpu.memory_space<hbm>> -> memref<2000000x32xf32, #tpu.memory_space<hbm>>
    tpu.enqueue_indirect_dma source(%dma_start3A_75 : memref<2000000x32xf32, #tpu.memory_space<hbm>>) target(%dma_start3A_69 : memref<128x32xf32, #tpu.memory_space<vmem>>) offsets(%dma_start3A_72 : memref<128xi32, #tpu.memory_space<vmem>>) semaphore(%arg8 : memref<!tpu.dma_semaphore, #tpu.memory_space<semaphore_mem>>)
    %dma_start3A_76 = arith.constant 2 : i32
    %dma_start3A_77 = arith.constant 1 : i32
    %dma_start3A_78 = arith.constant 0 : i32
    %dma_start3A_79 = arith.constant 2 : i32
    %dma_start3A_80 = arith.constant 128 : i32
    %dma_start3A_81 = arith.constant 0 : i32
    %dma_start3A_82 = tpu.memref_slice %arg6[%dma_start3A_78, %dma_start3A_79, %dma_start3A_80, %dma_start3A_81] : memref<2x4x256x32xf32, #tpu.memory_space<vmem>> -> memref<1x1x128x32xf32, #tpu.memory_space<vmem>>
    %dma_start3A_83 = tpu.memref_squeeze %dma_start3A_82 : memref<1x1x128x32xf32, #tpu.memory_space<vmem>> -> memref<128x32xf32, #tpu.memory_space<vmem>>
    %dma_start3A_84 = arith.constant 0 : i32
    %dma_start3A_85 = tpu.memref_slice %arg5[%dma_start3A_76, %dma_start3A_77, %dma_start3A_84] : memref<200x2x128xi32, #tpu.memory_space<vmem>> -> memref<1x1x128xi32, #tpu.memory_space<vmem>>
    %dma_start3A_86 = tpu.memref_squeeze %dma_start3A_85 : memref<1x1x128xi32, #tpu.memory_space<vmem>> -> memref<128xi32, #tpu.memory_space<vmem>>
    %dma_start3A_87 = arith.constant 0 : i32
    %dma_start3A_88 = arith.constant 0 : i32
    %dma_start3A_89 = tpu.memref_slice %arg3[%dma_start3A_87, %dma_start3A_88] : memref<2000000x32xf32, #tpu.memory_space<hbm>> -> memref<2000000x32xf32, #tpu.memory_space<hbm>>
    tpu.enqueue_indirect_dma source(%dma_start3A_89 : memref<2000000x32xf32, #tpu.memory_space<hbm>>) target(%dma_start3A_83 : memref<128x32xf32, #tpu.memory_space<vmem>>) offsets(%dma_start3A_86 : memref<128xi32, #tpu.memory_space<vmem>>) semaphore(%arg8 : memref<!tpu.dma_semaphore, #tpu.memory_space<semaphore_mem>>)
    %dma_start3A_90 = arith.constant 3 : i32
    %dma_start3A_91 = arith.constant 0 : i32
    %dma_start3A_92 = arith.constant 0 : i32
    %dma_start3A_93 = arith.constant 3 : i32
    %dma_start3A_94 = arith.constant 0 : i32
    %dma_start3A_95 = arith.constant 0 : i32
    %dma_start3A_96 = tpu.memref_slice %arg6[%dma_start3A_92, %dma_start3A_93, %dma_start3A_94, %dma_start3A_95] : memref<2x4x256x32xf32, #tpu.memory_space<vmem>> -> memref<1x1x128x32xf32, #tpu.memory_space<vmem>>
    %dma_start3A_97 = tpu.memref_squeeze %dma_start3A_96 : memref<1x1x128x32xf32, #tpu.memory_space<vmem>> -> memref<128x32xf32, #tpu.memory_space<vmem>>
    %dma_start3A_98 = arith.constant 0 : i32
    %dma_start3A_99 = tpu.memref_slice %arg5[%dma_start3A_90, %dma_start3A_91, %dma_start3A_98] : memref<200x2x128xi32, #tpu.memory_space<vmem>> -> memref<1x1x128xi32, #tpu.memory_space<vmem>>
    %dma_start3A_100 = tpu.memref_squeeze %dma_start3A_99 : memref<1x1x128xi32, #tpu.memory_space<vmem>> -> memref<128xi32, #tpu.memory_space<vmem>>
    %dma_start3A_101 = arith.constant 0 : i32
    %dma_start3A_102 = arith.constant 0 : i32
    %dma_start3A_103 = tpu.memref_slice %arg3[%dma_start3A_101, %dma_start3A_102] : memref<2000000x32xf32, #tpu.memory_space<hbm>> -> memref<2000000x32xf32, #tpu.memory_space<hbm>>
    tpu.enqueue_indirect_dma source(%dma_start3A_103 : memref<2000000x32xf32, #tpu.memory_space<hbm>>) target(%dma_start3A_97 : memref<128x32xf32, #tpu.memory_space<vmem>>) offsets(%dma_start3A_100 : memref<128xi32, #tpu.memory_space<vmem>>) semaphore(%arg8 : memref<!tpu.dma_semaphore, #tpu.memory_space<semaphore_mem>>)
    %dma_start3A_104 = arith.constant 3 : i32
    %dma_start3A_105 = arith.constant 1 : i32
    %dma_start3A_106 = arith.constant 0 : i32
    %dma_start3A_107 = arith.constant 3 : i32
    %dma_start3A_108 = arith.constant 128 : i32
    %dma_start3A_109 = arith.constant 0 : i32
    %dma_start3A_110 = tpu.memref_slice %arg6[%dma_start3A_106, %dma_start3A_107, %dma_start3A_108, %dma_start3A_109] : memref<2x4x256x32xf32, #tpu.memory_space<vmem>> -> memref<1x1x128x32xf32, #tpu.memory_space<vmem>>
    %dma_start3A_111 = tpu.memref_squeeze %dma_start3A_110 : memref<1x1x128x32xf32, #tpu.memory_space<vmem>> -> memref<128x32xf32, #tpu.memory_space<vmem>>
    %dma_start3A_112 = arith.constant 0 : i32
    %dma_start3A_113 = tpu.memref_slice %arg5[%dma_start3A_104, %dma_start3A_105, %dma_start3A_112] : memref<200x2x128xi32, #tpu.memory_space<vmem>> -> memref<1x1x128xi32, #tpu.memory_space<vmem>>
    %dma_start3A_114 = tpu.memref_squeeze %dma_start3A_113 : memref<1x1x128xi32, #tpu.memory_space<vmem>> -> memref<128xi32, #tpu.memory_space<vmem>>
    %dma_start3A_115 = arith.constant 0 : i32
    %dma_start3A_116 = arith.constant 0 : i32
    %dma_start3A_117 = tpu.memref_slice %arg3[%dma_start3A_115, %dma_start3A_116] : memref<2000000x32xf32, #tpu.memory_space<hbm>> -> memref<2000000x32xf32, #tpu.memory_space<hbm>>
    tpu.enqueue_indirect_dma source(%dma_start3A_117 : memref<2000000x32xf32, #tpu.memory_space<hbm>>) target(%dma_start3A_111 : memref<128x32xf32, #tpu.memory_space<vmem>>) offsets(%dma_start3A_114 : memref<128xi32, #tpu.memory_space<vmem>>) semaphore(%arg8 : memref<!tpu.dma_semaphore, #tpu.memory_space<semaphore_mem>>)
    %scan3A_118 = arith.constant 0 : i32
    %scan3A_119 = arith.constant 0 : i32
    %scan3A_120 = arith.constant 25 : i32
    %scan3A_121 = arith.addi %scan3A_119, %scan3A_120 : i32
    %scan3A_122 = arith.constant 1 : i32
    scf.for %scan3A_126 = %scan3A_119 to %scan3A_121 step %scan3A_122  : i32 {
      %mul3A_127 = arith.constant 2 : i32
      %mul3A_128 = arith.muli %scan3A_126, %mul3A_127 : i32
      %mul3A_129 = arith.constant 4 : i32
      %mul3A_130 = arith.muli %mul3A_128, %mul3A_129 : i32
      %add3A_131 = arith.constant 4 : i32
      %add3A_132 = arith.addi %mul3A_130, %add3A_131 : i32
      %add3A_133 = arith.constant 0 : i32
      %add3A_134 = arith.addi %add3A_132, %add3A_133 : i32
      %dma_start3A_135 = arith.constant 0 : i32
      %dma_start3A_136 = arith.constant 1 : i32
      %dma_start3A_137 = arith.constant 0 : i32
      %dma_start3A_138 = arith.constant 0 : i32
      %dma_start3A_139 = arith.constant 0 : i32
      %dma_start3A_140 = tpu.memref_slice %arg6[%dma_start3A_136, %dma_start3A_137, %dma_start3A_138, %dma_start3A_139] : memref<2x4x256x32xf32, #tpu.memory_space<vmem>> -> memref<1x1x128x32xf32, #tpu.memory_space<vmem>>
      %dma_start3A_141 = tpu.memref_squeeze %dma_start3A_140 : memref<1x1x128x32xf32, #tpu.memory_space<vmem>> -> memref<128x32xf32, #tpu.memory_space<vmem>>
      %dma_start3A_142 = arith.constant 0 : i32
      %dma_start3A_143 = tpu.memref_slice %arg5[%add3A_134, %dma_start3A_135, %dma_start3A_142] : memref<200x2x128xi32, #tpu.memory_space<vmem>> -> memref<1x1x128xi32, #tpu.memory_space<vmem>>
      %dma_start3A_144 = tpu.memref_squeeze %dma_start3A_143 : memref<1x1x128xi32, #tpu.memory_space<vmem>> -> memref<128xi32, #tpu.memory_space<vmem>>
      %dma_start3A_145 = arith.constant 0 : i32
      %dma_start3A_146 = arith.constant 0 : i32
      %dma_start3A_147 = tpu.memref_slice %arg3[%dma_start3A_145, %dma_start3A_146] : memref<2000000x32xf32, #tpu.memory_space<hbm>> -> memref<2000000x32xf32, #tpu.memory_space<hbm>>
      tpu.enqueue_indirect_dma source(%dma_start3A_147 : memref<2000000x32xf32, #tpu.memory_space<hbm>>) target(%dma_start3A_141 : memref<128x32xf32, #tpu.memory_space<vmem>>) offsets(%dma_start3A_144 : memref<128xi32, #tpu.memory_space<vmem>>) semaphore(%arg9 : memref<!tpu.dma_semaphore, #tpu.memory_space<semaphore_mem>>)
      %add3A_148 = arith.constant 0 : i32
      %add3A_149 = arith.addi %add3A_132, %add3A_148 : i32
      %dma_start3A_150 = arith.constant 1 : i32
      %dma_start3A_151 = arith.constant 1 : i32
      %dma_start3A_152 = arith.constant 0 : i32
      %dma_start3A_153 = arith.constant 128 : i32
      %dma_start3A_154 = arith.constant 0 : i32
      %dma_start3A_155 = tpu.memref_slice %arg6[%dma_start3A_151, %dma_start3A_152, %dma_start3A_153, %dma_start3A_154] : memref<2x4x256x32xf32, #tpu.memory_space<vmem>> -> memref<1x1x128x32xf32, #tpu.memory_space<vmem>>
      %dma_start3A_156 = tpu.memref_squeeze %dma_start3A_155 : memref<1x1x128x32xf32, #tpu.memory_space<vmem>> -> memref<128x32xf32, #tpu.memory_space<vmem>>
      %dma_start3A_157 = arith.constant 0 : i32
      %dma_start3A_158 = tpu.memref_slice %arg5[%add3A_149, %dma_start3A_150, %dma_start3A_157] : memref<200x2x128xi32, #tpu.memory_space<vmem>> -> memref<1x1x128xi32, #tpu.memory_space<vmem>>
      %dma_start3A_159 = tpu.memref_squeeze %dma_start3A_158 : memref<1x1x128xi32, #tpu.memory_space<vmem>> -> memref<128xi32, #tpu.memory_space<vmem>>
      %dma_start3A_160 = arith.constant 0 : i32
      %dma_start3A_161 = arith.constant 0 : i32
      %dma_start3A_162 = tpu.memref_slice %arg3[%dma_start3A_160, %dma_start3A_161] : memref<2000000x32xf32, #tpu.memory_space<hbm>> -> memref<2000000x32xf32, #tpu.memory_space<hbm>>
      tpu.enqueue_indirect_dma source(%dma_start3A_162 : memref<2000000x32xf32, #tpu.memory_space<hbm>>) target(%dma_start3A_156 : memref<128x32xf32, #tpu.memory_space<vmem>>) offsets(%dma_start3A_159 : memref<128xi32, #tpu.memory_space<vmem>>) semaphore(%arg9 : memref<!tpu.dma_semaphore, #tpu.memory_space<semaphore_mem>>)
      %add3A_163 = arith.constant 1 : i32
      %add3A_164 = arith.addi %add3A_132, %add3A_163 : i32
      %dma_start3A_165 = arith.constant 0 : i32
      %dma_start3A_166 = arith.constant 1 : i32
      %dma_start3A_167 = arith.constant 1 : i32
      %dma_start3A_168 = arith.constant 0 : i32
      %dma_start3A_169 = arith.constant 0 : i32
      %dma_start3A_170 = tpu.memref_slice %arg6[%dma_start3A_166, %dma_start3A_167, %dma_start3A_168, %dma_start3A_169] : memref<2x4x256x32xf32, #tpu.memory_space<vmem>> -> memref<1x1x128x32xf32, #tpu.memory_space<vmem>>
      %dma_start3A_171 = tpu.memref_squeeze %dma_start3A_170 : memref<1x1x128x32xf32, #tpu.memory_space<vmem>> -> memref<128x32xf32, #tpu.memory_space<vmem>>
      %dma_start3A_172 = arith.constant 0 : i32
      %dma_start3A_173 = tpu.memref_slice %arg5[%add3A_164, %dma_start3A_165, %dma_start3A_172] : memref<200x2x128xi32, #tpu.memory_space<vmem>> -> memref<1x1x128xi32, #tpu.memory_space<vmem>>
      %dma_start3A_174 = tpu.memref_squeeze %dma_start3A_173 : memref<1x1x128xi32, #tpu.memory_space<vmem>> -> memref<128xi32, #tpu.memory_space<vmem>>
      %dma_start3A_175 = arith.constant 0 : i32
      %dma_start3A_176 = arith.constant 0 : i32
      %dma_start3A_177 = tpu.memref_slice %arg3[%dma_start3A_175, %dma_start3A_176] : memref<2000000x32xf32, #tpu.memory_space<hbm>> -> memref<2000000x32xf32, #tpu.memory_space<hbm>>
      tpu.enqueue_indirect_dma source(%dma_start3A_177 : memref<2000000x32xf32, #tpu.memory_space<hbm>>) target(%dma_start3A_171 : memref<128x32xf32, #tpu.memory_space<vmem>>) offsets(%dma_start3A_174 : memref<128xi32, #tpu.memory_space<vmem>>) semaphore(%arg9 : memref<!tpu.dma_semaphore, #tpu.memory_space<semaphore_mem>>)
      %add3A_178 = arith.constant 1 : i32
      %add3A_179 = arith.addi %add3A_132, %add3A_178 : i32
      %dma_start3A_180 = arith.constant 1 : i32
      %dma_start3A_181 = arith.constant 1 : i32
      %dma_start3A_182 = arith.constant 1 : i32
      %dma_start3A_183 = arith.constant 128 : i32
      %dma_start3A_184 = arith.constant 0 : i32
      %dma_start3A_185 = tpu.memref_slice %arg6[%dma_start3A_181, %dma_start3A_182, %dma_start3A_183, %dma_start3A_184] : memref<2x4x256x32xf32, #tpu.memory_space<vmem>> -> memref<1x1x128x32xf32, #tpu.memory_space<vmem>>
      %dma_start3A_186 = tpu.memref_squeeze %dma_start3A_185 : memref<1x1x128x32xf32, #tpu.memory_space<vmem>> -> memref<128x32xf32, #tpu.memory_space<vmem>>
      %dma_start3A_187 = arith.constant 0 : i32
      %dma_start3A_188 = tpu.memref_slice %arg5[%add3A_179, %dma_start3A_180, %dma_start3A_187] : memref<200x2x128xi32, #tpu.memory_space<vmem>> -> memref<1x1x128xi32, #tpu.memory_space<vmem>>
      %dma_start3A_189 = tpu.memref_squeeze %dma_start3A_188 : memref<1x1x128xi32, #tpu.memory_space<vmem>> -> memref<128xi32, #tpu.memory_space<vmem>>
      %dma_start3A_190 = arith.constant 0 : i32
      %dma_start3A_191 = arith.constant 0 : i32
      %dma_start3A_192 = tpu.memref_slice %arg3[%dma_start3A_190, %dma_start3A_191] : memref<2000000x32xf32, #tpu.memory_space<hbm>> -> memref<2000000x32xf32, #tpu.memory_space<hbm>>
      tpu.enqueue_indirect_dma source(%dma_start3A_192 : memref<2000000x32xf32, #tpu.memory_space<hbm>>) target(%dma_start3A_186 : memref<128x32xf32, #tpu.memory_space<vmem>>) offsets(%dma_start3A_189 : memref<128xi32, #tpu.memory_space<vmem>>) semaphore(%arg9 : memref<!tpu.dma_semaphore, #tpu.memory_space<semaphore_mem>>)
      %add3A_193 = arith.constant 2 : i32
      %add3A_194 = arith.addi %add3A_132, %add3A_193 : i32
      %dma_start3A_195 = arith.constant 0 : i32
      %dma_start3A_196 = arith.constant 1 : i32
      %dma_start3A_197 = arith.constant 2 : i32
      %dma_start3A_198 = arith.constant 0 : i32
      %dma_start3A_199 = arith.constant 0 : i32
      %dma_start3A_200 = tpu.memref_slice %arg6[%dma_start3A_196, %dma_start3A_197, %dma_start3A_198, %dma_start3A_199] : memref<2x4x256x32xf32, #tpu.memory_space<vmem>> -> memref<1x1x128x32xf32, #tpu.memory_space<vmem>>
      %dma_start3A_201 = tpu.memref_squeeze %dma_start3A_200 : memref<1x1x128x32xf32, #tpu.memory_space<vmem>> -> memref<128x32xf32, #tpu.memory_space<vmem>>
      %dma_start3A_202 = arith.constant 0 : i32
      %dma_start3A_203 = tpu.memref_slice %arg5[%add3A_194, %dma_start3A_195, %dma_start3A_202] : memref<200x2x128xi32, #tpu.memory_space<vmem>> -> memref<1x1x128xi32, #tpu.memory_space<vmem>>
      %dma_start3A_204 = tpu.memref_squeeze %dma_start3A_203 : memref<1x1x128xi32, #tpu.memory_space<vmem>> -> memref<128xi32, #tpu.memory_space<vmem>>
      %dma_start3A_205 = arith.constant 0 : i32
      %dma_start3A_206 = arith.constant 0 : i32
      %dma_start3A_207 = tpu.memref_slice %arg3[%dma_start3A_205, %dma_start3A_206] : memref<2000000x32xf32, #tpu.memory_space<hbm>> -> memref<2000000x32xf32, #tpu.memory_space<hbm>>
      tpu.enqueue_indirect_dma source(%dma_start3A_207 : memref<2000000x32xf32, #tpu.memory_space<hbm>>) target(%dma_start3A_201 : memref<128x32xf32, #tpu.memory_space<vmem>>) offsets(%dma_start3A_204 : memref<128xi32, #tpu.memory_space<vmem>>) semaphore(%arg9 : memref<!tpu.dma_semaphore, #tpu.memory_space<semaphore_mem>>)
      %add3A_208 = arith.constant 2 : i32
      %add3A_209 = arith.addi %add3A_132, %add3A_208 : i32
      %dma_start3A_210 = arith.constant 1 : i32
      %dma_start3A_211 = arith.constant 1 : i32
      %dma_start3A_212 = arith.constant 2 : i32
      %dma_start3A_213 = arith.constant 128 : i32
      %dma_start3A_214 = arith.constant 0 : i32
      %dma_start3A_215 = tpu.memref_slice %arg6[%dma_start3A_211, %dma_start3A_212, %dma_start3A_213, %dma_start3A_214] : memref<2x4x256x32xf32, #tpu.memory_space<vmem>> -> memref<1x1x128x32xf32, #tpu.memory_space<vmem>>
      %dma_start3A_216 = tpu.memref_squeeze %dma_start3A_215 : memref<1x1x128x32xf32, #tpu.memory_space<vmem>> -> memref<128x32xf32, #tpu.memory_space<vmem>>
      %dma_start3A_217 = arith.constant 0 : i32
      %dma_start3A_218 = tpu.memref_slice %arg5[%add3A_209, %dma_start3A_210, %dma_start3A_217] : memref<200x2x128xi32, #tpu.memory_space<vmem>> -> memref<1x1x128xi32, #tpu.memory_space<vmem>>
      %dma_start3A_219 = tpu.memref_squeeze %dma_start3A_218 : memref<1x1x128xi32, #tpu.memory_space<vmem>> -> memref<128xi32, #tpu.memory_space<vmem>>
      %dma_start3A_220 = arith.constant 0 : i32
      %dma_start3A_221 = arith.constant 0 : i32
      %dma_start3A_222 = tpu.memref_slice %arg3[%dma_start3A_220, %dma_start3A_221] : memref<2000000x32xf32, #tpu.memory_space<hbm>> -> memref<2000000x32xf32, #tpu.memory_space<hbm>>
      tpu.enqueue_indirect_dma source(%dma_start3A_222 : memref<2000000x32xf32, #tpu.memory_space<hbm>>) target(%dma_start3A_216 : memref<128x32xf32, #tpu.memory_space<vmem>>) offsets(%dma_start3A_219 : memref<128xi32, #tpu.memory_space<vmem>>) semaphore(%arg9 : memref<!tpu.dma_semaphore, #tpu.memory_space<semaphore_mem>>)
      %add3A_223 = arith.constant 3 : i32
      %add3A_224 = arith.addi %add3A_132, %add3A_223 : i32
      %dma_start3A_225 = arith.constant 0 : i32
      %dma_start3A_226 = arith.constant 1 : i32
      %dma_start3A_227 = arith.constant 3 : i32
      %dma_start3A_228 = arith.constant 0 : i32
      %dma_start3A_229 = arith.constant 0 : i32
      %dma_start3A_230 = tpu.memref_slice %arg6[%dma_start3A_226, %dma_start3A_227, %dma_start3A_228, %dma_start3A_229] : memref<2x4x256x32xf32, #tpu.memory_space<vmem>> -> memref<1x1x128x32xf32, #tpu.memory_space<vmem>>
      %dma_start3A_231 = tpu.memref_squeeze %dma_start3A_230 : memref<1x1x128x32xf32, #tpu.memory_space<vmem>> -> memref<128x32xf32, #tpu.memory_space<vmem>>
      %dma_start3A_232 = arith.constant 0 : i32
      %dma_start3A_233 = tpu.memref_slice %arg5[%add3A_224, %dma_start3A_225, %dma_start3A_232] : memref<200x2x128xi32, #tpu.memory_space<vmem>> -> memref<1x1x128xi32, #tpu.memory_space<vmem>>
      %dma_start3A_234 = tpu.memref_squeeze %dma_start3A_233 : memref<1x1x128xi32, #tpu.memory_space<vmem>> -> memref<128xi32, #tpu.memory_space<vmem>>
      %dma_start3A_235 = arith.constant 0 : i32
      %dma_start3A_236 = arith.constant 0 : i32
      %dma_start3A_237 = tpu.memref_slice %arg3[%dma_start3A_235, %dma_start3A_236] : memref<2000000x32xf32, #tpu.memory_space<hbm>> -> memref<2000000x32xf32, #tpu.memory_space<hbm>>
      tpu.enqueue_indirect_dma source(%dma_start3A_237 : memref<2000000x32xf32, #tpu.memory_space<hbm>>) target(%dma_start3A_231 : memref<128x32xf32, #tpu.memory_space<vmem>>) offsets(%dma_start3A_234 : memref<128xi32, #tpu.memory_space<vmem>>) semaphore(%arg9 : memref<!tpu.dma_semaphore, #tpu.memory_space<semaphore_mem>>)
      %add3A_238 = arith.constant 3 : i32
      %add3A_239 = arith.addi %add3A_132, %add3A_238 : i32
      %dma_start3A_240 = arith.constant 1 : i32
      %dma_start3A_241 = arith.constant 1 : i32
      %dma_start3A_242 = arith.constant 3 : i32
      %dma_start3A_243 = arith.constant 128 : i32
      %dma_start3A_244 = arith.constant 0 : i32
      %dma_start3A_245 = tpu.memref_slice %arg6[%dma_start3A_241, %dma_start3A_242, %dma_start3A_243, %dma_start3A_244] : memref<2x4x256x32xf32, #tpu.memory_space<vmem>> -> memref<1x1x128x32xf32, #tpu.memory_space<vmem>>
      %dma_start3A_246 = tpu.memref_squeeze %dma_start3A_245 : memref<1x1x128x32xf32, #tpu.memory_space<vmem>> -> memref<128x32xf32, #tpu.memory_space<vmem>>
      %dma_start3A_247 = arith.constant 0 : i32
      %dma_start3A_248 = tpu.memref_slice %arg5[%add3A_239, %dma_start3A_240, %dma_start3A_247] : memref<200x2x128xi32, #tpu.memory_space<vmem>> -> memref<1x1x128xi32, #tpu.memory_space<vmem>>
      %dma_start3A_249 = tpu.memref_squeeze %dma_start3A_248 : memref<1x1x128xi32, #tpu.memory_space<vmem>> -> memref<128xi32, #tpu.memory_space<vmem>>
      %dma_start3A_250 = arith.constant 0 : i32
      %dma_start3A_251 = arith.constant 0 : i32
      %dma_start3A_252 = tpu.memref_slice %arg3[%dma_start3A_250, %dma_start3A_251] : memref<2000000x32xf32, #tpu.memory_space<hbm>> -> memref<2000000x32xf32, #tpu.memory_space<hbm>>
      tpu.enqueue_indirect_dma source(%dma_start3A_252 : memref<2000000x32xf32, #tpu.memory_space<hbm>>) target(%dma_start3A_246 : memref<128x32xf32, #tpu.memory_space<vmem>>) offsets(%dma_start3A_249 : memref<128xi32, #tpu.memory_space<vmem>>) semaphore(%arg9 : memref<!tpu.dma_semaphore, #tpu.memory_space<semaphore_mem>>)
      %dma_wait3A = arith.constant 0 : i32
      %dma_wait3A_253 = arith.constant 0 : i32
      %dma_wait3A_254 = arith.constant 0 : i32
      %dma_wait3A_255 = arith.constant 0 : i32
      %dma_wait3A_256 = arith.constant 0 : i32
      %dma_wait3A_257 = arith.constant 0 : i32
      %dma_wait3A_258 = tpu.memref_slice %arg6[%dma_wait3A_254, %dma_wait3A_255, %dma_wait3A_256, %dma_wait3A_257] : memref<2x4x256x32xf32, #tpu.memory_space<vmem>> -> memref<1x1x128x32xf32, #tpu.memory_space<vmem>>
      %dma_wait3A_259 = tpu.memref_squeeze %dma_wait3A_258 : memref<1x1x128x32xf32, #tpu.memory_space<vmem>> -> memref<128x32xf32, #tpu.memory_space<vmem>>
      %dma_wait3A_260 = arith.constant 0 : i32
      %dma_wait3A_261 = tpu.memref_slice %arg5[%dma_wait3A, %dma_wait3A_253, %dma_wait3A_260] : memref<200x2x128xi32, #tpu.memory_space<vmem>> -> memref<1x1x128xi32, #tpu.memory_space<vmem>>
      %dma_wait3A_262 = tpu.memref_squeeze %dma_wait3A_261 : memref<1x1x128xi32, #tpu.memory_space<vmem>> -> memref<128xi32, #tpu.memory_space<vmem>>
      %dma_wait3A_263 = arith.constant 0 : i32
      %dma_wait3A_264 = arith.constant 0 : i32
      %dma_wait3A_265 = tpu.memref_slice %arg3[%dma_wait3A_263, %dma_wait3A_264] : memref<2000000x32xf32, #tpu.memory_space<hbm>> -> memref<2000000x32xf32, #tpu.memory_space<hbm>>
      tpu.wait_indirect_dma semaphore(%arg8 : memref<!tpu.dma_semaphore, #tpu.memory_space<semaphore_mem>>) src(%dma_wait3A_265 : memref<2000000x32xf32, #tpu.memory_space<hbm>>) dst(%dma_wait3A_259 : memref<128x32xf32, #tpu.memory_space<vmem>>)
      %dma_wait3A_266 = arith.constant 0 : i32
      %dma_wait3A_267 = arith.constant 0 : i32
      %dma_wait3A_268 = arith.constant 0 : i32
      %dma_wait3A_269 = arith.constant 0 : i32
      %dma_wait3A_270 = arith.constant 128 : i32
      %dma_wait3A_271 = arith.constant 0 : i32
      %dma_wait3A_272 = tpu.memref_slice %arg6[%dma_wait3A_268, %dma_wait3A_269, %dma_wait3A_270, %dma_wait3A_271] : memref<2x4x256x32xf32, #tpu.memory_space<vmem>> -> memref<1x1x128x32xf32, #tpu.memory_space<vmem>>
      %dma_wait3A_273 = tpu.memref_squeeze %dma_wait3A_272 : memref<1x1x128x32xf32, #tpu.memory_space<vmem>> -> memref<128x32xf32, #tpu.memory_space<vmem>>
      %dma_wait3A_274 = arith.constant 0 : i32
      %dma_wait3A_275 = tpu.memref_slice %arg5[%dma_wait3A_266, %dma_wait3A_267, %dma_wait3A_274] : memref<200x2x128xi32, #tpu.memory_space<vmem>> -> memref<1x1x128xi32, #tpu.memory_space<vmem>>
      %dma_wait3A_276 = tpu.memref_squeeze %dma_wait3A_275 : memref<1x1x128xi32, #tpu.memory_space<vmem>> -> memref<128xi32, #tpu.memory_space<vmem>>
      %dma_wait3A_277 = arith.constant 0 : i32
      %dma_wait3A_278 = arith.constant 0 : i32
      %dma_wait3A_279 = tpu.memref_slice %arg3[%dma_wait3A_277, %dma_wait3A_278] : memref<2000000x32xf32, #tpu.memory_space<hbm>> -> memref<2000000x32xf32, #tpu.memory_space<hbm>>
      tpu.wait_indirect_dma semaphore(%arg8 : memref<!tpu.dma_semaphore, #tpu.memory_space<semaphore_mem>>) src(%dma_wait3A_279 : memref<2000000x32xf32, #tpu.memory_space<hbm>>) dst(%dma_wait3A_273 : memref<128x32xf32, #tpu.memory_space<vmem>>)
      %dma_wait3A_280 = arith.constant 0 : i32
      %dma_wait3A_281 = arith.constant 0 : i32
      %dma_wait3A_282 = arith.constant 0 : i32
      %dma_wait3A_283 = arith.constant 1 : i32
      %dma_wait3A_284 = arith.constant 0 : i32
      %dma_wait3A_285 = arith.constant 0 : i32
      %dma_wait3A_286 = tpu.memref_slice %arg6[%dma_wait3A_282, %dma_wait3A_283, %dma_wait3A_284, %dma_wait3A_285] : memref<2x4x256x32xf32, #tpu.memory_space<vmem>> -> memref<1x1x128x32xf32, #tpu.memory_space<vmem>>
      %dma_wait3A_287 = tpu.memref_squeeze %dma_wait3A_286 : memref<1x1x128x32xf32, #tpu.memory_space<vmem>> -> memref<128x32xf32, #tpu.memory_space<vmem>>
      %dma_wait3A_288 = arith.constant 0 : i32
      %dma_wait3A_289 = tpu.memref_slice %arg5[%dma_wait3A_280, %dma_wait3A_281, %dma_wait3A_288] : memref<200x2x128xi32, #tpu.memory_space<vmem>> -> memref<1x1x128xi32, #tpu.memory_space<vmem>>
      %dma_wait3A_290 = tpu.memref_squeeze %dma_wait3A_289 : memref<1x1x128xi32, #tpu.memory_space<vmem>> -> memref<128xi32, #tpu.memory_space<vmem>>
      %dma_wait3A_291 = arith.constant 0 : i32
      %dma_wait3A_292 = arith.constant 0 : i32
      %dma_wait3A_293 = tpu.memref_slice %arg3[%dma_wait3A_291, %dma_wait3A_292] : memref<2000000x32xf32, #tpu.memory_space<hbm>> -> memref<2000000x32xf32, #tpu.memory_space<hbm>>
      tpu.wait_indirect_dma semaphore(%arg8 : memref<!tpu.dma_semaphore, #tpu.memory_space<semaphore_mem>>) src(%dma_wait3A_293 : memref<2000000x32xf32, #tpu.memory_space<hbm>>) dst(%dma_wait3A_287 : memref<128x32xf32, #tpu.memory_space<vmem>>)
      %dma_wait3A_294 = arith.constant 0 : i32
      %dma_wait3A_295 = arith.constant 0 : i32
      %dma_wait3A_296 = arith.constant 0 : i32
      %dma_wait3A_297 = arith.constant 1 : i32
      %dma_wait3A_298 = arith.constant 128 : i32
      %dma_wait3A_299 = arith.constant 0 : i32
      %dma_wait3A_300 = tpu.memref_slice %arg6[%dma_wait3A_296, %dma_wait3A_297, %dma_wait3A_298, %dma_wait3A_299] : memref<2x4x256x32xf32, #tpu.memory_space<vmem>> -> memref<1x1x128x32xf32, #tpu.memory_space<vmem>>
      %dma_wait3A_301 = tpu.memref_squeeze %dma_wait3A_300 : memref<1x1x128x32xf32, #tpu.memory_space<vmem>> -> memref<128x32xf32, #tpu.memory_space<vmem>>
      %dma_wait3A_302 = arith.constant 0 : i32
      %dma_wait3A_303 = tpu.memref_slice %arg5[%dma_wait3A_294, %dma_wait3A_295, %dma_wait3A_302] : memref<200x2x128xi32, #tpu.memory_space<vmem>> -> memref<1x1x128xi32, #tpu.memory_space<vmem>>
      %dma_wait3A_304 = tpu.memref_squeeze %dma_wait3A_303 : memref<1x1x128xi32, #tpu.memory_space<vmem>> -> memref<128xi32, #tpu.memory_space<vmem>>
      %dma_wait3A_305 = arith.constant 0 : i32
      %dma_wait3A_306 = arith.constant 0 : i32
      %dma_wait3A_307 = tpu.memref_slice %arg3[%dma_wait3A_305, %dma_wait3A_306] : memref<2000000x32xf32, #tpu.memory_space<hbm>> -> memref<2000000x32xf32, #tpu.memory_space<hbm>>
      tpu.wait_indirect_dma semaphore(%arg8 : memref<!tpu.dma_semaphore, #tpu.memory_space<semaphore_mem>>) src(%dma_wait3A_307 : memref<2000000x32xf32, #tpu.memory_space<hbm>>) dst(%dma_wait3A_301 : memref<128x32xf32, #tpu.memory_space<vmem>>)
      %dma_wait3A_308 = arith.constant 0 : i32
      %dma_wait3A_309 = arith.constant 0 : i32
      %dma_wait3A_310 = arith.constant 0 : i32
      %dma_wait3A_311 = arith.constant 2 : i32
      %dma_wait3A_312 = arith.constant 0 : i32
      %dma_wait3A_313 = arith.constant 0 : i32
      %dma_wait3A_314 = tpu.memref_slice %arg6[%dma_wait3A_310, %dma_wait3A_311, %dma_wait3A_312, %dma_wait3A_313] : memref<2x4x256x32xf32, #tpu.memory_space<vmem>> -> memref<1x1x128x32xf32, #tpu.memory_space<vmem>>
      %dma_wait3A_315 = tpu.memref_squeeze %dma_wait3A_314 : memref<1x1x128x32xf32, #tpu.memory_space<vmem>> -> memref<128x32xf32, #tpu.memory_space<vmem>>
      %dma_wait3A_316 = arith.constant 0 : i32
      %dma_wait3A_317 = tpu.memref_slice %arg5[%dma_wait3A_308, %dma_wait3A_309, %dma_wait3A_316] : memref<200x2x128xi32, #tpu.memory_space<vmem>> -> memref<1x1x128xi32, #tpu.memory_space<vmem>>
      %dma_wait3A_318 = tpu.memref_squeeze %dma_wait3A_317 : memref<1x1x128xi32, #tpu.memory_space<vmem>> -> memref<128xi32, #tpu.memory_space<vmem>>
      %dma_wait3A_319 = arith.constant 0 : i32
      %dma_wait3A_320 = arith.constant 0 : i32
      %dma_wait3A_321 = tpu.memref_slice %arg3[%dma_wait3A_319, %dma_wait3A_320] : memref<2000000x32xf32, #tpu.memory_space<hbm>> -> memref<2000000x32xf32, #tpu.memory_space<hbm>>
      tpu.wait_indirect_dma semaphore(%arg8 : memref<!tpu.dma_semaphore, #tpu.memory_space<semaphore_mem>>) src(%dma_wait3A_321 : memref<2000000x32xf32, #tpu.memory_space<hbm>>) dst(%dma_wait3A_315 : memref<128x32xf32, #tpu.memory_space<vmem>>)
      %dma_wait3A_322 = arith.constant 0 : i32
      %dma_wait3A_323 = arith.constant 0 : i32
      %dma_wait3A_324 = arith.constant 0 : i32
      %dma_wait3A_325 = arith.constant 2 : i32
      %dma_wait3A_326 = arith.constant 128 : i32
      %dma_wait3A_327 = arith.constant 0 : i32
      %dma_wait3A_328 = tpu.memref_slice %arg6[%dma_wait3A_324, %dma_wait3A_325, %dma_wait3A_326, %dma_wait3A_327] : memref<2x4x256x32xf32, #tpu.memory_space<vmem>> -> memref<1x1x128x32xf32, #tpu.memory_space<vmem>>
      %dma_wait3A_329 = tpu.memref_squeeze %dma_wait3A_328 : memref<1x1x128x32xf32, #tpu.memory_space<vmem>> -> memref<128x32xf32, #tpu.memory_space<vmem>>
      %dma_wait3A_330 = arith.constant 0 : i32
      %dma_wait3A_331 = tpu.memref_slice %arg5[%dma_wait3A_322, %dma_wait3A_323, %dma_wait3A_330] : memref<200x2x128xi32, #tpu.memory_space<vmem>> -> memref<1x1x128xi32, #tpu.memory_space<vmem>>
      %dma_wait3A_332 = tpu.memref_squeeze %dma_wait3A_331 : memref<1x1x128xi32, #tpu.memory_space<vmem>> -> memref<128xi32, #tpu.memory_space<vmem>>
      %dma_wait3A_333 = arith.constant 0 : i32
      %dma_wait3A_334 = arith.constant 0 : i32
      %dma_wait3A_335 = tpu.memref_slice %arg3[%dma_wait3A_333, %dma_wait3A_334] : memref<2000000x32xf32, #tpu.memory_space<hbm>> -> memref<2000000x32xf32, #tpu.memory_space<hbm>>
      tpu.wait_indirect_dma semaphore(%arg8 : memref<!tpu.dma_semaphore, #tpu.memory_space<semaphore_mem>>) src(%dma_wait3A_335 : memref<2000000x32xf32, #tpu.memory_space<hbm>>) dst(%dma_wait3A_329 : memref<128x32xf32, #tpu.memory_space<vmem>>)
      %dma_wait3A_336 = arith.constant 0 : i32
      %dma_wait3A_337 = arith.constant 0 : i32
      %dma_wait3A_338 = arith.constant 0 : i32
      %dma_wait3A_339 = arith.constant 3 : i32
      %dma_wait3A_340 = arith.constant 0 : i32
      %dma_wait3A_341 = arith.constant 0 : i32
      %dma_wait3A_342 = tpu.memref_slice %arg6[%dma_wait3A_338, %dma_wait3A_339, %dma_wait3A_340, %dma_wait3A_341] : memref<2x4x256x32xf32, #tpu.memory_space<vmem>> -> memref<1x1x128x32xf32, #tpu.memory_space<vmem>>
      %dma_wait3A_343 = tpu.memref_squeeze %dma_wait3A_342 : memref<1x1x128x32xf32, #tpu.memory_space<vmem>> -> memref<128x32xf32, #tpu.memory_space<vmem>>
      %dma_wait3A_344 = arith.constant 0 : i32
      %dma_wait3A_345 = tpu.memref_slice %arg5[%dma_wait3A_336, %dma_wait3A_337, %dma_wait3A_344] : memref<200x2x128xi32, #tpu.memory_space<vmem>> -> memref<1x1x128xi32, #tpu.memory_space<vmem>>
      %dma_wait3A_346 = tpu.memref_squeeze %dma_wait3A_345 : memref<1x1x128xi32, #tpu.memory_space<vmem>> -> memref<128xi32, #tpu.memory_space<vmem>>
      %dma_wait3A_347 = arith.constant 0 : i32
      %dma_wait3A_348 = arith.constant 0 : i32
      %dma_wait3A_349 = tpu.memref_slice %arg3[%dma_wait3A_347, %dma_wait3A_348] : memref<2000000x32xf32, #tpu.memory_space<hbm>> -> memref<2000000x32xf32, #tpu.memory_space<hbm>>
      tpu.wait_indirect_dma semaphore(%arg8 : memref<!tpu.dma_semaphore, #tpu.memory_space<semaphore_mem>>) src(%dma_wait3A_349 : memref<2000000x32xf32, #tpu.memory_space<hbm>>) dst(%dma_wait3A_343 : memref<128x32xf32, #tpu.memory_space<vmem>>)
      %dma_wait3A_350 = arith.constant 0 : i32
      %dma_wait3A_351 = arith.constant 0 : i32
      %dma_wait3A_352 = arith.constant 0 : i32
      %dma_wait3A_353 = arith.constant 3 : i32
      %dma_wait3A_354 = arith.constant 128 : i32
      %dma_wait3A_355 = arith.constant 0 : i32
      %dma_wait3A_356 = tpu.memref_slice %arg6[%dma_wait3A_352, %dma_wait3A_353, %dma_wait3A_354, %dma_wait3A_355] : memref<2x4x256x32xf32, #tpu.memory_space<vmem>> -> memref<1x1x128x32xf32, #tpu.memory_space<vmem>>
      %dma_wait3A_357 = tpu.memref_squeeze %dma_wait3A_356 : memref<1x1x128x32xf32, #tpu.memory_space<vmem>> -> memref<128x32xf32, #tpu.memory_space<vmem>>
      %dma_wait3A_358 = arith.constant 0 : i32
      %dma_wait3A_359 = tpu.memref_slice %arg5[%dma_wait3A_350, %dma_wait3A_351, %dma_wait3A_358] : memref<200x2x128xi32, #tpu.memory_space<vmem>> -> memref<1x1x128xi32, #tpu.memory_space<vmem>>
      %dma_wait3A_360 = tpu.memref_squeeze %dma_wait3A_359 : memref<1x1x128xi32, #tpu.memory_space<vmem>> -> memref<128xi32, #tpu.memory_space<vmem>>
      %dma_wait3A_361 = arith.constant 0 : i32
      %dma_wait3A_362 = arith.constant 0 : i32
      %dma_wait3A_363 = tpu.memref_slice %arg3[%dma_wait3A_361, %dma_wait3A_362] : memref<2000000x32xf32, #tpu.memory_space<hbm>> -> memref<2000000x32xf32, #tpu.memory_space<hbm>>
      tpu.wait_indirect_dma semaphore(%arg8 : memref<!tpu.dma_semaphore, #tpu.memory_space<semaphore_mem>>) src(%dma_wait3A_363 : memref<2000000x32xf32, #tpu.memory_space<hbm>>) dst(%dma_wait3A_357 : memref<128x32xf32, #tpu.memory_space<vmem>>)
      %scan3A_364 = arith.constant 0 : i32
      %scan3A_365 = arith.constant 0 : i32
      %scan3A_366 = arith.constant 32 : i32
      %scan3A_367 = arith.addi %scan3A_365, %scan3A_366 : i32
      %scan3A_368 = arith.constant 1 : i32
      scf.for %scan3A_526 = %scan3A_365 to %scan3A_367 step %scan3A_368  : i32 {
        %mul3A_527 = arith.constant 4 : i32
        %mul3A_528 = arith.muli %scan3A_526, %mul3A_527 : i32
        %add3A_529 = arith.constant 0 : i32
        %add3A_530 = arith.addi %mul3A_528, %add3A_529 : i32
        %mul3A_531 = arith.constant 2 : i32
        %mul3A_532 = arith.muli %mul3A_531, %add3A_530 : i32
        %add3A_533 = arith.constant 0 : i32
        %add3A_534 = arith.addi %mul3A_532, %add3A_533 : i32
        %get3A = arith.constant 0 : i32
        %get3A_535 = arith.constant 0 : i32
        %get3A_536 = arith.index_cast %get3A : i32 to index
        %get3A_537 = arith.index_cast %get3A_535 : i32 to index
        %get3A_538 = arith.index_cast %add3A_534 : i32 to index
        %get3A_539 = arith.constant 0 : index
        %get3A_540 = tpu.vector_load %arg6[%get3A_536, %get3A_537, %get3A_538, %get3A_539] {strides = array<i32>} : memref<2x4x256x32xf32, #tpu.memory_space<vmem>>, vector<1x1x1x16xf32>,
        %get3A_541 = vector.shape_cast %get3A_540 : vector<1x1x1x16xf32> to vector<16xf32>
        %swap3A = arith.index_cast %add3A_530 : i32 to index
        %swap3A_542 = arith.constant 0 : index
        %swap3A_543 = tpu.vector_load %arg7[%swap3A, %swap3A_542] {strides = array<i32>} : memref<128x64xf32, #tpu.memory_space<vmem>>, vector<1x16xf32>,
        %swap3A_544 = vector.shape_cast %swap3A_543 : vector<1x16xf32> to vector<16xf32>
        %swap3A_545 = vector.shape_cast %get3A_541 : vector<16xf32> to vector<1x16xf32>
        tpu.vector_store %arg7[%swap3A, %swap3A_542], %swap3A_545 {add = true, strides = array<i32>} : memref<128x64xf32, #tpu.memory_space<vmem>>, vector<1x16xf32>,
        %mul3A_546 = arith.constant 2 : i32
        %mul3A_547 = arith.muli %mul3A_546, %add3A_530 : i32
        %add3A_548 = arith.constant 0 : i32
        %add3A_549 = arith.addi %mul3A_547, %add3A_548 : i32
        %get3A_550 = arith.constant 0 : i32
        %get3A_551 = arith.constant 0 : i32
        %get3A_552 = arith.index_cast %get3A_550 : i32 to index
        %get3A_553 = arith.index_cast %get3A_551 : i32 to index
        %get3A_554 = arith.index_cast %add3A_549 : i32 to index
        %get3A_555 = arith.constant 16 : index
        %get3A_556 = tpu.vector_load %arg6[%get3A_552, %get3A_553, %get3A_554, %get3A_555] {strides = array<i32>} : memref<2x4x256x32xf32, #tpu.memory_space<vmem>>, vector<1x1x1x16xf32>,
        %get3A_557 = vector.shape_cast %get3A_556 : vector<1x1x1x16xf32> to vector<16xf32>
        %swap3A_558 = arith.index_cast %add3A_530 : i32 to index
        %swap3A_559 = arith.constant 16 : index
        %swap3A_560 = tpu.vector_load %arg7[%swap3A_558, %swap3A_559] {strides = array<i32>} : memref<128x64xf32, #tpu.memory_space<vmem>>, vector<1x16xf32>,
        %swap3A_561 = vector.shape_cast %swap3A_560 : vector<1x16xf32> to vector<16xf32>
        %swap3A_562 = vector.shape_cast %get3A_557 : vector<16xf32> to vector<1x16xf32>
        tpu.vector_store %arg7[%swap3A_558, %swap3A_559], %swap3A_562 {add = true, strides = array<i32>} : memref<128x64xf32, #tpu.memory_space<vmem>>, vector<1x16xf32>,
        %mul3A_563 = arith.constant 2 : i32
        %mul3A_564 = arith.muli %mul3A_563, %add3A_530 : i32
        %add3A_565 = arith.constant 1 : i32
        %add3A_566 = arith.addi %mul3A_564, %add3A_565 : i32
        %get3A_567 = arith.constant 0 : i32
        %get3A_568 = arith.constant 0 : i32
        %get3A_569 = arith.index_cast %get3A_567 : i32 to index
        %get3A_570 = arith.index_cast %get3A_568 : i32 to index
        %get3A_571 = arith.index_cast %add3A_566 : i32 to index
        %get3A_572 = arith.constant 0 : index
        %get3A_573 = tpu.vector_load %arg6[%get3A_569, %get3A_570, %get3A_571, %get3A_572] {strides = array<i32>} : memref<2x4x256x32xf32, #tpu.memory_space<vmem>>, vector<1x1x1x16xf32>,
        %get3A_574 = vector.shape_cast %get3A_573 : vector<1x1x1x16xf32> to vector<16xf32>
        %swap3A_575 = arith.index_cast %add3A_530 : i32 to index
        %swap3A_576 = arith.constant 32 : index
        %swap3A_577 = tpu.vector_load %arg7[%swap3A_575, %swap3A_576] {strides = array<i32>} : memref<128x64xf32, #tpu.memory_space<vmem>>, vector<1x16xf32>,
        %swap3A_578 = vector.shape_cast %swap3A_577 : vector<1x16xf32> to vector<16xf32>
        %swap3A_579 = vector.shape_cast %get3A_574 : vector<16xf32> to vector<1x16xf32>
        tpu.vector_store %arg7[%swap3A_575, %swap3A_576], %swap3A_579 {add = true, strides = array<i32>} : memref<128x64xf32, #tpu.memory_space<vmem>>, vector<1x16xf32>,
        %mul3A_580 = arith.constant 2 : i32
        %mul3A_581 = arith.muli %mul3A_580, %add3A_530 : i32
        %add3A_582 = arith.constant 1 : i32
        %add3A_583 = arith.addi %mul3A_581, %add3A_582 : i32
        %get3A_584 = arith.constant 0 : i32
        %get3A_585 = arith.constant 0 : i32
        %get3A_586 = arith.index_cast %get3A_584 : i32 to index
        %get3A_587 = arith.index_cast %get3A_585 : i32 to index
        %get3A_588 = arith.index_cast %add3A_583 : i32 to index
        %get3A_589 = arith.constant 16 : index
        %get3A_590 = tpu.vector_load %arg6[%get3A_586, %get3A_587, %get3A_588, %get3A_589] {strides = array<i32>} : memref<2x4x256x32xf32, #tpu.memory_space<vmem>>, vector<1x1x1x16xf32>,
        %get3A_591 = vector.shape_cast %get3A_590 : vector<1x1x1x16xf32> to vector<16xf32>
        %swap3A_592 = arith.index_cast %add3A_530 : i32 to index
        %swap3A_593 = arith.constant 48 : index
        %swap3A_594 = tpu.vector_load %arg7[%swap3A_592, %swap3A_593] {strides = array<i32>} : memref<128x64xf32, #tpu.memory_space<vmem>>, vector<1x16xf32>,
        %swap3A_595 = vector.shape_cast %swap3A_594 : vector<1x16xf32> to vector<16xf32>
        %swap3A_596 = vector.shape_cast %get3A_591 : vector<16xf32> to vector<1x16xf32>
        tpu.vector_store %arg7[%swap3A_592, %swap3A_593], %swap3A_596 {add = true, strides = array<i32>} : memref<128x64xf32, #tpu.memory_space<vmem>>, vector<1x16xf32>,
        %mul3A_597 = arith.constant 4 : i32
        %mul3A_598 = arith.muli %scan3A_526, %mul3A_597 : i32
        %add3A_599 = arith.constant 1 : i32
        %add3A_600 = arith.addi %mul3A_598, %add3A_599 : i32
        %mul3A_601 = arith.constant 2 : i32
        %mul3A_602 = arith.muli %mul3A_601, %add3A_600 : i32
        %add3A_603 = arith.constant 0 : i32
        %add3A_604 = arith.addi %mul3A_602, %add3A_603 : i32
        %get3A_605 = arith.constant 0 : i32
        %get3A_606 = arith.constant 0 : i32
        %get3A_607 = arith.index_cast %get3A_605 : i32 to index
        %get3A_608 = arith.index_cast %get3A_606 : i32 to index
        %get3A_609 = arith.index_cast %add3A_604 : i32 to index
        %get3A_610 = arith.constant 0 : index
        %get3A_611 = tpu.vector_load %arg6[%get3A_607, %get3A_608, %get3A_609, %get3A_610] {strides = array<i32>} : memref<2x4x256x32xf32, #tpu.memory_space<vmem>>, vector<1x1x1x16xf32>,
        %get3A_612 = vector.shape_cast %get3A_611 : vector<1x1x1x16xf32> to vector<16xf32>
        %swap3A_613 = arith.index_cast %add3A_600 : i32 to index
        %swap3A_614 = arith.constant 0 : index
        %swap3A_615 = tpu.vector_load %arg7[%swap3A_613, %swap3A_614] {strides = array<i32>} : memref<128x64xf32, #tpu.memory_space<vmem>>, vector<1x16xf32>,
        %swap3A_616 = vector.shape_cast %swap3A_615 : vector<1x16xf32> to vector<16xf32>
        %swap3A_617 = vector.shape_cast %get3A_612 : vector<16xf32> to vector<1x16xf32>
        tpu.vector_store %arg7[%swap3A_613, %swap3A_614], %swap3A_617 {add = true, strides = array<i32>} : memref<128x64xf32, #tpu.memory_space<vmem>>, vector<1x16xf32>,
        %mul3A_618 = arith.constant 2 : i32
        %mul3A_619 = arith.muli %mul3A_618, %add3A_600 : i32
        %add3A_620 = arith.constant 0 : i32
        %add3A_621 = arith.addi %mul3A_619, %add3A_620 : i32
        %get3A_622 = arith.constant 0 : i32
        %get3A_623 = arith.constant 0 : i32
        %get3A_624 = arith.index_cast %get3A_622 : i32 to index
        %get3A_625 = arith.index_cast %get3A_623 : i32 to index
        %get3A_626 = arith.index_cast %add3A_621 : i32 to index
        %get3A_627 = arith.constant 16 : index
        %get3A_628 = tpu.vector_load %arg6[%get3A_624, %get3A_625, %get3A_626, %get3A_627] {strides = array<i32>} : memref<2x4x256x32xf32, #tpu.memory_space<vmem>>, vector<1x1x1x16xf32>,
        %get3A_629 = vector.shape_cast %get3A_628 : vector<1x1x1x16xf32> to vector<16xf32>
        %swap3A_630 = arith.index_cast %add3A_600 : i32 to index
        %swap3A_631 = arith.constant 16 : index
        %swap3A_632 = tpu.vector_load %arg7[%swap3A_630, %swap3A_631] {strides = array<i32>} : memref<128x64xf32, #tpu.memory_space<vmem>>, vector<1x16xf32>,
        %swap3A_633 = vector.shape_cast %swap3A_632 : vector<1x16xf32> to vector<16xf32>
        %swap3A_634 = vector.shape_cast %get3A_629 : vector<16xf32> to vector<1x16xf32>
        tpu.vector_store %arg7[%swap3A_630, %swap3A_631], %swap3A_634 {add = true, strides = array<i32>} : memref<128x64xf32, #tpu.memory_space<vmem>>, vector<1x16xf32>,
        %mul3A_635 = arith.constant 2 : i32
        %mul3A_636 = arith.muli %mul3A_635, %add3A_600 : i32
        %add3A_637 = arith.constant 1 : i32
        %add3A_638 = arith.addi %mul3A_636, %add3A_637 : i32
        %get3A_639 = arith.constant 0 : i32
        %get3A_640 = arith.constant 0 : i32
        %get3A_641 = arith.index_cast %get3A_639 : i32 to index
        %get3A_642 = arith.index_cast %get3A_640 : i32 to index
        %get3A_643 = arith.index_cast %add3A_638 : i32 to index
        %get3A_644 = arith.constant 0 : index
        %get3A_645 = tpu.vector_load %arg6[%get3A_641, %get3A_642, %get3A_643, %get3A_644] {strides = array<i32>} : memref<2x4x256x32xf32, #tpu.memory_space<vmem>>, vector<1x1x1x16xf32>,
        %get3A_646 = vector.shape_cast %get3A_645 : vector<1x1x1x16xf32> to vector<16xf32>
        %swap3A_647 = arith.index_cast %add3A_600 : i32 to index
        %swap3A_648 = arith.constant 32 : index
        %swap3A_649 = tpu.vector_load %arg7[%swap3A_647, %swap3A_648] {strides = array<i32>} : memref<128x64xf32, #tpu.memory_space<vmem>>, vector<1x16xf32>,
        %swap3A_650 = vector.shape_cast %swap3A_649 : vector<1x16xf32> to vector<16xf32>
        %swap3A_651 = vector.shape_cast %get3A_646 : vector<16xf32> to vector<1x16xf32>
        tpu.vector_store %arg7[%swap3A_647, %swap3A_648], %swap3A_651 {add = true, strides = array<i32>} : memref<128x64xf32, #tpu.memory_space<vmem>>, vector<1x16xf32>,
        %mul3A_652 = arith.constant 2 : i32
        %mul3A_653 = arith.muli %mul3A_652, %add3A_600 : i32
        %add3A_654 = arith.constant 1 : i32
        %add3A_655 = arith.addi %mul3A_653, %add3A_654 : i32
        %get3A_656 = arith.constant 0 : i32
        %get3A_657 = arith.constant 0 : i32
        %get3A_658 = arith.index_cast %get3A_656 : i32 to index
        %get3A_659 = arith.index_cast %get3A_657 : i32 to index
        %get3A_660 = arith.index_cast %add3A_655 : i32 to index
        %get3A_661 = arith.constant 16 : index
        %get3A_662 = tpu.vector_load %arg6[%get3A_658, %get3A_659, %get3A_660, %get3A_661] {strides = array<i32>} : memref<2x4x256x32xf32, #tpu.memory_space<vmem>>, vector<1x1x1x16xf32>,
        %get3A_663 = vector.shape_cast %get3A_662 : vector<1x1x1x16xf32> to vector<16xf32>
        %swap3A_664 = arith.index_cast %add3A_600 : i32 to index
        %swap3A_665 = arith.constant 48 : index
        %swap3A_666 = tpu.vector_load %arg7[%swap3A_664, %swap3A_665] {strides = array<i32>} : memref<128x64xf32, #tpu.memory_space<vmem>>, vector<1x16xf32>,
        %swap3A_667 = vector.shape_cast %swap3A_666 : vector<1x16xf32> to vector<16xf32>
        %swap3A_668 = vector.shape_cast %get3A_663 : vector<16xf32> to vector<1x16xf32>
        tpu.vector_store %arg7[%swap3A_664, %swap3A_665], %swap3A_668 {add = true, strides = array<i32>} : memref<128x64xf32, #tpu.memory_space<vmem>>, vector<1x16xf32>,
        %mul3A_669 = arith.constant 4 : i32
        %mul3A_670 = arith.muli %scan3A_526, %mul3A_669 : i32
        %add3A_671 = arith.constant 2 : i32
        %add3A_672 = arith.addi %mul3A_670, %add3A_671 : i32
        %mul3A_673 = arith.constant 2 : i32
        %mul3A_674 = arith.muli %mul3A_673, %add3A_672 : i32
        %add3A_675 = arith.constant 0 : i32
        %add3A_676 = arith.addi %mul3A_674, %add3A_675 : i32
        %get3A_677 = arith.constant 0 : i32
        %get3A_678 = arith.constant 0 : i32
        %get3A_679 = arith.index_cast %get3A_677 : i32 to index
        %get3A_680 = arith.index_cast %get3A_678 : i32 to index
        %get3A_681 = arith.index_cast %add3A_676 : i32 to index
        %get3A_682 = arith.constant 0 : index
        %get3A_683 = tpu.vector_load %arg6[%get3A_679, %get3A_680, %get3A_681, %get3A_682] {strides = array<i32>} : memref<2x4x256x32xf32, #tpu.memory_space<vmem>>, vector<1x1x1x16xf32>,
        %get3A_684 = vector.shape_cast %get3A_683 : vector<1x1x1x16xf32> to vector<16xf32>
        %swap3A_685 = arith.index_cast %add3A_672 : i32 to index
        %swap3A_686 = arith.constant 0 : index
        %swap3A_687 = tpu.vector_load %arg7[%swap3A_685, %swap3A_686] {strides = array<i32>} : memref<128x64xf32, #tpu.memory_space<vmem>>, vector<1x16xf32>,
        %swap3A_688 = vector.shape_cast %swap3A_687 : vector<1x16xf32> to vector<16xf32>
        %swap3A_689 = vector.shape_cast %get3A_684 : vector<16xf32> to vector<1x16xf32>
        tpu.vector_store %arg7[%swap3A_685, %swap3A_686], %swap3A_689 {add = true, strides = array<i32>} : memref<128x64xf32, #tpu.memory_space<vmem>>, vector<1x16xf32>,
        %mul3A_690 = arith.constant 2 : i32
        %mul3A_691 = arith.muli %mul3A_690, %add3A_672 : i32
        %add3A_692 = arith.constant 0 : i32
        %add3A_693 = arith.addi %mul3A_691, %add3A_692 : i32
        %get3A_694 = arith.constant 0 : i32
        %get3A_695 = arith.constant 0 : i32
        %get3A_696 = arith.index_cast %get3A_694 : i32 to index
        %get3A_697 = arith.index_cast %get3A_695 : i32 to index
        %get3A_698 = arith.index_cast %add3A_693 : i32 to index
        %get3A_699 = arith.constant 16 : index
        %get3A_700 = tpu.vector_load %arg6[%get3A_696, %get3A_697, %get3A_698, %get3A_699] {strides = array<i32>} : memref<2x4x256x32xf32, #tpu.memory_space<vmem>>, vector<1x1x1x16xf32>,
        %get3A_701 = vector.shape_cast %get3A_700 : vector<1x1x1x16xf32> to vector<16xf32>
        %swap3A_702 = arith.index_cast %add3A_672 : i32 to index
        %swap3A_703 = arith.constant 16 : index
        %swap3A_704 = tpu.vector_load %arg7[%swap3A_702, %swap3A_703] {strides = array<i32>} : memref<128x64xf32, #tpu.memory_space<vmem>>, vector<1x16xf32>,
        %swap3A_705 = vector.shape_cast %swap3A_704 : vector<1x16xf32> to vector<16xf32>
        %swap3A_706 = vector.shape_cast %get3A_701 : vector<16xf32> to vector<1x16xf32>
        tpu.vector_store %arg7[%swap3A_702, %swap3A_703], %swap3A_706 {add = true, strides = array<i32>} : memref<128x64xf32, #tpu.memory_space<vmem>>, vector<1x16xf32>,
        %mul3A_707 = arith.constant 2 : i32
        %mul3A_708 = arith.muli %mul3A_707, %add3A_672 : i32
        %add3A_709 = arith.constant 1 : i32
        %add3A_710 = arith.addi %mul3A_708, %add3A_709 : i32
        %get3A_711 = arith.constant 0 : i32
        %get3A_712 = arith.constant 0 : i32
        %get3A_713 = arith.index_cast %get3A_711 : i32 to index
        %get3A_714 = arith.index_cast %get3A_712 : i32 to index
        %get3A_715 = arith.index_cast %add3A_710 : i32 to index
        %get3A_716 = arith.constant 0 : index
        %get3A_717 = tpu.vector_load %arg6[%get3A_713, %get3A_714, %get3A_715, %get3A_716] {strides = array<i32>} : memref<2x4x256x32xf32, #tpu.memory_space<vmem>>, vector<1x1x1x16xf32>,
        %get3A_718 = vector.shape_cast %get3A_717 : vector<1x1x1x16xf32> to vector<16xf32>
        %swap3A_719 = arith.index_cast %add3A_672 : i32 to index
        %swap3A_720 = arith.constant 32 : index
        %swap3A_721 = tpu.vector_load %arg7[%swap3A_719, %swap3A_720] {strides = array<i32>} : memref<128x64xf32, #tpu.memory_space<vmem>>, vector<1x16xf32>,
        %swap3A_722 = vector.shape_cast %swap3A_721 : vector<1x16xf32> to vector<16xf32>
        %swap3A_723 = vector.shape_cast %get3A_718 : vector<16xf32> to vector<1x16xf32>
        tpu.vector_store %arg7[%swap3A_719, %swap3A_720], %swap3A_723 {add = true, strides = array<i32>} : memref<128x64xf32, #tpu.memory_space<vmem>>, vector<1x16xf32>,
        %mul3A_724 = arith.constant 2 : i32
        %mul3A_725 = arith.muli %mul3A_724, %add3A_672 : i32
        %add3A_726 = arith.constant 1 : i32
        %add3A_727 = arith.addi %mul3A_725, %add3A_726 : i32
        %get3A_728 = arith.constant 0 : i32
        %get3A_729 = arith.constant 0 : i32
        %get3A_730 = arith.index_cast %get3A_728 : i32 to index
        %get3A_731 = arith.index_cast %get3A_729 : i32 to index
        %get3A_732 = arith.index_cast %add3A_727 : i32 to index
        %get3A_733 = arith.constant 16 : index
        %get3A_734 = tpu.vector_load %arg6[%get3A_730, %get3A_731, %get3A_732, %get3A_733] {strides = array<i32>} : memref<2x4x256x32xf32, #tpu.memory_space<vmem>>, vector<1x1x1x16xf32>,
        %get3A_735 = vector.shape_cast %get3A_734 : vector<1x1x1x16xf32> to vector<16xf32>
        %swap3A_736 = arith.index_cast %add3A_672 : i32 to index
        %swap3A_737 = arith.constant 48 : index
        %swap3A_738 = tpu.vector_load %arg7[%swap3A_736, %swap3A_737] {strides = array<i32>} : memref<128x64xf32, #tpu.memory_space<vmem>>, vector<1x16xf32>,
        %swap3A_739 = vector.shape_cast %swap3A_738 : vector<1x16xf32> to vector<16xf32>
        %swap3A_740 = vector.shape_cast %get3A_735 : vector<16xf32> to vector<1x16xf32>
        tpu.vector_store %arg7[%swap3A_736, %swap3A_737], %swap3A_740 {add = true, strides = array<i32>} : memref<128x64xf32, #tpu.memory_space<vmem>>, vector<1x16xf32>,
        %mul3A_741 = arith.constant 4 : i32
        %mul3A_742 = arith.muli %scan3A_526, %mul3A_741 : i32
        %add3A_743 = arith.constant 3 : i32
        %add3A_744 = arith.addi %mul3A_742, %add3A_743 : i32
        %mul3A_745 = arith.constant 2 : i32
        %mul3A_746 = arith.muli %mul3A_745, %add3A_744 : i32
        %add3A_747 = arith.constant 0 : i32
        %add3A_748 = arith.addi %mul3A_746, %add3A_747 : i32
        %get3A_749 = arith.constant 0 : i32
        %get3A_750 = arith.constant 0 : i32
        %get3A_751 = arith.index_cast %get3A_749 : i32 to index
        %get3A_752 = arith.index_cast %get3A_750 : i32 to index
        %get3A_753 = arith.index_cast %add3A_748 : i32 to index
        %get3A_754 = arith.constant 0 : index
        %get3A_755 = tpu.vector_load %arg6[%get3A_751, %get3A_752, %get3A_753, %get3A_754] {strides = array<i32>} : memref<2x4x256x32xf32, #tpu.memory_space<vmem>>, vector<1x1x1x16xf32>,
        %get3A_756 = vector.shape_cast %get3A_755 : vector<1x1x1x16xf32> to vector<16xf32>
        %swap3A_757 = arith.index_cast %add3A_744 : i32 to index
        %swap3A_758 = arith.constant 0 : index
        %swap3A_759 = tpu.vector_load %arg7[%swap3A_757, %swap3A_758] {strides = array<i32>} : memref<128x64xf32, #tpu.memory_space<vmem>>, vector<1x16xf32>,
        %swap3A_760 = vector.shape_cast %swap3A_759 : vector<1x16xf32> to vector<16xf32>
        %swap3A_761 = vector.shape_cast %get3A_756 : vector<16xf32> to vector<1x16xf32>
        tpu.vector_store %arg7[%swap3A_757, %swap3A_758], %swap3A_761 {add = true, strides = array<i32>} : memref<128x64xf32, #tpu.memory_space<vmem>>, vector<1x16xf32>,
        %mul3A_762 = arith.constant 2 : i32
        %mul3A_763 = arith.muli %mul3A_762, %add3A_744 : i32
        %add3A_764 = arith.constant 0 : i32
        %add3A_765 = arith.addi %mul3A_763, %add3A_764 : i32
        %get3A_766 = arith.constant 0 : i32
        %get3A_767 = arith.constant 0 : i32
        %get3A_768 = arith.index_cast %get3A_766 : i32 to index
        %get3A_769 = arith.index_cast %get3A_767 : i32 to index
        %get3A_770 = arith.index_cast %add3A_765 : i32 to index
        %get3A_771 = arith.constant 16 : index
        %get3A_772 = tpu.vector_load %arg6[%get3A_768, %get3A_769, %get3A_770, %get3A_771] {strides = array<i32>} : memref<2x4x256x32xf32, #tpu.memory_space<vmem>>, vector<1x1x1x16xf32>,
        %get3A_773 = vector.shape_cast %get3A_772 : vector<1x1x1x16xf32> to vector<16xf32>
        %swap3A_774 = arith.index_cast %add3A_744 : i32 to index
        %swap3A_775 = arith.constant 16 : index
        %swap3A_776 = tpu.vector_load %arg7[%swap3A_774, %swap3A_775] {strides = array<i32>} : memref<128x64xf32, #tpu.memory_space<vmem>>, vector<1x16xf32>,
        %swap3A_777 = vector.shape_cast %swap3A_776 : vector<1x16xf32> to vector<16xf32>
        %swap3A_778 = vector.shape_cast %get3A_773 : vector<16xf32> to vector<1x16xf32>
        tpu.vector_store %arg7[%swap3A_774, %swap3A_775], %swap3A_778 {add = true, strides = array<i32>} : memref<128x64xf32, #tpu.memory_space<vmem>>, vector<1x16xf32>,
        %mul3A_779 = arith.constant 2 : i32
        %mul3A_780 = arith.muli %mul3A_779, %add3A_744 : i32
        %add3A_781 = arith.constant 1 : i32
        %add3A_782 = arith.addi %mul3A_780, %add3A_781 : i32
        %get3A_783 = arith.constant 0 : i32
        %get3A_784 = arith.constant 0 : i32
        %get3A_785 = arith.index_cast %get3A_783 : i32 to index
        %get3A_786 = arith.index_cast %get3A_784 : i32 to index
        %get3A_787 = arith.index_cast %add3A_782 : i32 to index
        %get3A_788 = arith.constant 0 : index
        %get3A_789 = tpu.vector_load %arg6[%get3A_785, %get3A_786, %get3A_787, %get3A_788] {strides = array<i32>} : memref<2x4x256x32xf32, #tpu.memory_space<vmem>>, vector<1x1x1x16xf32>,
        %get3A_790 = vector.shape_cast %get3A_789 : vector<1x1x1x16xf32> to vector<16xf32>
        %swap3A_791 = arith.index_cast %add3A_744 : i32 to index
        %swap3A_792 = arith.constant 32 : index
        %swap3A_793 = tpu.vector_load %arg7[%swap3A_791, %swap3A_792] {strides = array<i32>} : memref<128x64xf32, #tpu.memory_space<vmem>>, vector<1x16xf32>,
        %swap3A_794 = vector.shape_cast %swap3A_793 : vector<1x16xf32> to vector<16xf32>
        %swap3A_795 = vector.shape_cast %get3A_790 : vector<16xf32> to vector<1x16xf32>
        tpu.vector_store %arg7[%swap3A_791, %swap3A_792], %swap3A_795 {add = true, strides = array<i32>} : memref<128x64xf32, #tpu.memory_space<vmem>>, vector<1x16xf32>,
        %mul3A_796 = arith.constant 2 : i32
        %mul3A_797 = arith.muli %mul3A_796, %add3A_744 : i32
        %add3A_798 = arith.constant 1 : i32
        %add3A_799 = arith.addi %mul3A_797, %add3A_798 : i32
        %get3A_800 = arith.constant 0 : i32
        %get3A_801 = arith.constant 0 : i32
        %get3A_802 = arith.index_cast %get3A_800 : i32 to index
        %get3A_803 = arith.index_cast %get3A_801 : i32 to index
        %get3A_804 = arith.index_cast %add3A_799 : i32 to index
        %get3A_805 = arith.constant 16 : index
        %get3A_806 = tpu.vector_load %arg6[%get3A_802, %get3A_803, %get3A_804, %get3A_805] {strides = array<i32>} : memref<2x4x256x32xf32, #tpu.memory_space<vmem>>, vector<1x1x1x16xf32>,
        %get3A_807 = vector.shape_cast %get3A_806 : vector<1x1x1x16xf32> to vector<16xf32>
        %swap3A_808 = arith.index_cast %add3A_744 : i32 to index
        %swap3A_809 = arith.constant 48 : index
        %swap3A_810 = tpu.vector_load %arg7[%swap3A_808, %swap3A_809] {strides = array<i32>} : memref<128x64xf32, #tpu.memory_space<vmem>>, vector<1x16xf32>,
        %swap3A_811 = vector.shape_cast %swap3A_810 : vector<1x16xf32> to vector<16xf32>
        %swap3A_812 = vector.shape_cast %get3A_807 : vector<16xf32> to vector<1x16xf32>
        tpu.vector_store %arg7[%swap3A_808, %swap3A_809], %swap3A_812 {add = true, strides = array<i32>} : memref<128x64xf32, #tpu.memory_space<vmem>>, vector<1x16xf32>,
      }
      %scan3A_369 = arith.constant 32 : i32
      %scan3A_370 = arith.constant 0 : i32
      %scan3A_371 = arith.constant 0 : i32
      %scan3A_372 = arith.constant 32 : i32
      %scan3A_373 = arith.addi %scan3A_371, %scan3A_372 : i32
      %scan3A_374 = arith.constant 1 : i32
      scf.for %scan3A_526 = %scan3A_371 to %scan3A_373 step %scan3A_374  : i32 {
        %mul3A_527 = arith.constant 4 : i32
        %mul3A_528 = arith.muli %scan3A_526, %mul3A_527 : i32
        %add3A_529 = arith.constant 0 : i32
        %add3A_530 = arith.addi %mul3A_528, %add3A_529 : i32
        %mul3A_531 = arith.constant 2 : i32
        %mul3A_532 = arith.muli %mul3A_531, %add3A_530 : i32
        %add3A_533 = arith.constant 0 : i32
        %add3A_534 = arith.addi %mul3A_532, %add3A_533 : i32
        %get3A = arith.constant 0 : i32
        %get3A_535 = arith.constant 1 : i32
        %get3A_536 = arith.index_cast %get3A : i32 to index
        %get3A_537 = arith.index_cast %get3A_535 : i32 to index
        %get3A_538 = arith.index_cast %add3A_534 : i32 to index
        %get3A_539 = arith.constant 0 : index
        %get3A_540 = tpu.vector_load %arg6[%get3A_536, %get3A_537, %get3A_538, %get3A_539] {strides = array<i32>} : memref<2x4x256x32xf32, #tpu.memory_space<vmem>>, vector<1x1x1x16xf32>,
        %get3A_541 = vector.shape_cast %get3A_540 : vector<1x1x1x16xf32> to vector<16xf32>
        %swap3A = arith.index_cast %add3A_530 : i32 to index
        %swap3A_542 = arith.constant 0 : index
        %swap3A_543 = tpu.vector_load %arg7[%swap3A, %swap3A_542] {strides = array<i32>} : memref<128x64xf32, #tpu.memory_space<vmem>>, vector<1x16xf32>,
        %swap3A_544 = vector.shape_cast %swap3A_543 : vector<1x16xf32> to vector<16xf32>
        %swap3A_545 = vector.shape_cast %get3A_541 : vector<16xf32> to vector<1x16xf32>
        tpu.vector_store %arg7[%swap3A, %swap3A_542], %swap3A_545 {add = true, strides = array<i32>} : memref<128x64xf32, #tpu.memory_space<vmem>>, vector<1x16xf32>,
        %mul3A_546 = arith.constant 2 : i32
        %mul3A_547 = arith.muli %mul3A_546, %add3A_530 : i32
        %add3A_548 = arith.constant 0 : i32
        %add3A_549 = arith.addi %mul3A_547, %add3A_548 : i32
        %get3A_550 = arith.constant 0 : i32
        %get3A_551 = arith.constant 1 : i32
        %get3A_552 = arith.index_cast %get3A_550 : i32 to index
        %get3A_553 = arith.index_cast %get3A_551 : i32 to index
        %get3A_554 = arith.index_cast %add3A_549 : i32 to index
        %get3A_555 = arith.constant 16 : index
        %get3A_556 = tpu.vector_load %arg6[%get3A_552, %get3A_553, %get3A_554, %get3A_555] {strides = array<i32>} : memref<2x4x256x32xf32, #tpu.memory_space<vmem>>, vector<1x1x1x16xf32>,
        %get3A_557 = vector.shape_cast %get3A_556 : vector<1x1x1x16xf32> to vector<16xf32>
        %swap3A_558 = arith.index_cast %add3A_530 : i32 to index
        %swap3A_559 = arith.constant 16 : index
        %swap3A_560 = tpu.vector_load %arg7[%swap3A_558, %swap3A_559] {strides = array<i32>} : memref<128x64xf32, #tpu.memory_space<vmem>>, vector<1x16xf32>,
        %swap3A_561 = vector.shape_cast %swap3A_560 : vector<1x16xf32> to vector<16xf32>
        %swap3A_562 = vector.shape_cast %get3A_557 : vector<16xf32> to vector<1x16xf32>
        tpu.vector_store %arg7[%swap3A_558, %swap3A_559], %swap3A_562 {add = true, strides = array<i32>} : memref<128x64xf32, #tpu.memory_space<vmem>>, vector<1x16xf32>,
        %mul3A_563 = arith.constant 2 : i32
        %mul3A_564 = arith.muli %mul3A_563, %add3A_530 : i32
        %add3A_565 = arith.constant 1 : i32
        %add3A_566 = arith.addi %mul3A_564, %add3A_565 : i32
        %get3A_567 = arith.constant 0 : i32
        %get3A_568 = arith.constant 1 : i32
        %get3A_569 = arith.index_cast %get3A_567 : i32 to index
        %get3A_570 = arith.index_cast %get3A_568 : i32 to index
        %get3A_571 = arith.index_cast %add3A_566 : i32 to index
        %get3A_572 = arith.constant 0 : index
        %get3A_573 = tpu.vector_load %arg6[%get3A_569, %get3A_570, %get3A_571, %get3A_572] {strides = array<i32>} : memref<2x4x256x32xf32, #tpu.memory_space<vmem>>, vector<1x1x1x16xf32>,
        %get3A_574 = vector.shape_cast %get3A_573 : vector<1x1x1x16xf32> to vector<16xf32>
        %swap3A_575 = arith.index_cast %add3A_530 : i32 to index
        %swap3A_576 = arith.constant 32 : index
        %swap3A_577 = tpu.vector_load %arg7[%swap3A_575, %swap3A_576] {strides = array<i32>} : memref<128x64xf32, #tpu.memory_space<vmem>>, vector<1x16xf32>,
        %swap3A_578 = vector.shape_cast %swap3A_577 : vector<1x16xf32> to vector<16xf32>
        %swap3A_579 = vector.shape_cast %get3A_574 : vector<16xf32> to vector<1x16xf32>
        tpu.vector_store %arg7[%swap3A_575, %swap3A_576], %swap3A_579 {add = true, strides = array<i32>} : memref<128x64xf32, #tpu.memory_space<vmem>>, vector<1x16xf32>,
        %mul3A_580 = arith.constant 2 : i32
        %mul3A_581 = arith.muli %mul3A_580, %add3A_530 : i32
        %add3A_582 = arith.constant 1 : i32
        %add3A_583 = arith.addi %mul3A_581, %add3A_582 : i32
        %get3A_584 = arith.constant 0 : i32
        %get3A_585 = arith.constant 1 : i32
        %get3A_586 = arith.index_cast %get3A_584 : i32 to index
        %get3A_587 = arith.index_cast %get3A_585 : i32 to index
        %get3A_588 = arith.index_cast %add3A_583 : i32 to index
        %get3A_589 = arith.constant 16 : index
        %get3A_590 = tpu.vector_load %arg6[%get3A_586, %get3A_587, %get3A_588, %get3A_589] {strides = array<i32>} : memref<2x4x256x32xf32, #tpu.memory_space<vmem>>, vector<1x1x1x16xf32>,
        %get3A_591 = vector.shape_cast %get3A_590 : vector<1x1x1x16xf32> to vector<16xf32>
        %swap3A_592 = arith.index_cast %add3A_530 : i32 to index
        %swap3A_593 = arith.constant 48 : index
        %swap3A_594 = tpu.vector_load %arg7[%swap3A_592, %swap3A_593] {strides = array<i32>} : memref<128x64xf32, #tpu.memory_space<vmem>>, vector<1x16xf32>,
        %swap3A_595 = vector.shape_cast %swap3A_594 : vector<1x16xf32> to vector<16xf32>
        %swap3A_596 = vector.shape_cast %get3A_591 : vector<16xf32> to vector<1x16xf32>
        tpu.vector_store %arg7[%swap3A_592, %swap3A_593], %swap3A_596 {add = true, strides = array<i32>} : memref<128x64xf32, #tpu.memory_space<vmem>>, vector<1x16xf32>,
        %mul3A_597 = arith.constant 4 : i32
        %mul3A_598 = arith.muli %scan3A_526, %mul3A_597 : i32
        %add3A_599 = arith.constant 1 : i32
        %add3A_600 = arith.addi %mul3A_598, %add3A_599 : i32
        %mul3A_601 = arith.constant 2 : i32
        %mul3A_602 = arith.muli %mul3A_601, %add3A_600 : i32
        %add3A_603 = arith.constant 0 : i32
        %add3A_604 = arith.addi %mul3A_602, %add3A_603 : i32
        %get3A_605 = arith.constant 0 : i32
        %get3A_606 = arith.constant 1 : i32
        %get3A_607 = arith.index_cast %get3A_605 : i32 to index
        %get3A_608 = arith.index_cast %get3A_606 : i32 to index
        %get3A_609 = arith.index_cast %add3A_604 : i32 to index
        %get3A_610 = arith.constant 0 : index
        %get3A_611 = tpu.vector_load %arg6[%get3A_607, %get3A_608, %get3A_609, %get3A_610] {strides = array<i32>} : memref<2x4x256x32xf32, #tpu.memory_space<vmem>>, vector<1x1x1x16xf32>,
        %get3A_612 = vector.shape_cast %get3A_611 : vector<1x1x1x16xf32> to vector<16xf32>
        %swap3A_613 = arith.index_cast %add3A_600 : i32 to index
        %swap3A_614 = arith.constant 0 : index
        %swap3A_615 = tpu.vector_load %arg7[%swap3A_613, %swap3A_614] {strides = array<i32>} : memref<128x64xf32, #tpu.memory_space<vmem>>, vector<1x16xf32>,
        %swap3A_616 = vector.shape_cast %swap3A_615 : vector<1x16xf32> to vector<16xf32>
        %swap3A_617 = vector.shape_cast %get3A_612 : vector<16xf32> to vector<1x16xf32>
        tpu.vector_store %arg7[%swap3A_613, %swap3A_614], %swap3A_617 {add = true, strides = array<i32>} : memref<128x64xf32, #tpu.memory_space<vmem>>, vector<1x16xf32>,
        %mul3A_618 = arith.constant 2 : i32
        %mul3A_619 = arith.muli %mul3A_618, %add3A_600 : i32
        %add3A_620 = arith.constant 0 : i32
        %add3A_621 = arith.addi %mul3A_619, %add3A_620 : i32
        %get3A_622 = arith.constant 0 : i32
        %get3A_623 = arith.constant 1 : i32
        %get3A_624 = arith.index_cast %get3A_622 : i32 to index
        %get3A_625 = arith.index_cast %get3A_623 : i32 to index
        %get3A_626 = arith.index_cast %add3A_621 : i32 to index
        %get3A_627 = arith.constant 16 : index
        %get3A_628 = tpu.vector_load %arg6[%get3A_624, %get3A_625, %get3A_626, %get3A_627] {strides = array<i32>} : memref<2x4x256x32xf32, #tpu.memory_space<vmem>>, vector<1x1x1x16xf32>,
        %get3A_629 = vector.shape_cast %get3A_628 : vector<1x1x1x16xf32> to vector<16xf32>
        %swap3A_630 = arith.index_cast %add3A_600 : i32 to index
        %swap3A_631 = arith.constant 16 : index
        %swap3A_632 = tpu.vector_load %arg7[%swap3A_630, %swap3A_631] {strides = array<i32>} : memref<128x64xf32, #tpu.memory_space<vmem>>, vector<1x16xf32>,
        %swap3A_633 = vector.shape_cast %swap3A_632 : vector<1x16xf32> to vector<16xf32>
        %swap3A_634 = vector.shape_cast %get3A_629 : vector<16xf32> to vector<1x16xf32>
        tpu.vector_store %arg7[%swap3A_630, %swap3A_631], %swap3A_634 {add = true, strides = array<i32>} : memref<128x64xf32, #tpu.memory_space<vmem>>, vector<1x16xf32>,
        %mul3A_635 = arith.constant 2 : i32
        %mul3A_636 = arith.muli %mul3A_635, %add3A_600 : i32
        %add3A_637 = arith.constant 1 : i32
        %add3A_638 = arith.addi %mul3A_636, %add3A_637 : i32
        %get3A_639 = arith.constant 0 : i32
        %get3A_640 = arith.constant 1 : i32
        %get3A_641 = arith.index_cast %get3A_639 : i32 to index
        %get3A_642 = arith.index_cast %get3A_640 : i32 to index
        %get3A_643 = arith.index_cast %add3A_638 : i32 to index
        %get3A_644 = arith.constant 0 : index
        %get3A_645 = tpu.vector_load %arg6[%get3A_641, %get3A_642, %get3A_643, %get3A_644] {strides = array<i32>} : memref<2x4x256x32xf32, #tpu.memory_space<vmem>>, vector<1x1x1x16xf32>,
        %get3A_646 = vector.shape_cast %get3A_645 : vector<1x1x1x16xf32> to vector<16xf32>
        %swap3A_647 = arith.index_cast %add3A_600 : i32 to index
        %swap3A_648 = arith.constant 32 : index
        %swap3A_649 = tpu.vector_load %arg7[%swap3A_647, %swap3A_648] {strides = array<i32>} : memref<128x64xf32, #tpu.memory_space<vmem>>, vector<1x16xf32>,
        %swap3A_650 = vector.shape_cast %swap3A_649 : vector<1x16xf32> to vector<16xf32>
        %swap3A_651 = vector.shape_cast %get3A_646 : vector<16xf32> to vector<1x16xf32>
        tpu.vector_store %arg7[%swap3A_647, %swap3A_648], %swap3A_651 {add = true, strides = array<i32>} : memref<128x64xf32, #tpu.memory_space<vmem>>, vector<1x16xf32>,
        %mul3A_652 = arith.constant 2 : i32
        %mul3A_653 = arith.muli %mul3A_652, %add3A_600 : i32
        %add3A_654 = arith.constant 1 : i32
        %add3A_655 = arith.addi %mul3A_653, %add3A_654 : i32
        %get3A_656 = arith.constant 0 : i32
        %get3A_657 = arith.constant 1 : i32
        %get3A_658 = arith.index_cast %get3A_656 : i32 to index
        %get3A_659 = arith.index_cast %get3A_657 : i32 to index
        %get3A_660 = arith.index_cast %add3A_655 : i32 to index
        %get3A_661 = arith.constant 16 : index
        %get3A_662 = tpu.vector_load %arg6[%get3A_658, %get3A_659, %get3A_660, %get3A_661] {strides = array<i32>} : memref<2x4x256x32xf32, #tpu.memory_space<vmem>>, vector<1x1x1x16xf32>,
        %get3A_663 = vector.shape_cast %get3A_662 : vector<1x1x1x16xf32> to vector<16xf32>
        %swap3A_664 = arith.index_cast %add3A_600 : i32 to index
        %swap3A_665 = arith.constant 48 : index
        %swap3A_666 = tpu.vector_load %arg7[%swap3A_664, %swap3A_665] {strides = array<i32>} : memref<128x64xf32, #tpu.memory_space<vmem>>, vector<1x16xf32>,
        %swap3A_667 = vector.shape_cast %swap3A_666 : vector<1x16xf32> to vector<16xf32>
        %swap3A_668 = vector.shape_cast %get3A_663 : vector<16xf32> to vector<1x16xf32>
        tpu.vector_store %arg7[%swap3A_664, %swap3A_665], %swap3A_668 {add = true, strides = array<i32>} : memref<128x64xf32, #tpu.memory_space<vmem>>, vector<1x16xf32>,
        %mul3A_669 = arith.constant 4 : i32
        %mul3A_670 = arith.muli %scan3A_526, %mul3A_669 : i32
        %add3A_671 = arith.constant 2 : i32
        %add3A_672 = arith.addi %mul3A_670, %add3A_671 : i32
        %mul3A_673 = arith.constant 2 : i32
        %mul3A_674 = arith.muli %mul3A_673, %add3A_672 : i32
        %add3A_675 = arith.constant 0 : i32
        %add3A_676 = arith.addi %mul3A_674, %add3A_675 : i32
        %get3A_677 = arith.constant 0 : i32
        %get3A_678 = arith.constant 1 : i32
        %get3A_679 = arith.index_cast %get3A_677 : i32 to index
        %get3A_680 = arith.index_cast %get3A_678 : i32 to index
        %get3A_681 = arith.index_cast %add3A_676 : i32 to index
        %get3A_682 = arith.constant 0 : index
        %get3A_683 = tpu.vector_load %arg6[%get3A_679, %get3A_680, %get3A_681, %get3A_682] {strides = array<i32>} : memref<2x4x256x32xf32, #tpu.memory_space<vmem>>, vector<1x1x1x16xf32>,
        %get3A_684 = vector.shape_cast %get3A_683 : vector<1x1x1x16xf32> to vector<16xf32>
        %swap3A_685 = arith.index_cast %add3A_672 : i32 to index
        %swap3A_686 = arith.constant 0 : index
        %swap3A_687 = tpu.vector_load %arg7[%swap3A_685, %swap3A_686] {strides = array<i32>} : memref<128x64xf32, #tpu.memory_space<vmem>>, vector<1x16xf32>,
        %swap3A_688 = vector.shape_cast %swap3A_687 : vector<1x16xf32> to vector<16xf32>
        %swap3A_689 = vector.shape_cast %get3A_684 : vector<16xf32> to vector<1x16xf32>
        tpu.vector_store %arg7[%swap3A_685, %swap3A_686], %swap3A_689 {add = true, strides = array<i32>} : memref<128x64xf32, #tpu.memory_space<vmem>>, vector<1x16xf32>,
        %mul3A_690 = arith.constant 2 : i32
        %mul3A_691 = arith.muli %mul3A_690, %add3A_672 : i32
        %add3A_692 = arith.constant 0 : i32
        %add3A_693 = arith.addi %mul3A_691, %add3A_692 : i32
        %get3A_694 = arith.constant 0 : i32
        %get3A_695 = arith.constant 1 : i32
        %get3A_696 = arith.index_cast %get3A_694 : i32 to index
        %get3A_697 = arith.index_cast %get3A_695 : i32 to index
        %get3A_698 = arith.index_cast %add3A_693 : i32 to index
        %get3A_699 = arith.constant 16 : index
        %get3A_700 = tpu.vector_load %arg6[%get3A_696, %get3A_697, %get3A_698, %get3A_699] {strides = array<i32>} : memref<2x4x256x32xf32, #tpu.memory_space<vmem>>, vector<1x1x1x16xf32>,
        %get3A_701 = vector.shape_cast %get3A_700 : vector<1x1x1x16xf32> to vector<16xf32>
        %swap3A_702 = arith.index_cast %add3A_672 : i32 to index
        %swap3A_703 = arith.constant 16 : index
        %swap3A_704 = tpu.vector_load %arg7[%swap3A_702, %swap3A_703] {strides = array<i32>} : memref<128x64xf32, #tpu.memory_space<vmem>>, vector<1x16xf32>,
        %swap3A_705 = vector.shape_cast %swap3A_704 : vector<1x16xf32> to vector<16xf32>
        %swap3A_706 = vector.shape_cast %get3A_701 : vector<16xf32> to vector<1x16xf32>
        tpu.vector_store %arg7[%swap3A_702, %swap3A_703], %swap3A_706 {add = true, strides = array<i32>} : memref<128x64xf32, #tpu.memory_space<vmem>>, vector<1x16xf32>,
        %mul3A_707 = arith.constant 2 : i32
        %mul3A_708 = arith.muli %mul3A_707, %add3A_672 : i32
        %add3A_709 = arith.constant 1 : i32
        %add3A_710 = arith.addi %mul3A_708, %add3A_709 : i32
        %get3A_711 = arith.constant 0 : i32
        %get3A_712 = arith.constant 1 : i32
        %get3A_713 = arith.index_cast %get3A_711 : i32 to index
        %get3A_714 = arith.index_cast %get3A_712 : i32 to index
        %get3A_715 = arith.index_cast %add3A_710 : i32 to index
        %get3A_716 = arith.constant 0 : index
        %get3A_717 = tpu.vector_load %arg6[%get3A_713, %get3A_714, %get3A_715, %get3A_716] {strides = array<i32>} : memref<2x4x256x32xf32, #tpu.memory_space<vmem>>, vector<1x1x1x16xf32>,
        %get3A_718 = vector.shape_cast %get3A_717 : vector<1x1x1x16xf32> to vector<16xf32>
        %swap3A_719 = arith.index_cast %add3A_672 : i32 to index
        %swap3A_720 = arith.constant 32 : index
        %swap3A_721 = tpu.vector_load %arg7[%swap3A_719, %swap3A_720] {strides = array<i32>} : memref<128x64xf32, #tpu.memory_space<vmem>>, vector<1x16xf32>,
        %swap3A_722 = vector.shape_cast %swap3A_721 : vector<1x16xf32> to vector<16xf32>
        %swap3A_723 = vector.shape_cast %get3A_718 : vector<16xf32> to vector<1x16xf32>
        tpu.vector_store %arg7[%swap3A_719, %swap3A_720], %swap3A_723 {add = true, strides = array<i32>} : memref<128x64xf32, #tpu.memory_space<vmem>>, vector<1x16xf32>,
        %mul3A_724 = arith.constant 2 : i32
        %mul3A_725 = arith.muli %mul3A_724, %add3A_672 : i32
        %add3A_726 = arith.constant 1 : i32
        %add3A_727 = arith.addi %mul3A_725, %add3A_726 : i32
        %get3A_728 = arith.constant 0 : i32
        %get3A_729 = arith.constant 1 : i32
        %get3A_730 = arith.index_cast %get3A_728 : i32 to index
        %get3A_731 = arith.index_cast %get3A_729 : i32 to index
        %get3A_732 = arith.index_cast %add3A_727 : i32 to index
        %get3A_733 = arith.constant 16 : index
        %get3A_734 = tpu.vector_load %arg6[%get3A_730, %get3A_731, %get3A_732, %get3A_733] {strides = array<i32>} : memref<2x4x256x32xf32, #tpu.memory_space<vmem>>, vector<1x1x1x16xf32>,
        %get3A_735 = vector.shape_cast %get3A_734 : vector<1x1x1x16xf32> to vector<16xf32>
        %swap3A_736 = arith.index_cast %add3A_672 : i32 to index
        %swap3A_737 = arith.constant 48 : index
        %swap3A_738 = tpu.vector_load %arg7[%swap3A_736, %swap3A_737] {strides = array<i32>} : memref<128x64xf32, #tpu.memory_space<vmem>>, vector<1x16xf32>,
        %swap3A_739 = vector.shape_cast %swap3A_738 : vector<1x16xf32> to vector<16xf32>
        %swap3A_740 = vector.shape_cast %get3A_735 : vector<16xf32> to vector<1x16xf32>
        tpu.vector_store %arg7[%swap3A_736, %swap3A_737], %swap3A_740 {add = true, strides = array<i32>} : memref<128x64xf32, #tpu.memory_space<vmem>>, vector<1x16xf32>,
        %mul3A_741 = arith.constant 4 : i32
        %mul3A_742 = arith.muli %scan3A_526, %mul3A_741 : i32
        %add3A_743 = arith.constant 3 : i32
        %add3A_744 = arith.addi %mul3A_742, %add3A_743 : i32
        %mul3A_745 = arith.constant 2 : i32
        %mul3A_746 = arith.muli %mul3A_745, %add3A_744 : i32
        %add3A_747 = arith.constant 0 : i32
        %add3A_748 = arith.addi %mul3A_746, %add3A_747 : i32
        %get3A_749 = arith.constant 0 : i32
        %get3A_750 = arith.constant 1 : i32
        %get3A_751 = arith.index_cast %get3A_749 : i32 to index
        %get3A_752 = arith.index_cast %get3A_750 : i32 to index
        %get3A_753 = arith.index_cast %add3A_748 : i32 to index
        %get3A_754 = arith.constant 0 : index
        %get3A_755 = tpu.vector_load %arg6[%get3A_751, %get3A_752, %get3A_753, %get3A_754] {strides = array<i32>} : memref<2x4x256x32xf32, #tpu.memory_space<vmem>>, vector<1x1x1x16xf32>,
        %get3A_756 = vector.shape_cast %get3A_755 : vector<1x1x1x16xf32> to vector<16xf32>
        %swap3A_757 = arith.index_cast %add3A_744 : i32 to index
        %swap3A_758 = arith.constant 0 : index
        %swap3A_759 = tpu.vector_load %arg7[%swap3A_757, %swap3A_758] {strides = array<i32>} : memref<128x64xf32, #tpu.memory_space<vmem>>, vector<1x16xf32>,
        %swap3A_760 = vector.shape_cast %swap3A_759 : vector<1x16xf32> to vector<16xf32>
        %swap3A_761 = vector.shape_cast %get3A_756 : vector<16xf32> to vector<1x16xf32>
        tpu.vector_store %arg7[%swap3A_757, %swap3A_758], %swap3A_761 {add = true, strides = array<i32>} : memref<128x64xf32, #tpu.memory_space<vmem>>, vector<1x16xf32>,
        %mul3A_762 = arith.constant 2 : i32
        %mul3A_763 = arith.muli %mul3A_762, %add3A_744 : i32
        %add3A_764 = arith.constant 0 : i32
        %add3A_765 = arith.addi %mul3A_763, %add3A_764 : i32
        %get3A_766 = arith.constant 0 : i32
        %get3A_767 = arith.constant 1 : i32
        %get3A_768 = arith.index_cast %get3A_766 : i32 to index
        %get3A_769 = arith.index_cast %get3A_767 : i32 to index
        %get3A_770 = arith.index_cast %add3A_765 : i32 to index
        %get3A_771 = arith.constant 16 : index
        %get3A_772 = tpu.vector_load %arg6[%get3A_768, %get3A_769, %get3A_770, %get3A_771] {strides = array<i32>} : memref<2x4x256x32xf32, #tpu.memory_space<vmem>>, vector<1x1x1x16xf32>,
        %get3A_773 = vector.shape_cast %get3A_772 : vector<1x1x1x16xf32> to vector<16xf32>
        %swap3A_774 = arith.index_cast %add3A_744 : i32 to index
        %swap3A_775 = arith.constant 16 : index
        %swap3A_776 = tpu.vector_load %arg7[%swap3A_774, %swap3A_775] {strides = array<i32>} : memref<128x64xf32, #tpu.memory_space<vmem>>, vector<1x16xf32>,
        %swap3A_777 = vector.shape_cast %swap3A_776 : vector<1x16xf32> to vector<16xf32>
        %swap3A_778 = vector.shape_cast %get3A_773 : vector<16xf32> to vector<1x16xf32>
        tpu.vector_store %arg7[%swap3A_774, %swap3A_775], %swap3A_778 {add = true, strides = array<i32>} : memref<128x64xf32, #tpu.memory_space<vmem>>, vector<1x16xf32>,
        %mul3A_779 = arith.constant 2 : i32
        %mul3A_780 = arith.muli %mul3A_779, %add3A_744 : i32
        %add3A_781 = arith.constant 1 : i32
        %add3A_782 = arith.addi %mul3A_780, %add3A_781 : i32
        %get3A_783 = arith.constant 0 : i32
        %get3A_784 = arith.constant 1 : i32
        %get3A_785 = arith.index_cast %get3A_783 : i32 to index
        %get3A_786 = arith.index_cast %get3A_784 : i32 to index
        %get3A_787 = arith.index_cast %add3A_782 : i32 to index
        %get3A_788 = arith.constant 0 : index
        %get3A_789 = tpu.vector_load %arg6[%get3A_785, %get3A_786, %get3A_787, %get3A_788] {strides = array<i32>} : memref<2x4x256x32xf32, #tpu.memory_space<vmem>>, vector<1x1x1x16xf32>,
        %get3A_790 = vector.shape_cast %get3A_789 : vector<1x1x1x16xf32> to vector<16xf32>
        %swap3A_791 = arith.index_cast %add3A_744 : i32 to index
        %swap3A_792 = arith.constant 32 : index
        %swap3A_793 = tpu.vector_load %arg7[%swap3A_791, %swap3A_792] {strides = array<i32>} : memref<128x64xf32, #tpu.memory_space<vmem>>, vector<1x16xf32>,
        %swap3A_794 = vector.shape_cast %swap3A_793 : vector<1x16xf32> to vector<16xf32>
        %swap3A_795 = vector.shape_cast %get3A_790 : vector<16xf32> to vector<1x16xf32>
        tpu.vector_store %arg7[%swap3A_791, %swap3A_792], %swap3A_795 {add = true, strides = array<i32>} : memref<128x64xf32, #tpu.memory_space<vmem>>, vector<1x16xf32>,
        %mul3A_796 = arith.constant 2 : i32
        %mul3A_797 = arith.muli %mul3A_796, %add3A_744 : i32
        %add3A_798 = arith.constant 1 : i32
        %add3A_799 = arith.addi %mul3A_797, %add3A_798 : i32
        %get3A_800 = arith.constant 0 : i32
        %get3A_801 = arith.constant 1 : i32
        %get3A_802 = arith.index_cast %get3A_800 : i32 to index
        %get3A_803 = arith.index_cast %get3A_801 : i32 to index
        %get3A_804 = arith.index_cast %add3A_799 : i32 to index
        %get3A_805 = arith.constant 16 : index
        %get3A_806 = tpu.vector_load %arg6[%get3A_802, %get3A_803, %get3A_804, %get3A_805] {strides = array<i32>} : memref<2x4x256x32xf32, #tpu.memory_space<vmem>>, vector<1x1x1x16xf32>,
        %get3A_807 = vector.shape_cast %get3A_806 : vector<1x1x1x16xf32> to vector<16xf32>
        %swap3A_808 = arith.index_cast %add3A_744 : i32 to index
        %swap3A_809 = arith.constant 48 : index
        %swap3A_810 = tpu.vector_load %arg7[%swap3A_808, %swap3A_809] {strides = array<i32>} : memref<128x64xf32, #tpu.memory_space<vmem>>, vector<1x16xf32>,
        %swap3A_811 = vector.shape_cast %swap3A_810 : vector<1x16xf32> to vector<16xf32>
        %swap3A_812 = vector.shape_cast %get3A_807 : vector<16xf32> to vector<1x16xf32>
        tpu.vector_store %arg7[%swap3A_808, %swap3A_809], %swap3A_812 {add = true, strides = array<i32>} : memref<128x64xf32, #tpu.memory_space<vmem>>, vector<1x16xf32>,
      }
      %scan3A_375 = arith.constant 32 : i32
      %scan3A_376 = arith.constant 0 : i32
      %scan3A_377 = arith.constant 0 : i32
      %scan3A_378 = arith.constant 32 : i32
      %scan3A_379 = arith.addi %scan3A_377, %scan3A_378 : i32
      %scan3A_380 = arith.constant 1 : i32
      scf.for %scan3A_526 = %scan3A_377 to %scan3A_379 step %scan3A_380  : i32 {
        %mul3A_527 = arith.constant 4 : i32
        %mul3A_528 = arith.muli %scan3A_526, %mul3A_527 : i32
        %add3A_529 = arith.constant 0 : i32
        %add3A_530 = arith.addi %mul3A_528, %add3A_529 : i32
        %mul3A_531 = arith.constant 2 : i32
        %mul3A_532 = arith.muli %mul3A_531, %add3A_530 : i32
        %add3A_533 = arith.constant 0 : i32
        %add3A_534 = arith.addi %mul3A_532, %add3A_533 : i32
        %get3A = arith.constant 0 : i32
        %get3A_535 = arith.constant 2 : i32
        %get3A_536 = arith.index_cast %get3A : i32 to index
        %get3A_537 = arith.index_cast %get3A_535 : i32 to index
        %get3A_538 = arith.index_cast %add3A_534 : i32 to index
        %get3A_539 = arith.constant 0 : index
        %get3A_540 = tpu.vector_load %arg6[%get3A_536, %get3A_537, %get3A_538, %get3A_539] {strides = array<i32>} : memref<2x4x256x32xf32, #tpu.memory_space<vmem>>, vector<1x1x1x16xf32>,
        %get3A_541 = vector.shape_cast %get3A_540 : vector<1x1x1x16xf32> to vector<16xf32>
        %swap3A = arith.index_cast %add3A_530 : i32 to index
        %swap3A_542 = arith.constant 0 : index
        %swap3A_543 = tpu.vector_load %arg7[%swap3A, %swap3A_542] {strides = array<i32>} : memref<128x64xf32, #tpu.memory_space<vmem>>, vector<1x16xf32>,
        %swap3A_544 = vector.shape_cast %swap3A_543 : vector<1x16xf32> to vector<16xf32>
        %swap3A_545 = vector.shape_cast %get3A_541 : vector<16xf32> to vector<1x16xf32>
        tpu.vector_store %arg7[%swap3A, %swap3A_542], %swap3A_545 {add = true, strides = array<i32>} : memref<128x64xf32, #tpu.memory_space<vmem>>, vector<1x16xf32>,
        %mul3A_546 = arith.constant 2 : i32
        %mul3A_547 = arith.muli %mul3A_546, %add3A_530 : i32
        %add3A_548 = arith.constant 0 : i32
        %add3A_549 = arith.addi %mul3A_547, %add3A_548 : i32
        %get3A_550 = arith.constant 0 : i32
        %get3A_551 = arith.constant 2 : i32
        %get3A_552 = arith.index_cast %get3A_550 : i32 to index
        %get3A_553 = arith.index_cast %get3A_551 : i32 to index
        %get3A_554 = arith.index_cast %add3A_549 : i32 to index
        %get3A_555 = arith.constant 16 : index
        %get3A_556 = tpu.vector_load %arg6[%get3A_552, %get3A_553, %get3A_554, %get3A_555] {strides = array<i32>} : memref<2x4x256x32xf32, #tpu.memory_space<vmem>>, vector<1x1x1x16xf32>,
        %get3A_557 = vector.shape_cast %get3A_556 : vector<1x1x1x16xf32> to vector<16xf32>
        %swap3A_558 = arith.index_cast %add3A_530 : i32 to index
        %swap3A_559 = arith.constant 16 : index
        %swap3A_560 = tpu.vector_load %arg7[%swap3A_558, %swap3A_559] {strides = array<i32>} : memref<128x64xf32, #tpu.memory_space<vmem>>, vector<1x16xf32>,
        %swap3A_561 = vector.shape_cast %swap3A_560 : vector<1x16xf32> to vector<16xf32>
        %swap3A_562 = vector.shape_cast %get3A_557 : vector<16xf32> to vector<1x16xf32>
        tpu.vector_store %arg7[%swap3A_558, %swap3A_559], %swap3A_562 {add = true, strides = array<i32>} : memref<128x64xf32, #tpu.memory_space<vmem>>, vector<1x16xf32>,
        %mul3A_563 = arith.constant 2 : i32
        %mul3A_564 = arith.muli %mul3A_563, %add3A_530 : i32
        %add3A_565 = arith.constant 1 : i32
        %add3A_566 = arith.addi %mul3A_564, %add3A_565 : i32
        %get3A_567 = arith.constant 0 : i32
        %get3A_568 = arith.constant 2 : i32
        %get3A_569 = arith.index_cast %get3A_567 : i32 to index
        %get3A_570 = arith.index_cast %get3A_568 : i32 to index
        %get3A_571 = arith.index_cast %add3A_566 : i32 to index
        %get3A_572 = arith.constant 0 : index
        %get3A_573 = tpu.vector_load %arg6[%get3A_569, %get3A_570, %get3A_571, %get3A_572] {strides = array<i32>} : memref<2x4x256x32xf32, #tpu.memory_space<vmem>>, vector<1x1x1x16xf32>,
        %get3A_574 = vector.shape_cast %get3A_573 : vector<1x1x1x16xf32> to vector<16xf32>
        %swap3A_575 = arith.index_cast %add3A_530 : i32 to index
        %swap3A_576 = arith.constant 32 : index
        %swap3A_577 = tpu.vector_load %arg7[%swap3A_575, %swap3A_576] {strides = array<i32>} : memref<128x64xf32, #tpu.memory_space<vmem>>, vector<1x16xf32>,
        %swap3A_578 = vector.shape_cast %swap3A_577 : vector<1x16xf32> to vector<16xf32>
        %swap3A_579 = vector.shape_cast %get3A_574 : vector<16xf32> to vector<1x16xf32>
        tpu.vector_store %arg7[%swap3A_575, %swap3A_576], %swap3A_579 {add = true, strides = array<i32>} : memref<128x64xf32, #tpu.memory_space<vmem>>, vector<1x16xf32>,
        %mul3A_580 = arith.constant 2 : i32
        %mul3A_581 = arith.muli %mul3A_580, %add3A_530 : i32
        %add3A_582 = arith.constant 1 : i32
        %add3A_583 = arith.addi %mul3A_581, %add3A_582 : i32
        %get3A_584 = arith.constant 0 : i32
        %get3A_585 = arith.constant 2 : i32
        %get3A_586 = arith.index_cast %get3A_584 : i32 to index
        %get3A_587 = arith.index_cast %get3A_585 : i32 to index
        %get3A_588 = arith.index_cast %add3A_583 : i32 to index
        %get3A_589 = arith.constant 16 : index
        %get3A_590 = tpu.vector_load %arg6[%get3A_586, %get3A_587, %get3A_588, %get3A_589] {strides = array<i32>} : memref<2x4x256x32xf32, #tpu.memory_space<vmem>>, vector<1x1x1x16xf32>,
        %get3A_591 = vector.shape_cast %get3A_590 : vector<1x1x1x16xf32> to vector<16xf32>
        %swap3A_592 = arith.index_cast %add3A_530 : i32 to index
        %swap3A_593 = arith.constant 48 : index
        %swap3A_594 = tpu.vector_load %arg7[%swap3A_592, %swap3A_593] {strides = array<i32>} : memref<128x64xf32, #tpu.memory_space<vmem>>, vector<1x16xf32>,
        %swap3A_595 = vector.shape_cast %swap3A_594 : vector<1x16xf32> to vector<16xf32>
        %swap3A_596 = vector.shape_cast %get3A_591 : vector<16xf32> to vector<1x16xf32>
        tpu.vector_store %arg7[%swap3A_592, %swap3A_593], %swap3A_596 {add = true, strides = array<i32>} : memref<128x64xf32, #tpu.memory_space<vmem>>, vector<1x16xf32>,
        %mul3A_597 = arith.constant 4 : i32
        %mul3A_598 = arith.muli %scan3A_526, %mul3A_597 : i32
        %add3A_599 = arith.constant 1 : i32
        %add3A_600 = arith.addi %mul3A_598, %add3A_599 : i32
        %mul3A_601 = arith.constant 2 : i32
        %mul3A_602 = arith.muli %mul3A_601, %add3A_600 : i32
        %add3A_603 = arith.constant 0 : i32
        %add3A_604 = arith.addi %mul3A_602, %add3A_603 : i32
        %get3A_605 = arith.constant 0 : i32
        %get3A_606 = arith.constant 2 : i32
        %get3A_607 = arith.index_cast %get3A_605 : i32 to index
        %get3A_608 = arith.index_cast %get3A_606 : i32 to index
        %get3A_609 = arith.index_cast %add3A_604 : i32 to index
        %get3A_610 = arith.constant 0 : index
        %get3A_611 = tpu.vector_load %arg6[%get3A_607, %get3A_608, %get3A_609, %get3A_610] {strides = array<i32>} : memref<2x4x256x32xf32, #tpu.memory_space<vmem>>, vector<1x1x1x16xf32>,
        %get3A_612 = vector.shape_cast %get3A_611 : vector<1x1x1x16xf32> to vector<16xf32>
        %swap3A_613 = arith.index_cast %add3A_600 : i32 to index
        %swap3A_614 = arith.constant 0 : index
        %swap3A_615 = tpu.vector_load %arg7[%swap3A_613, %swap3A_614] {strides = array<i32>} : memref<128x64xf32, #tpu.memory_space<vmem>>, vector<1x16xf32>,
        %swap3A_616 = vector.shape_cast %swap3A_615 : vector<1x16xf32> to vector<16xf32>
        %swap3A_617 = vector.shape_cast %get3A_612 : vector<16xf32> to vector<1x16xf32>
        tpu.vector_store %arg7[%swap3A_613, %swap3A_614], %swap3A_617 {add = true, strides = array<i32>} : memref<128x64xf32, #tpu.memory_space<vmem>>, vector<1x16xf32>,
        %mul3A_618 = arith.constant 2 : i32
        %mul3A_619 = arith.muli %mul3A_618, %add3A_600 : i32
        %add3A_620 = arith.constant 0 : i32
        %add3A_621 = arith.addi %mul3A_619, %add3A_620 : i32
        %get3A_622 = arith.constant 0 : i32
        %get3A_623 = arith.constant 2 : i32
        %get3A_624 = arith.index_cast %get3A_622 : i32 to index
        %get3A_625 = arith.index_cast %get3A_623 : i32 to index
        %get3A_626 = arith.index_cast %add3A_621 : i32 to index
        %get3A_627 = arith.constant 16 : index
        %get3A_628 = tpu.vector_load %arg6[%get3A_624, %get3A_625, %get3A_626, %get3A_627] {strides = array<i32>} : memref<2x4x256x32xf32, #tpu.memory_space<vmem>>, vector<1x1x1x16xf32>,
        %get3A_629 = vector.shape_cast %get3A_628 : vector<1x1x1x16xf32> to vector<16xf32>
        %swap3A_630 = arith.index_cast %add3A_600 : i32 to index
        %swap3A_631 = arith.constant 16 : index
        %swap3A_632 = tpu.vector_load %arg7[%swap3A_630, %swap3A_631] {strides = array<i32>} : memref<128x64xf32, #tpu.memory_space<vmem>>, vector<1x16xf32>,
        %swap3A_633 = vector.shape_cast %swap3A_632 : vector<1x16xf32> to vector<16xf32>
        %swap3A_634 = vector.shape_cast %get3A_629 : vector<16xf32> to vector<1x16xf32>
        tpu.vector_store %arg7[%swap3A_630, %swap3A_631], %swap3A_634 {add = true, strides = array<i32>} : memref<128x64xf32, #tpu.memory_space<vmem>>, vector<1x16xf32>,
        %mul3A_635 = arith.constant 2 : i32
        %mul3A_636 = arith.muli %mul3A_635, %add3A_600 : i32
        %add3A_637 = arith.constant 1 : i32
        %add3A_638 = arith.addi %mul3A_636, %add3A_637 : i32
        %get3A_639 = arith.constant 0 : i32
        %get3A_640 = arith.constant 2 : i32
        %get3A_641 = arith.index_cast %get3A_639 : i32 to index
        %get3A_642 = arith.index_cast %get3A_640 : i32 to index
        %get3A_643 = arith.index_cast %add3A_638 : i32 to index
        %get3A_644 = arith.constant 0 : index
        %get3A_645 = tpu.vector_load %arg6[%get3A_641, %get3A_642, %get3A_643, %get3A_644] {strides = array<i32>} : memref<2x4x256x32xf32, #tpu.memory_space<vmem>>, vector<1x1x1x16xf32>,
        %get3A_646 = vector.shape_cast %get3A_645 : vector<1x1x1x16xf32> to vector<16xf32>
        %swap3A_647 = arith.index_cast %add3A_600 : i32 to index
        %swap3A_648 = arith.constant 32 : index
        %swap3A_649 = tpu.vector_load %arg7[%swap3A_647, %swap3A_648] {strides = array<i32>} : memref<128x64xf32, #tpu.memory_space<vmem>>, vector<1x16xf32>,
        %swap3A_650 = vector.shape_cast %swap3A_649 : vector<1x16xf32> to vector<16xf32>
        %swap3A_651 = vector.shape_cast %get3A_646 : vector<16xf32> to vector<1x16xf32>
        tpu.vector_store %arg7[%swap3A_647, %swap3A_648], %swap3A_651 {add = true, strides = array<i32>} : memref<128x64xf32, #tpu.memory_space<vmem>>, vector<1x16xf32>,
        %mul3A_652 = arith.constant 2 : i32
        %mul3A_653 = arith.muli %mul3A_652, %add3A_600 : i32
        %add3A_654 = arith.constant 1 : i32
        %add3A_655 = arith.addi %mul3A_653, %add3A_654 : i32
        %get3A_656 = arith.constant 0 : i32
        %get3A_657 = arith.constant 2 : i32
        %get3A_658 = arith.index_cast %get3A_656 : i32 to index
        %get3A_659 = arith.index_cast %get3A_657 : i32 to index
        %get3A_660 = arith.index_cast %add3A_655 : i32 to index
        %get3A_661 = arith.constant 16 : index
        %get3A_662 = tpu.vector_load %arg6[%get3A_658, %get3A_659, %get3A_660, %get3A_661] {strides = array<i32>} : memref<2x4x256x32xf32, #tpu.memory_space<vmem>>, vector<1x1x1x16xf32>,
        %get3A_663 = vector.shape_cast %get3A_662 : vector<1x1x1x16xf32> to vector<16xf32>
        %swap3A_664 = arith.index_cast %add3A_600 : i32 to index
        %swap3A_665 = arith.constant 48 : index
        %swap3A_666 = tpu.vector_load %arg7[%swap3A_664, %swap3A_665] {strides = array<i32>} : memref<128x64xf32, #tpu.memory_space<vmem>>, vector<1x16xf32>,
        %swap3A_667 = vector.shape_cast %swap3A_666 : vector<1x16xf32> to vector<16xf32>
        %swap3A_668 = vector.shape_cast %get3A_663 : vector<16xf32> to vector<1x16xf32>
        tpu.vector_store %arg7[%swap3A_664, %swap3A_665], %swap3A_668 {add = true, strides = array<i32>} : memref<128x64xf32, #tpu.memory_space<vmem>>, vector<1x16xf32>,
        %mul3A_669 = arith.constant 4 : i32
        %mul3A_670 = arith.muli %scan3A_526, %mul3A_669 : i32
        %add3A_671 = arith.constant 2 : i32
        %add3A_672 = arith.addi %mul3A_670, %add3A_671 : i32
        %mul3A_673 = arith.constant 2 : i32
        %mul3A_674 = arith.muli %mul3A_673, %add3A_672 : i32
        %add3A_675 = arith.constant 0 : i32
        %add3A_676 = arith.addi %mul3A_674, %add3A_675 : i32
        %get3A_677 = arith.constant 0 : i32
        %get3A_678 = arith.constant 2 : i32
        %get3A_679 = arith.index_cast %get3A_677 : i32 to index
        %get3A_680 = arith.index_cast %get3A_678 : i32 to index
        %get3A_681 = arith.index_cast %add3A_676 : i32 to index
        %get3A_682 = arith.constant 0 : index
        %get3A_683 = tpu.vector_load %arg6[%get3A_679, %get3A_680, %get3A_681, %get3A_682] {strides = array<i32>} : memref<2x4x256x32xf32, #tpu.memory_space<vmem>>, vector<1x1x1x16xf32>,
        %get3A_684 = vector.shape_cast %get3A_683 : vector<1x1x1x16xf32> to vector<16xf32>
        %swap3A_685 = arith.index_cast %add3A_672 : i32 to index
        %swap3A_686 = arith.constant 0 : index
        %swap3A_687 = tpu.vector_load %arg7[%swap3A_685, %swap3A_686] {strides = array<i32>} : memref<128x64xf32, #tpu.memory_space<vmem>>, vector<1x16xf32>,
        %swap3A_688 = vector.shape_cast %swap3A_687 : vector<1x16xf32> to vector<16xf32>
        %swap3A_689 = vector.shape_cast %get3A_684 : vector<16xf32> to vector<1x16xf32>
        tpu.vector_store %arg7[%swap3A_685, %swap3A_686], %swap3A_689 {add = true, strides = array<i32>} : memref<128x64xf32, #tpu.memory_space<vmem>>, vector<1x16xf32>,
        %mul3A_690 = arith.constant 2 : i32
        %mul3A_691 = arith.muli %mul3A_690, %add3A_672 : i32
        %add3A_692 = arith.constant 0 : i32
        %add3A_693 = arith.addi %mul3A_691, %add3A_692 : i32
        %get3A_694 = arith.constant 0 : i32
        %get3A_695 = arith.constant 2 : i32
        %get3A_696 = arith.index_cast %get3A_694 : i32 to index
        %get3A_697 = arith.index_cast %get3A_695 : i32 to index
        %get3A_698 = arith.index_cast %add3A_693 : i32 to index
        %get3A_699 = arith.constant 16 : index
        %get3A_700 = tpu.vector_load %arg6[%get3A_696, %get3A_697, %get3A_698, %get3A_699] {strides = array<i32>} : memref<2x4x256x32xf32, #tpu.memory_space<vmem>>, vector<1x1x1x16xf32>,
        %get3A_701 = vector.shape_cast %get3A_700 : vector<1x1x1x16xf32> to vector<16xf32>
        %swap3A_702 = arith.index_cast %add3A_672 : i32 to index
        %swap3A_703 = arith.constant 16 : index
        %swap3A_704 = tpu.vector_load %arg7[%swap3A_702, %swap3A_703] {strides = array<i32>} : memref<128x64xf32, #tpu.memory_space<vmem>>, vector<1x16xf32>,
        %swap3A_705 = vector.shape_cast %swap3A_704 : vector<1x16xf32> to vector<16xf32>
        %swap3A_706 = vector.shape_cast %get3A_701 : vector<16xf32> to vector<1x16xf32>
        tpu.vector_store %arg7[%swap3A_702, %swap3A_703], %swap3A_706 {add = true, strides = array<i32>} : memref<128x64xf32, #tpu.memory_space<vmem>>, vector<1x16xf32>,
        %mul3A_707 = arith.constant 2 : i32
        %mul3A_708 = arith.muli %mul3A_707, %add3A_672 : i32
        %add3A_709 = arith.constant 1 : i32
        %add3A_710 = arith.addi %mul3A_708, %add3A_709 : i32
        %get3A_711 = arith.constant 0 : i32
        %get3A_712 = arith.constant 2 : i32
        %get3A_713 = arith.index_cast %get3A_711 : i32 to index
        %get3A_714 = arith.index_cast %get3A_712 : i32 to index
        %get3A_715 = arith.index_cast %add3A_710 : i32 to index
        %get3A_716 = arith.constant 0 : index
        %get3A_717 = tpu.vector_load %arg6[%get3A_713, %get3A_714, %get3A_715, %get3A_716] {strides = array<i32>} : memref<2x4x256x32xf32, #tpu.memory_space<vmem>>, vector<1x1x1x16xf32>,
        %get3A_718 = vector.shape_cast %get3A_717 : vector<1x1x1x16xf32> to vector<16xf32>
        %swap3A_719 = arith.index_cast %add3A_672 : i32 to index
        %swap3A_720 = arith.constant 32 : index
        %swap3A_721 = tpu.vector_load %arg7[%swap3A_719, %swap3A_720] {strides = array<i32>} : memref<128x64xf32, #tpu.memory_space<vmem>>, vector<1x16xf32>,
        %swap3A_722 = vector.shape_cast %swap3A_721 : vector<1x16xf32> to vector<16xf32>
        %swap3A_723 = vector.shape_cast %get3A_718 : vector<16xf32> to vector<1x16xf32>
        tpu.vector_store %arg7[%swap3A_719, %swap3A_720], %swap3A_723 {add = true, strides = array<i32>} : memref<128x64xf32, #tpu.memory_space<vmem>>, vector<1x16xf32>,
        %mul3A_724 = arith.constant 2 : i32
        %mul3A_725 = arith.muli %mul3A_724, %add3A_672 : i32
        %add3A_726 = arith.constant 1 : i32
        %add3A_727 = arith.addi %mul3A_725, %add3A_726 : i32
        %get3A_728 = arith.constant 0 : i32
        %get3A_729 = arith.constant 2 : i32
        %get3A_730 = arith.index_cast %get3A_728 : i32 to index
        %get3A_731 = arith.index_cast %get3A_729 : i32 to index
        %get3A_732 = arith.index_cast %add3A_727 : i32 to index
        %get3A_733 = arith.constant 16 : index
        %get3A_734 = tpu.vector_load %arg6[%get3A_730, %get3A_731, %get3A_732, %get3A_733] {strides = array<i32>} : memref<2x4x256x32xf32, #tpu.memory_space<vmem>>, vector<1x1x1x16xf32>,
        %get3A_735 = vector.shape_cast %get3A_734 : vector<1x1x1x16xf32> to vector<16xf32>
        %swap3A_736 = arith.index_cast %add3A_672 : i32 to index
        %swap3A_737 = arith.constant 48 : index
        %swap3A_738 = tpu.vector_load %arg7[%swap3A_736, %swap3A_737] {strides = array<i32>} : memref<128x64xf32, #tpu.memory_space<vmem>>, vector<1x16xf32>,
        %swap3A_739 = vector.shape_cast %swap3A_738 : vector<1x16xf32> to vector<16xf32>
        %swap3A_740 = vector.shape_cast %get3A_735 : vector<16xf32> to vector<1x16xf32>
        tpu.vector_store %arg7[%swap3A_736, %swap3A_737], %swap3A_740 {add = true, strides = array<i32>} : memref<128x64xf32, #tpu.memory_space<vmem>>, vector<1x16xf32>,
        %mul3A_741 = arith.constant 4 : i32
        %mul3A_742 = arith.muli %scan3A_526, %mul3A_741 : i32
        %add3A_743 = arith.constant 3 : i32
        %add3A_744 = arith.addi %mul3A_742, %add3A_743 : i32
        %mul3A_745 = arith.constant 2 : i32
        %mul3A_746 = arith.muli %mul3A_745, %add3A_744 : i32
        %add3A_747 = arith.constant 0 : i32
        %add3A_748 = arith.addi %mul3A_746, %add3A_747 : i32
        %get3A_749 = arith.constant 0 : i32
        %get3A_750 = arith.constant 2 : i32
        %get3A_751 = arith.index_cast %get3A_749 : i32 to index
        %get3A_752 = arith.index_cast %get3A_750 : i32 to index
        %get3A_753 = arith.index_cast %add3A_748 : i32 to index
        %get3A_754 = arith.constant 0 : index
        %get3A_755 = tpu.vector_load %arg6[%get3A_751, %get3A_752, %get3A_753, %get3A_754] {strides = array<i32>} : memref<2x4x256x32xf32, #tpu.memory_space<vmem>>, vector<1x1x1x16xf32>,
        %get3A_756 = vector.shape_cast %get3A_755 : vector<1x1x1x16xf32> to vector<16xf32>
        %swap3A_757 = arith.index_cast %add3A_744 : i32 to index
        %swap3A_758 = arith.constant 0 : index
        %swap3A_759 = tpu.vector_load %arg7[%swap3A_757, %swap3A_758] {strides = array<i32>} : memref<128x64xf32, #tpu.memory_space<vmem>>, vector<1x16xf32>,
        %swap3A_760 = vector.shape_cast %swap3A_759 : vector<1x16xf32> to vector<16xf32>
        %swap3A_761 = vector.shape_cast %get3A_756 : vector<16xf32> to vector<1x16xf32>
        tpu.vector_store %arg7[%swap3A_757, %swap3A_758], %swap3A_761 {add = true, strides = array<i32>} : memref<128x64xf32, #tpu.memory_space<vmem>>, vector<1x16xf32>,
        %mul3A_762 = arith.constant 2 : i32
        %mul3A_763 = arith.muli %mul3A_762, %add3A_744 : i32
        %add3A_764 = arith.constant 0 : i32
        %add3A_765 = arith.addi %mul3A_763, %add3A_764 : i32
        %get3A_766 = arith.constant 0 : i32
        %get3A_767 = arith.constant 2 : i32
        %get3A_768 = arith.index_cast %get3A_766 : i32 to index
        %get3A_769 = arith.index_cast %get3A_767 : i32 to index
        %get3A_770 = arith.index_cast %add3A_765 : i32 to index
        %get3A_771 = arith.constant 16 : index
        %get3A_772 = tpu.vector_load %arg6[%get3A_768, %get3A_769, %get3A_770, %get3A_771] {strides = array<i32>} : memref<2x4x256x32xf32, #tpu.memory_space<vmem>>, vector<1x1x1x16xf32>,
        %get3A_773 = vector.shape_cast %get3A_772 : vector<1x1x1x16xf32> to vector<16xf32>
        %swap3A_774 = arith.index_cast %add3A_744 : i32 to index
        %swap3A_775 = arith.constant 16 : index
        %swap3A_776 = tpu.vector_load %arg7[%swap3A_774, %swap3A_775] {strides = array<i32>} : memref<128x64xf32, #tpu.memory_space<vmem>>, vector<1x16xf32>,
        %swap3A_777 = vector.shape_cast %swap3A_776 : vector<1x16xf32> to vector<16xf32>
        %swap3A_778 = vector.shape_cast %get3A_773 : vector<16xf32> to vector<1x16xf32>
        tpu.vector_store %arg7[%swap3A_774, %swap3A_775], %swap3A_778 {add = true, strides = array<i32>} : memref<128x64xf32, #tpu.memory_space<vmem>>, vector<1x16xf32>,
        %mul3A_779 = arith.constant 2 : i32
        %mul3A_780 = arith.muli %mul3A_779, %add3A_744 : i32
        %add3A_781 = arith.constant 1 : i32
        %add3A_782 = arith.addi %mul3A_780, %add3A_781 : i32
        %get3A_783 = arith.constant 0 : i32
        %get3A_784 = arith.constant 2 : i32
        %get3A_785 = arith.index_cast %get3A_783 : i32 to index
        %get3A_786 = arith.index_cast %get3A_784 : i32 to index
        %get3A_787 = arith.index_cast %add3A_782 : i32 to index
        %get3A_788 = arith.constant 0 : index
        %get3A_789 = tpu.vector_load %arg6[%get3A_785, %get3A_786, %get3A_787, %get3A_788] {strides = array<i32>} : memref<2x4x256x32xf32, #tpu.memory_space<vmem>>, vector<1x1x1x16xf32>,
        %get3A_790 = vector.shape_cast %get3A_789 : vector<1x1x1x16xf32> to vector<16xf32>
        %swap3A_791 = arith.index_cast %add3A_744 : i32 to index
        %swap3A_792 = arith.constant 32 : index
        %swap3A_793 = tpu.vector_load %arg7[%swap3A_791, %swap3A_792] {strides = array<i32>} : memref<128x64xf32, #tpu.memory_space<vmem>>, vector<1x16xf32>,
        %swap3A_794 = vector.shape_cast %swap3A_793 : vector<1x16xf32> to vector<16xf32>
        %swap3A_795 = vector.shape_cast %get3A_790 : vector<16xf32> to vector<1x16xf32>
        tpu.vector_store %arg7[%swap3A_791, %swap3A_792], %swap3A_795 {add = true, strides = array<i32>} : memref<128x64xf32, #tpu.memory_space<vmem>>, vector<1x16xf32>,
        %mul3A_796 = arith.constant 2 : i32
        %mul3A_797 = arith.muli %mul3A_796, %add3A_744 : i32
        %add3A_798 = arith.constant 1 : i32
        %add3A_799 = arith.addi %mul3A_797, %add3A_798 : i32
        %get3A_800 = arith.constant 0 : i32
        %get3A_801 = arith.constant 2 : i32
        %get3A_802 = arith.index_cast %get3A_800 : i32 to index
        %get3A_803 = arith.index_cast %get3A_801 : i32 to index
        %get3A_804 = arith.index_cast %add3A_799 : i32 to index
        %get3A_805 = arith.constant 16 : index
        %get3A_806 = tpu.vector_load %arg6[%get3A_802, %get3A_803, %get3A_804, %get3A_805] {strides = array<i32>} : memref<2x4x256x32xf32, #tpu.memory_space<vmem>>, vector<1x1x1x16xf32>,
        %get3A_807 = vector.shape_cast %get3A_806 : vector<1x1x1x16xf32> to vector<16xf32>
        %swap3A_808 = arith.index_cast %add3A_744 : i32 to index
        %swap3A_809 = arith.constant 48 : index
        %swap3A_810 = tpu.vector_load %arg7[%swap3A_808, %swap3A_809] {strides = array<i32>} : memref<128x64xf32, #tpu.memory_space<vmem>>, vector<1x16xf32>,
        %swap3A_811 = vector.shape_cast %swap3A_810 : vector<1x16xf32> to vector<16xf32>
        %swap3A_812 = vector.shape_cast %get3A_807 : vector<16xf32> to vector<1x16xf32>
        tpu.vector_store %arg7[%swap3A_808, %swap3A_809], %swap3A_812 {add = true, strides = array<i32>} : memref<128x64xf32, #tpu.memory_space<vmem>>, vector<1x16xf32>,
      }
      %scan3A_381 = arith.constant 32 : i32
      %scan3A_382 = arith.constant 0 : i32
      %scan3A_383 = arith.constant 0 : i32
      %scan3A_384 = arith.constant 32 : i32
      %scan3A_385 = arith.addi %scan3A_383, %scan3A_384 : i32
      %scan3A_386 = arith.constant 1 : i32
      scf.for %scan3A_526 = %scan3A_383 to %scan3A_385 step %scan3A_386  : i32 {
        %mul3A_527 = arith.constant 4 : i32
        %mul3A_528 = arith.muli %scan3A_526, %mul3A_527 : i32
        %add3A_529 = arith.constant 0 : i32
        %add3A_530 = arith.addi %mul3A_528, %add3A_529 : i32
        %mul3A_531 = arith.constant 2 : i32
        %mul3A_532 = arith.muli %mul3A_531, %add3A_530 : i32
        %add3A_533 = arith.constant 0 : i32
        %add3A_534 = arith.addi %mul3A_532, %add3A_533 : i32
        %get3A = arith.constant 0 : i32
        %get3A_535 = arith.constant 3 : i32
        %get3A_536 = arith.index_cast %get3A : i32 to index
        %get3A_537 = arith.index_cast %get3A_535 : i32 to index
        %get3A_538 = arith.index_cast %add3A_534 : i32 to index
        %get3A_539 = arith.constant 0 : index
        %get3A_540 = tpu.vector_load %arg6[%get3A_536, %get3A_537, %get3A_538, %get3A_539] {strides = array<i32>} : memref<2x4x256x32xf32, #tpu.memory_space<vmem>>, vector<1x1x1x16xf32>,
        %get3A_541 = vector.shape_cast %get3A_540 : vector<1x1x1x16xf32> to vector<16xf32>
        %swap3A = arith.index_cast %add3A_530 : i32 to index
        %swap3A_542 = arith.constant 0 : index
        %swap3A_543 = tpu.vector_load %arg7[%swap3A, %swap3A_542] {strides = array<i32>} : memref<128x64xf32, #tpu.memory_space<vmem>>, vector<1x16xf32>,
        %swap3A_544 = vector.shape_cast %swap3A_543 : vector<1x16xf32> to vector<16xf32>
        %swap3A_545 = vector.shape_cast %get3A_541 : vector<16xf32> to vector<1x16xf32>
        tpu.vector_store %arg7[%swap3A, %swap3A_542], %swap3A_545 {add = true, strides = array<i32>} : memref<128x64xf32, #tpu.memory_space<vmem>>, vector<1x16xf32>,
        %mul3A_546 = arith.constant 2 : i32
        %mul3A_547 = arith.muli %mul3A_546, %add3A_530 : i32
        %add3A_548 = arith.constant 0 : i32
        %add3A_549 = arith.addi %mul3A_547, %add3A_548 : i32
        %get3A_550 = arith.constant 0 : i32
        %get3A_551 = arith.constant 3 : i32
        %get3A_552 = arith.index_cast %get3A_550 : i32 to index
        %get3A_553 = arith.index_cast %get3A_551 : i32 to index
        %get3A_554 = arith.index_cast %add3A_549 : i32 to index
        %get3A_555 = arith.constant 16 : index
        %get3A_556 = tpu.vector_load %arg6[%get3A_552, %get3A_553, %get3A_554, %get3A_555] {strides = array<i32>} : memref<2x4x256x32xf32, #tpu.memory_space<vmem>>, vector<1x1x1x16xf32>,
        %get3A_557 = vector.shape_cast %get3A_556 : vector<1x1x1x16xf32> to vector<16xf32>
        %swap3A_558 = arith.index_cast %add3A_530 : i32 to index
        %swap3A_559 = arith.constant 16 : index
        %swap3A_560 = tpu.vector_load %arg7[%swap3A_558, %swap3A_559] {strides = array<i32>} : memref<128x64xf32, #tpu.memory_space<vmem>>, vector<1x16xf32>,
        %swap3A_561 = vector.shape_cast %swap3A_560 : vector<1x16xf32> to vector<16xf32>
        %swap3A_562 = vector.shape_cast %get3A_557 : vector<16xf32> to vector<1x16xf32>
        tpu.vector_store %arg7[%swap3A_558, %swap3A_559], %swap3A_562 {add = true, strides = array<i32>} : memref<128x64xf32, #tpu.memory_space<vmem>>, vector<1x16xf32>,
        %mul3A_563 = arith.constant 2 : i32
        %mul3A_564 = arith.muli %mul3A_563, %add3A_530 : i32
        %add3A_565 = arith.constant 1 : i32
        %add3A_566 = arith.addi %mul3A_564, %add3A_565 : i32
        %get3A_567 = arith.constant 0 : i32
        %get3A_568 = arith.constant 3 : i32
        %get3A_569 = arith.index_cast %get3A_567 : i32 to index
        %get3A_570 = arith.index_cast %get3A_568 : i32 to index
        %get3A_571 = arith.index_cast %add3A_566 : i32 to index
        %get3A_572 = arith.constant 0 : index
        %get3A_573 = tpu.vector_load %arg6[%get3A_569, %get3A_570, %get3A_571, %get3A_572] {strides = array<i32>} : memref<2x4x256x32xf32, #tpu.memory_space<vmem>>, vector<1x1x1x16xf32>,
        %get3A_574 = vector.shape_cast %get3A_573 : vector<1x1x1x16xf32> to vector<16xf32>
        %swap3A_575 = arith.index_cast %add3A_530 : i32 to index
        %swap3A_576 = arith.constant 32 : index
        %swap3A_577 = tpu.vector_load %arg7[%swap3A_575, %swap3A_576] {strides = array<i32>} : memref<128x64xf32, #tpu.memory_space<vmem>>, vector<1x16xf32>,
        %swap3A_578 = vector.shape_cast %swap3A_577 : vector<1x16xf32> to vector<16xf32>
        %swap3A_579 = vector.shape_cast %get3A_574 : vector<16xf32> to vector<1x16xf32>
        tpu.vector_store %arg7[%swap3A_575, %swap3A_576], %swap3A_579 {add = true, strides = array<i32>} : memref<128x64xf32, #tpu.memory_space<vmem>>, vector<1x16xf32>,
        %mul3A_580 = arith.constant 2 : i32
        %mul3A_581 = arith.muli %mul3A_580, %add3A_530 : i32
        %add3A_582 = arith.constant 1 : i32
        %add3A_583 = arith.addi %mul3A_581, %add3A_582 : i32
        %get3A_584 = arith.constant 0 : i32
        %get3A_585 = arith.constant 3 : i32
        %get3A_586 = arith.index_cast %get3A_584 : i32 to index
        %get3A_587 = arith.index_cast %get3A_585 : i32 to index
        %get3A_588 = arith.index_cast %add3A_583 : i32 to index
        %get3A_589 = arith.constant 16 : index
        %get3A_590 = tpu.vector_load %arg6[%get3A_586, %get3A_587, %get3A_588, %get3A_589] {strides = array<i32>} : memref<2x4x256x32xf32, #tpu.memory_space<vmem>>, vector<1x1x1x16xf32>,
        %get3A_591 = vector.shape_cast %get3A_590 : vector<1x1x1x16xf32> to vector<16xf32>
        %swap3A_592 = arith.index_cast %add3A_530 : i32 to index
        %swap3A_593 = arith.constant 48 : index
        %swap3A_594 = tpu.vector_load %arg7[%swap3A_592, %swap3A_593] {strides = array<i32>} : memref<128x64xf32, #tpu.memory_space<vmem>>, vector<1x16xf32>,
        %swap3A_595 = vector.shape_cast %swap3A_594 : vector<1x16xf32> to vector<16xf32>
        %swap3A_596 = vector.shape_cast %get3A_591 : vector<16xf32> to vector<1x16xf32>
        tpu.vector_store %arg7[%swap3A_592, %swap3A_593], %swap3A_596 {add = true, strides = array<i32>} : memref<128x64xf32, #tpu.memory_space<vmem>>, vector<1x16xf32>,
        %mul3A_597 = arith.constant 4 : i32
        %mul3A_598 = arith.muli %scan3A_526, %mul3A_597 : i32
        %add3A_599 = arith.constant 1 : i32
        %add3A_600 = arith.addi %mul3A_598, %add3A_599 : i32
        %mul3A_601 = arith.constant 2 : i32
        %mul3A_602 = arith.muli %mul3A_601, %add3A_600 : i32
        %add3A_603 = arith.constant 0 : i32
        %add3A_604 = arith.addi %mul3A_602, %add3A_603 : i32
        %get3A_605 = arith.constant 0 : i32
        %get3A_606 = arith.constant 3 : i32
        %get3A_607 = arith.index_cast %get3A_605 : i32 to index
        %get3A_608 = arith.index_cast %get3A_606 : i32 to index
        %get3A_609 = arith.index_cast %add3A_604 : i32 to index
        %get3A_610 = arith.constant 0 : index
        %get3A_611 = tpu.vector_load %arg6[%get3A_607, %get3A_608, %get3A_609, %get3A_610] {strides = array<i32>} : memref<2x4x256x32xf32, #tpu.memory_space<vmem>>, vector<1x1x1x16xf32>,
        %get3A_612 = vector.shape_cast %get3A_611 : vector<1x1x1x16xf32> to vector<16xf32>
        %swap3A_613 = arith.index_cast %add3A_600 : i32 to index
        %swap3A_614 = arith.constant 0 : index
        %swap3A_615 = tpu.vector_load %arg7[%swap3A_613, %swap3A_614] {strides = array<i32>} : memref<128x64xf32, #tpu.memory_space<vmem>>, vector<1x16xf32>,
        %swap3A_616 = vector.shape_cast %swap3A_615 : vector<1x16xf32> to vector<16xf32>
        %swap3A_617 = vector.shape_cast %get3A_612 : vector<16xf32> to vector<1x16xf32>
        tpu.vector_store %arg7[%swap3A_613, %swap3A_614], %swap3A_617 {add = true, strides = array<i32>} : memref<128x64xf32, #tpu.memory_space<vmem>>, vector<1x16xf32>,
        %mul3A_618 = arith.constant 2 : i32
        %mul3A_619 = arith.muli %mul3A_618, %add3A_600 : i32
        %add3A_620 = arith.constant 0 : i32
        %add3A_621 = arith.addi %mul3A_619, %add3A_620 : i32
        %get3A_622 = arith.constant 0 : i32
        %get3A_623 = arith.constant 3 : i32
        %get3A_624 = arith.index_cast %get3A_622 : i32 to index
        %get3A_625 = arith.index_cast %get3A_623 : i32 to index
        %get3A_626 = arith.index_cast %add3A_621 : i32 to index
        %get3A_627 = arith.constant 16 : index
        %get3A_628 = tpu.vector_load %arg6[%get3A_624, %get3A_625, %get3A_626, %get3A_627] {strides = array<i32>} : memref<2x4x256x32xf32, #tpu.memory_space<vmem>>, vector<1x1x1x16xf32>,
        %get3A_629 = vector.shape_cast %get3A_628 : vector<1x1x1x16xf32> to vector<16xf32>
        %swap3A_630 = arith.index_cast %add3A_600 : i32 to index
        %swap3A_631 = arith.constant 16 : index
        %swap3A_632 = tpu.vector_load %arg7[%swap3A_630, %swap3A_631] {strides = array<i32>} : memref<128x64xf32, #tpu.memory_space<vmem>>, vector<1x16xf32>,
        %swap3A_633 = vector.shape_cast %swap3A_632 : vector<1x16xf32> to vector<16xf32>
        %swap3A_634 = vector.shape_cast %get3A_629 : vector<16xf32> to vector<1x16xf32>
        tpu.vector_store %arg7[%swap3A_630, %swap3A_631], %swap3A_634 {add = true, strides = array<i32>} : memref<128x64xf32, #tpu.memory_space<vmem>>, vector<1x16xf32>,
        %mul3A_635 = arith.constant 2 : i32
        %mul3A_636 = arith.muli %mul3A_635, %add3A_600 : i32
        %add3A_637 = arith.constant 1 : i32
        %add3A_638 = arith.addi %mul3A_636, %add3A_637 : i32
        %get3A_639 = arith.constant 0 : i32
        %get3A_640 = arith.constant 3 : i32
        %get3A_641 = arith.index_cast %get3A_639 : i32 to index
        %get3A_642 = arith.index_cast %get3A_640 : i32 to index
        %get3A_643 = arith.index_cast %add3A_638 : i32 to index
        %get3A_644 = arith.constant 0 : index
        %get3A_645 = tpu.vector_load %arg6[%get3A_641, %get3A_642, %get3A_643, %get3A_644] {strides = array<i32>} : memref<2x4x256x32xf32, #tpu.memory_space<vmem>>, vector<1x1x1x16xf32>,
        %get3A_646 = vector.shape_cast %get3A_645 : vector<1x1x1x16xf32> to vector<16xf32>
        %swap3A_647 = arith.index_cast %add3A_600 : i32 to index
        %swap3A_648 = arith.constant 32 : index
        %swap3A_649 = tpu.vector_load %arg7[%swap3A_647, %swap3A_648] {strides = array<i32>} : memref<128x64xf32, #tpu.memory_space<vmem>>, vector<1x16xf32>,
        %swap3A_650 = vector.shape_cast %swap3A_649 : vector<1x16xf32> to vector<16xf32>
        %swap3A_651 = vector.shape_cast %get3A_646 : vector<16xf32> to vector<1x16xf32>
        tpu.vector_store %arg7[%swap3A_647, %swap3A_648], %swap3A_651 {add = true, strides = array<i32>} : memref<128x64xf32, #tpu.memory_space<vmem>>, vector<1x16xf32>,
        %mul3A_652 = arith.constant 2 : i32
        %mul3A_653 = arith.muli %mul3A_652, %add3A_600 : i32
        %add3A_654 = arith.constant 1 : i32
        %add3A_655 = arith.addi %mul3A_653, %add3A_654 : i32
        %get3A_656 = arith.constant 0 : i32
        %get3A_657 = arith.constant 3 : i32
        %get3A_658 = arith.index_cast %get3A_656 : i32 to index
        %get3A_659 = arith.index_cast %get3A_657 : i32 to index
        %get3A_660 = arith.index_cast %add3A_655 : i32 to index
        %get3A_661 = arith.constant 16 : index
        %get3A_662 = tpu.vector_load %arg6[%get3A_658, %get3A_659, %get3A_660, %get3A_661] {strides = array<i32>} : memref<2x4x256x32xf32, #tpu.memory_space<vmem>>, vector<1x1x1x16xf32>,
        %get3A_663 = vector.shape_cast %get3A_662 : vector<1x1x1x16xf32> to vector<16xf32>
        %swap3A_664 = arith.index_cast %add3A_600 : i32 to index
        %swap3A_665 = arith.constant 48 : index
        %swap3A_666 = tpu.vector_load %arg7[%swap3A_664, %swap3A_665] {strides = array<i32>} : memref<128x64xf32, #tpu.memory_space<vmem>>, vector<1x16xf32>,
        %swap3A_667 = vector.shape_cast %swap3A_666 : vector<1x16xf32> to vector<16xf32>
        %swap3A_668 = vector.shape_cast %get3A_663 : vector<16xf32> to vector<1x16xf32>
        tpu.vector_store %arg7[%swap3A_664, %swap3A_665], %swap3A_668 {add = true, strides = array<i32>} : memref<128x64xf32, #tpu.memory_space<vmem>>, vector<1x16xf32>,
        %mul3A_669 = arith.constant 4 : i32
        %mul3A_670 = arith.muli %scan3A_526, %mul3A_669 : i32
        %add3A_671 = arith.constant 2 : i32
        %add3A_672 = arith.addi %mul3A_670, %add3A_671 : i32
        %mul3A_673 = arith.constant 2 : i32
        %mul3A_674 = arith.muli %mul3A_673, %add3A_672 : i32
        %add3A_675 = arith.constant 0 : i32
        %add3A_676 = arith.addi %mul3A_674, %add3A_675 : i32
        %get3A_677 = arith.constant 0 : i32
        %get3A_678 = arith.constant 3 : i32
        %get3A_679 = arith.index_cast %get3A_677 : i32 to index
        %get3A_680 = arith.index_cast %get3A_678 : i32 to index
        %get3A_681 = arith.index_cast %add3A_676 : i32 to index
        %get3A_682 = arith.constant 0 : index
        %get3A_683 = tpu.vector_load %arg6[%get3A_679, %get3A_680, %get3A_681, %get3A_682] {strides = array<i32>} : memref<2x4x256x32xf32, #tpu.memory_space<vmem>>, vector<1x1x1x16xf32>,
        %get3A_684 = vector.shape_cast %get3A_683 : vector<1x1x1x16xf32> to vector<16xf32>
        %swap3A_685 = arith.index_cast %add3A_672 : i32 to index
        %swap3A_686 = arith.constant 0 : index
        %swap3A_687 = tpu.vector_load %arg7[%swap3A_685, %swap3A_686] {strides = array<i32>} : memref<128x64xf32, #tpu.memory_space<vmem>>, vector<1x16xf32>,
        %swap3A_688 = vector.shape_cast %swap3A_687 : vector<1x16xf32> to vector<16xf32>
        %swap3A_689 = vector.shape_cast %get3A_684 : vector<16xf32> to vector<1x16xf32>
        tpu.vector_store %arg7[%swap3A_685, %swap3A_686], %swap3A_689 {add = true, strides = array<i32>} : memref<128x64xf32, #tpu.memory_space<vmem>>, vector<1x16xf32>,
        %mul3A_690 = arith.constant 2 : i32
        %mul3A_691 = arith.muli %mul3A_690, %add3A_672 : i32
        %add3A_692 = arith.constant 0 : i32
        %add3A_693 = arith.addi %mul3A_691, %add3A_692 : i32
        %get3A_694 = arith.constant 0 : i32
        %get3A_695 = arith.constant 3 : i32
        %get3A_696 = arith.index_cast %get3A_694 : i32 to index
        %get3A_697 = arith.index_cast %get3A_695 : i32 to index
        %get3A_698 = arith.index_cast %add3A_693 : i32 to index
        %get3A_699 = arith.constant 16 : index
        %get3A_700 = tpu.vector_load %arg6[%get3A_696, %get3A_697, %get3A_698, %get3A_699] {strides = array<i32>} : memref<2x4x256x32xf32, #tpu.memory_space<vmem>>, vector<1x1x1x16xf32>,
        %get3A_701 = vector.shape_cast %get3A_700 : vector<1x1x1x16xf32> to vector<16xf32>
        %swap3A_702 = arith.index_cast %add3A_672 : i32 to index
        %swap3A_703 = arith.constant 16 : index
        %swap3A_704 = tpu.vector_load %arg7[%swap3A_702, %swap3A_703] {strides = array<i32>} : memref<128x64xf32, #tpu.memory_space<vmem>>, vector<1x16xf32>,
        %swap3A_705 = vector.shape_cast %swap3A_704 : vector<1x16xf32> to vector<16xf32>
        %swap3A_706 = vector.shape_cast %get3A_701 : vector<16xf32> to vector<1x16xf32>
        tpu.vector_store %arg7[%swap3A_702, %swap3A_703], %swap3A_706 {add = true, strides = array<i32>} : memref<128x64xf32, #tpu.memory_space<vmem>>, vector<1x16xf32>,
        %mul3A_707 = arith.constant 2 : i32
        %mul3A_708 = arith.muli %mul3A_707, %add3A_672 : i32
        %add3A_709 = arith.constant 1 : i32
        %add3A_710 = arith.addi %mul3A_708, %add3A_709 : i32
        %get3A_711 = arith.constant 0 : i32
        %get3A_712 = arith.constant 3 : i32
        %get3A_713 = arith.index_cast %get3A_711 : i32 to index
        %get3A_714 = arith.index_cast %get3A_712 : i32 to index
        %get3A_715 = arith.index_cast %add3A_710 : i32 to index
        %get3A_716 = arith.constant 0 : index
        %get3A_717 = tpu.vector_load %arg6[%get3A_713, %get3A_714, %get3A_715, %get3A_716] {strides = array<i32>} : memref<2x4x256x32xf32, #tpu.memory_space<vmem>>, vector<1x1x1x16xf32>,
        %get3A_718 = vector.shape_cast %get3A_717 : vector<1x1x1x16xf32> to vector<16xf32>
        %swap3A_719 = arith.index_cast %add3A_672 : i32 to index
        %swap3A_720 = arith.constant 32 : index
        %swap3A_721 = tpu.vector_load %arg7[%swap3A_719, %swap3A_720] {strides = array<i32>} : memref<128x64xf32, #tpu.memory_space<vmem>>, vector<1x16xf32>,
        %swap3A_722 = vector.shape_cast %swap3A_721 : vector<1x16xf32> to vector<16xf32>
        %swap3A_723 = vector.shape_cast %get3A_718 : vector<16xf32> to vector<1x16xf32>
        tpu.vector_store %arg7[%swap3A_719, %swap3A_720], %swap3A_723 {add = true, strides = array<i32>} : memref<128x64xf32, #tpu.memory_space<vmem>>, vector<1x16xf32>,
        %mul3A_724 = arith.constant 2 : i32
        %mul3A_725 = arith.muli %mul3A_724, %add3A_672 : i32
        %add3A_726 = arith.constant 1 : i32
        %add3A_727 = arith.addi %mul3A_725, %add3A_726 : i32
        %get3A_728 = arith.constant 0 : i32
        %get3A_729 = arith.constant 3 : i32
        %get3A_730 = arith.index_cast %get3A_728 : i32 to index
        %get3A_731 = arith.index_cast %get3A_729 : i32 to index
        %get3A_732 = arith.index_cast %add3A_727 : i32 to index
        %get3A_733 = arith.constant 16 : index
        %get3A_734 = tpu.vector_load %arg6[%get3A_730, %get3A_731, %get3A_732, %get3A_733] {strides = array<i32>} : memref<2x4x256x32xf32, #tpu.memory_space<vmem>>, vector<1x1x1x16xf32>,
        %get3A_735 = vector.shape_cast %get3A_734 : vector<1x1x1x16xf32> to vector<16xf32>
        %swap3A_736 = arith.index_cast %add3A_672 : i32 to index
        %swap3A_737 = arith.constant 48 : index
        %swap3A_738 = tpu.vector_load %arg7[%swap3A_736, %swap3A_737] {strides = array<i32>} : memref<128x64xf32, #tpu.memory_space<vmem>>, vector<1x16xf32>,
        %swap3A_739 = vector.shape_cast %swap3A_738 : vector<1x16xf32> to vector<16xf32>
        %swap3A_740 = vector.shape_cast %get3A_735 : vector<16xf32> to vector<1x16xf32>
        tpu.vector_store %arg7[%swap3A_736, %swap3A_737], %swap3A_740 {add = true, strides = array<i32>} : memref<128x64xf32, #tpu.memory_space<vmem>>, vector<1x16xf32>,
        %mul3A_741 = arith.constant 4 : i32
        %mul3A_742 = arith.muli %scan3A_526, %mul3A_741 : i32
        %add3A_743 = arith.constant 3 : i32
        %add3A_744 = arith.addi %mul3A_742, %add3A_743 : i32
        %mul3A_745 = arith.constant 2 : i32
        %mul3A_746 = arith.muli %mul3A_745, %add3A_744 : i32
        %add3A_747 = arith.constant 0 : i32
        %add3A_748 = arith.addi %mul3A_746, %add3A_747 : i32
        %get3A_749 = arith.constant 0 : i32
        %get3A_750 = arith.constant 3 : i32
        %get3A_751 = arith.index_cast %get3A_749 : i32 to index
        %get3A_752 = arith.index_cast %get3A_750 : i32 to index
        %get3A_753 = arith.index_cast %add3A_748 : i32 to index
        %get3A_754 = arith.constant 0 : index
        %get3A_755 = tpu.vector_load %arg6[%get3A_751, %get3A_752, %get3A_753, %get3A_754] {strides = array<i32>} : memref<2x4x256x32xf32, #tpu.memory_space<vmem>>, vector<1x1x1x16xf32>,
        %get3A_756 = vector.shape_cast %get3A_755 : vector<1x1x1x16xf32> to vector<16xf32>
        %swap3A_757 = arith.index_cast %add3A_744 : i32 to index
        %swap3A_758 = arith.constant 0 : index
        %swap3A_759 = tpu.vector_load %arg7[%swap3A_757, %swap3A_758] {strides = array<i32>} : memref<128x64xf32, #tpu.memory_space<vmem>>, vector<1x16xf32>,
        %swap3A_760 = vector.shape_cast %swap3A_759 : vector<1x16xf32> to vector<16xf32>
        %swap3A_761 = vector.shape_cast %get3A_756 : vector<16xf32> to vector<1x16xf32>
        tpu.vector_store %arg7[%swap3A_757, %swap3A_758], %swap3A_761 {add = true, strides = array<i32>} : memref<128x64xf32, #tpu.memory_space<vmem>>, vector<1x16xf32>,
        %mul3A_762 = arith.constant 2 : i32
        %mul3A_763 = arith.muli %mul3A_762, %add3A_744 : i32
        %add3A_764 = arith.constant 0 : i32
        %add3A_765 = arith.addi %mul3A_763, %add3A_764 : i32
        %get3A_766 = arith.constant 0 : i32
        %get3A_767 = arith.constant 3 : i32
        %get3A_768 = arith.index_cast %get3A_766 : i32 to index
        %get3A_769 = arith.index_cast %get3A_767 : i32 to index
        %get3A_770 = arith.index_cast %add3A_765 : i32 to index
        %get3A_771 = arith.constant 16 : index
        %get3A_772 = tpu.vector_load %arg6[%get3A_768, %get3A_769, %get3A_770, %get3A_771] {strides = array<i32>} : memref<2x4x256x32xf32, #tpu.memory_space<vmem>>, vector<1x1x1x16xf32>,
        %get3A_773 = vector.shape_cast %get3A_772 : vector<1x1x1x16xf32> to vector<16xf32>
        %swap3A_774 = arith.index_cast %add3A_744 : i32 to index
        %swap3A_775 = arith.constant 16 : index
        %swap3A_776 = tpu.vector_load %arg7[%swap3A_774, %swap3A_775] {strides = array<i32>} : memref<128x64xf32, #tpu.memory_space<vmem>>, vector<1x16xf32>,
        %swap3A_777 = vector.shape_cast %swap3A_776 : vector<1x16xf32> to vector<16xf32>
        %swap3A_778 = vector.shape_cast %get3A_773 : vector<16xf32> to vector<1x16xf32>
        tpu.vector_store %arg7[%swap3A_774, %swap3A_775], %swap3A_778 {add = true, strides = array<i32>} : memref<128x64xf32, #tpu.memory_space<vmem>>, vector<1x16xf32>,
        %mul3A_779 = arith.constant 2 : i32
        %mul3A_780 = arith.muli %mul3A_779, %add3A_744 : i32
        %add3A_781 = arith.constant 1 : i32
        %add3A_782 = arith.addi %mul3A_780, %add3A_781 : i32
        %get3A_783 = arith.constant 0 : i32
        %get3A_784 = arith.constant 3 : i32
        %get3A_785 = arith.index_cast %get3A_783 : i32 to index
        %get3A_786 = arith.index_cast %get3A_784 : i32 to index
        %get3A_787 = arith.index_cast %add3A_782 : i32 to index
        %get3A_788 = arith.constant 0 : index
        %get3A_789 = tpu.vector_load %arg6[%get3A_785, %get3A_786, %get3A_787, %get3A_788] {strides = array<i32>} : memref<2x4x256x32xf32, #tpu.memory_space<vmem>>, vector<1x1x1x16xf32>,
        %get3A_790 = vector.shape_cast %get3A_789 : vector<1x1x1x16xf32> to vector<16xf32>
        %swap3A_791 = arith.index_cast %add3A_744 : i32 to index
        %swap3A_792 = arith.constant 32 : index
        %swap3A_793 = tpu.vector_load %arg7[%swap3A_791, %swap3A_792] {strides = array<i32>} : memref<128x64xf32, #tpu.memory_space<vmem>>, vector<1x16xf32>,
        %swap3A_794 = vector.shape_cast %swap3A_793 : vector<1x16xf32> to vector<16xf32>
        %swap3A_795 = vector.shape_cast %get3A_790 : vector<16xf32> to vector<1x16xf32>
        tpu.vector_store %arg7[%swap3A_791, %swap3A_792], %swap3A_795 {add = true, strides = array<i32>} : memref<128x64xf32, #tpu.memory_space<vmem>>, vector<1x16xf32>,
        %mul3A_796 = arith.constant 2 : i32
        %mul3A_797 = arith.muli %mul3A_796, %add3A_744 : i32
        %add3A_798 = arith.constant 1 : i32
        %add3A_799 = arith.addi %mul3A_797, %add3A_798 : i32
        %get3A_800 = arith.constant 0 : i32
        %get3A_801 = arith.constant 3 : i32
        %get3A_802 = arith.index_cast %get3A_800 : i32 to index
        %get3A_803 = arith.index_cast %get3A_801 : i32 to index
        %get3A_804 = arith.index_cast %add3A_799 : i32 to index
        %get3A_805 = arith.constant 16 : index
        %get3A_806 = tpu.vector_load %arg6[%get3A_802, %get3A_803, %get3A_804, %get3A_805] {strides = array<i32>} : memref<2x4x256x32xf32, #tpu.memory_space<vmem>>, vector<1x1x1x16xf32>,
        %get3A_807 = vector.shape_cast %get3A_806 : vector<1x1x1x16xf32> to vector<16xf32>
        %swap3A_808 = arith.index_cast %add3A_744 : i32 to index
        %swap3A_809 = arith.constant 48 : index
        %swap3A_810 = tpu.vector_load %arg7[%swap3A_808, %swap3A_809] {strides = array<i32>} : memref<128x64xf32, #tpu.memory_space<vmem>>, vector<1x16xf32>,
        %swap3A_811 = vector.shape_cast %swap3A_810 : vector<1x16xf32> to vector<16xf32>
        %swap3A_812 = vector.shape_cast %get3A_807 : vector<16xf32> to vector<1x16xf32>
        tpu.vector_store %arg7[%swap3A_808, %swap3A_809], %swap3A_812 {add = true, strides = array<i32>} : memref<128x64xf32, #tpu.memory_space<vmem>>, vector<1x16xf32>,
      }
      %scan3A_387 = arith.constant 32 : i32
      %lt3A = arith.constant 24 : i32
      %lt3A_388 = arith.cmpi slt, %scan3A_126, %lt3A : i32
      %convert_element_type3A = arith.extui %lt3A_388 : i1 to i32
      %cond3A = arith.constant 0 : i32
      %cond3A_389 = arith.cmpi ne, %convert_element_type3A, %cond3A : i32
      scf.if %cond3A_389 {
        %add3A_526 = arith.constant 8 : i32
        %add3A_527 = arith.addi %mul3A_130, %add3A_526 : i32
        %add3A_528 = arith.constant 0 : i32
        %add3A_529 = arith.addi %add3A_527, %add3A_528 : i32
        %dma_start3A_530 = arith.constant 0 : i32
        %dma_start3A_531 = arith.constant 0 : i32
        %dma_start3A_532 = arith.constant 0 : i32
        %dma_start3A_533 = arith.constant 0 : i32
        %dma_start3A_534 = arith.constant 0 : i32
        %dma_start3A_535 = tpu.memref_slice %arg6[%dma_start3A_531, %dma_start3A_532, %dma_start3A_533, %dma_start3A_534] : memref<2x4x256x32xf32, #tpu.memory_space<vmem>> -> memref<1x1x128x32xf32, #tpu.memory_space<vmem>>
        %dma_start3A_536 = tpu.memref_squeeze %dma_start3A_535 : memref<1x1x128x32xf32, #tpu.memory_space<vmem>> -> memref<128x32xf32, #tpu.memory_space<vmem>>
        %dma_start3A_537 = arith.constant 0 : i32
        %dma_start3A_538 = tpu.memref_slice %arg5[%add3A_529, %dma_start3A_530, %dma_start3A_537] : memref<200x2x128xi32, #tpu.memory_space<vmem>> -> memref<1x1x128xi32, #tpu.memory_space<vmem>>
        %dma_start3A_539 = tpu.memref_squeeze %dma_start3A_538 : memref<1x1x128xi32, #tpu.memory_space<vmem>> -> memref<128xi32, #tpu.memory_space<vmem>>
        %dma_start3A_540 = arith.constant 0 : i32
        %dma_start3A_541 = arith.constant 0 : i32
        %dma_start3A_542 = tpu.memref_slice %arg3[%dma_start3A_540, %dma_start3A_541] : memref<2000000x32xf32, #tpu.memory_space<hbm>> -> memref<2000000x32xf32, #tpu.memory_space<hbm>>
        tpu.enqueue_indirect_dma source(%dma_start3A_542 : memref<2000000x32xf32, #tpu.memory_space<hbm>>) target(%dma_start3A_536 : memref<128x32xf32, #tpu.memory_space<vmem>>) offsets(%dma_start3A_539 : memref<128xi32, #tpu.memory_space<vmem>>) semaphore(%arg8 : memref<!tpu.dma_semaphore, #tpu.memory_space<semaphore_mem>>)
        %add3A_543 = arith.constant 0 : i32
        %add3A_544 = arith.addi %add3A_527, %add3A_543 : i32
        %dma_start3A_545 = arith.constant 1 : i32
        %dma_start3A_546 = arith.constant 0 : i32
        %dma_start3A_547 = arith.constant 0 : i32
        %dma_start3A_548 = arith.constant 128 : i32
        %dma_start3A_549 = arith.constant 0 : i32
        %dma_start3A_550 = tpu.memref_slice %arg6[%dma_start3A_546, %dma_start3A_547, %dma_start3A_548, %dma_start3A_549] : memref<2x4x256x32xf32, #tpu.memory_space<vmem>> -> memref<1x1x128x32xf32, #tpu.memory_space<vmem>>
        %dma_start3A_551 = tpu.memref_squeeze %dma_start3A_550 : memref<1x1x128x32xf32, #tpu.memory_space<vmem>> -> memref<128x32xf32, #tpu.memory_space<vmem>>
        %dma_start3A_552 = arith.constant 0 : i32
        %dma_start3A_553 = tpu.memref_slice %arg5[%add3A_544, %dma_start3A_545, %dma_start3A_552] : memref<200x2x128xi32, #tpu.memory_space<vmem>> -> memref<1x1x128xi32, #tpu.memory_space<vmem>>
        %dma_start3A_554 = tpu.memref_squeeze %dma_start3A_553 : memref<1x1x128xi32, #tpu.memory_space<vmem>> -> memref<128xi32, #tpu.memory_space<vmem>>
        %dma_start3A_555 = arith.constant 0 : i32
        %dma_start3A_556 = arith.constant 0 : i32
        %dma_start3A_557 = tpu.memref_slice %arg3[%dma_start3A_555, %dma_start3A_556] : memref<2000000x32xf32, #tpu.memory_space<hbm>> -> memref<2000000x32xf32, #tpu.memory_space<hbm>>
        tpu.enqueue_indirect_dma source(%dma_start3A_557 : memref<2000000x32xf32, #tpu.memory_space<hbm>>) target(%dma_start3A_551 : memref<128x32xf32, #tpu.memory_space<vmem>>) offsets(%dma_start3A_554 : memref<128xi32, #tpu.memory_space<vmem>>) semaphore(%arg8 : memref<!tpu.dma_semaphore, #tpu.memory_space<semaphore_mem>>)
        %add3A_558 = arith.constant 1 : i32
        %add3A_559 = arith.addi %add3A_527, %add3A_558 : i32
        %dma_start3A_560 = arith.constant 0 : i32
        %dma_start3A_561 = arith.constant 0 : i32
        %dma_start3A_562 = arith.constant 1 : i32
        %dma_start3A_563 = arith.constant 0 : i32
        %dma_start3A_564 = arith.constant 0 : i32
        %dma_start3A_565 = tpu.memref_slice %arg6[%dma_start3A_561, %dma_start3A_562, %dma_start3A_563, %dma_start3A_564] : memref<2x4x256x32xf32, #tpu.memory_space<vmem>> -> memref<1x1x128x32xf32, #tpu.memory_space<vmem>>
        %dma_start3A_566 = tpu.memref_squeeze %dma_start3A_565 : memref<1x1x128x32xf32, #tpu.memory_space<vmem>> -> memref<128x32xf32, #tpu.memory_space<vmem>>
        %dma_start3A_567 = arith.constant 0 : i32
        %dma_start3A_568 = tpu.memref_slice %arg5[%add3A_559, %dma_start3A_560, %dma_start3A_567] : memref<200x2x128xi32, #tpu.memory_space<vmem>> -> memref<1x1x128xi32, #tpu.memory_space<vmem>>
        %dma_start3A_569 = tpu.memref_squeeze %dma_start3A_568 : memref<1x1x128xi32, #tpu.memory_space<vmem>> -> memref<128xi32, #tpu.memory_space<vmem>>
        %dma_start3A_570 = arith.constant 0 : i32
        %dma_start3A_571 = arith.constant 0 : i32
        %dma_start3A_572 = tpu.memref_slice %arg3[%dma_start3A_570, %dma_start3A_571] : memref<2000000x32xf32, #tpu.memory_space<hbm>> -> memref<2000000x32xf32, #tpu.memory_space<hbm>>
        tpu.enqueue_indirect_dma source(%dma_start3A_572 : memref<2000000x32xf32, #tpu.memory_space<hbm>>) target(%dma_start3A_566 : memref<128x32xf32, #tpu.memory_space<vmem>>) offsets(%dma_start3A_569 : memref<128xi32, #tpu.memory_space<vmem>>) semaphore(%arg8 : memref<!tpu.dma_semaphore, #tpu.memory_space<semaphore_mem>>)
        %add3A_573 = arith.constant 1 : i32
        %add3A_574 = arith.addi %add3A_527, %add3A_573 : i32
        %dma_start3A_575 = arith.constant 1 : i32
        %dma_start3A_576 = arith.constant 0 : i32
        %dma_start3A_577 = arith.constant 1 : i32
        %dma_start3A_578 = arith.constant 128 : i32
        %dma_start3A_579 = arith.constant 0 : i32
        %dma_start3A_580 = tpu.memref_slice %arg6[%dma_start3A_576, %dma_start3A_577, %dma_start3A_578, %dma_start3A_579] : memref<2x4x256x32xf32, #tpu.memory_space<vmem>> -> memref<1x1x128x32xf32, #tpu.memory_space<vmem>>
        %dma_start3A_581 = tpu.memref_squeeze %dma_start3A_580 : memref<1x1x128x32xf32, #tpu.memory_space<vmem>> -> memref<128x32xf32, #tpu.memory_space<vmem>>
        %dma_start3A_582 = arith.constant 0 : i32
        %dma_start3A_583 = tpu.memref_slice %arg5[%add3A_574, %dma_start3A_575, %dma_start3A_582] : memref<200x2x128xi32, #tpu.memory_space<vmem>> -> memref<1x1x128xi32, #tpu.memory_space<vmem>>
        %dma_start3A_584 = tpu.memref_squeeze %dma_start3A_583 : memref<1x1x128xi32, #tpu.memory_space<vmem>> -> memref<128xi32, #tpu.memory_space<vmem>>
        %dma_start3A_585 = arith.constant 0 : i32
        %dma_start3A_586 = arith.constant 0 : i32
        %dma_start3A_587 = tpu.memref_slice %arg3[%dma_start3A_585, %dma_start3A_586] : memref<2000000x32xf32, #tpu.memory_space<hbm>> -> memref<2000000x32xf32, #tpu.memory_space<hbm>>
        tpu.enqueue_indirect_dma source(%dma_start3A_587 : memref<2000000x32xf32, #tpu.memory_space<hbm>>) target(%dma_start3A_581 : memref<128x32xf32, #tpu.memory_space<vmem>>) offsets(%dma_start3A_584 : memref<128xi32, #tpu.memory_space<vmem>>) semaphore(%arg8 : memref<!tpu.dma_semaphore, #tpu.memory_space<semaphore_mem>>)
        %add3A_588 = arith.constant 2 : i32
        %add3A_589 = arith.addi %add3A_527, %add3A_588 : i32
        %dma_start3A_590 = arith.constant 0 : i32
        %dma_start3A_591 = arith.constant 0 : i32
        %dma_start3A_592 = arith.constant 2 : i32
        %dma_start3A_593 = arith.constant 0 : i32
        %dma_start3A_594 = arith.constant 0 : i32
        %dma_start3A_595 = tpu.memref_slice %arg6[%dma_start3A_591, %dma_start3A_592, %dma_start3A_593, %dma_start3A_594] : memref<2x4x256x32xf32, #tpu.memory_space<vmem>> -> memref<1x1x128x32xf32, #tpu.memory_space<vmem>>
        %dma_start3A_596 = tpu.memref_squeeze %dma_start3A_595 : memref<1x1x128x32xf32, #tpu.memory_space<vmem>> -> memref<128x32xf32, #tpu.memory_space<vmem>>
        %dma_start3A_597 = arith.constant 0 : i32
        %dma_start3A_598 = tpu.memref_slice %arg5[%add3A_589, %dma_start3A_590, %dma_start3A_597] : memref<200x2x128xi32, #tpu.memory_space<vmem>> -> memref<1x1x128xi32, #tpu.memory_space<vmem>>
        %dma_start3A_599 = tpu.memref_squeeze %dma_start3A_598 : memref<1x1x128xi32, #tpu.memory_space<vmem>> -> memref<128xi32, #tpu.memory_space<vmem>>
        %dma_start3A_600 = arith.constant 0 : i32
        %dma_start3A_601 = arith.constant 0 : i32
        %dma_start3A_602 = tpu.memref_slice %arg3[%dma_start3A_600, %dma_start3A_601] : memref<2000000x32xf32, #tpu.memory_space<hbm>> -> memref<2000000x32xf32, #tpu.memory_space<hbm>>
        tpu.enqueue_indirect_dma source(%dma_start3A_602 : memref<2000000x32xf32, #tpu.memory_space<hbm>>) target(%dma_start3A_596 : memref<128x32xf32, #tpu.memory_space<vmem>>) offsets(%dma_start3A_599 : memref<128xi32, #tpu.memory_space<vmem>>) semaphore(%arg8 : memref<!tpu.dma_semaphore, #tpu.memory_space<semaphore_mem>>)
        %add3A_603 = arith.constant 2 : i32
        %add3A_604 = arith.addi %add3A_527, %add3A_603 : i32
        %dma_start3A_605 = arith.constant 1 : i32
        %dma_start3A_606 = arith.constant 0 : i32
        %dma_start3A_607 = arith.constant 2 : i32
        %dma_start3A_608 = arith.constant 128 : i32
        %dma_start3A_609 = arith.constant 0 : i32
        %dma_start3A_610 = tpu.memref_slice %arg6[%dma_start3A_606, %dma_start3A_607, %dma_start3A_608, %dma_start3A_609] : memref<2x4x256x32xf32, #tpu.memory_space<vmem>> -> memref<1x1x128x32xf32, #tpu.memory_space<vmem>>
        %dma_start3A_611 = tpu.memref_squeeze %dma_start3A_610 : memref<1x1x128x32xf32, #tpu.memory_space<vmem>> -> memref<128x32xf32, #tpu.memory_space<vmem>>
        %dma_start3A_612 = arith.constant 0 : i32
        %dma_start3A_613 = tpu.memref_slice %arg5[%add3A_604, %dma_start3A_605, %dma_start3A_612] : memref<200x2x128xi32, #tpu.memory_space<vmem>> -> memref<1x1x128xi32, #tpu.memory_space<vmem>>
        %dma_start3A_614 = tpu.memref_squeeze %dma_start3A_613 : memref<1x1x128xi32, #tpu.memory_space<vmem>> -> memref<128xi32, #tpu.memory_space<vmem>>
        %dma_start3A_615 = arith.constant 0 : i32
        %dma_start3A_616 = arith.constant 0 : i32
        %dma_start3A_617 = tpu.memref_slice %arg3[%dma_start3A_615, %dma_start3A_616] : memref<2000000x32xf32, #tpu.memory_space<hbm>> -> memref<2000000x32xf32, #tpu.memory_space<hbm>>
        tpu.enqueue_indirect_dma source(%dma_start3A_617 : memref<2000000x32xf32, #tpu.memory_space<hbm>>) target(%dma_start3A_611 : memref<128x32xf32, #tpu.memory_space<vmem>>) offsets(%dma_start3A_614 : memref<128xi32, #tpu.memory_space<vmem>>) semaphore(%arg8 : memref<!tpu.dma_semaphore, #tpu.memory_space<semaphore_mem>>)
        %add3A_618 = arith.constant 3 : i32
        %add3A_619 = arith.addi %add3A_527, %add3A_618 : i32
        %dma_start3A_620 = arith.constant 0 : i32
        %dma_start3A_621 = arith.constant 0 : i32
        %dma_start3A_622 = arith.constant 3 : i32
        %dma_start3A_623 = arith.constant 0 : i32
        %dma_start3A_624 = arith.constant 0 : i32
        %dma_start3A_625 = tpu.memref_slice %arg6[%dma_start3A_621, %dma_start3A_622, %dma_start3A_623, %dma_start3A_624] : memref<2x4x256x32xf32, #tpu.memory_space<vmem>> -> memref<1x1x128x32xf32, #tpu.memory_space<vmem>>
        %dma_start3A_626 = tpu.memref_squeeze %dma_start3A_625 : memref<1x1x128x32xf32, #tpu.memory_space<vmem>> -> memref<128x32xf32, #tpu.memory_space<vmem>>
        %dma_start3A_627 = arith.constant 0 : i32
        %dma_start3A_628 = tpu.memref_slice %arg5[%add3A_619, %dma_start3A_620, %dma_start3A_627] : memref<200x2x128xi32, #tpu.memory_space<vmem>> -> memref<1x1x128xi32, #tpu.memory_space<vmem>>
        %dma_start3A_629 = tpu.memref_squeeze %dma_start3A_628 : memref<1x1x128xi32, #tpu.memory_space<vmem>> -> memref<128xi32, #tpu.memory_space<vmem>>
        %dma_start3A_630 = arith.constant 0 : i32
        %dma_start3A_631 = arith.constant 0 : i32
        %dma_start3A_632 = tpu.memref_slice %arg3[%dma_start3A_630, %dma_start3A_631] : memref<2000000x32xf32, #tpu.memory_space<hbm>> -> memref<2000000x32xf32, #tpu.memory_space<hbm>>
        tpu.enqueue_indirect_dma source(%dma_start3A_632 : memref<2000000x32xf32, #tpu.memory_space<hbm>>) target(%dma_start3A_626 : memref<128x32xf32, #tpu.memory_space<vmem>>) offsets(%dma_start3A_629 : memref<128xi32, #tpu.memory_space<vmem>>) semaphore(%arg8 : memref<!tpu.dma_semaphore, #tpu.memory_space<semaphore_mem>>)
        %add3A_633 = arith.constant 3 : i32
        %add3A_634 = arith.addi %add3A_527, %add3A_633 : i32
        %dma_start3A_635 = arith.constant 1 : i32
        %dma_start3A_636 = arith.constant 0 : i32
        %dma_start3A_637 = arith.constant 3 : i32
        %dma_start3A_638 = arith.constant 128 : i32
        %dma_start3A_639 = arith.constant 0 : i32
        %dma_start3A_640 = tpu.memref_slice %arg6[%dma_start3A_636, %dma_start3A_637, %dma_start3A_638, %dma_start3A_639] : memref<2x4x256x32xf32, #tpu.memory_space<vmem>> -> memref<1x1x128x32xf32, #tpu.memory_space<vmem>>
        %dma_start3A_641 = tpu.memref_squeeze %dma_start3A_640 : memref<1x1x128x32xf32, #tpu.memory_space<vmem>> -> memref<128x32xf32, #tpu.memory_space<vmem>>
        %dma_start3A_642 = arith.constant 0 : i32
        %dma_start3A_643 = tpu.memref_slice %arg5[%add3A_634, %dma_start3A_635, %dma_start3A_642] : memref<200x2x128xi32, #tpu.memory_space<vmem>> -> memref<1x1x128xi32, #tpu.memory_space<vmem>>
        %dma_start3A_644 = tpu.memref_squeeze %dma_start3A_643 : memref<1x1x128xi32, #tpu.memory_space<vmem>> -> memref<128xi32, #tpu.memory_space<vmem>>
        %dma_start3A_645 = arith.constant 0 : i32
        %dma_start3A_646 = arith.constant 0 : i32
        %dma_start3A_647 = tpu.memref_slice %arg3[%dma_start3A_645, %dma_start3A_646] : memref<2000000x32xf32, #tpu.memory_space<hbm>> -> memref<2000000x32xf32, #tpu.memory_space<hbm>>
        tpu.enqueue_indirect_dma source(%dma_start3A_647 : memref<2000000x32xf32, #tpu.memory_space<hbm>>) target(%dma_start3A_641 : memref<128x32xf32, #tpu.memory_space<vmem>>) offsets(%dma_start3A_644 : memref<128xi32, #tpu.memory_space<vmem>>) semaphore(%arg8 : memref<!tpu.dma_semaphore, #tpu.memory_space<semaphore_mem>>)
      } else {
      }
      %dma_wait3A_390 = arith.constant 0 : i32
      %dma_wait3A_391 = arith.constant 0 : i32
      %dma_wait3A_392 = arith.constant 1 : i32
      %dma_wait3A_393 = arith.constant 0 : i32
      %dma_wait3A_394 = arith.constant 0 : i32
      %dma_wait3A_395 = arith.constant 0 : i32
      %dma_wait3A_396 = tpu.memref_slice %arg6[%dma_wait3A_392, %dma_wait3A_393, %dma_wait3A_394, %dma_wait3A_395] : memref<2x4x256x32xf32, #tpu.memory_space<vmem>> -> memref<1x1x128x32xf32, #tpu.memory_space<vmem>>
      %dma_wait3A_397 = tpu.memref_squeeze %dma_wait3A_396 : memref<1x1x128x32xf32, #tpu.memory_space<vmem>> -> memref<128x32xf32, #tpu.memory_space<vmem>>
      %dma_wait3A_398 = arith.constant 0 : i32
      %dma_wait3A_399 = tpu.memref_slice %arg5[%dma_wait3A_390, %dma_wait3A_391, %dma_wait3A_398] : memref<200x2x128xi32, #tpu.memory_space<vmem>> -> memref<1x1x128xi32, #tpu.memory_space<vmem>>
      %dma_wait3A_400 = tpu.memref_squeeze %dma_wait3A_399 : memref<1x1x128xi32, #tpu.memory_space<vmem>> -> memref<128xi32, #tpu.memory_space<vmem>>
      %dma_wait3A_401 = arith.constant 0 : i32
      %dma_wait3A_402 = arith.constant 0 : i32
      %dma_wait3A_403 = tpu.memref_slice %arg3[%dma_wait3A_401, %dma_wait3A_402] : memref<2000000x32xf32, #tpu.memory_space<hbm>> -> memref<2000000x32xf32, #tpu.memory_space<hbm>>
      tpu.wait_indirect_dma semaphore(%arg9 : memref<!tpu.dma_semaphore, #tpu.memory_space<semaphore_mem>>) src(%dma_wait3A_403 : memref<2000000x32xf32, #tpu.memory_space<hbm>>) dst(%dma_wait3A_397 : memref<128x32xf32, #tpu.memory_space<vmem>>)
      %dma_wait3A_404 = arith.constant 0 : i32
      %dma_wait3A_405 = arith.constant 0 : i32
      %dma_wait3A_406 = arith.constant 1 : i32
      %dma_wait3A_407 = arith.constant 0 : i32
      %dma_wait3A_408 = arith.constant 128 : i32
      %dma_wait3A_409 = arith.constant 0 : i32
      %dma_wait3A_410 = tpu.memref_slice %arg6[%dma_wait3A_406, %dma_wait3A_407, %dma_wait3A_408, %dma_wait3A_409] : memref<2x4x256x32xf32, #tpu.memory_space<vmem>> -> memref<1x1x128x32xf32, #tpu.memory_space<vmem>>
      %dma_wait3A_411 = tpu.memref_squeeze %dma_wait3A_410 : memref<1x1x128x32xf32, #tpu.memory_space<vmem>> -> memref<128x32xf32, #tpu.memory_space<vmem>>
      %dma_wait3A_412 = arith.constant 0 : i32
      %dma_wait3A_413 = tpu.memref_slice %arg5[%dma_wait3A_404, %dma_wait3A_405, %dma_wait3A_412] : memref<200x2x128xi32, #tpu.memory_space<vmem>> -> memref<1x1x128xi32, #tpu.memory_space<vmem>>
      %dma_wait3A_414 = tpu.memref_squeeze %dma_wait3A_413 : memref<1x1x128xi32, #tpu.memory_space<vmem>> -> memref<128xi32, #tpu.memory_space<vmem>>
      %dma_wait3A_415 = arith.constant 0 : i32
      %dma_wait3A_416 = arith.constant 0 : i32
      %dma_wait3A_417 = tpu.memref_slice %arg3[%dma_wait3A_415, %dma_wait3A_416] : memref<2000000x32xf32, #tpu.memory_space<hbm>> -> memref<2000000x32xf32, #tpu.memory_space<hbm>>
      tpu.wait_indirect_dma semaphore(%arg9 : memref<!tpu.dma_semaphore, #tpu.memory_space<semaphore_mem>>) src(%dma_wait3A_417 : memref<2000000x32xf32, #tpu.memory_space<hbm>>) dst(%dma_wait3A_411 : memref<128x32xf32, #tpu.memory_space<vmem>>)
      %dma_wait3A_418 = arith.constant 0 : i32
      %dma_wait3A_419 = arith.constant 0 : i32
      %dma_wait3A_420 = arith.constant 1 : i32
      %dma_wait3A_421 = arith.constant 1 : i32
      %dma_wait3A_422 = arith.constant 0 : i32
      %dma_wait3A_423 = arith.constant 0 : i32
      %dma_wait3A_424 = tpu.memref_slice %arg6[%dma_wait3A_420, %dma_wait3A_421, %dma_wait3A_422, %dma_wait3A_423] : memref<2x4x256x32xf32, #tpu.memory_space<vmem>> -> memref<1x1x128x32xf32, #tpu.memory_space<vmem>>
      %dma_wait3A_425 = tpu.memref_squeeze %dma_wait3A_424 : memref<1x1x128x32xf32, #tpu.memory_space<vmem>> -> memref<128x32xf32, #tpu.memory_space<vmem>>
      %dma_wait3A_426 = arith.constant 0 : i32
      %dma_wait3A_427 = tpu.memref_slice %arg5[%dma_wait3A_418, %dma_wait3A_419, %dma_wait3A_426] : memref<200x2x128xi32, #tpu.memory_space<vmem>> -> memref<1x1x128xi32, #tpu.memory_space<vmem>>
      %dma_wait3A_428 = tpu.memref_squeeze %dma_wait3A_427 : memref<1x1x128xi32, #tpu.memory_space<vmem>> -> memref<128xi32, #tpu.memory_space<vmem>>
      %dma_wait3A_429 = arith.constant 0 : i32
      %dma_wait3A_430 = arith.constant 0 : i32
      %dma_wait3A_431 = tpu.memref_slice %arg3[%dma_wait3A_429, %dma_wait3A_430] : memref<2000000x32xf32, #tpu.memory_space<hbm>> -> memref<2000000x32xf32, #tpu.memory_space<hbm>>
      tpu.wait_indirect_dma semaphore(%arg9 : memref<!tpu.dma_semaphore, #tpu.memory_space<semaphore_mem>>) src(%dma_wait3A_431 : memref<2000000x32xf32, #tpu.memory_space<hbm>>) dst(%dma_wait3A_425 : memref<128x32xf32, #tpu.memory_space<vmem>>)
      %dma_wait3A_432 = arith.constant 0 : i32
      %dma_wait3A_433 = arith.constant 0 : i32
      %dma_wait3A_434 = arith.constant 1 : i32
      %dma_wait3A_435 = arith.constant 1 : i32
      %dma_wait3A_436 = arith.constant 128 : i32
      %dma_wait3A_437 = arith.constant 0 : i32
      %dma_wait3A_438 = tpu.memref_slice %arg6[%dma_wait3A_434, %dma_wait3A_435, %dma_wait3A_436, %dma_wait3A_437] : memref<2x4x256x32xf32, #tpu.memory_space<vmem>> -> memref<1x1x128x32xf32, #tpu.memory_space<vmem>>
      %dma_wait3A_439 = tpu.memref_squeeze %dma_wait3A_438 : memref<1x1x128x32xf32, #tpu.memory_space<vmem>> -> memref<128x32xf32, #tpu.memory_space<vmem>>
      %dma_wait3A_440 = arith.constant 0 : i32
      %dma_wait3A_441 = tpu.memref_slice %arg5[%dma_wait3A_432, %dma_wait3A_433, %dma_wait3A_440] : memref<200x2x128xi32, #tpu.memory_space<vmem>> -> memref<1x1x128xi32, #tpu.memory_space<vmem>>
      %dma_wait3A_442 = tpu.memref_squeeze %dma_wait3A_441 : memref<1x1x128xi32, #tpu.memory_space<vmem>> -> memref<128xi32, #tpu.memory_space<vmem>>
      %dma_wait3A_443 = arith.constant 0 : i32
      %dma_wait3A_444 = arith.constant 0 : i32
      %dma_wait3A_445 = tpu.memref_slice %arg3[%dma_wait3A_443, %dma_wait3A_444] : memref<2000000x32xf32, #tpu.memory_space<hbm>> -> memref<2000000x32xf32, #tpu.memory_space<hbm>>
      tpu.wait_indirect_dma semaphore(%arg9 : memref<!tpu.dma_semaphore, #tpu.memory_space<semaphore_mem>>) src(%dma_wait3A_445 : memref<2000000x32xf32, #tpu.memory_space<hbm>>) dst(%dma_wait3A_439 : memref<128x32xf32, #tpu.memory_space<vmem>>)
      %dma_wait3A_446 = arith.constant 0 : i32
      %dma_wait3A_447 = arith.constant 0 : i32
      %dma_wait3A_448 = arith.constant 1 : i32
      %dma_wait3A_449 = arith.constant 2 : i32
      %dma_wait3A_450 = arith.constant 0 : i32
      %dma_wait3A_451 = arith.constant 0 : i32
      %dma_wait3A_452 = tpu.memref_slice %arg6[%dma_wait3A_448, %dma_wait3A_449, %dma_wait3A_450, %dma_wait3A_451] : memref<2x4x256x32xf32, #tpu.memory_space<vmem>> -> memref<1x1x128x32xf32, #tpu.memory_space<vmem>>
      %dma_wait3A_453 = tpu.memref_squeeze %dma_wait3A_452 : memref<1x1x128x32xf32, #tpu.memory_space<vmem>> -> memref<128x32xf32, #tpu.memory_space<vmem>>
      %dma_wait3A_454 = arith.constant 0 : i32
      %dma_wait3A_455 = tpu.memref_slice %arg5[%dma_wait3A_446, %dma_wait3A_447, %dma_wait3A_454] : memref<200x2x128xi32, #tpu.memory_space<vmem>> -> memref<1x1x128xi32, #tpu.memory_space<vmem>>
      %dma_wait3A_456 = tpu.memref_squeeze %dma_wait3A_455 : memref<1x1x128xi32, #tpu.memory_space<vmem>> -> memref<128xi32, #tpu.memory_space<vmem>>
      %dma_wait3A_457 = arith.constant 0 : i32
      %dma_wait3A_458 = arith.constant 0 : i32
      %dma_wait3A_459 = tpu.memref_slice %arg3[%dma_wait3A_457, %dma_wait3A_458] : memref<2000000x32xf32, #tpu.memory_space<hbm>> -> memref<2000000x32xf32, #tpu.memory_space<hbm>>
      tpu.wait_indirect_dma semaphore(%arg9 : memref<!tpu.dma_semaphore, #tpu.memory_space<semaphore_mem>>) src(%dma_wait3A_459 : memref<2000000x32xf32, #tpu.memory_space<hbm>>) dst(%dma_wait3A_453 : memref<128x32xf32, #tpu.memory_space<vmem>>)
      %dma_wait3A_460 = arith.constant 0 : i32
      %dma_wait3A_461 = arith.constant 0 : i32
      %dma_wait3A_462 = arith.constant 1 : i32
      %dma_wait3A_463 = arith.constant 2 : i32
      %dma_wait3A_464 = arith.constant 128 : i32
      %dma_wait3A_465 = arith.constant 0 : i32
      %dma_wait3A_466 = tpu.memref_slice %arg6[%dma_wait3A_462, %dma_wait3A_463, %dma_wait3A_464, %dma_wait3A_465] : memref<2x4x256x32xf32, #tpu.memory_space<vmem>> -> memref<1x1x128x32xf32, #tpu.memory_space<vmem>>
      %dma_wait3A_467 = tpu.memref_squeeze %dma_wait3A_466 : memref<1x1x128x32xf32, #tpu.memory_space<vmem>> -> memref<128x32xf32, #tpu.memory_space<vmem>>
      %dma_wait3A_468 = arith.constant 0 : i32
      %dma_wait3A_469 = tpu.memref_slice %arg5[%dma_wait3A_460, %dma_wait3A_461, %dma_wait3A_468] : memref<200x2x128xi32, #tpu.memory_space<vmem>> -> memref<1x1x128xi32, #tpu.memory_space<vmem>>
      %dma_wait3A_470 = tpu.memref_squeeze %dma_wait3A_469 : memref<1x1x128xi32, #tpu.memory_space<vmem>> -> memref<128xi32, #tpu.memory_space<vmem>>
      %dma_wait3A_471 = arith.constant 0 : i32
      %dma_wait3A_472 = arith.constant 0 : i32
      %dma_wait3A_473 = tpu.memref_slice %arg3[%dma_wait3A_471, %dma_wait3A_472] : memref<2000000x32xf32, #tpu.memory_space<hbm>> -> memref<2000000x32xf32, #tpu.memory_space<hbm>>
      tpu.wait_indirect_dma semaphore(%arg9 : memref<!tpu.dma_semaphore, #tpu.memory_space<semaphore_mem>>) src(%dma_wait3A_473 : memref<2000000x32xf32, #tpu.memory_space<hbm>>) dst(%dma_wait3A_467 : memref<128x32xf32, #tpu.memory_space<vmem>>)
      %dma_wait3A_474 = arith.constant 0 : i32
      %dma_wait3A_475 = arith.constant 0 : i32
      %dma_wait3A_476 = arith.constant 1 : i32
      %dma_wait3A_477 = arith.constant 3 : i32
      %dma_wait3A_478 = arith.constant 0 : i32
      %dma_wait3A_479 = arith.constant 0 : i32
      %dma_wait3A_480 = tpu.memref_slice %arg6[%dma_wait3A_476, %dma_wait3A_477, %dma_wait3A_478, %dma_wait3A_479] : memref<2x4x256x32xf32, #tpu.memory_space<vmem>> -> memref<1x1x128x32xf32, #tpu.memory_space<vmem>>
      %dma_wait3A_481 = tpu.memref_squeeze %dma_wait3A_480 : memref<1x1x128x32xf32, #tpu.memory_space<vmem>> -> memref<128x32xf32, #tpu.memory_space<vmem>>
      %dma_wait3A_482 = arith.constant 0 : i32
      %dma_wait3A_483 = tpu.memref_slice %arg5[%dma_wait3A_474, %dma_wait3A_475, %dma_wait3A_482] : memref<200x2x128xi32, #tpu.memory_space<vmem>> -> memref<1x1x128xi32, #tpu.memory_space<vmem>>
      %dma_wait3A_484 = tpu.memref_squeeze %dma_wait3A_483 : memref<1x1x128xi32, #tpu.memory_space<vmem>> -> memref<128xi32, #tpu.memory_space<vmem>>
      %dma_wait3A_485 = arith.constant 0 : i32
      %dma_wait3A_486 = arith.constant 0 : i32
      %dma_wait3A_487 = tpu.memref_slice %arg3[%dma_wait3A_485, %dma_wait3A_486] : memref<2000000x32xf32, #tpu.memory_space<hbm>> -> memref<2000000x32xf32, #tpu.memory_space<hbm>>
      tpu.wait_indirect_dma semaphore(%arg9 : memref<!tpu.dma_semaphore, #tpu.memory_space<semaphore_mem>>) src(%dma_wait3A_487 : memref<2000000x32xf32, #tpu.memory_space<hbm>>) dst(%dma_wait3A_481 : memref<128x32xf32, #tpu.memory_space<vmem>>)
      %dma_wait3A_488 = arith.constant 0 : i32
      %dma_wait3A_489 = arith.constant 0 : i32
      %dma_wait3A_490 = arith.constant 1 : i32
      %dma_wait3A_491 = arith.constant 3 : i32
      %dma_wait3A_492 = arith.constant 128 : i32
      %dma_wait3A_493 = arith.constant 0 : i32
      %dma_wait3A_494 = tpu.memref_slice %arg6[%dma_wait3A_490, %dma_wait3A_491, %dma_wait3A_492, %dma_wait3A_493] : memref<2x4x256x32xf32, #tpu.memory_space<vmem>> -> memref<1x1x128x32xf32, #tpu.memory_space<vmem>>
      %dma_wait3A_495 = tpu.memref_squeeze %dma_wait3A_494 : memref<1x1x128x32xf32, #tpu.memory_space<vmem>> -> memref<128x32xf32, #tpu.memory_space<vmem>>
      %dma_wait3A_496 = arith.constant 0 : i32
      %dma_wait3A_497 = tpu.memref_slice %arg5[%dma_wait3A_488, %dma_wait3A_489, %dma_wait3A_496] : memref<200x2x128xi32, #tpu.memory_space<vmem>> -> memref<1x1x128xi32, #tpu.memory_space<vmem>>
      %dma_wait3A_498 = tpu.memref_squeeze %dma_wait3A_497 : memref<1x1x128xi32, #tpu.memory_space<vmem>> -> memref<128xi32, #tpu.memory_space<vmem>>
      %dma_wait3A_499 = arith.constant 0 : i32
      %dma_wait3A_500 = arith.constant 0 : i32
      %dma_wait3A_501 = tpu.memref_slice %arg3[%dma_wait3A_499, %dma_wait3A_500] : memref<2000000x32xf32, #tpu.memory_space<hbm>> -> memref<2000000x32xf32, #tpu.memory_space<hbm>>
      tpu.wait_indirect_dma semaphore(%arg9 : memref<!tpu.dma_semaphore, #tpu.memory_space<semaphore_mem>>) src(%dma_wait3A_501 : memref<2000000x32xf32, #tpu.memory_space<hbm>>) dst(%dma_wait3A_495 : memref<128x32xf32, #tpu.memory_space<vmem>>)
      %scan3A_502 = arith.constant 0 : i32
      %scan3A_503 = arith.constant 0 : i32
      %scan3A_504 = arith.constant 32 : i32
      %scan3A_505 = arith.addi %scan3A_503, %scan3A_504 : i32
      %scan3A_506 = arith.constant 1 : i32
      scf.for %scan3A_526 = %scan3A_503 to %scan3A_505 step %scan3A_506  : i32 {
        %mul3A_527 = arith.constant 4 : i32
        %mul3A_528 = arith.muli %scan3A_526, %mul3A_527 : i32
        %add3A_529 = arith.constant 0 : i32
        %add3A_530 = arith.addi %mul3A_528, %add3A_529 : i32
        %mul3A_531 = arith.constant 2 : i32
        %mul3A_532 = arith.muli %mul3A_531, %add3A_530 : i32
        %add3A_533 = arith.constant 0 : i32
        %add3A_534 = arith.addi %mul3A_532, %add3A_533 : i32
        %get3A = arith.constant 1 : i32
        %get3A_535 = arith.constant 0 : i32
        %get3A_536 = arith.index_cast %get3A : i32 to index
        %get3A_537 = arith.index_cast %get3A_535 : i32 to index
        %get3A_538 = arith.index_cast %add3A_534 : i32 to index
        %get3A_539 = arith.constant 0 : index
        %get3A_540 = tpu.vector_load %arg6[%get3A_536, %get3A_537, %get3A_538, %get3A_539] {strides = array<i32>} : memref<2x4x256x32xf32, #tpu.memory_space<vmem>>, vector<1x1x1x16xf32>,
        %get3A_541 = vector.shape_cast %get3A_540 : vector<1x1x1x16xf32> to vector<16xf32>
        %swap3A = arith.index_cast %add3A_530 : i32 to index
        %swap3A_542 = arith.constant 0 : index
        %swap3A_543 = tpu.vector_load %arg7[%swap3A, %swap3A_542] {strides = array<i32>} : memref<128x64xf32, #tpu.memory_space<vmem>>, vector<1x16xf32>,
        %swap3A_544 = vector.shape_cast %swap3A_543 : vector<1x16xf32> to vector<16xf32>
        %swap3A_545 = vector.shape_cast %get3A_541 : vector<16xf32> to vector<1x16xf32>
        tpu.vector_store %arg7[%swap3A, %swap3A_542], %swap3A_545 {add = true, strides = array<i32>} : memref<128x64xf32, #tpu.memory_space<vmem>>, vector<1x16xf32>,
        %mul3A_546 = arith.constant 2 : i32
        %mul3A_547 = arith.muli %mul3A_546, %add3A_530 : i32
        %add3A_548 = arith.constant 0 : i32
        %add3A_549 = arith.addi %mul3A_547, %add3A_548 : i32
        %get3A_550 = arith.constant 1 : i32
        %get3A_551 = arith.constant 0 : i32
        %get3A_552 = arith.index_cast %get3A_550 : i32 to index
        %get3A_553 = arith.index_cast %get3A_551 : i32 to index
        %get3A_554 = arith.index_cast %add3A_549 : i32 to index
        %get3A_555 = arith.constant 16 : index
        %get3A_556 = tpu.vector_load %arg6[%get3A_552, %get3A_553, %get3A_554, %get3A_555] {strides = array<i32>} : memref<2x4x256x32xf32, #tpu.memory_space<vmem>>, vector<1x1x1x16xf32>,
        %get3A_557 = vector.shape_cast %get3A_556 : vector<1x1x1x16xf32> to vector<16xf32>
        %swap3A_558 = arith.index_cast %add3A_530 : i32 to index
        %swap3A_559 = arith.constant 16 : index
        %swap3A_560 = tpu.vector_load %arg7[%swap3A_558, %swap3A_559] {strides = array<i32>} : memref<128x64xf32, #tpu.memory_space<vmem>>, vector<1x16xf32>,
        %swap3A_561 = vector.shape_cast %swap3A_560 : vector<1x16xf32> to vector<16xf32>
        %swap3A_562 = vector.shape_cast %get3A_557 : vector<16xf32> to vector<1x16xf32>
        tpu.vector_store %arg7[%swap3A_558, %swap3A_559], %swap3A_562 {add = true, strides = array<i32>} : memref<128x64xf32, #tpu.memory_space<vmem>>, vector<1x16xf32>,
        %mul3A_563 = arith.constant 2 : i32
        %mul3A_564 = arith.muli %mul3A_563, %add3A_530 : i32
        %add3A_565 = arith.constant 1 : i32
        %add3A_566 = arith.addi %mul3A_564, %add3A_565 : i32
        %get3A_567 = arith.constant 1 : i32
        %get3A_568 = arith.constant 0 : i32
        %get3A_569 = arith.index_cast %get3A_567 : i32 to index
        %get3A_570 = arith.index_cast %get3A_568 : i32 to index
        %get3A_571 = arith.index_cast %add3A_566 : i32 to index
        %get3A_572 = arith.constant 0 : index
        %get3A_573 = tpu.vector_load %arg6[%get3A_569, %get3A_570, %get3A_571, %get3A_572] {strides = array<i32>} : memref<2x4x256x32xf32, #tpu.memory_space<vmem>>, vector<1x1x1x16xf32>,
        %get3A_574 = vector.shape_cast %get3A_573 : vector<1x1x1x16xf32> to vector<16xf32>
        %swap3A_575 = arith.index_cast %add3A_530 : i32 to index
        %swap3A_576 = arith.constant 32 : index
        %swap3A_577 = tpu.vector_load %arg7[%swap3A_575, %swap3A_576] {strides = array<i32>} : memref<128x64xf32, #tpu.memory_space<vmem>>, vector<1x16xf32>,
        %swap3A_578 = vector.shape_cast %swap3A_577 : vector<1x16xf32> to vector<16xf32>
        %swap3A_579 = vector.shape_cast %get3A_574 : vector<16xf32> to vector<1x16xf32>
        tpu.vector_store %arg7[%swap3A_575, %swap3A_576], %swap3A_579 {add = true, strides = array<i32>} : memref<128x64xf32, #tpu.memory_space<vmem>>, vector<1x16xf32>,
        %mul3A_580 = arith.constant 2 : i32
        %mul3A_581 = arith.muli %mul3A_580, %add3A_530 : i32
        %add3A_582 = arith.constant 1 : i32
        %add3A_583 = arith.addi %mul3A_581, %add3A_582 : i32
        %get3A_584 = arith.constant 1 : i32
        %get3A_585 = arith.constant 0 : i32
        %get3A_586 = arith.index_cast %get3A_584 : i32 to index
        %get3A_587 = arith.index_cast %get3A_585 : i32 to index
        %get3A_588 = arith.index_cast %add3A_583 : i32 to index
        %get3A_589 = arith.constant 16 : index
        %get3A_590 = tpu.vector_load %arg6[%get3A_586, %get3A_587, %get3A_588, %get3A_589] {strides = array<i32>} : memref<2x4x256x32xf32, #tpu.memory_space<vmem>>, vector<1x1x1x16xf32>,
        %get3A_591 = vector.shape_cast %get3A_590 : vector<1x1x1x16xf32> to vector<16xf32>
        %swap3A_592 = arith.index_cast %add3A_530 : i32 to index
        %swap3A_593 = arith.constant 48 : index
        %swap3A_594 = tpu.vector_load %arg7[%swap3A_592, %swap3A_593] {strides = array<i32>} : memref<128x64xf32, #tpu.memory_space<vmem>>, vector<1x16xf32>,
        %swap3A_595 = vector.shape_cast %swap3A_594 : vector<1x16xf32> to vector<16xf32>
        %swap3A_596 = vector.shape_cast %get3A_591 : vector<16xf32> to vector<1x16xf32>
        tpu.vector_store %arg7[%swap3A_592, %swap3A_593], %swap3A_596 {add = true, strides = array<i32>} : memref<128x64xf32, #tpu.memory_space<vmem>>, vector<1x16xf32>,
        %mul3A_597 = arith.constant 4 : i32
        %mul3A_598 = arith.muli %scan3A_526, %mul3A_597 : i32
        %add3A_599 = arith.constant 1 : i32
        %add3A_600 = arith.addi %mul3A_598, %add3A_599 : i32
        %mul3A_601 = arith.constant 2 : i32
        %mul3A_602 = arith.muli %mul3A_601, %add3A_600 : i32
        %add3A_603 = arith.constant 0 : i32
        %add3A_604 = arith.addi %mul3A_602, %add3A_603 : i32
        %get3A_605 = arith.constant 1 : i32
        %get3A_606 = arith.constant 0 : i32
        %get3A_607 = arith.index_cast %get3A_605 : i32 to index
        %get3A_608 = arith.index_cast %get3A_606 : i32 to index
        %get3A_609 = arith.index_cast %add3A_604 : i32 to index
        %get3A_610 = arith.constant 0 : index
        %get3A_611 = tpu.vector_load %arg6[%get3A_607, %get3A_608, %get3A_609, %get3A_610] {strides = array<i32>} : memref<2x4x256x32xf32, #tpu.memory_space<vmem>>, vector<1x1x1x16xf32>,
        %get3A_612 = vector.shape_cast %get3A_611 : vector<1x1x1x16xf32> to vector<16xf32>
        %swap3A_613 = arith.index_cast %add3A_600 : i32 to index
        %swap3A_614 = arith.constant 0 : index
        %swap3A_615 = tpu.vector_load %arg7[%swap3A_613, %swap3A_614] {strides = array<i32>} : memref<128x64xf32, #tpu.memory_space<vmem>>, vector<1x16xf32>,
        %swap3A_616 = vector.shape_cast %swap3A_615 : vector<1x16xf32> to vector<16xf32>
        %swap3A_617 = vector.shape_cast %get3A_612 : vector<16xf32> to vector<1x16xf32>
        tpu.vector_store %arg7[%swap3A_613, %swap3A_614], %swap3A_617 {add = true, strides = array<i32>} : memref<128x64xf32, #tpu.memory_space<vmem>>, vector<1x16xf32>,
        %mul3A_618 = arith.constant 2 : i32
        %mul3A_619 = arith.muli %mul3A_618, %add3A_600 : i32
        %add3A_620 = arith.constant 0 : i32
        %add3A_621 = arith.addi %mul3A_619, %add3A_620 : i32
        %get3A_622 = arith.constant 1 : i32
        %get3A_623 = arith.constant 0 : i32
        %get3A_624 = arith.index_cast %get3A_622 : i32 to index
        %get3A_625 = arith.index_cast %get3A_623 : i32 to index
        %get3A_626 = arith.index_cast %add3A_621 : i32 to index
        %get3A_627 = arith.constant 16 : index
        %get3A_628 = tpu.vector_load %arg6[%get3A_624, %get3A_625, %get3A_626, %get3A_627] {strides = array<i32>} : memref<2x4x256x32xf32, #tpu.memory_space<vmem>>, vector<1x1x1x16xf32>,
        %get3A_629 = vector.shape_cast %get3A_628 : vector<1x1x1x16xf32> to vector<16xf32>
        %swap3A_630 = arith.index_cast %add3A_600 : i32 to index
        %swap3A_631 = arith.constant 16 : index
        %swap3A_632 = tpu.vector_load %arg7[%swap3A_630, %swap3A_631] {strides = array<i32>} : memref<128x64xf32, #tpu.memory_space<vmem>>, vector<1x16xf32>,
        %swap3A_633 = vector.shape_cast %swap3A_632 : vector<1x16xf32> to vector<16xf32>
        %swap3A_634 = vector.shape_cast %get3A_629 : vector<16xf32> to vector<1x16xf32>
        tpu.vector_store %arg7[%swap3A_630, %swap3A_631], %swap3A_634 {add = true, strides = array<i32>} : memref<128x64xf32, #tpu.memory_space<vmem>>, vector<1x16xf32>,
        %mul3A_635 = arith.constant 2 : i32
        %mul3A_636 = arith.muli %mul3A_635, %add3A_600 : i32
        %add3A_637 = arith.constant 1 : i32
        %add3A_638 = arith.addi %mul3A_636, %add3A_637 : i32
        %get3A_639 = arith.constant 1 : i32
        %get3A_640 = arith.constant 0 : i32
        %get3A_641 = arith.index_cast %get3A_639 : i32 to index
        %get3A_642 = arith.index_cast %get3A_640 : i32 to index
        %get3A_643 = arith.index_cast %add3A_638 : i32 to index
        %get3A_644 = arith.constant 0 : index
        %get3A_645 = tpu.vector_load %arg6[%get3A_641, %get3A_642, %get3A_643, %get3A_644] {strides = array<i32>} : memref<2x4x256x32xf32, #tpu.memory_space<vmem>>, vector<1x1x1x16xf32>,
        %get3A_646 = vector.shape_cast %get3A_645 : vector<1x1x1x16xf32> to vector<16xf32>
        %swap3A_647 = arith.index_cast %add3A_600 : i32 to index
        %swap3A_648 = arith.constant 32 : index
        %swap3A_649 = tpu.vector_load %arg7[%swap3A_647, %swap3A_648] {strides = array<i32>} : memref<128x64xf32, #tpu.memory_space<vmem>>, vector<1x16xf32>,
        %swap3A_650 = vector.shape_cast %swap3A_649 : vector<1x16xf32> to vector<16xf32>
        %swap3A_651 = vector.shape_cast %get3A_646 : vector<16xf32> to vector<1x16xf32>
        tpu.vector_store %arg7[%swap3A_647, %swap3A_648], %swap3A_651 {add = true, strides = array<i32>} : memref<128x64xf32, #tpu.memory_space<vmem>>, vector<1x16xf32>,
        %mul3A_652 = arith.constant 2 : i32
        %mul3A_653 = arith.muli %mul3A_652, %add3A_600 : i32
        %add3A_654 = arith.constant 1 : i32
        %add3A_655 = arith.addi %mul3A_653, %add3A_654 : i32
        %get3A_656 = arith.constant 1 : i32
        %get3A_657 = arith.constant 0 : i32
        %get3A_658 = arith.index_cast %get3A_656 : i32 to index
        %get3A_659 = arith.index_cast %get3A_657 : i32 to index
        %get3A_660 = arith.index_cast %add3A_655 : i32 to index
        %get3A_661 = arith.constant 16 : index
        %get3A_662 = tpu.vector_load %arg6[%get3A_658, %get3A_659, %get3A_660, %get3A_661] {strides = array<i32>} : memref<2x4x256x32xf32, #tpu.memory_space<vmem>>, vector<1x1x1x16xf32>,
        %get3A_663 = vector.shape_cast %get3A_662 : vector<1x1x1x16xf32> to vector<16xf32>
        %swap3A_664 = arith.index_cast %add3A_600 : i32 to index
        %swap3A_665 = arith.constant 48 : index
        %swap3A_666 = tpu.vector_load %arg7[%swap3A_664, %swap3A_665] {strides = array<i32>} : memref<128x64xf32, #tpu.memory_space<vmem>>, vector<1x16xf32>,
        %swap3A_667 = vector.shape_cast %swap3A_666 : vector<1x16xf32> to vector<16xf32>
        %swap3A_668 = vector.shape_cast %get3A_663 : vector<16xf32> to vector<1x16xf32>
        tpu.vector_store %arg7[%swap3A_664, %swap3A_665], %swap3A_668 {add = true, strides = array<i32>} : memref<128x64xf32, #tpu.memory_space<vmem>>, vector<1x16xf32>,
        %mul3A_669 = arith.constant 4 : i32
        %mul3A_670 = arith.muli %scan3A_526, %mul3A_669 : i32
        %add3A_671 = arith.constant 2 : i32
        %add3A_672 = arith.addi %mul3A_670, %add3A_671 : i32
        %mul3A_673 = arith.constant 2 : i32
        %mul3A_674 = arith.muli %mul3A_673, %add3A_672 : i32
        %add3A_675 = arith.constant 0 : i32
        %add3A_676 = arith.addi %mul3A_674, %add3A_675 : i32
        %get3A_677 = arith.constant 1 : i32
        %get3A_678 = arith.constant 0 : i32
        %get3A_679 = arith.index_cast %get3A_677 : i32 to index
        %get3A_680 = arith.index_cast %get3A_678 : i32 to index
        %get3A_681 = arith.index_cast %add3A_676 : i32 to index
        %get3A_682 = arith.constant 0 : index
        %get3A_683 = tpu.vector_load %arg6[%get3A_679, %get3A_680, %get3A_681, %get3A_682] {strides = array<i32>} : memref<2x4x256x32xf32, #tpu.memory_space<vmem>>, vector<1x1x1x16xf32>,
        %get3A_684 = vector.shape_cast %get3A_683 : vector<1x1x1x16xf32> to vector<16xf32>
        %swap3A_685 = arith.index_cast %add3A_672 : i32 to index
        %swap3A_686 = arith.constant 0 : index
        %swap3A_687 = tpu.vector_load %arg7[%swap3A_685, %swap3A_686] {strides = array<i32>} : memref<128x64xf32, #tpu.memory_space<vmem>>, vector<1x16xf32>,
        %swap3A_688 = vector.shape_cast %swap3A_687 : vector<1x16xf32> to vector<16xf32>
        %swap3A_689 = vector.shape_cast %get3A_684 : vector<16xf32> to vector<1x16xf32>
        tpu.vector_store %arg7[%swap3A_685, %swap3A_686], %swap3A_689 {add = true, strides = array<i32>} : memref<128x64xf32, #tpu.memory_space<vmem>>, vector<1x16xf32>,
        %mul3A_690 = arith.constant 2 : i32
        %mul3A_691 = arith.muli %mul3A_690, %add3A_672 : i32
        %add3A_692 = arith.constant 0 : i32
        %add3A_693 = arith.addi %mul3A_691, %add3A_692 : i32
        %get3A_694 = arith.constant 1 : i32
        %get3A_695 = arith.constant 0 : i32
        %get3A_696 = arith.index_cast %get3A_694 : i32 to index
        %get3A_697 = arith.index_cast %get3A_695 : i32 to index
        %get3A_698 = arith.index_cast %add3A_693 : i32 to index
        %get3A_699 = arith.constant 16 : index
        %get3A_700 = tpu.vector_load %arg6[%get3A_696, %get3A_697, %get3A_698, %get3A_699] {strides = array<i32>} : memref<2x4x256x32xf32, #tpu.memory_space<vmem>>, vector<1x1x1x16xf32>,
        %get3A_701 = vector.shape_cast %get3A_700 : vector<1x1x1x16xf32> to vector<16xf32>
        %swap3A_702 = arith.index_cast %add3A_672 : i32 to index
        %swap3A_703 = arith.constant 16 : index
        %swap3A_704 = tpu.vector_load %arg7[%swap3A_702, %swap3A_703] {strides = array<i32>} : memref<128x64xf32, #tpu.memory_space<vmem>>, vector<1x16xf32>,
        %swap3A_705 = vector.shape_cast %swap3A_704 : vector<1x16xf32> to vector<16xf32>
        %swap3A_706 = vector.shape_cast %get3A_701 : vector<16xf32> to vector<1x16xf32>
        tpu.vector_store %arg7[%swap3A_702, %swap3A_703], %swap3A_706 {add = true, strides = array<i32>} : memref<128x64xf32, #tpu.memory_space<vmem>>, vector<1x16xf32>,
        %mul3A_707 = arith.constant 2 : i32
        %mul3A_708 = arith.muli %mul3A_707, %add3A_672 : i32
        %add3A_709 = arith.constant 1 : i32
        %add3A_710 = arith.addi %mul3A_708, %add3A_709 : i32
        %get3A_711 = arith.constant 1 : i32
        %get3A_712 = arith.constant 0 : i32
        %get3A_713 = arith.index_cast %get3A_711 : i32 to index
        %get3A_714 = arith.index_cast %get3A_712 : i32 to index
        %get3A_715 = arith.index_cast %add3A_710 : i32 to index
        %get3A_716 = arith.constant 0 : index
        %get3A_717 = tpu.vector_load %arg6[%get3A_713, %get3A_714, %get3A_715, %get3A_716] {strides = array<i32>} : memref<2x4x256x32xf32, #tpu.memory_space<vmem>>, vector<1x1x1x16xf32>,
        %get3A_718 = vector.shape_cast %get3A_717 : vector<1x1x1x16xf32> to vector<16xf32>
        %swap3A_719 = arith.index_cast %add3A_672 : i32 to index
        %swap3A_720 = arith.constant 32 : index
        %swap3A_721 = tpu.vector_load %arg7[%swap3A_719, %swap3A_720] {strides = array<i32>} : memref<128x64xf32, #tpu.memory_space<vmem>>, vector<1x16xf32>,
        %swap3A_722 = vector.shape_cast %swap3A_721 : vector<1x16xf32> to vector<16xf32>
        %swap3A_723 = vector.shape_cast %get3A_718 : vector<16xf32> to vector<1x16xf32>
        tpu.vector_store %arg7[%swap3A_719, %swap3A_720], %swap3A_723 {add = true, strides = array<i32>} : memref<128x64xf32, #tpu.memory_space<vmem>>, vector<1x16xf32>,
        %mul3A_724 = arith.constant 2 : i32
        %mul3A_725 = arith.muli %mul3A_724, %add3A_672 : i32
        %add3A_726 = arith.constant 1 : i32
        %add3A_727 = arith.addi %mul3A_725, %add3A_726 : i32
        %get3A_728 = arith.constant 1 : i32
        %get3A_729 = arith.constant 0 : i32
        %get3A_730 = arith.index_cast %get3A_728 : i32 to index
        %get3A_731 = arith.index_cast %get3A_729 : i32 to index
        %get3A_732 = arith.index_cast %add3A_727 : i32 to index
        %get3A_733 = arith.constant 16 : index
        %get3A_734 = tpu.vector_load %arg6[%get3A_730, %get3A_731, %get3A_732, %get3A_733] {strides = array<i32>} : memref<2x4x256x32xf32, #tpu.memory_space<vmem>>, vector<1x1x1x16xf32>,
        %get3A_735 = vector.shape_cast %get3A_734 : vector<1x1x1x16xf32> to vector<16xf32>
        %swap3A_736 = arith.index_cast %add3A_672 : i32 to index
        %swap3A_737 = arith.constant 48 : index
        %swap3A_738 = tpu.vector_load %arg7[%swap3A_736, %swap3A_737] {strides = array<i32>} : memref<128x64xf32, #tpu.memory_space<vmem>>, vector<1x16xf32>,
        %swap3A_739 = vector.shape_cast %swap3A_738 : vector<1x16xf32> to vector<16xf32>
        %swap3A_740 = vector.shape_cast %get3A_735 : vector<16xf32> to vector<1x16xf32>
        tpu.vector_store %arg7[%swap3A_736, %swap3A_737], %swap3A_740 {add = true, strides = array<i32>} : memref<128x64xf32, #tpu.memory_space<vmem>>, vector<1x16xf32>,
        %mul3A_741 = arith.constant 4 : i32
        %mul3A_742 = arith.muli %scan3A_526, %mul3A_741 : i32
        %add3A_743 = arith.constant 3 : i32
        %add3A_744 = arith.addi %mul3A_742, %add3A_743 : i32
        %mul3A_745 = arith.constant 2 : i32
        %mul3A_746 = arith.muli %mul3A_745, %add3A_744 : i32
        %add3A_747 = arith.constant 0 : i32
        %add3A_748 = arith.addi %mul3A_746, %add3A_747 : i32
        %get3A_749 = arith.constant 1 : i32
        %get3A_750 = arith.constant 0 : i32
        %get3A_751 = arith.index_cast %get3A_749 : i32 to index
        %get3A_752 = arith.index_cast %get3A_750 : i32 to index
        %get3A_753 = arith.index_cast %add3A_748 : i32 to index
        %get3A_754 = arith.constant 0 : index
        %get3A_755 = tpu.vector_load %arg6[%get3A_751, %get3A_752, %get3A_753, %get3A_754] {strides = array<i32>} : memref<2x4x256x32xf32, #tpu.memory_space<vmem>>, vector<1x1x1x16xf32>,
        %get3A_756 = vector.shape_cast %get3A_755 : vector<1x1x1x16xf32> to vector<16xf32>
        %swap3A_757 = arith.index_cast %add3A_744 : i32 to index
        %swap3A_758 = arith.constant 0 : index
        %swap3A_759 = tpu.vector_load %arg7[%swap3A_757, %swap3A_758] {strides = array<i32>} : memref<128x64xf32, #tpu.memory_space<vmem>>, vector<1x16xf32>,
        %swap3A_760 = vector.shape_cast %swap3A_759 : vector<1x16xf32> to vector<16xf32>
        %swap3A_761 = vector.shape_cast %get3A_756 : vector<16xf32> to vector<1x16xf32>
        tpu.vector_store %arg7[%swap3A_757, %swap3A_758], %swap3A_761 {add = true, strides = array<i32>} : memref<128x64xf32, #tpu.memory_space<vmem>>, vector<1x16xf32>,
        %mul3A_762 = arith.constant 2 : i32
        %mul3A_763 = arith.muli %mul3A_762, %add3A_744 : i32
        %add3A_764 = arith.constant 0 : i32
        %add3A_765 = arith.addi %mul3A_763, %add3A_764 : i32
        %get3A_766 = arith.constant 1 : i32
        %get3A_767 = arith.constant 0 : i32
        %get3A_768 = arith.index_cast %get3A_766 : i32 to index
        %get3A_769 = arith.index_cast %get3A_767 : i32 to index
        %get3A_770 = arith.index_cast %add3A_765 : i32 to index
        %get3A_771 = arith.constant 16 : index
        %get3A_772 = tpu.vector_load %arg6[%get3A_768, %get3A_769, %get3A_770, %get3A_771] {strides = array<i32>} : memref<2x4x256x32xf32, #tpu.memory_space<vmem>>, vector<1x1x1x16xf32>,
        %get3A_773 = vector.shape_cast %get3A_772 : vector<1x1x1x16xf32> to vector<16xf32>
        %swap3A_774 = arith.index_cast %add3A_744 : i32 to index
        %swap3A_775 = arith.constant 16 : index
        %swap3A_776 = tpu.vector_load %arg7[%swap3A_774, %swap3A_775] {strides = array<i32>} : memref<128x64xf32, #tpu.memory_space<vmem>>, vector<1x16xf32>,
        %swap3A_777 = vector.shape_cast %swap3A_776 : vector<1x16xf32> to vector<16xf32>
        %swap3A_778 = vector.shape_cast %get3A_773 : vector<16xf32> to vector<1x16xf32>
        tpu.vector_store %arg7[%swap3A_774, %swap3A_775], %swap3A_778 {add = true, strides = array<i32>} : memref<128x64xf32, #tpu.memory_space<vmem>>, vector<1x16xf32>,
        %mul3A_779 = arith.constant 2 : i32
        %mul3A_780 = arith.muli %mul3A_779, %add3A_744 : i32
        %add3A_781 = arith.constant 1 : i32
        %add3A_782 = arith.addi %mul3A_780, %add3A_781 : i32
        %get3A_783 = arith.constant 1 : i32
        %get3A_784 = arith.constant 0 : i32
        %get3A_785 = arith.index_cast %get3A_783 : i32 to index
        %get3A_786 = arith.index_cast %get3A_784 : i32 to index
        %get3A_787 = arith.index_cast %add3A_782 : i32 to index
        %get3A_788 = arith.constant 0 : index
        %get3A_789 = tpu.vector_load %arg6[%get3A_785, %get3A_786, %get3A_787, %get3A_788] {strides = array<i32>} : memref<2x4x256x32xf32, #tpu.memory_space<vmem>>, vector<1x1x1x16xf32>,
        %get3A_790 = vector.shape_cast %get3A_789 : vector<1x1x1x16xf32> to vector<16xf32>
        %swap3A_791 = arith.index_cast %add3A_744 : i32 to index
        %swap3A_792 = arith.constant 32 : index
        %swap3A_793 = tpu.vector_load %arg7[%swap3A_791, %swap3A_792] {strides = array<i32>} : memref<128x64xf32, #tpu.memory_space<vmem>>, vector<1x16xf32>,
        %swap3A_794 = vector.shape_cast %swap3A_793 : vector<1x16xf32> to vector<16xf32>
        %swap3A_795 = vector.shape_cast %get3A_790 : vector<16xf32> to vector<1x16xf32>
        tpu.vector_store %arg7[%swap3A_791, %swap3A_792], %swap3A_795 {add = true, strides = array<i32>} : memref<128x64xf32, #tpu.memory_space<vmem>>, vector<1x16xf32>,
        %mul3A_796 = arith.constant 2 : i32
        %mul3A_797 = arith.muli %mul3A_796, %add3A_744 : i32
        %add3A_798 = arith.constant 1 : i32
        %add3A_799 = arith.addi %mul3A_797, %add3A_798 : i32
        %get3A_800 = arith.constant 1 : i32
        %get3A_801 = arith.constant 0 : i32
        %get3A_802 = arith.index_cast %get3A_800 : i32 to index
        %get3A_803 = arith.index_cast %get3A_801 : i32 to index
        %get3A_804 = arith.index_cast %add3A_799 : i32 to index
        %get3A_805 = arith.constant 16 : index
        %get3A_806 = tpu.vector_load %arg6[%get3A_802, %get3A_803, %get3A_804, %get3A_805] {strides = array<i32>} : memref<2x4x256x32xf32, #tpu.memory_space<vmem>>, vector<1x1x1x16xf32>,
        %get3A_807 = vector.shape_cast %get3A_806 : vector<1x1x1x16xf32> to vector<16xf32>
        %swap3A_808 = arith.index_cast %add3A_744 : i32 to index
        %swap3A_809 = arith.constant 48 : index
        %swap3A_810 = tpu.vector_load %arg7[%swap3A_808, %swap3A_809] {strides = array<i32>} : memref<128x64xf32, #tpu.memory_space<vmem>>, vector<1x16xf32>,
        %swap3A_811 = vector.shape_cast %swap3A_810 : vector<1x16xf32> to vector<16xf32>
        %swap3A_812 = vector.shape_cast %get3A_807 : vector<16xf32> to vector<1x16xf32>
        tpu.vector_store %arg7[%swap3A_808, %swap3A_809], %swap3A_812 {add = true, strides = array<i32>} : memref<128x64xf32, #tpu.memory_space<vmem>>, vector<1x16xf32>,
      }
      %scan3A_507 = arith.constant 32 : i32
      %scan3A_508 = arith.constant 0 : i32
      %scan3A_509 = arith.constant 0 : i32
      %scan3A_510 = arith.constant 32 : i32
      %scan3A_511 = arith.addi %scan3A_509, %scan3A_510 : i32
      %scan3A_512 = arith.constant 1 : i32
      scf.for %scan3A_526 = %scan3A_509 to %scan3A_511 step %scan3A_512  : i32 {
        %mul3A_527 = arith.constant 4 : i32
        %mul3A_528 = arith.muli %scan3A_526, %mul3A_527 : i32
        %add3A_529 = arith.constant 0 : i32
        %add3A_530 = arith.addi %mul3A_528, %add3A_529 : i32
        %mul3A_531 = arith.constant 2 : i32
        %mul3A_532 = arith.muli %mul3A_531, %add3A_530 : i32
        %add3A_533 = arith.constant 0 : i32
        %add3A_534 = arith.addi %mul3A_532, %add3A_533 : i32
        %get3A = arith.constant 1 : i32
        %get3A_535 = arith.constant 1 : i32
        %get3A_536 = arith.index_cast %get3A : i32 to index
        %get3A_537 = arith.index_cast %get3A_535 : i32 to index
        %get3A_538 = arith.index_cast %add3A_534 : i32 to index
        %get3A_539 = arith.constant 0 : index
        %get3A_540 = tpu.vector_load %arg6[%get3A_536, %get3A_537, %get3A_538, %get3A_539] {strides = array<i32>} : memref<2x4x256x32xf32, #tpu.memory_space<vmem>>, vector<1x1x1x16xf32>,
        %get3A_541 = vector.shape_cast %get3A_540 : vector<1x1x1x16xf32> to vector<16xf32>
        %swap3A = arith.index_cast %add3A_530 : i32 to index
        %swap3A_542 = arith.constant 0 : index
        %swap3A_543 = tpu.vector_load %arg7[%swap3A, %swap3A_542] {strides = array<i32>} : memref<128x64xf32, #tpu.memory_space<vmem>>, vector<1x16xf32>,
        %swap3A_544 = vector.shape_cast %swap3A_543 : vector<1x16xf32> to vector<16xf32>
        %swap3A_545 = vector.shape_cast %get3A_541 : vector<16xf32> to vector<1x16xf32>
        tpu.vector_store %arg7[%swap3A, %swap3A_542], %swap3A_545 {add = true, strides = array<i32>} : memref<128x64xf32, #tpu.memory_space<vmem>>, vector<1x16xf32>,
        %mul3A_546 = arith.constant 2 : i32
        %mul3A_547 = arith.muli %mul3A_546, %add3A_530 : i32
        %add3A_548 = arith.constant 0 : i32
        %add3A_549 = arith.addi %mul3A_547, %add3A_548 : i32
        %get3A_550 = arith.constant 1 : i32
        %get3A_551 = arith.constant 1 : i32
        %get3A_552 = arith.index_cast %get3A_550 : i32 to index
        %get3A_553 = arith.index_cast %get3A_551 : i32 to index
        %get3A_554 = arith.index_cast %add3A_549 : i32 to index
        %get3A_555 = arith.constant 16 : index
        %get3A_556 = tpu.vector_load %arg6[%get3A_552, %get3A_553, %get3A_554, %get3A_555] {strides = array<i32>} : memref<2x4x256x32xf32, #tpu.memory_space<vmem>>, vector<1x1x1x16xf32>,
        %get3A_557 = vector.shape_cast %get3A_556 : vector<1x1x1x16xf32> to vector<16xf32>
        %swap3A_558 = arith.index_cast %add3A_530 : i32 to index
        %swap3A_559 = arith.constant 16 : index
        %swap3A_560 = tpu.vector_load %arg7[%swap3A_558, %swap3A_559] {strides = array<i32>} : memref<128x64xf32, #tpu.memory_space<vmem>>, vector<1x16xf32>,
        %swap3A_561 = vector.shape_cast %swap3A_560 : vector<1x16xf32> to vector<16xf32>
        %swap3A_562 = vector.shape_cast %get3A_557 : vector<16xf32> to vector<1x16xf32>
        tpu.vector_store %arg7[%swap3A_558, %swap3A_559], %swap3A_562 {add = true, strides = array<i32>} : memref<128x64xf32, #tpu.memory_space<vmem>>, vector<1x16xf32>,
        %mul3A_563 = arith.constant 2 : i32
        %mul3A_564 = arith.muli %mul3A_563, %add3A_530 : i32
        %add3A_565 = arith.constant 1 : i32
        %add3A_566 = arith.addi %mul3A_564, %add3A_565 : i32
        %get3A_567 = arith.constant 1 : i32
        %get3A_568 = arith.constant 1 : i32
        %get3A_569 = arith.index_cast %get3A_567 : i32 to index
        %get3A_570 = arith.index_cast %get3A_568 : i32 to index
        %get3A_571 = arith.index_cast %add3A_566 : i32 to index
        %get3A_572 = arith.constant 0 : index
        %get3A_573 = tpu.vector_load %arg6[%get3A_569, %get3A_570, %get3A_571, %get3A_572] {strides = array<i32>} : memref<2x4x256x32xf32, #tpu.memory_space<vmem>>, vector<1x1x1x16xf32>,
        %get3A_574 = vector.shape_cast %get3A_573 : vector<1x1x1x16xf32> to vector<16xf32>
        %swap3A_575 = arith.index_cast %add3A_530 : i32 to index
        %swap3A_576 = arith.constant 32 : index
        %swap3A_577 = tpu.vector_load %arg7[%swap3A_575, %swap3A_576] {strides = array<i32>} : memref<128x64xf32, #tpu.memory_space<vmem>>, vector<1x16xf32>,
        %swap3A_578 = vector.shape_cast %swap3A_577 : vector<1x16xf32> to vector<16xf32>
        %swap3A_579 = vector.shape_cast %get3A_574 : vector<16xf32> to vector<1x16xf32>
        tpu.vector_store %arg7[%swap3A_575, %swap3A_576], %swap3A_579 {add = true, strides = array<i32>} : memref<128x64xf32, #tpu.memory_space<vmem>>, vector<1x16xf32>,
        %mul3A_580 = arith.constant 2 : i32
        %mul3A_581 = arith.muli %mul3A_580, %add3A_530 : i32
        %add3A_582 = arith.constant 1 : i32
        %add3A_583 = arith.addi %mul3A_581, %add3A_582 : i32
        %get3A_584 = arith.constant 1 : i32
        %get3A_585 = arith.constant 1 : i32
        %get3A_586 = arith.index_cast %get3A_584 : i32 to index
        %get3A_587 = arith.index_cast %get3A_585 : i32 to index
        %get3A_588 = arith.index_cast %add3A_583 : i32 to index
        %get3A_589 = arith.constant 16 : index
        %get3A_590 = tpu.vector_load %arg6[%get3A_586, %get3A_587, %get3A_588, %get3A_589] {strides = array<i32>} : memref<2x4x256x32xf32, #tpu.memory_space<vmem>>, vector<1x1x1x16xf32>,
        %get3A_591 = vector.shape_cast %get3A_590 : vector<1x1x1x16xf32> to vector<16xf32>
        %swap3A_592 = arith.index_cast %add3A_530 : i32 to index
        %swap3A_593 = arith.constant 48 : index
        %swap3A_594 = tpu.vector_load %arg7[%swap3A_592, %swap3A_593] {strides = array<i32>} : memref<128x64xf32, #tpu.memory_space<vmem>>, vector<1x16xf32>,
        %swap3A_595 = vector.shape_cast %swap3A_594 : vector<1x16xf32> to vector<16xf32>
        %swap3A_596 = vector.shape_cast %get3A_591 : vector<16xf32> to vector<1x16xf32>
        tpu.vector_store %arg7[%swap3A_592, %swap3A_593], %swap3A_596 {add = true, strides = array<i32>} : memref<128x64xf32, #tpu.memory_space<vmem>>, vector<1x16xf32>,
        %mul3A_597 = arith.constant 4 : i32
        %mul3A_598 = arith.muli %scan3A_526, %mul3A_597 : i32
        %add3A_599 = arith.constant 1 : i32
        %add3A_600 = arith.addi %mul3A_598, %add3A_599 : i32
        %mul3A_601 = arith.constant 2 : i32
        %mul3A_602 = arith.muli %mul3A_601, %add3A_600 : i32
        %add3A_603 = arith.constant 0 : i32
        %add3A_604 = arith.addi %mul3A_602, %add3A_603 : i32
        %get3A_605 = arith.constant 1 : i32
        %get3A_606 = arith.constant 1 : i32
        %get3A_607 = arith.index_cast %get3A_605 : i32 to index
        %get3A_608 = arith.index_cast %get3A_606 : i32 to index
        %get3A_609 = arith.index_cast %add3A_604 : i32 to index
        %get3A_610 = arith.constant 0 : index
        %get3A_611 = tpu.vector_load %arg6[%get3A_607, %get3A_608, %get3A_609, %get3A_610] {strides = array<i32>} : memref<2x4x256x32xf32, #tpu.memory_space<vmem>>, vector<1x1x1x16xf32>,
        %get3A_612 = vector.shape_cast %get3A_611 : vector<1x1x1x16xf32> to vector<16xf32>
        %swap3A_613 = arith.index_cast %add3A_600 : i32 to index
        %swap3A_614 = arith.constant 0 : index
        %swap3A_615 = tpu.vector_load %arg7[%swap3A_613, %swap3A_614] {strides = array<i32>} : memref<128x64xf32, #tpu.memory_space<vmem>>, vector<1x16xf32>,
        %swap3A_616 = vector.shape_cast %swap3A_615 : vector<1x16xf32> to vector<16xf32>
        %swap3A_617 = vector.shape_cast %get3A_612 : vector<16xf32> to vector<1x16xf32>
        tpu.vector_store %arg7[%swap3A_613, %swap3A_614], %swap3A_617 {add = true, strides = array<i32>} : memref<128x64xf32, #tpu.memory_space<vmem>>, vector<1x16xf32>,
        %mul3A_618 = arith.constant 2 : i32
        %mul3A_619 = arith.muli %mul3A_618, %add3A_600 : i32
        %add3A_620 = arith.constant 0 : i32
        %add3A_621 = arith.addi %mul3A_619, %add3A_620 : i32
        %get3A_622 = arith.constant 1 : i32
        %get3A_623 = arith.constant 1 : i32
        %get3A_624 = arith.index_cast %get3A_622 : i32 to index
        %get3A_625 = arith.index_cast %get3A_623 : i32 to index
        %get3A_626 = arith.index_cast %add3A_621 : i32 to index
        %get3A_627 = arith.constant 16 : index
        %get3A_628 = tpu.vector_load %arg6[%get3A_624, %get3A_625, %get3A_626, %get3A_627] {strides = array<i32>} : memref<2x4x256x32xf32, #tpu.memory_space<vmem>>, vector<1x1x1x16xf32>,
        %get3A_629 = vector.shape_cast %get3A_628 : vector<1x1x1x16xf32> to vector<16xf32>
        %swap3A_630 = arith.index_cast %add3A_600 : i32 to index
        %swap3A_631 = arith.constant 16 : index
        %swap3A_632 = tpu.vector_load %arg7[%swap3A_630, %swap3A_631] {strides = array<i32>} : memref<128x64xf32, #tpu.memory_space<vmem>>, vector<1x16xf32>,
        %swap3A_633 = vector.shape_cast %swap3A_632 : vector<1x16xf32> to vector<16xf32>
        %swap3A_634 = vector.shape_cast %get3A_629 : vector<16xf32> to vector<1x16xf32>
        tpu.vector_store %arg7[%swap3A_630, %swap3A_631], %swap3A_634 {add = true, strides = array<i32>} : memref<128x64xf32, #tpu.memory_space<vmem>>, vector<1x16xf32>,
        %mul3A_635 = arith.constant 2 : i32
        %mul3A_636 = arith.muli %mul3A_635, %add3A_600 : i32
        %add3A_637 = arith.constant 1 : i32
        %add3A_638 = arith.addi %mul3A_636, %add3A_637 : i32
        %get3A_639 = arith.constant 1 : i32
        %get3A_640 = arith.constant 1 : i32
        %get3A_641 = arith.index_cast %get3A_639 : i32 to index
        %get3A_642 = arith.index_cast %get3A_640 : i32 to index
        %get3A_643 = arith.index_cast %add3A_638 : i32 to index
        %get3A_644 = arith.constant 0 : index
        %get3A_645 = tpu.vector_load %arg6[%get3A_641, %get3A_642, %get3A_643, %get3A_644] {strides = array<i32>} : memref<2x4x256x32xf32, #tpu.memory_space<vmem>>, vector<1x1x1x16xf32>,
        %get3A_646 = vector.shape_cast %get3A_645 : vector<1x1x1x16xf32> to vector<16xf32>
        %swap3A_647 = arith.index_cast %add3A_600 : i32 to index
        %swap3A_648 = arith.constant 32 : index
        %swap3A_649 = tpu.vector_load %arg7[%swap3A_647, %swap3A_648] {strides = array<i32>} : memref<128x64xf32, #tpu.memory_space<vmem>>, vector<1x16xf32>,
        %swap3A_650 = vector.shape_cast %swap3A_649 : vector<1x16xf32> to vector<16xf32>
        %swap3A_651 = vector.shape_cast %get3A_646 : vector<16xf32> to vector<1x16xf32>
        tpu.vector_store %arg7[%swap3A_647, %swap3A_648], %swap3A_651 {add = true, strides = array<i32>} : memref<128x64xf32, #tpu.memory_space<vmem>>, vector<1x16xf32>,
        %mul3A_652 = arith.constant 2 : i32
        %mul3A_653 = arith.muli %mul3A_652, %add3A_600 : i32
        %add3A_654 = arith.constant 1 : i32
        %add3A_655 = arith.addi %mul3A_653, %add3A_654 : i32
        %get3A_656 = arith.constant 1 : i32
        %get3A_657 = arith.constant 1 : i32
        %get3A_658 = arith.index_cast %get3A_656 : i32 to index
        %get3A_659 = arith.index_cast %get3A_657 : i32 to index
        %get3A_660 = arith.index_cast %add3A_655 : i32 to index
        %get3A_661 = arith.constant 16 : index
        %get3A_662 = tpu.vector_load %arg6[%get3A_658, %get3A_659, %get3A_660, %get3A_661] {strides = array<i32>} : memref<2x4x256x32xf32, #tpu.memory_space<vmem>>, vector<1x1x1x16xf32>,
        %get3A_663 = vector.shape_cast %get3A_662 : vector<1x1x1x16xf32> to vector<16xf32>
        %swap3A_664 = arith.index_cast %add3A_600 : i32 to index
        %swap3A_665 = arith.constant 48 : index
        %swap3A_666 = tpu.vector_load %arg7[%swap3A_664, %swap3A_665] {strides = array<i32>} : memref<128x64xf32, #tpu.memory_space<vmem>>, vector<1x16xf32>,
        %swap3A_667 = vector.shape_cast %swap3A_666 : vector<1x16xf32> to vector<16xf32>
        %swap3A_668 = vector.shape_cast %get3A_663 : vector<16xf32> to vector<1x16xf32>
        tpu.vector_store %arg7[%swap3A_664, %swap3A_665], %swap3A_668 {add = true, strides = array<i32>} : memref<128x64xf32, #tpu.memory_space<vmem>>, vector<1x16xf32>,
        %mul3A_669 = arith.constant 4 : i32
        %mul3A_670 = arith.muli %scan3A_526, %mul3A_669 : i32
        %add3A_671 = arith.constant 2 : i32
        %add3A_672 = arith.addi %mul3A_670, %add3A_671 : i32
        %mul3A_673 = arith.constant 2 : i32
        %mul3A_674 = arith.muli %mul3A_673, %add3A_672 : i32
        %add3A_675 = arith.constant 0 : i32
        %add3A_676 = arith.addi %mul3A_674, %add3A_675 : i32
        %get3A_677 = arith.constant 1 : i32
        %get3A_678 = arith.constant 1 : i32
        %get3A_679 = arith.index_cast %get3A_677 : i32 to index
        %get3A_680 = arith.index_cast %get3A_678 : i32 to index
        %get3A_681 = arith.index_cast %add3A_676 : i32 to index
        %get3A_682 = arith.constant 0 : index
        %get3A_683 = tpu.vector_load %arg6[%get3A_679, %get3A_680, %get3A_681, %get3A_682] {strides = array<i32>} : memref<2x4x256x32xf32, #tpu.memory_space<vmem>>, vector<1x1x1x16xf32>,
        %get3A_684 = vector.shape_cast %get3A_683 : vector<1x1x1x16xf32> to vector<16xf32>
        %swap3A_685 = arith.index_cast %add3A_672 : i32 to index
        %swap3A_686 = arith.constant 0 : index
        %swap3A_687 = tpu.vector_load %arg7[%swap3A_685, %swap3A_686] {strides = array<i32>} : memref<128x64xf32, #tpu.memory_space<vmem>>, vector<1x16xf32>,
        %swap3A_688 = vector.shape_cast %swap3A_687 : vector<1x16xf32> to vector<16xf32>
        %swap3A_689 = vector.shape_cast %get3A_684 : vector<16xf32> to vector<1x16xf32>
        tpu.vector_store %arg7[%swap3A_685, %swap3A_686], %swap3A_689 {add = true, strides = array<i32>} : memref<128x64xf32, #tpu.memory_space<vmem>>, vector<1x16xf32>,
        %mul3A_690 = arith.constant 2 : i32
        %mul3A_691 = arith.muli %mul3A_690, %add3A_672 : i32
        %add3A_692 = arith.constant 0 : i32
        %add3A_693 = arith.addi %mul3A_691, %add3A_692 : i32
        %get3A_694 = arith.constant 1 : i32
        %get3A_695 = arith.constant 1 : i32
        %get3A_696 = arith.index_cast %get3A_694 : i32 to index
        %get3A_697 = arith.index_cast %get3A_695 : i32 to index
        %get3A_698 = arith.index_cast %add3A_693 : i32 to index
        %get3A_699 = arith.constant 16 : index
        %get3A_700 = tpu.vector_load %arg6[%get3A_696, %get3A_697, %get3A_698, %get3A_699] {strides = array<i32>} : memref<2x4x256x32xf32, #tpu.memory_space<vmem>>, vector<1x1x1x16xf32>,
        %get3A_701 = vector.shape_cast %get3A_700 : vector<1x1x1x16xf32> to vector<16xf32>
        %swap3A_702 = arith.index_cast %add3A_672 : i32 to index
        %swap3A_703 = arith.constant 16 : index
        %swap3A_704 = tpu.vector_load %arg7[%swap3A_702, %swap3A_703] {strides = array<i32>} : memref<128x64xf32, #tpu.memory_space<vmem>>, vector<1x16xf32>,
        %swap3A_705 = vector.shape_cast %swap3A_704 : vector<1x16xf32> to vector<16xf32>
        %swap3A_706 = vector.shape_cast %get3A_701 : vector<16xf32> to vector<1x16xf32>
        tpu.vector_store %arg7[%swap3A_702, %swap3A_703], %swap3A_706 {add = true, strides = array<i32>} : memref<128x64xf32, #tpu.memory_space<vmem>>, vector<1x16xf32>,
        %mul3A_707 = arith.constant 2 : i32
        %mul3A_708 = arith.muli %mul3A_707, %add3A_672 : i32
        %add3A_709 = arith.constant 1 : i32
        %add3A_710 = arith.addi %mul3A_708, %add3A_709 : i32
        %get3A_711 = arith.constant 1 : i32
        %get3A_712 = arith.constant 1 : i32
        %get3A_713 = arith.index_cast %get3A_711 : i32 to index
        %get3A_714 = arith.index_cast %get3A_712 : i32 to index
        %get3A_715 = arith.index_cast %add3A_710 : i32 to index
        %get3A_716 = arith.constant 0 : index
        %get3A_717 = tpu.vector_load %arg6[%get3A_713, %get3A_714, %get3A_715, %get3A_716] {strides = array<i32>} : memref<2x4x256x32xf32, #tpu.memory_space<vmem>>, vector<1x1x1x16xf32>,
        %get3A_718 = vector.shape_cast %get3A_717 : vector<1x1x1x16xf32> to vector<16xf32>
        %swap3A_719 = arith.index_cast %add3A_672 : i32 to index
        %swap3A_720 = arith.constant 32 : index
        %swap3A_721 = tpu.vector_load %arg7[%swap3A_719, %swap3A_720] {strides = array<i32>} : memref<128x64xf32, #tpu.memory_space<vmem>>, vector<1x16xf32>,
        %swap3A_722 = vector.shape_cast %swap3A_721 : vector<1x16xf32> to vector<16xf32>
        %swap3A_723 = vector.shape_cast %get3A_718 : vector<16xf32> to vector<1x16xf32>
        tpu.vector_store %arg7[%swap3A_719, %swap3A_720], %swap3A_723 {add = true, strides = array<i32>} : memref<128x64xf32, #tpu.memory_space<vmem>>, vector<1x16xf32>,
        %mul3A_724 = arith.constant 2 : i32
        %mul3A_725 = arith.muli %mul3A_724, %add3A_672 : i32
        %add3A_726 = arith.constant 1 : i32
        %add3A_727 = arith.addi %mul3A_725, %add3A_726 : i32
        %get3A_728 = arith.constant 1 : i32
        %get3A_729 = arith.constant 1 : i32
        %get3A_730 = arith.index_cast %get3A_728 : i32 to index
        %get3A_731 = arith.index_cast %get3A_729 : i32 to index
        %get3A_732 = arith.index_cast %add3A_727 : i32 to index
        %get3A_733 = arith.constant 16 : index
        %get3A_734 = tpu.vector_load %arg6[%get3A_730, %get3A_731, %get3A_732, %get3A_733] {strides = array<i32>} : memref<2x4x256x32xf32, #tpu.memory_space<vmem>>, vector<1x1x1x16xf32>,
        %get3A_735 = vector.shape_cast %get3A_734 : vector<1x1x1x16xf32> to vector<16xf32>
        %swap3A_736 = arith.index_cast %add3A_672 : i32 to index
        %swap3A_737 = arith.constant 48 : index
        %swap3A_738 = tpu.vector_load %arg7[%swap3A_736, %swap3A_737] {strides = array<i32>} : memref<128x64xf32, #tpu.memory_space<vmem>>, vector<1x16xf32>,
        %swap3A_739 = vector.shape_cast %swap3A_738 : vector<1x16xf32> to vector<16xf32>
        %swap3A_740 = vector.shape_cast %get3A_735 : vector<16xf32> to vector<1x16xf32>
        tpu.vector_store %arg7[%swap3A_736, %swap3A_737], %swap3A_740 {add = true, strides = array<i32>} : memref<128x64xf32, #tpu.memory_space<vmem>>, vector<1x16xf32>,
        %mul3A_741 = arith.constant 4 : i32
        %mul3A_742 = arith.muli %scan3A_526, %mul3A_741 : i32
        %add3A_743 = arith.constant 3 : i32
        %add3A_744 = arith.addi %mul3A_742, %add3A_743 : i32
        %mul3A_745 = arith.constant 2 : i32
        %mul3A_746 = arith.muli %mul3A_745, %add3A_744 : i32
        %add3A_747 = arith.constant 0 : i32
        %add3A_748 = arith.addi %mul3A_746, %add3A_747 : i32
        %get3A_749 = arith.constant 1 : i32
        %get3A_750 = arith.constant 1 : i32
        %get3A_751 = arith.index_cast %get3A_749 : i32 to index
        %get3A_752 = arith.index_cast %get3A_750 : i32 to index
        %get3A_753 = arith.index_cast %add3A_748 : i32 to index
        %get3A_754 = arith.constant 0 : index
        %get3A_755 = tpu.vector_load %arg6[%get3A_751, %get3A_752, %get3A_753, %get3A_754] {strides = array<i32>} : memref<2x4x256x32xf32, #tpu.memory_space<vmem>>, vector<1x1x1x16xf32>,
        %get3A_756 = vector.shape_cast %get3A_755 : vector<1x1x1x16xf32> to vector<16xf32>
        %swap3A_757 = arith.index_cast %add3A_744 : i32 to index
        %swap3A_758 = arith.constant 0 : index
        %swap3A_759 = tpu.vector_load %arg7[%swap3A_757, %swap3A_758] {strides = array<i32>} : memref<128x64xf32, #tpu.memory_space<vmem>>, vector<1x16xf32>,
        %swap3A_760 = vector.shape_cast %swap3A_759 : vector<1x16xf32> to vector<16xf32>
        %swap3A_761 = vector.shape_cast %get3A_756 : vector<16xf32> to vector<1x16xf32>
        tpu.vector_store %arg7[%swap3A_757, %swap3A_758], %swap3A_761 {add = true, strides = array<i32>} : memref<128x64xf32, #tpu.memory_space<vmem>>, vector<1x16xf32>,
        %mul3A_762 = arith.constant 2 : i32
        %mul3A_763 = arith.muli %mul3A_762, %add3A_744 : i32
        %add3A_764 = arith.constant 0 : i32
        %add3A_765 = arith.addi %mul3A_763, %add3A_764 : i32
        %get3A_766 = arith.constant 1 : i32
        %get3A_767 = arith.constant 1 : i32
        %get3A_768 = arith.index_cast %get3A_766 : i32 to index
        %get3A_769 = arith.index_cast %get3A_767 : i32 to index
        %get3A_770 = arith.index_cast %add3A_765 : i32 to index
        %get3A_771 = arith.constant 16 : index
        %get3A_772 = tpu.vector_load %arg6[%get3A_768, %get3A_769, %get3A_770, %get3A_771] {strides = array<i32>} : memref<2x4x256x32xf32, #tpu.memory_space<vmem>>, vector<1x1x1x16xf32>,
        %get3A_773 = vector.shape_cast %get3A_772 : vector<1x1x1x16xf32> to vector<16xf32>
        %swap3A_774 = arith.index_cast %add3A_744 : i32 to index
        %swap3A_775 = arith.constant 16 : index
        %swap3A_776 = tpu.vector_load %arg7[%swap3A_774, %swap3A_775] {strides = array<i32>} : memref<128x64xf32, #tpu.memory_space<vmem>>, vector<1x16xf32>,
        %swap3A_777 = vector.shape_cast %swap3A_776 : vector<1x16xf32> to vector<16xf32>
        %swap3A_778 = vector.shape_cast %get3A_773 : vector<16xf32> to vector<1x16xf32>
        tpu.vector_store %arg7[%swap3A_774, %swap3A_775], %swap3A_778 {add = true, strides = array<i32>} : memref<128x64xf32, #tpu.memory_space<vmem>>, vector<1x16xf32>,
        %mul3A_779 = arith.constant 2 : i32
        %mul3A_780 = arith.muli %mul3A_779, %add3A_744 : i32
        %add3A_781 = arith.constant 1 : i32
        %add3A_782 = arith.addi %mul3A_780, %add3A_781 : i32
        %get3A_783 = arith.constant 1 : i32
        %get3A_784 = arith.constant 1 : i32
        %get3A_785 = arith.index_cast %get3A_783 : i32 to index
        %get3A_786 = arith.index_cast %get3A_784 : i32 to index
        %get3A_787 = arith.index_cast %add3A_782 : i32 to index
        %get3A_788 = arith.constant 0 : index
        %get3A_789 = tpu.vector_load %arg6[%get3A_785, %get3A_786, %get3A_787, %get3A_788] {strides = array<i32>} : memref<2x4x256x32xf32, #tpu.memory_space<vmem>>, vector<1x1x1x16xf32>,
        %get3A_790 = vector.shape_cast %get3A_789 : vector<1x1x1x16xf32> to vector<16xf32>
        %swap3A_791 = arith.index_cast %add3A_744 : i32 to index
        %swap3A_792 = arith.constant 32 : index
        %swap3A_793 = tpu.vector_load %arg7[%swap3A_791, %swap3A_792] {strides = array<i32>} : memref<128x64xf32, #tpu.memory_space<vmem>>, vector<1x16xf32>,
        %swap3A_794 = vector.shape_cast %swap3A_793 : vector<1x16xf32> to vector<16xf32>
        %swap3A_795 = vector.shape_cast %get3A_790 : vector<16xf32> to vector<1x16xf32>
        tpu.vector_store %arg7[%swap3A_791, %swap3A_792], %swap3A_795 {add = true, strides = array<i32>} : memref<128x64xf32, #tpu.memory_space<vmem>>, vector<1x16xf32>,
        %mul3A_796 = arith.constant 2 : i32
        %mul3A_797 = arith.muli %mul3A_796, %add3A_744 : i32
        %add3A_798 = arith.constant 1 : i32
        %add3A_799 = arith.addi %mul3A_797, %add3A_798 : i32
        %get3A_800 = arith.constant 1 : i32
        %get3A_801 = arith.constant 1 : i32
        %get3A_802 = arith.index_cast %get3A_800 : i32 to index
        %get3A_803 = arith.index_cast %get3A_801 : i32 to index
        %get3A_804 = arith.index_cast %add3A_799 : i32 to index
        %get3A_805 = arith.constant 16 : index
        %get3A_806 = tpu.vector_load %arg6[%get3A_802, %get3A_803, %get3A_804, %get3A_805] {strides = array<i32>} : memref<2x4x256x32xf32, #tpu.memory_space<vmem>>, vector<1x1x1x16xf32>,
        %get3A_807 = vector.shape_cast %get3A_806 : vector<1x1x1x16xf32> to vector<16xf32>
        %swap3A_808 = arith.index_cast %add3A_744 : i32 to index
        %swap3A_809 = arith.constant 48 : index
        %swap3A_810 = tpu.vector_load %arg7[%swap3A_808, %swap3A_809] {strides = array<i32>} : memref<128x64xf32, #tpu.memory_space<vmem>>, vector<1x16xf32>,
        %swap3A_811 = vector.shape_cast %swap3A_810 : vector<1x16xf32> to vector<16xf32>
        %swap3A_812 = vector.shape_cast %get3A_807 : vector<16xf32> to vector<1x16xf32>
        tpu.vector_store %arg7[%swap3A_808, %swap3A_809], %swap3A_812 {add = true, strides = array<i32>} : memref<128x64xf32, #tpu.memory_space<vmem>>, vector<1x16xf32>,
      }
      %scan3A_513 = arith.constant 32 : i32
      %scan3A_514 = arith.constant 0 : i32
      %scan3A_515 = arith.constant 0 : i32
      %scan3A_516 = arith.constant 32 : i32
      %scan3A_517 = arith.addi %scan3A_515, %scan3A_516 : i32
      %scan3A_518 = arith.constant 1 : i32
      scf.for %scan3A_526 = %scan3A_515 to %scan3A_517 step %scan3A_518  : i32 {
        %mul3A_527 = arith.constant 4 : i32
        %mul3A_528 = arith.muli %scan3A_526, %mul3A_527 : i32
        %add3A_529 = arith.constant 0 : i32
        %add3A_530 = arith.addi %mul3A_528, %add3A_529 : i32
        %mul3A_531 = arith.constant 2 : i32
        %mul3A_532 = arith.muli %mul3A_531, %add3A_530 : i32
        %add3A_533 = arith.constant 0 : i32
        %add3A_534 = arith.addi %mul3A_532, %add3A_533 : i32
        %get3A = arith.constant 1 : i32
        %get3A_535 = arith.constant 2 : i32
        %get3A_536 = arith.index_cast %get3A : i32 to index
        %get3A_537 = arith.index_cast %get3A_535 : i32 to index
        %get3A_538 = arith.index_cast %add3A_534 : i32 to index
        %get3A_539 = arith.constant 0 : index
        %get3A_540 = tpu.vector_load %arg6[%get3A_536, %get3A_537, %get3A_538, %get3A_539] {strides = array<i32>} : memref<2x4x256x32xf32, #tpu.memory_space<vmem>>, vector<1x1x1x16xf32>,
        %get3A_541 = vector.shape_cast %get3A_540 : vector<1x1x1x16xf32> to vector<16xf32>
        %swap3A = arith.index_cast %add3A_530 : i32 to index
        %swap3A_542 = arith.constant 0 : index
        %swap3A_543 = tpu.vector_load %arg7[%swap3A, %swap3A_542] {strides = array<i32>} : memref<128x64xf32, #tpu.memory_space<vmem>>, vector<1x16xf32>,
        %swap3A_544 = vector.shape_cast %swap3A_543 : vector<1x16xf32> to vector<16xf32>
        %swap3A_545 = vector.shape_cast %get3A_541 : vector<16xf32> to vector<1x16xf32>
        tpu.vector_store %arg7[%swap3A, %swap3A_542], %swap3A_545 {add = true, strides = array<i32>} : memref<128x64xf32, #tpu.memory_space<vmem>>, vector<1x16xf32>,
        %mul3A_546 = arith.constant 2 : i32
        %mul3A_547 = arith.muli %mul3A_546, %add3A_530 : i32
        %add3A_548 = arith.constant 0 : i32
        %add3A_549 = arith.addi %mul3A_547, %add3A_548 : i32
        %get3A_550 = arith.constant 1 : i32
        %get3A_551 = arith.constant 2 : i32
        %get3A_552 = arith.index_cast %get3A_550 : i32 to index
        %get3A_553 = arith.index_cast %get3A_551 : i32 to index
        %get3A_554 = arith.index_cast %add3A_549 : i32 to index
        %get3A_555 = arith.constant 16 : index
        %get3A_556 = tpu.vector_load %arg6[%get3A_552, %get3A_553, %get3A_554, %get3A_555] {strides = array<i32>} : memref<2x4x256x32xf32, #tpu.memory_space<vmem>>, vector<1x1x1x16xf32>,
        %get3A_557 = vector.shape_cast %get3A_556 : vector<1x1x1x16xf32> to vector<16xf32>
        %swap3A_558 = arith.index_cast %add3A_530 : i32 to index
        %swap3A_559 = arith.constant 16 : index
        %swap3A_560 = tpu.vector_load %arg7[%swap3A_558, %swap3A_559] {strides = array<i32>} : memref<128x64xf32, #tpu.memory_space<vmem>>, vector<1x16xf32>,
        %swap3A_561 = vector.shape_cast %swap3A_560 : vector<1x16xf32> to vector<16xf32>
        %swap3A_562 = vector.shape_cast %get3A_557 : vector<16xf32> to vector<1x16xf32>
        tpu.vector_store %arg7[%swap3A_558, %swap3A_559], %swap3A_562 {add = true, strides = array<i32>} : memref<128x64xf32, #tpu.memory_space<vmem>>, vector<1x16xf32>,
        %mul3A_563 = arith.constant 2 : i32
        %mul3A_564 = arith.muli %mul3A_563, %add3A_530 : i32
        %add3A_565 = arith.constant 1 : i32
        %add3A_566 = arith.addi %mul3A_564, %add3A_565 : i32
        %get3A_567 = arith.constant 1 : i32
        %get3A_568 = arith.constant 2 : i32
        %get3A_569 = arith.index_cast %get3A_567 : i32 to index
        %get3A_570 = arith.index_cast %get3A_568 : i32 to index
        %get3A_571 = arith.index_cast %add3A_566 : i32 to index
        %get3A_572 = arith.constant 0 : index
        %get3A_573 = tpu.vector_load %arg6[%get3A_569, %get3A_570, %get3A_571, %get3A_572] {strides = array<i32>} : memref<2x4x256x32xf32, #tpu.memory_space<vmem>>, vector<1x1x1x16xf32>,
        %get3A_574 = vector.shape_cast %get3A_573 : vector<1x1x1x16xf32> to vector<16xf32>
        %swap3A_575 = arith.index_cast %add3A_530 : i32 to index
        %swap3A_576 = arith.constant 32 : index
        %swap3A_577 = tpu.vector_load %arg7[%swap3A_575, %swap3A_576] {strides = array<i32>} : memref<128x64xf32, #tpu.memory_space<vmem>>, vector<1x16xf32>,
        %swap3A_578 = vector.shape_cast %swap3A_577 : vector<1x16xf32> to vector<16xf32>
        %swap3A_579 = vector.shape_cast %get3A_574 : vector<16xf32> to vector<1x16xf32>
        tpu.vector_store %arg7[%swap3A_575, %swap3A_576], %swap3A_579 {add = true, strides = array<i32>} : memref<128x64xf32, #tpu.memory_space<vmem>>, vector<1x16xf32>,
        %mul3A_580 = arith.constant 2 : i32
        %mul3A_581 = arith.muli %mul3A_580, %add3A_530 : i32
        %add3A_582 = arith.constant 1 : i32
        %add3A_583 = arith.addi %mul3A_581, %add3A_582 : i32
        %get3A_584 = arith.constant 1 : i32
        %get3A_585 = arith.constant 2 : i32
        %get3A_586 = arith.index_cast %get3A_584 : i32 to index
        %get3A_587 = arith.index_cast %get3A_585 : i32 to index
        %get3A_588 = arith.index_cast %add3A_583 : i32 to index
        %get3A_589 = arith.constant 16 : index
        %get3A_590 = tpu.vector_load %arg6[%get3A_586, %get3A_587, %get3A_588, %get3A_589] {strides = array<i32>} : memref<2x4x256x32xf32, #tpu.memory_space<vmem>>, vector<1x1x1x16xf32>,
        %get3A_591 = vector.shape_cast %get3A_590 : vector<1x1x1x16xf32> to vector<16xf32>
        %swap3A_592 = arith.index_cast %add3A_530 : i32 to index
        %swap3A_593 = arith.constant 48 : index
        %swap3A_594 = tpu.vector_load %arg7[%swap3A_592, %swap3A_593] {strides = array<i32>} : memref<128x64xf32, #tpu.memory_space<vmem>>, vector<1x16xf32>,
        %swap3A_595 = vector.shape_cast %swap3A_594 : vector<1x16xf32> to vector<16xf32>
        %swap3A_596 = vector.shape_cast %get3A_591 : vector<16xf32> to vector<1x16xf32>
        tpu.vector_store %arg7[%swap3A_592, %swap3A_593], %swap3A_596 {add = true, strides = array<i32>} : memref<128x64xf32, #tpu.memory_space<vmem>>, vector<1x16xf32>,
        %mul3A_597 = arith.constant 4 : i32
        %mul3A_598 = arith.muli %scan3A_526, %mul3A_597 : i32
        %add3A_599 = arith.constant 1 : i32
        %add3A_600 = arith.addi %mul3A_598, %add3A_599 : i32
        %mul3A_601 = arith.constant 2 : i32
        %mul3A_602 = arith.muli %mul3A_601, %add3A_600 : i32
        %add3A_603 = arith.constant 0 : i32
        %add3A_604 = arith.addi %mul3A_602, %add3A_603 : i32
        %get3A_605 = arith.constant 1 : i32
        %get3A_606 = arith.constant 2 : i32
        %get3A_607 = arith.index_cast %get3A_605 : i32 to index
        %get3A_608 = arith.index_cast %get3A_606 : i32 to index
        %get3A_609 = arith.index_cast %add3A_604 : i32 to index
        %get3A_610 = arith.constant 0 : index
        %get3A_611 = tpu.vector_load %arg6[%get3A_607, %get3A_608, %get3A_609, %get3A_610] {strides = array<i32>} : memref<2x4x256x32xf32, #tpu.memory_space<vmem>>, vector<1x1x1x16xf32>,
        %get3A_612 = vector.shape_cast %get3A_611 : vector<1x1x1x16xf32> to vector<16xf32>
        %swap3A_613 = arith.index_cast %add3A_600 : i32 to index
        %swap3A_614 = arith.constant 0 : index
        %swap3A_615 = tpu.vector_load %arg7[%swap3A_613, %swap3A_614] {strides = array<i32>} : memref<128x64xf32, #tpu.memory_space<vmem>>, vector<1x16xf32>,
        %swap3A_616 = vector.shape_cast %swap3A_615 : vector<1x16xf32> to vector<16xf32>
        %swap3A_617 = vector.shape_cast %get3A_612 : vector<16xf32> to vector<1x16xf32>
        tpu.vector_store %arg7[%swap3A_613, %swap3A_614], %swap3A_617 {add = true, strides = array<i32>} : memref<128x64xf32, #tpu.memory_space<vmem>>, vector<1x16xf32>,
        %mul3A_618 = arith.constant 2 : i32
        %mul3A_619 = arith.muli %mul3A_618, %add3A_600 : i32
        %add3A_620 = arith.constant 0 : i32
        %add3A_621 = arith.addi %mul3A_619, %add3A_620 : i32
        %get3A_622 = arith.constant 1 : i32
        %get3A_623 = arith.constant 2 : i32
        %get3A_624 = arith.index_cast %get3A_622 : i32 to index
        %get3A_625 = arith.index_cast %get3A_623 : i32 to index
        %get3A_626 = arith.index_cast %add3A_621 : i32 to index
        %get3A_627 = arith.constant 16 : index
        %get3A_628 = tpu.vector_load %arg6[%get3A_624, %get3A_625, %get3A_626, %get3A_627] {strides = array<i32>} : memref<2x4x256x32xf32, #tpu.memory_space<vmem>>, vector<1x1x1x16xf32>,
        %get3A_629 = vector.shape_cast %get3A_628 : vector<1x1x1x16xf32> to vector<16xf32>
        %swap3A_630 = arith.index_cast %add3A_600 : i32 to index
        %swap3A_631 = arith.constant 16 : index
        %swap3A_632 = tpu.vector_load %arg7[%swap3A_630, %swap3A_631] {strides = array<i32>} : memref<128x64xf32, #tpu.memory_space<vmem>>, vector<1x16xf32>,
        %swap3A_633 = vector.shape_cast %swap3A_632 : vector<1x16xf32> to vector<16xf32>
        %swap3A_634 = vector.shape_cast %get3A_629 : vector<16xf32> to vector<1x16xf32>
        tpu.vector_store %arg7[%swap3A_630, %swap3A_631], %swap3A_634 {add = true, strides = array<i32>} : memref<128x64xf32, #tpu.memory_space<vmem>>, vector<1x16xf32>,
        %mul3A_635 = arith.constant 2 : i32
        %mul3A_636 = arith.muli %mul3A_635, %add3A_600 : i32
        %add3A_637 = arith.constant 1 : i32
        %add3A_638 = arith.addi %mul3A_636, %add3A_637 : i32
        %get3A_639 = arith.constant 1 : i32
        %get3A_640 = arith.constant 2 : i32
        %get3A_641 = arith.index_cast %get3A_639 : i32 to index
        %get3A_642 = arith.index_cast %get3A_640 : i32 to index
        %get3A_643 = arith.index_cast %add3A_638 : i32 to index
        %get3A_644 = arith.constant 0 : index
        %get3A_645 = tpu.vector_load %arg6[%get3A_641, %get3A_642, %get3A_643, %get3A_644] {strides = array<i32>} : memref<2x4x256x32xf32, #tpu.memory_space<vmem>>, vector<1x1x1x16xf32>,
        %get3A_646 = vector.shape_cast %get3A_645 : vector<1x1x1x16xf32> to vector<16xf32>
        %swap3A_647 = arith.index_cast %add3A_600 : i32 to index
        %swap3A_648 = arith.constant 32 : index
        %swap3A_649 = tpu.vector_load %arg7[%swap3A_647, %swap3A_648] {strides = array<i32>} : memref<128x64xf32, #tpu.memory_space<vmem>>, vector<1x16xf32>,
        %swap3A_650 = vector.shape_cast %swap3A_649 : vector<1x16xf32> to vector<16xf32>
        %swap3A_651 = vector.shape_cast %get3A_646 : vector<16xf32> to vector<1x16xf32>
        tpu.vector_store %arg7[%swap3A_647, %swap3A_648], %swap3A_651 {add = true, strides = array<i32>} : memref<128x64xf32, #tpu.memory_space<vmem>>, vector<1x16xf32>,
        %mul3A_652 = arith.constant 2 : i32
        %mul3A_653 = arith.muli %mul3A_652, %add3A_600 : i32
        %add3A_654 = arith.constant 1 : i32
        %add3A_655 = arith.addi %mul3A_653, %add3A_654 : i32
        %get3A_656 = arith.constant 1 : i32
        %get3A_657 = arith.constant 2 : i32
        %get3A_658 = arith.index_cast %get3A_656 : i32 to index
        %get3A_659 = arith.index_cast %get3A_657 : i32 to index
        %get3A_660 = arith.index_cast %add3A_655 : i32 to index
        %get3A_661 = arith.constant 16 : index
        %get3A_662 = tpu.vector_load %arg6[%get3A_658, %get3A_659, %get3A_660, %get3A_661] {strides = array<i32>} : memref<2x4x256x32xf32, #tpu.memory_space<vmem>>, vector<1x1x1x16xf32>,
        %get3A_663 = vector.shape_cast %get3A_662 : vector<1x1x1x16xf32> to vector<16xf32>
        %swap3A_664 = arith.index_cast %add3A_600 : i32 to index
        %swap3A_665 = arith.constant 48 : index
        %swap3A_666 = tpu.vector_load %arg7[%swap3A_664, %swap3A_665] {strides = array<i32>} : memref<128x64xf32, #tpu.memory_space<vmem>>, vector<1x16xf32>,
        %swap3A_667 = vector.shape_cast %swap3A_666 : vector<1x16xf32> to vector<16xf32>
        %swap3A_668 = vector.shape_cast %get3A_663 : vector<16xf32> to vector<1x16xf32>
        tpu.vector_store %arg7[%swap3A_664, %swap3A_665], %swap3A_668 {add = true, strides = array<i32>} : memref<128x64xf32, #tpu.memory_space<vmem>>, vector<1x16xf32>,
        %mul3A_669 = arith.constant 4 : i32
        %mul3A_670 = arith.muli %scan3A_526, %mul3A_669 : i32
        %add3A_671 = arith.constant 2 : i32
        %add3A_672 = arith.addi %mul3A_670, %add3A_671 : i32
        %mul3A_673 = arith.constant 2 : i32
        %mul3A_674 = arith.muli %mul3A_673, %add3A_672 : i32
        %add3A_675 = arith.constant 0 : i32
        %add3A_676 = arith.addi %mul3A_674, %add3A_675 : i32
        %get3A_677 = arith.constant 1 : i32
        %get3A_678 = arith.constant 2 : i32
        %get3A_679 = arith.index_cast %get3A_677 : i32 to index
        %get3A_680 = arith.index_cast %get3A_678 : i32 to index
        %get3A_681 = arith.index_cast %add3A_676 : i32 to index
        %get3A_682 = arith.constant 0 : index
        %get3A_683 = tpu.vector_load %arg6[%get3A_679, %get3A_680, %get3A_681, %get3A_682] {strides = array<i32>} : memref<2x4x256x32xf32, #tpu.memory_space<vmem>>, vector<1x1x1x16xf32>,
        %get3A_684 = vector.shape_cast %get3A_683 : vector<1x1x1x16xf32> to vector<16xf32>
        %swap3A_685 = arith.index_cast %add3A_672 : i32 to index
        %swap3A_686 = arith.constant 0 : index
        %swap3A_687 = tpu.vector_load %arg7[%swap3A_685, %swap3A_686] {strides = array<i32>} : memref<128x64xf32, #tpu.memory_space<vmem>>, vector<1x16xf32>,
        %swap3A_688 = vector.shape_cast %swap3A_687 : vector<1x16xf32> to vector<16xf32>
        %swap3A_689 = vector.shape_cast %get3A_684 : vector<16xf32> to vector<1x16xf32>
        tpu.vector_store %arg7[%swap3A_685, %swap3A_686], %swap3A_689 {add = true, strides = array<i32>} : memref<128x64xf32, #tpu.memory_space<vmem>>, vector<1x16xf32>,
        %mul3A_690 = arith.constant 2 : i32
        %mul3A_691 = arith.muli %mul3A_690, %add3A_672 : i32
        %add3A_692 = arith.constant 0 : i32
        %add3A_693 = arith.addi %mul3A_691, %add3A_692 : i32
        %get3A_694 = arith.constant 1 : i32
        %get3A_695 = arith.constant 2 : i32
        %get3A_696 = arith.index_cast %get3A_694 : i32 to index
        %get3A_697 = arith.index_cast %get3A_695 : i32 to index
        %get3A_698 = arith.index_cast %add3A_693 : i32 to index
        %get3A_699 = arith.constant 16 : index
        %get3A_700 = tpu.vector_load %arg6[%get3A_696, %get3A_697, %get3A_698, %get3A_699] {strides = array<i32>} : memref<2x4x256x32xf32, #tpu.memory_space<vmem>>, vector<1x1x1x16xf32>,
        %get3A_701 = vector.shape_cast %get3A_700 : vector<1x1x1x16xf32> to vector<16xf32>
        %swap3A_702 = arith.index_cast %add3A_672 : i32 to index
        %swap3A_703 = arith.constant 16 : index
        %swap3A_704 = tpu.vector_load %arg7[%swap3A_702, %swap3A_703] {strides = array<i32>} : memref<128x64xf32, #tpu.memory_space<vmem>>, vector<1x16xf32>,
        %swap3A_705 = vector.shape_cast %swap3A_704 : vector<1x16xf32> to vector<16xf32>
        %swap3A_706 = vector.shape_cast %get3A_701 : vector<16xf32> to vector<1x16xf32>
        tpu.vector_store %arg7[%swap3A_702, %swap3A_703], %swap3A_706 {add = true, strides = array<i32>} : memref<128x64xf32, #tpu.memory_space<vmem>>, vector<1x16xf32>,
        %mul3A_707 = arith.constant 2 : i32
        %mul3A_708 = arith.muli %mul3A_707, %add3A_672 : i32
        %add3A_709 = arith.constant 1 : i32
        %add3A_710 = arith.addi %mul3A_708, %add3A_709 : i32
        %get3A_711 = arith.constant 1 : i32
        %get3A_712 = arith.constant 2 : i32
        %get3A_713 = arith.index_cast %get3A_711 : i32 to index
        %get3A_714 = arith.index_cast %get3A_712 : i32 to index
        %get3A_715 = arith.index_cast %add3A_710 : i32 to index
        %get3A_716 = arith.constant 0 : index
        %get3A_717 = tpu.vector_load %arg6[%get3A_713, %get3A_714, %get3A_715, %get3A_716] {strides = array<i32>} : memref<2x4x256x32xf32, #tpu.memory_space<vmem>>, vector<1x1x1x16xf32>,
        %get3A_718 = vector.shape_cast %get3A_717 : vector<1x1x1x16xf32> to vector<16xf32>
        %swap3A_719 = arith.index_cast %add3A_672 : i32 to index
        %swap3A_720 = arith.constant 32 : index
        %swap3A_721 = tpu.vector_load %arg7[%swap3A_719, %swap3A_720] {strides = array<i32>} : memref<128x64xf32, #tpu.memory_space<vmem>>, vector<1x16xf32>,
        %swap3A_722 = vector.shape_cast %swap3A_721 : vector<1x16xf32> to vector<16xf32>
        %swap3A_723 = vector.shape_cast %get3A_718 : vector<16xf32> to vector<1x16xf32>
        tpu.vector_store %arg7[%swap3A_719, %swap3A_720], %swap3A_723 {add = true, strides = array<i32>} : memref<128x64xf32, #tpu.memory_space<vmem>>, vector<1x16xf32>,
        %mul3A_724 = arith.constant 2 : i32
        %mul3A_725 = arith.muli %mul3A_724, %add3A_672 : i32
        %add3A_726 = arith.constant 1 : i32
        %add3A_727 = arith.addi %mul3A_725, %add3A_726 : i32
        %get3A_728 = arith.constant 1 : i32
        %get3A_729 = arith.constant 2 : i32
        %get3A_730 = arith.index_cast %get3A_728 : i32 to index
        %get3A_731 = arith.index_cast %get3A_729 : i32 to index
        %get3A_732 = arith.index_cast %add3A_727 : i32 to index
        %get3A_733 = arith.constant 16 : index
        %get3A_734 = tpu.vector_load %arg6[%get3A_730, %get3A_731, %get3A_732, %get3A_733] {strides = array<i32>} : memref<2x4x256x32xf32, #tpu.memory_space<vmem>>, vector<1x1x1x16xf32>,
        %get3A_735 = vector.shape_cast %get3A_734 : vector<1x1x1x16xf32> to vector<16xf32>
        %swap3A_736 = arith.index_cast %add3A_672 : i32 to index
        %swap3A_737 = arith.constant 48 : index
        %swap3A_738 = tpu.vector_load %arg7[%swap3A_736, %swap3A_737] {strides = array<i32>} : memref<128x64xf32, #tpu.memory_space<vmem>>, vector<1x16xf32>,
        %swap3A_739 = vector.shape_cast %swap3A_738 : vector<1x16xf32> to vector<16xf32>
        %swap3A_740 = vector.shape_cast %get3A_735 : vector<16xf32> to vector<1x16xf32>
        tpu.vector_store %arg7[%swap3A_736, %swap3A_737], %swap3A_740 {add = true, strides = array<i32>} : memref<128x64xf32, #tpu.memory_space<vmem>>, vector<1x16xf32>,
        %mul3A_741 = arith.constant 4 : i32
        %mul3A_742 = arith.muli %scan3A_526, %mul3A_741 : i32
        %add3A_743 = arith.constant 3 : i32
        %add3A_744 = arith.addi %mul3A_742, %add3A_743 : i32
        %mul3A_745 = arith.constant 2 : i32
        %mul3A_746 = arith.muli %mul3A_745, %add3A_744 : i32
        %add3A_747 = arith.constant 0 : i32
        %add3A_748 = arith.addi %mul3A_746, %add3A_747 : i32
        %get3A_749 = arith.constant 1 : i32
        %get3A_750 = arith.constant 2 : i32
        %get3A_751 = arith.index_cast %get3A_749 : i32 to index
        %get3A_752 = arith.index_cast %get3A_750 : i32 to index
        %get3A_753 = arith.index_cast %add3A_748 : i32 to index
        %get3A_754 = arith.constant 0 : index
        %get3A_755 = tpu.vector_load %arg6[%get3A_751, %get3A_752, %get3A_753, %get3A_754] {strides = array<i32>} : memref<2x4x256x32xf32, #tpu.memory_space<vmem>>, vector<1x1x1x16xf32>,
        %get3A_756 = vector.shape_cast %get3A_755 : vector<1x1x1x16xf32> to vector<16xf32>
        %swap3A_757 = arith.index_cast %add3A_744 : i32 to index
        %swap3A_758 = arith.constant 0 : index
        %swap3A_759 = tpu.vector_load %arg7[%swap3A_757, %swap3A_758] {strides = array<i32>} : memref<128x64xf32, #tpu.memory_space<vmem>>, vector<1x16xf32>,
        %swap3A_760 = vector.shape_cast %swap3A_759 : vector<1x16xf32> to vector<16xf32>
        %swap3A_761 = vector.shape_cast %get3A_756 : vector<16xf32> to vector<1x16xf32>
        tpu.vector_store %arg7[%swap3A_757, %swap3A_758], %swap3A_761 {add = true, strides = array<i32>} : memref<128x64xf32, #tpu.memory_space<vmem>>, vector<1x16xf32>,
        %mul3A_762 = arith.constant 2 : i32
        %mul3A_763 = arith.muli %mul3A_762, %add3A_744 : i32
        %add3A_764 = arith.constant 0 : i32
        %add3A_765 = arith.addi %mul3A_763, %add3A_764 : i32
        %get3A_766 = arith.constant 1 : i32
        %get3A_767 = arith.constant 2 : i32
        %get3A_768 = arith.index_cast %get3A_766 : i32 to index
        %get3A_769 = arith.index_cast %get3A_767 : i32 to index
        %get3A_770 = arith.index_cast %add3A_765 : i32 to index
        %get3A_771 = arith.constant 16 : index
        %get3A_772 = tpu.vector_load %arg6[%get3A_768, %get3A_769, %get3A_770, %get3A_771] {strides = array<i32>} : memref<2x4x256x32xf32, #tpu.memory_space<vmem>>, vector<1x1x1x16xf32>,
        %get3A_773 = vector.shape_cast %get3A_772 : vector<1x1x1x16xf32> to vector<16xf32>
        %swap3A_774 = arith.index_cast %add3A_744 : i32 to index
        %swap3A_775 = arith.constant 16 : index
        %swap3A_776 = tpu.vector_load %arg7[%swap3A_774, %swap3A_775] {strides = array<i32>} : memref<128x64xf32, #tpu.memory_space<vmem>>, vector<1x16xf32>,
        %swap3A_777 = vector.shape_cast %swap3A_776 : vector<1x16xf32> to vector<16xf32>
        %swap3A_778 = vector.shape_cast %get3A_773 : vector<16xf32> to vector<1x16xf32>
        tpu.vector_store %arg7[%swap3A_774, %swap3A_775], %swap3A_778 {add = true, strides = array<i32>} : memref<128x64xf32, #tpu.memory_space<vmem>>, vector<1x16xf32>,
        %mul3A_779 = arith.constant 2 : i32
        %mul3A_780 = arith.muli %mul3A_779, %add3A_744 : i32
        %add3A_781 = arith.constant 1 : i32
        %add3A_782 = arith.addi %mul3A_780, %add3A_781 : i32
        %get3A_783 = arith.constant 1 : i32
        %get3A_784 = arith.constant 2 : i32
        %get3A_785 = arith.index_cast %get3A_783 : i32 to index
        %get3A_786 = arith.index_cast %get3A_784 : i32 to index
        %get3A_787 = arith.index_cast %add3A_782 : i32 to index
        %get3A_788 = arith.constant 0 : index
        %get3A_789 = tpu.vector_load %arg6[%get3A_785, %get3A_786, %get3A_787, %get3A_788] {strides = array<i32>} : memref<2x4x256x32xf32, #tpu.memory_space<vmem>>, vector<1x1x1x16xf32>,
        %get3A_790 = vector.shape_cast %get3A_789 : vector<1x1x1x16xf32> to vector<16xf32>
        %swap3A_791 = arith.index_cast %add3A_744 : i32 to index
        %swap3A_792 = arith.constant 32 : index
        %swap3A_793 = tpu.vector_load %arg7[%swap3A_791, %swap3A_792] {strides = array<i32>} : memref<128x64xf32, #tpu.memory_space<vmem>>, vector<1x16xf32>,
        %swap3A_794 = vector.shape_cast %swap3A_793 : vector<1x16xf32> to vector<16xf32>
        %swap3A_795 = vector.shape_cast %get3A_790 : vector<16xf32> to vector<1x16xf32>
        tpu.vector_store %arg7[%swap3A_791, %swap3A_792], %swap3A_795 {add = true, strides = array<i32>} : memref<128x64xf32, #tpu.memory_space<vmem>>, vector<1x16xf32>,
        %mul3A_796 = arith.constant 2 : i32
        %mul3A_797 = arith.muli %mul3A_796, %add3A_744 : i32
        %add3A_798 = arith.constant 1 : i32
        %add3A_799 = arith.addi %mul3A_797, %add3A_798 : i32
        %get3A_800 = arith.constant 1 : i32
        %get3A_801 = arith.constant 2 : i32
        %get3A_802 = arith.index_cast %get3A_800 : i32 to index
        %get3A_803 = arith.index_cast %get3A_801 : i32 to index
        %get3A_804 = arith.index_cast %add3A_799 : i32 to index
        %get3A_805 = arith.constant 16 : index
        %get3A_806 = tpu.vector_load %arg6[%get3A_802, %get3A_803, %get3A_804, %get3A_805] {strides = array<i32>} : memref<2x4x256x32xf32, #tpu.memory_space<vmem>>, vector<1x1x1x16xf32>,
        %get3A_807 = vector.shape_cast %get3A_806 : vector<1x1x1x16xf32> to vector<16xf32>
        %swap3A_808 = arith.index_cast %add3A_744 : i32 to index
        %swap3A_809 = arith.constant 48 : index
        %swap3A_810 = tpu.vector_load %arg7[%swap3A_808, %swap3A_809] {strides = array<i32>} : memref<128x64xf32, #tpu.memory_space<vmem>>, vector<1x16xf32>,
        %swap3A_811 = vector.shape_cast %swap3A_810 : vector<1x16xf32> to vector<16xf32>
        %swap3A_812 = vector.shape_cast %get3A_807 : vector<16xf32> to vector<1x16xf32>
        tpu.vector_store %arg7[%swap3A_808, %swap3A_809], %swap3A_812 {add = true, strides = array<i32>} : memref<128x64xf32, #tpu.memory_space<vmem>>, vector<1x16xf32>,
      }
      %scan3A_519 = arith.constant 32 : i32
      %scan3A_520 = arith.constant 0 : i32
      %scan3A_521 = arith.constant 0 : i32
      %scan3A_522 = arith.constant 32 : i32
      %scan3A_523 = arith.addi %scan3A_521, %scan3A_522 : i32
      %scan3A_524 = arith.constant 1 : i32
      scf.for %scan3A_526 = %scan3A_521 to %scan3A_523 step %scan3A_524  : i32 {
        %mul3A_527 = arith.constant 4 : i32
        %mul3A_528 = arith.muli %scan3A_526, %mul3A_527 : i32
        %add3A_529 = arith.constant 0 : i32
        %add3A_530 = arith.addi %mul3A_528, %add3A_529 : i32
        %mul3A_531 = arith.constant 2 : i32
        %mul3A_532 = arith.muli %mul3A_531, %add3A_530 : i32
        %add3A_533 = arith.constant 0 : i32
        %add3A_534 = arith.addi %mul3A_532, %add3A_533 : i32
        %get3A = arith.constant 1 : i32
        %get3A_535 = arith.constant 3 : i32
        %get3A_536 = arith.index_cast %get3A : i32 to index
        %get3A_537 = arith.index_cast %get3A_535 : i32 to index
        %get3A_538 = arith.index_cast %add3A_534 : i32 to index
        %get3A_539 = arith.constant 0 : index
        %get3A_540 = tpu.vector_load %arg6[%get3A_536, %get3A_537, %get3A_538, %get3A_539] {strides = array<i32>} : memref<2x4x256x32xf32, #tpu.memory_space<vmem>>, vector<1x1x1x16xf32>,
        %get3A_541 = vector.shape_cast %get3A_540 : vector<1x1x1x16xf32> to vector<16xf32>
        %swap3A = arith.index_cast %add3A_530 : i32 to index
        %swap3A_542 = arith.constant 0 : index
        %swap3A_543 = tpu.vector_load %arg7[%swap3A, %swap3A_542] {strides = array<i32>} : memref<128x64xf32, #tpu.memory_space<vmem>>, vector<1x16xf32>,
        %swap3A_544 = vector.shape_cast %swap3A_543 : vector<1x16xf32> to vector<16xf32>
        %swap3A_545 = vector.shape_cast %get3A_541 : vector<16xf32> to vector<1x16xf32>
        tpu.vector_store %arg7[%swap3A, %swap3A_542], %swap3A_545 {add = true, strides = array<i32>} : memref<128x64xf32, #tpu.memory_space<vmem>>, vector<1x16xf32>,
        %mul3A_546 = arith.constant 2 : i32
        %mul3A_547 = arith.muli %mul3A_546, %add3A_530 : i32
        %add3A_548 = arith.constant 0 : i32
        %add3A_549 = arith.addi %mul3A_547, %add3A_548 : i32
        %get3A_550 = arith.constant 1 : i32
        %get3A_551 = arith.constant 3 : i32
        %get3A_552 = arith.index_cast %get3A_550 : i32 to index
        %get3A_553 = arith.index_cast %get3A_551 : i32 to index
        %get3A_554 = arith.index_cast %add3A_549 : i32 to index
        %get3A_555 = arith.constant 16 : index
        %get3A_556 = tpu.vector_load %arg6[%get3A_552, %get3A_553, %get3A_554, %get3A_555] {strides = array<i32>} : memref<2x4x256x32xf32, #tpu.memory_space<vmem>>, vector<1x1x1x16xf32>,
        %get3A_557 = vector.shape_cast %get3A_556 : vector<1x1x1x16xf32> to vector<16xf32>
        %swap3A_558 = arith.index_cast %add3A_530 : i32 to index
        %swap3A_559 = arith.constant 16 : index
        %swap3A_560 = tpu.vector_load %arg7[%swap3A_558, %swap3A_559] {strides = array<i32>} : memref<128x64xf32, #tpu.memory_space<vmem>>, vector<1x16xf32>,
        %swap3A_561 = vector.shape_cast %swap3A_560 : vector<1x16xf32> to vector<16xf32>
        %swap3A_562 = vector.shape_cast %get3A_557 : vector<16xf32> to vector<1x16xf32>
        tpu.vector_store %arg7[%swap3A_558, %swap3A_559], %swap3A_562 {add = true, strides = array<i32>} : memref<128x64xf32, #tpu.memory_space<vmem>>, vector<1x16xf32>,
        %mul3A_563 = arith.constant 2 : i32
        %mul3A_564 = arith.muli %mul3A_563, %add3A_530 : i32
        %add3A_565 = arith.constant 1 : i32
        %add3A_566 = arith.addi %mul3A_564, %add3A_565 : i32
        %get3A_567 = arith.constant 1 : i32
        %get3A_568 = arith.constant 3 : i32
        %get3A_569 = arith.index_cast %get3A_567 : i32 to index
        %get3A_570 = arith.index_cast %get3A_568 : i32 to index
        %get3A_571 = arith.index_cast %add3A_566 : i32 to index
        %get3A_572 = arith.constant 0 : index
        %get3A_573 = tpu.vector_load %arg6[%get3A_569, %get3A_570, %get3A_571, %get3A_572] {strides = array<i32>} : memref<2x4x256x32xf32, #tpu.memory_space<vmem>>, vector<1x1x1x16xf32>,
        %get3A_574 = vector.shape_cast %get3A_573 : vector<1x1x1x16xf32> to vector<16xf32>
        %swap3A_575 = arith.index_cast %add3A_530 : i32 to index
        %swap3A_576 = arith.constant 32 : index
        %swap3A_577 = tpu.vector_load %arg7[%swap3A_575, %swap3A_576] {strides = array<i32>} : memref<128x64xf32, #tpu.memory_space<vmem>>, vector<1x16xf32>,
        %swap3A_578 = vector.shape_cast %swap3A_577 : vector<1x16xf32> to vector<16xf32>
        %swap3A_579 = vector.shape_cast %get3A_574 : vector<16xf32> to vector<1x16xf32>
        tpu.vector_store %arg7[%swap3A_575, %swap3A_576], %swap3A_579 {add = true, strides = array<i32>} : memref<128x64xf32, #tpu.memory_space<vmem>>, vector<1x16xf32>,
        %mul3A_580 = arith.constant 2 : i32
        %mul3A_581 = arith.muli %mul3A_580, %add3A_530 : i32
        %add3A_582 = arith.constant 1 : i32
        %add3A_583 = arith.addi %mul3A_581, %add3A_582 : i32
        %get3A_584 = arith.constant 1 : i32
        %get3A_585 = arith.constant 3 : i32
        %get3A_586 = arith.index_cast %get3A_584 : i32 to index
        %get3A_587 = arith.index_cast %get3A_585 : i32 to index
        %get3A_588 = arith.index_cast %add3A_583 : i32 to index
        %get3A_589 = arith.constant 16 : index
        %get3A_590 = tpu.vector_load %arg6[%get3A_586, %get3A_587, %get3A_588, %get3A_589] {strides = array<i32>} : memref<2x4x256x32xf32, #tpu.memory_space<vmem>>, vector<1x1x1x16xf32>,
        %get3A_591 = vector.shape_cast %get3A_590 : vector<1x1x1x16xf32> to vector<16xf32>
        %swap3A_592 = arith.index_cast %add3A_530 : i32 to index
        %swap3A_593 = arith.constant 48 : index
        %swap3A_594 = tpu.vector_load %arg7[%swap3A_592, %swap3A_593] {strides = array<i32>} : memref<128x64xf32, #tpu.memory_space<vmem>>, vector<1x16xf32>,
        %swap3A_595 = vector.shape_cast %swap3A_594 : vector<1x16xf32> to vector<16xf32>
        %swap3A_596 = vector.shape_cast %get3A_591 : vector<16xf32> to vector<1x16xf32>
        tpu.vector_store %arg7[%swap3A_592, %swap3A_593], %swap3A_596 {add = true, strides = array<i32>} : memref<128x64xf32, #tpu.memory_space<vmem>>, vector<1x16xf32>,
        %mul3A_597 = arith.constant 4 : i32
        %mul3A_598 = arith.muli %scan3A_526, %mul3A_597 : i32
        %add3A_599 = arith.constant 1 : i32
        %add3A_600 = arith.addi %mul3A_598, %add3A_599 : i32
        %mul3A_601 = arith.constant 2 : i32
        %mul3A_602 = arith.muli %mul3A_601, %add3A_600 : i32
        %add3A_603 = arith.constant 0 : i32
        %add3A_604 = arith.addi %mul3A_602, %add3A_603 : i32
        %get3A_605 = arith.constant 1 : i32
        %get3A_606 = arith.constant 3 : i32
        %get3A_607 = arith.index_cast %get3A_605 : i32 to index
        %get3A_608 = arith.index_cast %get3A_606 : i32 to index
        %get3A_609 = arith.index_cast %add3A_604 : i32 to index
        %get3A_610 = arith.constant 0 : index
        %get3A_611 = tpu.vector_load %arg6[%get3A_607, %get3A_608, %get3A_609, %get3A_610] {strides = array<i32>} : memref<2x4x256x32xf32, #tpu.memory_space<vmem>>, vector<1x1x1x16xf32>,
        %get3A_612 = vector.shape_cast %get3A_611 : vector<1x1x1x16xf32> to vector<16xf32>
        %swap3A_613 = arith.index_cast %add3A_600 : i32 to index
        %swap3A_614 = arith.constant 0 : index
        %swap3A_615 = tpu.vector_load %arg7[%swap3A_613, %swap3A_614] {strides = array<i32>} : memref<128x64xf32, #tpu.memory_space<vmem>>, vector<1x16xf32>,
        %swap3A_616 = vector.shape_cast %swap3A_615 : vector<1x16xf32> to vector<16xf32>
        %swap3A_617 = vector.shape_cast %get3A_612 : vector<16xf32> to vector<1x16xf32>
        tpu.vector_store %arg7[%swap3A_613, %swap3A_614], %swap3A_617 {add = true, strides = array<i32>} : memref<128x64xf32, #tpu.memory_space<vmem>>, vector<1x16xf32>,
        %mul3A_618 = arith.constant 2 : i32
        %mul3A_619 = arith.muli %mul3A_618, %add3A_600 : i32
        %add3A_620 = arith.constant 0 : i32
        %add3A_621 = arith.addi %mul3A_619, %add3A_620 : i32
        %get3A_622 = arith.constant 1 : i32
        %get3A_623 = arith.constant 3 : i32
        %get3A_624 = arith.index_cast %get3A_622 : i32 to index
        %get3A_625 = arith.index_cast %get3A_623 : i32 to index
        %get3A_626 = arith.index_cast %add3A_621 : i32 to index
        %get3A_627 = arith.constant 16 : index
        %get3A_628 = tpu.vector_load %arg6[%get3A_624, %get3A_625, %get3A_626, %get3A_627] {strides = array<i32>} : memref<2x4x256x32xf32, #tpu.memory_space<vmem>>, vector<1x1x1x16xf32>,
        %get3A_629 = vector.shape_cast %get3A_628 : vector<1x1x1x16xf32> to vector<16xf32>
        %swap3A_630 = arith.index_cast %add3A_600 : i32 to index
        %swap3A_631 = arith.constant 16 : index
        %swap3A_632 = tpu.vector_load %arg7[%swap3A_630, %swap3A_631] {strides = array<i32>} : memref<128x64xf32, #tpu.memory_space<vmem>>, vector<1x16xf32>,
        %swap3A_633 = vector.shape_cast %swap3A_632 : vector<1x16xf32> to vector<16xf32>
        %swap3A_634 = vector.shape_cast %get3A_629 : vector<16xf32> to vector<1x16xf32>
        tpu.vector_store %arg7[%swap3A_630, %swap3A_631], %swap3A_634 {add = true, strides = array<i32>} : memref<128x64xf32, #tpu.memory_space<vmem>>, vector<1x16xf32>,
        %mul3A_635 = arith.constant 2 : i32
        %mul3A_636 = arith.muli %mul3A_635, %add3A_600 : i32
        %add3A_637 = arith.constant 1 : i32
        %add3A_638 = arith.addi %mul3A_636, %add3A_637 : i32
        %get3A_639 = arith.constant 1 : i32
        %get3A_640 = arith.constant 3 : i32
        %get3A_641 = arith.index_cast %get3A_639 : i32 to index
        %get3A_642 = arith.index_cast %get3A_640 : i32 to index
        %get3A_643 = arith.index_cast %add3A_638 : i32 to index
        %get3A_644 = arith.constant 0 : index
        %get3A_645 = tpu.vector_load %arg6[%get3A_641, %get3A_642, %get3A_643, %get3A_644] {strides = array<i32>} : memref<2x4x256x32xf32, #tpu.memory_space<vmem>>, vector<1x1x1x16xf32>,
        %get3A_646 = vector.shape_cast %get3A_645 : vector<1x1x1x16xf32> to vector<16xf32>
        %swap3A_647 = arith.index_cast %add3A_600 : i32 to index
        %swap3A_648 = arith.constant 32 : index
        %swap3A_649 = tpu.vector_load %arg7[%swap3A_647, %swap3A_648] {strides = array<i32>} : memref<128x64xf32, #tpu.memory_space<vmem>>, vector<1x16xf32>,
        %swap3A_650 = vector.shape_cast %swap3A_649 : vector<1x16xf32> to vector<16xf32>
        %swap3A_651 = vector.shape_cast %get3A_646 : vector<16xf32> to vector<1x16xf32>
        tpu.vector_store %arg7[%swap3A_647, %swap3A_648], %swap3A_651 {add = true, strides = array<i32>} : memref<128x64xf32, #tpu.memory_space<vmem>>, vector<1x16xf32>,
        %mul3A_652 = arith.constant 2 : i32
        %mul3A_653 = arith.muli %mul3A_652, %add3A_600 : i32
        %add3A_654 = arith.constant 1 : i32
        %add3A_655 = arith.addi %mul3A_653, %add3A_654 : i32
        %get3A_656 = arith.constant 1 : i32
        %get3A_657 = arith.constant 3 : i32
        %get3A_658 = arith.index_cast %get3A_656 : i32 to index
        %get3A_659 = arith.index_cast %get3A_657 : i32 to index
        %get3A_660 = arith.index_cast %add3A_655 : i32 to index
        %get3A_661 = arith.constant 16 : index
        %get3A_662 = tpu.vector_load %arg6[%get3A_658, %get3A_659, %get3A_660, %get3A_661] {strides = array<i32>} : memref<2x4x256x32xf32, #tpu.memory_space<vmem>>, vector<1x1x1x16xf32>,
        %get3A_663 = vector.shape_cast %get3A_662 : vector<1x1x1x16xf32> to vector<16xf32>
        %swap3A_664 = arith.index_cast %add3A_600 : i32 to index
        %swap3A_665 = arith.constant 48 : index
        %swap3A_666 = tpu.vector_load %arg7[%swap3A_664, %swap3A_665] {strides = array<i32>} : memref<128x64xf32, #tpu.memory_space<vmem>>, vector<1x16xf32>,
        %swap3A_667 = vector.shape_cast %swap3A_666 : vector<1x16xf32> to vector<16xf32>
        %swap3A_668 = vector.shape_cast %get3A_663 : vector<16xf32> to vector<1x16xf32>
        tpu.vector_store %arg7[%swap3A_664, %swap3A_665], %swap3A_668 {add = true, strides = array<i32>} : memref<128x64xf32, #tpu.memory_space<vmem>>, vector<1x16xf32>,
        %mul3A_669 = arith.constant 4 : i32
        %mul3A_670 = arith.muli %scan3A_526, %mul3A_669 : i32
        %add3A_671 = arith.constant 2 : i32
        %add3A_672 = arith.addi %mul3A_670, %add3A_671 : i32
        %mul3A_673 = arith.constant 2 : i32
        %mul3A_674 = arith.muli %mul3A_673, %add3A_672 : i32
        %add3A_675 = arith.constant 0 : i32
        %add3A_676 = arith.addi %mul3A_674, %add3A_675 : i32
        %get3A_677 = arith.constant 1 : i32
        %get3A_678 = arith.constant 3 : i32
        %get3A_679 = arith.index_cast %get3A_677 : i32 to index
        %get3A_680 = arith.index_cast %get3A_678 : i32 to index
        %get3A_681 = arith.index_cast %add3A_676 : i32 to index
        %get3A_682 = arith.constant 0 : index
        %get3A_683 = tpu.vector_load %arg6[%get3A_679, %get3A_680, %get3A_681, %get3A_682] {strides = array<i32>} : memref<2x4x256x32xf32, #tpu.memory_space<vmem>>, vector<1x1x1x16xf32>,
        %get3A_684 = vector.shape_cast %get3A_683 : vector<1x1x1x16xf32> to vector<16xf32>
        %swap3A_685 = arith.index_cast %add3A_672 : i32 to index
        %swap3A_686 = arith.constant 0 : index
        %swap3A_687 = tpu.vector_load %arg7[%swap3A_685, %swap3A_686] {strides = array<i32>} : memref<128x64xf32, #tpu.memory_space<vmem>>, vector<1x16xf32>,
        %swap3A_688 = vector.shape_cast %swap3A_687 : vector<1x16xf32> to vector<16xf32>
        %swap3A_689 = vector.shape_cast %get3A_684 : vector<16xf32> to vector<1x16xf32>
        tpu.vector_store %arg7[%swap3A_685, %swap3A_686], %swap3A_689 {add = true, strides = array<i32>} : memref<128x64xf32, #tpu.memory_space<vmem>>, vector<1x16xf32>,
        %mul3A_690 = arith.constant 2 : i32
        %mul3A_691 = arith.muli %mul3A_690, %add3A_672 : i32
        %add3A_692 = arith.constant 0 : i32
        %add3A_693 = arith.addi %mul3A_691, %add3A_692 : i32
        %get3A_694 = arith.constant 1 : i32
        %get3A_695 = arith.constant 3 : i32
        %get3A_696 = arith.index_cast %get3A_694 : i32 to index
        %get3A_697 = arith.index_cast %get3A_695 : i32 to index
        %get3A_698 = arith.index_cast %add3A_693 : i32 to index
        %get3A_699 = arith.constant 16 : index
        %get3A_700 = tpu.vector_load %arg6[%get3A_696, %get3A_697, %get3A_698, %get3A_699] {strides = array<i32>} : memref<2x4x256x32xf32, #tpu.memory_space<vmem>>, vector<1x1x1x16xf32>,
        %get3A_701 = vector.shape_cast %get3A_700 : vector<1x1x1x16xf32> to vector<16xf32>
        %swap3A_702 = arith.index_cast %add3A_672 : i32 to index
        %swap3A_703 = arith.constant 16 : index
        %swap3A_704 = tpu.vector_load %arg7[%swap3A_702, %swap3A_703] {strides = array<i32>} : memref<128x64xf32, #tpu.memory_space<vmem>>, vector<1x16xf32>,
        %swap3A_705 = vector.shape_cast %swap3A_704 : vector<1x16xf32> to vector<16xf32>
        %swap3A_706 = vector.shape_cast %get3A_701 : vector<16xf32> to vector<1x16xf32>
        tpu.vector_store %arg7[%swap3A_702, %swap3A_703], %swap3A_706 {add = true, strides = array<i32>} : memref<128x64xf32, #tpu.memory_space<vmem>>, vector<1x16xf32>,
        %mul3A_707 = arith.constant 2 : i32
        %mul3A_708 = arith.muli %mul3A_707, %add3A_672 : i32
        %add3A_709 = arith.constant 1 : i32
        %add3A_710 = arith.addi %mul3A_708, %add3A_709 : i32
        %get3A_711 = arith.constant 1 : i32
        %get3A_712 = arith.constant 3 : i32
        %get3A_713 = arith.index_cast %get3A_711 : i32 to index
        %get3A_714 = arith.index_cast %get3A_712 : i32 to index
        %get3A_715 = arith.index_cast %add3A_710 : i32 to index
        %get3A_716 = arith.constant 0 : index
        %get3A_717 = tpu.vector_load %arg6[%get3A_713, %get3A_714, %get3A_715, %get3A_716] {strides = array<i32>} : memref<2x4x256x32xf32, #tpu.memory_space<vmem>>, vector<1x1x1x16xf32>,
        %get3A_718 = vector.shape_cast %get3A_717 : vector<1x1x1x16xf32> to vector<16xf32>
        %swap3A_719 = arith.index_cast %add3A_672 : i32 to index
        %swap3A_720 = arith.constant 32 : index
        %swap3A_721 = tpu.vector_load %arg7[%swap3A_719, %swap3A_720] {strides = array<i32>} : memref<128x64xf32, #tpu.memory_space<vmem>>, vector<1x16xf32>,
        %swap3A_722 = vector.shape_cast %swap3A_721 : vector<1x16xf32> to vector<16xf32>
        %swap3A_723 = vector.shape_cast %get3A_718 : vector<16xf32> to vector<1x16xf32>
        tpu.vector_store %arg7[%swap3A_719, %swap3A_720], %swap3A_723 {add = true, strides = array<i32>} : memref<128x64xf32, #tpu.memory_space<vmem>>, vector<1x16xf32>,
        %mul3A_724 = arith.constant 2 : i32
        %mul3A_725 = arith.muli %mul3A_724, %add3A_672 : i32
        %add3A_726 = arith.constant 1 : i32
        %add3A_727 = arith.addi %mul3A_725, %add3A_726 : i32
        %get3A_728 = arith.constant 1 : i32
        %get3A_729 = arith.constant 3 : i32
        %get3A_730 = arith.index_cast %get3A_728 : i32 to index
        %get3A_731 = arith.index_cast %get3A_729 : i32 to index
        %get3A_732 = arith.index_cast %add3A_727 : i32 to index
        %get3A_733 = arith.constant 16 : index
        %get3A_734 = tpu.vector_load %arg6[%get3A_730, %get3A_731, %get3A_732, %get3A_733] {strides = array<i32>} : memref<2x4x256x32xf32, #tpu.memory_space<vmem>>, vector<1x1x1x16xf32>,
        %get3A_735 = vector.shape_cast %get3A_734 : vector<1x1x1x16xf32> to vector<16xf32>
        %swap3A_736 = arith.index_cast %add3A_672 : i32 to index
        %swap3A_737 = arith.constant 48 : index
        %swap3A_738 = tpu.vector_load %arg7[%swap3A_736, %swap3A_737] {strides = array<i32>} : memref<128x64xf32, #tpu.memory_space<vmem>>, vector<1x16xf32>,
        %swap3A_739 = vector.shape_cast %swap3A_738 : vector<1x16xf32> to vector<16xf32>
        %swap3A_740 = vector.shape_cast %get3A_735 : vector<16xf32> to vector<1x16xf32>
        tpu.vector_store %arg7[%swap3A_736, %swap3A_737], %swap3A_740 {add = true, strides = array<i32>} : memref<128x64xf32, #tpu.memory_space<vmem>>, vector<1x16xf32>,
        %mul3A_741 = arith.constant 4 : i32
        %mul3A_742 = arith.muli %scan3A_526, %mul3A_741 : i32
        %add3A_743 = arith.constant 3 : i32
        %add3A_744 = arith.addi %mul3A_742, %add3A_743 : i32
        %mul3A_745 = arith.constant 2 : i32
        %mul3A_746 = arith.muli %mul3A_745, %add3A_744 : i32
        %add3A_747 = arith.constant 0 : i32
        %add3A_748 = arith.addi %mul3A_746, %add3A_747 : i32
        %get3A_749 = arith.constant 1 : i32
        %get3A_750 = arith.constant 3 : i32
        %get3A_751 = arith.index_cast %get3A_749 : i32 to index
        %get3A_752 = arith.index_cast %get3A_750 : i32 to index
        %get3A_753 = arith.index_cast %add3A_748 : i32 to index
        %get3A_754 = arith.constant 0 : index
        %get3A_755 = tpu.vector_load %arg6[%get3A_751, %get3A_752, %get3A_753, %get3A_754] {strides = array<i32>} : memref<2x4x256x32xf32, #tpu.memory_space<vmem>>, vector<1x1x1x16xf32>,
        %get3A_756 = vector.shape_cast %get3A_755 : vector<1x1x1x16xf32> to vector<16xf32>
        %swap3A_757 = arith.index_cast %add3A_744 : i32 to index
        %swap3A_758 = arith.constant 0 : index
        %swap3A_759 = tpu.vector_load %arg7[%swap3A_757, %swap3A_758] {strides = array<i32>} : memref<128x64xf32, #tpu.memory_space<vmem>>, vector<1x16xf32>,
        %swap3A_760 = vector.shape_cast %swap3A_759 : vector<1x16xf32> to vector<16xf32>
        %swap3A_761 = vector.shape_cast %get3A_756 : vector<16xf32> to vector<1x16xf32>
        tpu.vector_store %arg7[%swap3A_757, %swap3A_758], %swap3A_761 {add = true, strides = array<i32>} : memref<128x64xf32, #tpu.memory_space<vmem>>, vector<1x16xf32>,
        %mul3A_762 = arith.constant 2 : i32
        %mul3A_763 = arith.muli %mul3A_762, %add3A_744 : i32
        %add3A_764 = arith.constant 0 : i32
        %add3A_765 = arith.addi %mul3A_763, %add3A_764 : i32
        %get3A_766 = arith.constant 1 : i32
        %get3A_767 = arith.constant 3 : i32
        %get3A_768 = arith.index_cast %get3A_766 : i32 to index
        %get3A_769 = arith.index_cast %get3A_767 : i32 to index
        %get3A_770 = arith.index_cast %add3A_765 : i32 to index
        %get3A_771 = arith.constant 16 : index
        %get3A_772 = tpu.vector_load %arg6[%get3A_768, %get3A_769, %get3A_770, %get3A_771] {strides = array<i32>} : memref<2x4x256x32xf32, #tpu.memory_space<vmem>>, vector<1x1x1x16xf32>,
        %get3A_773 = vector.shape_cast %get3A_772 : vector<1x1x1x16xf32> to vector<16xf32>
        %swap3A_774 = arith.index_cast %add3A_744 : i32 to index
        %swap3A_775 = arith.constant 16 : index
        %swap3A_776 = tpu.vector_load %arg7[%swap3A_774, %swap3A_775] {strides = array<i32>} : memref<128x64xf32, #tpu.memory_space<vmem>>, vector<1x16xf32>,
        %swap3A_777 = vector.shape_cast %swap3A_776 : vector<1x16xf32> to vector<16xf32>
        %swap3A_778 = vector.shape_cast %get3A_773 : vector<16xf32> to vector<1x16xf32>
        tpu.vector_store %arg7[%swap3A_774, %swap3A_775], %swap3A_778 {add = true, strides = array<i32>} : memref<128x64xf32, #tpu.memory_space<vmem>>, vector<1x16xf32>,
        %mul3A_779 = arith.constant 2 : i32
        %mul3A_780 = arith.muli %mul3A_779, %add3A_744 : i32
        %add3A_781 = arith.constant 1 : i32
        %add3A_782 = arith.addi %mul3A_780, %add3A_781 : i32
        %get3A_783 = arith.constant 1 : i32
        %get3A_784 = arith.constant 3 : i32
        %get3A_785 = arith.index_cast %get3A_783 : i32 to index
        %get3A_786 = arith.index_cast %get3A_784 : i32 to index
        %get3A_787 = arith.index_cast %add3A_782 : i32 to index
        %get3A_788 = arith.constant 0 : index
        %get3A_789 = tpu.vector_load %arg6[%get3A_785, %get3A_786, %get3A_787, %get3A_788] {strides = array<i32>} : memref<2x4x256x32xf32, #tpu.memory_space<vmem>>, vector<1x1x1x16xf32>,
        %get3A_790 = vector.shape_cast %get3A_789 : vector<1x1x1x16xf32> to vector<16xf32>
        %swap3A_791 = arith.index_cast %add3A_744 : i32 to index
        %swap3A_792 = arith.constant 32 : index
        %swap3A_793 = tpu.vector_load %arg7[%swap3A_791, %swap3A_792] {strides = array<i32>} : memref<128x64xf32, #tpu.memory_space<vmem>>, vector<1x16xf32>,
        %swap3A_794 = vector.shape_cast %swap3A_793 : vector<1x16xf32> to vector<16xf32>
        %swap3A_795 = vector.shape_cast %get3A_790 : vector<16xf32> to vector<1x16xf32>
        tpu.vector_store %arg7[%swap3A_791, %swap3A_792], %swap3A_795 {add = true, strides = array<i32>} : memref<128x64xf32, #tpu.memory_space<vmem>>, vector<1x16xf32>,
        %mul3A_796 = arith.constant 2 : i32
        %mul3A_797 = arith.muli %mul3A_796, %add3A_744 : i32
        %add3A_798 = arith.constant 1 : i32
        %add3A_799 = arith.addi %mul3A_797, %add3A_798 : i32
        %get3A_800 = arith.constant 1 : i32
        %get3A_801 = arith.constant 3 : i32
        %get3A_802 = arith.index_cast %get3A_800 : i32 to index
        %get3A_803 = arith.index_cast %get3A_801 : i32 to index
        %get3A_804 = arith.index_cast %add3A_799 : i32 to index
        %get3A_805 = arith.constant 16 : index
        %get3A_806 = tpu.vector_load %arg6[%get3A_802, %get3A_803, %get3A_804, %get3A_805] {strides = array<i32>} : memref<2x4x256x32xf32, #tpu.memory_space<vmem>>, vector<1x1x1x16xf32>,
        %get3A_807 = vector.shape_cast %get3A_806 : vector<1x1x1x16xf32> to vector<16xf32>
        %swap3A_808 = arith.index_cast %add3A_744 : i32 to index
        %swap3A_809 = arith.constant 48 : index
        %swap3A_810 = tpu.vector_load %arg7[%swap3A_808, %swap3A_809] {strides = array<i32>} : memref<128x64xf32, #tpu.memory_space<vmem>>, vector<1x16xf32>,
        %swap3A_811 = vector.shape_cast %swap3A_810 : vector<1x16xf32> to vector<16xf32>
        %swap3A_812 = vector.shape_cast %get3A_807 : vector<16xf32> to vector<1x16xf32>
        tpu.vector_store %arg7[%swap3A_808, %swap3A_809], %swap3A_812 {add = true, strides = array<i32>} : memref<128x64xf32, #tpu.memory_space<vmem>>, vector<1x16xf32>,
      }
      %scan3A_525 = arith.constant 32 : i32
    }
    %scan3A_123 = arith.constant 25 : i32
    %mul3A_124 = arith.constant 128 : i32
    %mul3A_125 = arith.muli %add3A, %mul3A_124 : i32
    "tpu.region"() ({
      %run_scoped3A = tpu.sem_alloc : memref<!tpu.dma_semaphore, #tpu.memory_space<semaphore_mem>>
      %dma_start3A_126 = arith.constant 0 : i32
      %dma_start3A_127 = tpu.memref_slice %arg4[%mul3A_125, %dma_start3A_126] : memref<4096x64xf32, #tpu.memory_space<hbm>> -> memref<128x64xf32, #tpu.memory_space<hbm>>
      %dma_start3A_128 = arith.constant 0 : i32
      %dma_start3A_129 = tpu.memref_slice %arg4[%mul3A_125, %dma_start3A_128] : memref<4096x64xf32, #tpu.memory_space<hbm>> -> memref<128x64xf32, #tpu.memory_space<hbm>>
      tpu.enqueue_dma source(%arg7 : memref<128x64xf32, #tpu.memory_space<vmem>>) target(%dma_start3A_129 : memref<128x64xf32, #tpu.memory_space<hbm>>) target_semaphore(%run_scoped3A : memref<!tpu.dma_semaphore, #tpu.memory_space<semaphore_mem>>)
      %dma_wait3A = arith.constant 0 : i32
      %dma_wait3A_130 = tpu.memref_slice %arg4[%mul3A_125, %dma_wait3A] : memref<4096x64xf32, #tpu.memory_space<hbm>> -> memref<128x64xf32, #tpu.memory_space<hbm>>
      %dma_wait3A_131 = arith.constant 0 : i32
      %dma_wait3A_132 = tpu.memref_slice %arg4[%mul3A_125, %dma_wait3A_131] : memref<4096x64xf32, #tpu.memory_space<hbm>> -> memref<128x64xf32, #tpu.memory_space<hbm>>
      tpu.wait_dma2 semaphore(%run_scoped3A : memref<!tpu.dma_semaphore, #tpu.memory_space<semaphore_mem>>) src(%arg7 : memref<128x64xf32, #tpu.memory_space<vmem>>) dst(%dma_wait3A_132 : memref<128x64xf32, #tpu.memory_space<hbm>>)
      tpu.yield
    }) : () -> ()
    return
  }
}

module attributes {stable_mosaic.version = 14 : i64} {
  func.func @_tc_transpose_body(%arg0: i32, %arg1: memref<64x2048xf32, #tpu.memory_space<vmem>>, %arg2: memref<1024x128xf32, #tpu.memory_space<vmem>>) attributes {dimension_semantics = [#tpu.dimension_semantics<arbitrary>], iteration_bounds = array<i64: 489>, scalar_prefetch = 0 : i64, scratch_operands = 0 : i64, tpu.core_type = #tpu.core_type<tc>, window_params = [{transform_indices = @transform_0, window_bounds = array<i64: 64, 2048>}, {transform_indices = @transform_1, window_bounds = array<i64: 1024, 128>}]} {
    %iota3A = tpu.iota {dimensions = array<i32: 0>} : vector<64x128xi32>
    %iota3A_0 = tpu.iota {dimensions = array<i32: 1>} : vector<64x128xi32>
    %mul3A = arith.constant 2 : i32
    %mul3A_1 = vector.broadcast %mul3A : i32 to vector<64x128xi32>
    %mul3A_2 = arith.muli %mul3A_1, %iota3A : vector<64x128xi32>
    %eq3A = arith.cmpi eq, %iota3A_0, %mul3A_2 : vector<64x128xi32>
    %convert_element_type3A = arith.extui %eq3A : vector<64x128xi1> to vector<64x128xi32>
    %convert_element_type3A_3 = arith.sitofp %convert_element_type3A : vector<64x128xi32> to vector<64x128xf32>
    %convert_element_type3A_4 = arith.truncf %convert_element_type3A_3 : vector<64x128xf32> to vector<64x128xbf16>
    %mul3A_5 = arith.constant 2 : i32
    %mul3A_6 = vector.broadcast %mul3A_5 : i32 to vector<64x128xi32>
    %mul3A_7 = arith.muli %mul3A_6, %iota3A : vector<64x128xi32>
    %add3A = arith.constant 1 : i32
    %add3A_8 = vector.broadcast %add3A : i32 to vector<64x128xi32>
    %add3A_9 = arith.addi %mul3A_7, %add3A_8 : vector<64x128xi32>
    %eq3A_10 = arith.cmpi eq, %iota3A_0, %add3A_9 : vector<64x128xi32>
    %convert_element_type3A_11 = arith.extui %eq3A_10 : vector<64x128xi1> to vector<64x128xi32>
    %convert_element_type3A_12 = arith.sitofp %convert_element_type3A_11 : vector<64x128xi32> to vector<64x128xf32>
    %convert_element_type3A_13 = arith.truncf %convert_element_type3A_12 : vector<64x128xf32> to vector<64x128xbf16>
    %get3A = arith.constant 0 : index
    %get3A_14 = arith.constant 0 : index
    %get3A_15 = vector.load %arg1[%get3A, %get3A_14] : memref<64x2048xf32, #tpu.memory_space<vmem>>, vector<64x128xf32>
    %convert_element_type3A_16 = arith.truncf %get3A_15 : vector<64x128xf32> to vector<64x128xbf16>
    %dot_general3A = arith.constant dense<0.000000e+00> : vector<64x64xf32>
    %dot_general3A_17 = tpu.matmul %convert_element_type3A_4, %convert_element_type3A_16, %dot_general3A {dimension_numbers = #tpu.dot_dimension_numbers<[1], [1], [0], [0], [0, 0, 1, 0], [], []>, transpose_lhs_hint = false} : vector<64x128xbf16>, vector<64x128xbf16>, vector<64x64xf32> -> vector<64x64xf32>
    %swap3A = arith.constant 0 : index
    %swap3A_18 = arith.constant 0 : index
    %swap3A_19 = vector.load %arg2[%swap3A, %swap3A_18] : memref<1024x128xf32, #tpu.memory_space<vmem>>, vector<64x64xf32>
    tpu.vector_store %arg2[%swap3A, %swap3A_18], %dot_general3A_17 {strides = array<i32>} : memref<1024x128xf32, #tpu.memory_space<vmem>>, vector<64x64xf32>,
    %dot_general3A_20 = arith.constant dense<0.000000e+00> : vector<64x64xf32>
    %dot_general3A_21 = tpu.matmul %convert_element_type3A_13, %convert_element_type3A_16, %dot_general3A_20 {dimension_numbers = #tpu.dot_dimension_numbers<[1], [1], [0], [0], [0, 0, 1, 0], [], []>, transpose_lhs_hint = false} : vector<64x128xbf16>, vector<64x128xbf16>, vector<64x64xf32> -> vector<64x64xf32>
    %swap3A_22 = arith.constant 0 : index
    %swap3A_23 = arith.constant 64 : index
    %swap3A_24 = vector.load %arg2[%swap3A_22, %swap3A_23] : memref<1024x128xf32, #tpu.memory_space<vmem>>, vector<64x64xf32>
    tpu.vector_store %arg2[%swap3A_22, %swap3A_23], %dot_general3A_21 {strides = array<i32>} : memref<1024x128xf32, #tpu.memory_space<vmem>>, vector<64x64xf32>,
    %get3A_25 = arith.constant 0 : index
    %get3A_26 = arith.constant 128 : index
    %get3A_27 = vector.load %arg1[%get3A_25, %get3A_26] : memref<64x2048xf32, #tpu.memory_space<vmem>>, vector<64x128xf32>
    %convert_element_type3A_28 = arith.truncf %get3A_27 : vector<64x128xf32> to vector<64x128xbf16>
    %dot_general3A_29 = arith.constant dense<0.000000e+00> : vector<64x64xf32>
    %dot_general3A_30 = tpu.matmul %convert_element_type3A_4, %convert_element_type3A_28, %dot_general3A_29 {dimension_numbers = #tpu.dot_dimension_numbers<[1], [1], [0], [0], [0, 0, 1, 0], [], []>, transpose_lhs_hint = false} : vector<64x128xbf16>, vector<64x128xbf16>, vector<64x64xf32> -> vector<64x64xf32>
    %swap3A_31 = arith.constant 64 : index
    %swap3A_32 = arith.constant 0 : index
    %swap3A_33 = vector.load %arg2[%swap3A_31, %swap3A_32] : memref<1024x128xf32, #tpu.memory_space<vmem>>, vector<64x64xf32>
    tpu.vector_store %arg2[%swap3A_31, %swap3A_32], %dot_general3A_30 {strides = array<i32>} : memref<1024x128xf32, #tpu.memory_space<vmem>>, vector<64x64xf32>,
    %dot_general3A_34 = arith.constant dense<0.000000e+00> : vector<64x64xf32>
    %dot_general3A_35 = tpu.matmul %convert_element_type3A_13, %convert_element_type3A_28, %dot_general3A_34 {dimension_numbers = #tpu.dot_dimension_numbers<[1], [1], [0], [0], [0, 0, 1, 0], [], []>, transpose_lhs_hint = false} : vector<64x128xbf16>, vector<64x128xbf16>, vector<64x64xf32> -> vector<64x64xf32>
    %swap3A_36 = arith.constant 64 : index
    %swap3A_37 = arith.constant 64 : index
    %swap3A_38 = vector.load %arg2[%swap3A_36, %swap3A_37] : memref<1024x128xf32, #tpu.memory_space<vmem>>, vector<64x64xf32>
    tpu.vector_store %arg2[%swap3A_36, %swap3A_37], %dot_general3A_35 {strides = array<i32>} : memref<1024x128xf32, #tpu.memory_space<vmem>>, vector<64x64xf32>,
    %get3A_39 = arith.constant 0 : index
    %get3A_40 = arith.constant 256 : index
    %get3A_41 = vector.load %arg1[%get3A_39, %get3A_40] : memref<64x2048xf32, #tpu.memory_space<vmem>>, vector<64x128xf32>
    %convert_element_type3A_42 = arith.truncf %get3A_41 : vector<64x128xf32> to vector<64x128xbf16>
    %dot_general3A_43 = arith.constant dense<0.000000e+00> : vector<64x64xf32>
    %dot_general3A_44 = tpu.matmul %convert_element_type3A_4, %convert_element_type3A_42, %dot_general3A_43 {dimension_numbers = #tpu.dot_dimension_numbers<[1], [1], [0], [0], [0, 0, 1, 0], [], []>, transpose_lhs_hint = false} : vector<64x128xbf16>, vector<64x128xbf16>, vector<64x64xf32> -> vector<64x64xf32>
    %swap3A_45 = arith.constant 128 : index
    %swap3A_46 = arith.constant 0 : index
    %swap3A_47 = vector.load %arg2[%swap3A_45, %swap3A_46] : memref<1024x128xf32, #tpu.memory_space<vmem>>, vector<64x64xf32>
    tpu.vector_store %arg2[%swap3A_45, %swap3A_46], %dot_general3A_44 {strides = array<i32>} : memref<1024x128xf32, #tpu.memory_space<vmem>>, vector<64x64xf32>,
    %dot_general3A_48 = arith.constant dense<0.000000e+00> : vector<64x64xf32>
    %dot_general3A_49 = tpu.matmul %convert_element_type3A_13, %convert_element_type3A_42, %dot_general3A_48 {dimension_numbers = #tpu.dot_dimension_numbers<[1], [1], [0], [0], [0, 0, 1, 0], [], []>, transpose_lhs_hint = false} : vector<64x128xbf16>, vector<64x128xbf16>, vector<64x64xf32> -> vector<64x64xf32>
    %swap3A_50 = arith.constant 128 : index
    %swap3A_51 = arith.constant 64 : index
    %swap3A_52 = vector.load %arg2[%swap3A_50, %swap3A_51] : memref<1024x128xf32, #tpu.memory_space<vmem>>, vector<64x64xf32>
    tpu.vector_store %arg2[%swap3A_50, %swap3A_51], %dot_general3A_49 {strides = array<i32>} : memref<1024x128xf32, #tpu.memory_space<vmem>>, vector<64x64xf32>,
    %get3A_53 = arith.constant 0 : index
    %get3A_54 = arith.constant 384 : index
    %get3A_55 = vector.load %arg1[%get3A_53, %get3A_54] : memref<64x2048xf32, #tpu.memory_space<vmem>>, vector<64x128xf32>
    %convert_element_type3A_56 = arith.truncf %get3A_55 : vector<64x128xf32> to vector<64x128xbf16>
    %dot_general3A_57 = arith.constant dense<0.000000e+00> : vector<64x64xf32>
    %dot_general3A_58 = tpu.matmul %convert_element_type3A_4, %convert_element_type3A_56, %dot_general3A_57 {dimension_numbers = #tpu.dot_dimension_numbers<[1], [1], [0], [0], [0, 0, 1, 0], [], []>, transpose_lhs_hint = false} : vector<64x128xbf16>, vector<64x128xbf16>, vector<64x64xf32> -> vector<64x64xf32>
    %swap3A_59 = arith.constant 192 : index
    %swap3A_60 = arith.constant 0 : index
    %swap3A_61 = vector.load %arg2[%swap3A_59, %swap3A_60] : memref<1024x128xf32, #tpu.memory_space<vmem>>, vector<64x64xf32>
    tpu.vector_store %arg2[%swap3A_59, %swap3A_60], %dot_general3A_58 {strides = array<i32>} : memref<1024x128xf32, #tpu.memory_space<vmem>>, vector<64x64xf32>,
    %dot_general3A_62 = arith.constant dense<0.000000e+00> : vector<64x64xf32>
    %dot_general3A_63 = tpu.matmul %convert_element_type3A_13, %convert_element_type3A_56, %dot_general3A_62 {dimension_numbers = #tpu.dot_dimension_numbers<[1], [1], [0], [0], [0, 0, 1, 0], [], []>, transpose_lhs_hint = false} : vector<64x128xbf16>, vector<64x128xbf16>, vector<64x64xf32> -> vector<64x64xf32>
    %swap3A_64 = arith.constant 192 : index
    %swap3A_65 = arith.constant 64 : index
    %swap3A_66 = vector.load %arg2[%swap3A_64, %swap3A_65] : memref<1024x128xf32, #tpu.memory_space<vmem>>, vector<64x64xf32>
    tpu.vector_store %arg2[%swap3A_64, %swap3A_65], %dot_general3A_63 {strides = array<i32>} : memref<1024x128xf32, #tpu.memory_space<vmem>>, vector<64x64xf32>,
    %get3A_67 = arith.constant 0 : index
    %get3A_68 = arith.constant 512 : index
    %get3A_69 = vector.load %arg1[%get3A_67, %get3A_68] : memref<64x2048xf32, #tpu.memory_space<vmem>>, vector<64x128xf32>
    %convert_element_type3A_70 = arith.truncf %get3A_69 : vector<64x128xf32> to vector<64x128xbf16>
    %dot_general3A_71 = arith.constant dense<0.000000e+00> : vector<64x64xf32>
    %dot_general3A_72 = tpu.matmul %convert_element_type3A_4, %convert_element_type3A_70, %dot_general3A_71 {dimension_numbers = #tpu.dot_dimension_numbers<[1], [1], [0], [0], [0, 0, 1, 0], [], []>, transpose_lhs_hint = false} : vector<64x128xbf16>, vector<64x128xbf16>, vector<64x64xf32> -> vector<64x64xf32>
    %swap3A_73 = arith.constant 256 : index
    %swap3A_74 = arith.constant 0 : index
    %swap3A_75 = vector.load %arg2[%swap3A_73, %swap3A_74] : memref<1024x128xf32, #tpu.memory_space<vmem>>, vector<64x64xf32>
    tpu.vector_store %arg2[%swap3A_73, %swap3A_74], %dot_general3A_72 {strides = array<i32>} : memref<1024x128xf32, #tpu.memory_space<vmem>>, vector<64x64xf32>,
    %dot_general3A_76 = arith.constant dense<0.000000e+00> : vector<64x64xf32>
    %dot_general3A_77 = tpu.matmul %convert_element_type3A_13, %convert_element_type3A_70, %dot_general3A_76 {dimension_numbers = #tpu.dot_dimension_numbers<[1], [1], [0], [0], [0, 0, 1, 0], [], []>, transpose_lhs_hint = false} : vector<64x128xbf16>, vector<64x128xbf16>, vector<64x64xf32> -> vector<64x64xf32>
    %swap3A_78 = arith.constant 256 : index
    %swap3A_79 = arith.constant 64 : index
    %swap3A_80 = vector.load %arg2[%swap3A_78, %swap3A_79] : memref<1024x128xf32, #tpu.memory_space<vmem>>, vector<64x64xf32>
    tpu.vector_store %arg2[%swap3A_78, %swap3A_79], %dot_general3A_77 {strides = array<i32>} : memref<1024x128xf32, #tpu.memory_space<vmem>>, vector<64x64xf32>,
    %get3A_81 = arith.constant 0 : index
    %get3A_82 = arith.constant 640 : index
    %get3A_83 = vector.load %arg1[%get3A_81, %get3A_82] : memref<64x2048xf32, #tpu.memory_space<vmem>>, vector<64x128xf32>
    %convert_element_type3A_84 = arith.truncf %get3A_83 : vector<64x128xf32> to vector<64x128xbf16>
    %dot_general3A_85 = arith.constant dense<0.000000e+00> : vector<64x64xf32>
    %dot_general3A_86 = tpu.matmul %convert_element_type3A_4, %convert_element_type3A_84, %dot_general3A_85 {dimension_numbers = #tpu.dot_dimension_numbers<[1], [1], [0], [0], [0, 0, 1, 0], [], []>, transpose_lhs_hint = false} : vector<64x128xbf16>, vector<64x128xbf16>, vector<64x64xf32> -> vector<64x64xf32>
    %swap3A_87 = arith.constant 320 : index
    %swap3A_88 = arith.constant 0 : index
    %swap3A_89 = vector.load %arg2[%swap3A_87, %swap3A_88] : memref<1024x128xf32, #tpu.memory_space<vmem>>, vector<64x64xf32>
    tpu.vector_store %arg2[%swap3A_87, %swap3A_88], %dot_general3A_86 {strides = array<i32>} : memref<1024x128xf32, #tpu.memory_space<vmem>>, vector<64x64xf32>,
    %dot_general3A_90 = arith.constant dense<0.000000e+00> : vector<64x64xf32>
    %dot_general3A_91 = tpu.matmul %convert_element_type3A_13, %convert_element_type3A_84, %dot_general3A_90 {dimension_numbers = #tpu.dot_dimension_numbers<[1], [1], [0], [0], [0, 0, 1, 0], [], []>, transpose_lhs_hint = false} : vector<64x128xbf16>, vector<64x128xbf16>, vector<64x64xf32> -> vector<64x64xf32>
    %swap3A_92 = arith.constant 320 : index
    %swap3A_93 = arith.constant 64 : index
    %swap3A_94 = vector.load %arg2[%swap3A_92, %swap3A_93] : memref<1024x128xf32, #tpu.memory_space<vmem>>, vector<64x64xf32>
    tpu.vector_store %arg2[%swap3A_92, %swap3A_93], %dot_general3A_91 {strides = array<i32>} : memref<1024x128xf32, #tpu.memory_space<vmem>>, vector<64x64xf32>,
    %get3A_95 = arith.constant 0 : index
    %get3A_96 = arith.constant 768 : index
    %get3A_97 = vector.load %arg1[%get3A_95, %get3A_96] : memref<64x2048xf32, #tpu.memory_space<vmem>>, vector<64x128xf32>
    %convert_element_type3A_98 = arith.truncf %get3A_97 : vector<64x128xf32> to vector<64x128xbf16>
    %dot_general3A_99 = arith.constant dense<0.000000e+00> : vector<64x64xf32>
    %dot_general3A_100 = tpu.matmul %convert_element_type3A_4, %convert_element_type3A_98, %dot_general3A_99 {dimension_numbers = #tpu.dot_dimension_numbers<[1], [1], [0], [0], [0, 0, 1, 0], [], []>, transpose_lhs_hint = false} : vector<64x128xbf16>, vector<64x128xbf16>, vector<64x64xf32> -> vector<64x64xf32>
    %swap3A_101 = arith.constant 384 : index
    %swap3A_102 = arith.constant 0 : index
    %swap3A_103 = vector.load %arg2[%swap3A_101, %swap3A_102] : memref<1024x128xf32, #tpu.memory_space<vmem>>, vector<64x64xf32>
    tpu.vector_store %arg2[%swap3A_101, %swap3A_102], %dot_general3A_100 {strides = array<i32>} : memref<1024x128xf32, #tpu.memory_space<vmem>>, vector<64x64xf32>,
    %dot_general3A_104 = arith.constant dense<0.000000e+00> : vector<64x64xf32>
    %dot_general3A_105 = tpu.matmul %convert_element_type3A_13, %convert_element_type3A_98, %dot_general3A_104 {dimension_numbers = #tpu.dot_dimension_numbers<[1], [1], [0], [0], [0, 0, 1, 0], [], []>, transpose_lhs_hint = false} : vector<64x128xbf16>, vector<64x128xbf16>, vector<64x64xf32> -> vector<64x64xf32>
    %swap3A_106 = arith.constant 384 : index
    %swap3A_107 = arith.constant 64 : index
    %swap3A_108 = vector.load %arg2[%swap3A_106, %swap3A_107] : memref<1024x128xf32, #tpu.memory_space<vmem>>, vector<64x64xf32>
    tpu.vector_store %arg2[%swap3A_106, %swap3A_107], %dot_general3A_105 {strides = array<i32>} : memref<1024x128xf32, #tpu.memory_space<vmem>>, vector<64x64xf32>,
    %get3A_109 = arith.constant 0 : index
    %get3A_110 = arith.constant 896 : index
    %get3A_111 = vector.load %arg1[%get3A_109, %get3A_110] : memref<64x2048xf32, #tpu.memory_space<vmem>>, vector<64x128xf32>
    %convert_element_type3A_112 = arith.truncf %get3A_111 : vector<64x128xf32> to vector<64x128xbf16>
    %dot_general3A_113 = arith.constant dense<0.000000e+00> : vector<64x64xf32>
    %dot_general3A_114 = tpu.matmul %convert_element_type3A_4, %convert_element_type3A_112, %dot_general3A_113 {dimension_numbers = #tpu.dot_dimension_numbers<[1], [1], [0], [0], [0, 0, 1, 0], [], []>, transpose_lhs_hint = false} : vector<64x128xbf16>, vector<64x128xbf16>, vector<64x64xf32> -> vector<64x64xf32>
    %swap3A_115 = arith.constant 448 : index
    %swap3A_116 = arith.constant 0 : index
    %swap3A_117 = vector.load %arg2[%swap3A_115, %swap3A_116] : memref<1024x128xf32, #tpu.memory_space<vmem>>, vector<64x64xf32>
    tpu.vector_store %arg2[%swap3A_115, %swap3A_116], %dot_general3A_114 {strides = array<i32>} : memref<1024x128xf32, #tpu.memory_space<vmem>>, vector<64x64xf32>,
    %dot_general3A_118 = arith.constant dense<0.000000e+00> : vector<64x64xf32>
    %dot_general3A_119 = tpu.matmul %convert_element_type3A_13, %convert_element_type3A_112, %dot_general3A_118 {dimension_numbers = #tpu.dot_dimension_numbers<[1], [1], [0], [0], [0, 0, 1, 0], [], []>, transpose_lhs_hint = false} : vector<64x128xbf16>, vector<64x128xbf16>, vector<64x64xf32> -> vector<64x64xf32>
    %swap3A_120 = arith.constant 448 : index
    %swap3A_121 = arith.constant 64 : index
    %swap3A_122 = vector.load %arg2[%swap3A_120, %swap3A_121] : memref<1024x128xf32, #tpu.memory_space<vmem>>, vector<64x64xf32>
    tpu.vector_store %arg2[%swap3A_120, %swap3A_121], %dot_general3A_119 {strides = array<i32>} : memref<1024x128xf32, #tpu.memory_space<vmem>>, vector<64x64xf32>,
    %get3A_123 = arith.constant 0 : index
    %get3A_124 = arith.constant 1024 : index
    %get3A_125 = vector.load %arg1[%get3A_123, %get3A_124] : memref<64x2048xf32, #tpu.memory_space<vmem>>, vector<64x128xf32>
    %convert_element_type3A_126 = arith.truncf %get3A_125 : vector<64x128xf32> to vector<64x128xbf16>
    %dot_general3A_127 = arith.constant dense<0.000000e+00> : vector<64x64xf32>
    %dot_general3A_128 = tpu.matmul %convert_element_type3A_4, %convert_element_type3A_126, %dot_general3A_127 {dimension_numbers = #tpu.dot_dimension_numbers<[1], [1], [0], [0], [0, 0, 1, 0], [], []>, transpose_lhs_hint = false} : vector<64x128xbf16>, vector<64x128xbf16>, vector<64x64xf32> -> vector<64x64xf32>
    %swap3A_129 = arith.constant 512 : index
    %swap3A_130 = arith.constant 0 : index
    %swap3A_131 = vector.load %arg2[%swap3A_129, %swap3A_130] : memref<1024x128xf32, #tpu.memory_space<vmem>>, vector<64x64xf32>
    tpu.vector_store %arg2[%swap3A_129, %swap3A_130], %dot_general3A_128 {strides = array<i32>} : memref<1024x128xf32, #tpu.memory_space<vmem>>, vector<64x64xf32>,
    %dot_general3A_132 = arith.constant dense<0.000000e+00> : vector<64x64xf32>
    %dot_general3A_133 = tpu.matmul %convert_element_type3A_13, %convert_element_type3A_126, %dot_general3A_132 {dimension_numbers = #tpu.dot_dimension_numbers<[1], [1], [0], [0], [0, 0, 1, 0], [], []>, transpose_lhs_hint = false} : vector<64x128xbf16>, vector<64x128xbf16>, vector<64x64xf32> -> vector<64x64xf32>
    %swap3A_134 = arith.constant 512 : index
    %swap3A_135 = arith.constant 64 : index
    %swap3A_136 = vector.load %arg2[%swap3A_134, %swap3A_135] : memref<1024x128xf32, #tpu.memory_space<vmem>>, vector<64x64xf32>
    tpu.vector_store %arg2[%swap3A_134, %swap3A_135], %dot_general3A_133 {strides = array<i32>} : memref<1024x128xf32, #tpu.memory_space<vmem>>, vector<64x64xf32>,
    %get3A_137 = arith.constant 0 : index
    %get3A_138 = arith.constant 1152 : index
    %get3A_139 = vector.load %arg1[%get3A_137, %get3A_138] : memref<64x2048xf32, #tpu.memory_space<vmem>>, vector<64x128xf32>
    %convert_element_type3A_140 = arith.truncf %get3A_139 : vector<64x128xf32> to vector<64x128xbf16>
    %dot_general3A_141 = arith.constant dense<0.000000e+00> : vector<64x64xf32>
    %dot_general3A_142 = tpu.matmul %convert_element_type3A_4, %convert_element_type3A_140, %dot_general3A_141 {dimension_numbers = #tpu.dot_dimension_numbers<[1], [1], [0], [0], [0, 0, 1, 0], [], []>, transpose_lhs_hint = false} : vector<64x128xbf16>, vector<64x128xbf16>, vector<64x64xf32> -> vector<64x64xf32>
    %swap3A_143 = arith.constant 576 : index
    %swap3A_144 = arith.constant 0 : index
    %swap3A_145 = vector.load %arg2[%swap3A_143, %swap3A_144] : memref<1024x128xf32, #tpu.memory_space<vmem>>, vector<64x64xf32>
    tpu.vector_store %arg2[%swap3A_143, %swap3A_144], %dot_general3A_142 {strides = array<i32>} : memref<1024x128xf32, #tpu.memory_space<vmem>>, vector<64x64xf32>,
    %dot_general3A_146 = arith.constant dense<0.000000e+00> : vector<64x64xf32>
    %dot_general3A_147 = tpu.matmul %convert_element_type3A_13, %convert_element_type3A_140, %dot_general3A_146 {dimension_numbers = #tpu.dot_dimension_numbers<[1], [1], [0], [0], [0, 0, 1, 0], [], []>, transpose_lhs_hint = false} : vector<64x128xbf16>, vector<64x128xbf16>, vector<64x64xf32> -> vector<64x64xf32>
    %swap3A_148 = arith.constant 576 : index
    %swap3A_149 = arith.constant 64 : index
    %swap3A_150 = vector.load %arg2[%swap3A_148, %swap3A_149] : memref<1024x128xf32, #tpu.memory_space<vmem>>, vector<64x64xf32>
    tpu.vector_store %arg2[%swap3A_148, %swap3A_149], %dot_general3A_147 {strides = array<i32>} : memref<1024x128xf32, #tpu.memory_space<vmem>>, vector<64x64xf32>,
    %get3A_151 = arith.constant 0 : index
    %get3A_152 = arith.constant 1280 : index
    %get3A_153 = vector.load %arg1[%get3A_151, %get3A_152] : memref<64x2048xf32, #tpu.memory_space<vmem>>, vector<64x128xf32>
    %convert_element_type3A_154 = arith.truncf %get3A_153 : vector<64x128xf32> to vector<64x128xbf16>
    %dot_general3A_155 = arith.constant dense<0.000000e+00> : vector<64x64xf32>
    %dot_general3A_156 = tpu.matmul %convert_element_type3A_4, %convert_element_type3A_154, %dot_general3A_155 {dimension_numbers = #tpu.dot_dimension_numbers<[1], [1], [0], [0], [0, 0, 1, 0], [], []>, transpose_lhs_hint = false} : vector<64x128xbf16>, vector<64x128xbf16>, vector<64x64xf32> -> vector<64x64xf32>
    %swap3A_157 = arith.constant 640 : index
    %swap3A_158 = arith.constant 0 : index
    %swap3A_159 = vector.load %arg2[%swap3A_157, %swap3A_158] : memref<1024x128xf32, #tpu.memory_space<vmem>>, vector<64x64xf32>
    tpu.vector_store %arg2[%swap3A_157, %swap3A_158], %dot_general3A_156 {strides = array<i32>} : memref<1024x128xf32, #tpu.memory_space<vmem>>, vector<64x64xf32>,
    %dot_general3A_160 = arith.constant dense<0.000000e+00> : vector<64x64xf32>
    %dot_general3A_161 = tpu.matmul %convert_element_type3A_13, %convert_element_type3A_154, %dot_general3A_160 {dimension_numbers = #tpu.dot_dimension_numbers<[1], [1], [0], [0], [0, 0, 1, 0], [], []>, transpose_lhs_hint = false} : vector<64x128xbf16>, vector<64x128xbf16>, vector<64x64xf32> -> vector<64x64xf32>
    %swap3A_162 = arith.constant 640 : index
    %swap3A_163 = arith.constant 64 : index
    %swap3A_164 = vector.load %arg2[%swap3A_162, %swap3A_163] : memref<1024x128xf32, #tpu.memory_space<vmem>>, vector<64x64xf32>
    tpu.vector_store %arg2[%swap3A_162, %swap3A_163], %dot_general3A_161 {strides = array<i32>} : memref<1024x128xf32, #tpu.memory_space<vmem>>, vector<64x64xf32>,
    %get3A_165 = arith.constant 0 : index
    %get3A_166 = arith.constant 1408 : index
    %get3A_167 = vector.load %arg1[%get3A_165, %get3A_166] : memref<64x2048xf32, #tpu.memory_space<vmem>>, vector<64x128xf32>
    %convert_element_type3A_168 = arith.truncf %get3A_167 : vector<64x128xf32> to vector<64x128xbf16>
    %dot_general3A_169 = arith.constant dense<0.000000e+00> : vector<64x64xf32>
    %dot_general3A_170 = tpu.matmul %convert_element_type3A_4, %convert_element_type3A_168, %dot_general3A_169 {dimension_numbers = #tpu.dot_dimension_numbers<[1], [1], [0], [0], [0, 0, 1, 0], [], []>, transpose_lhs_hint = false} : vector<64x128xbf16>, vector<64x128xbf16>, vector<64x64xf32> -> vector<64x64xf32>
    %swap3A_171 = arith.constant 704 : index
    %swap3A_172 = arith.constant 0 : index
    %swap3A_173 = vector.load %arg2[%swap3A_171, %swap3A_172] : memref<1024x128xf32, #tpu.memory_space<vmem>>, vector<64x64xf32>
    tpu.vector_store %arg2[%swap3A_171, %swap3A_172], %dot_general3A_170 {strides = array<i32>} : memref<1024x128xf32, #tpu.memory_space<vmem>>, vector<64x64xf32>,
    %dot_general3A_174 = arith.constant dense<0.000000e+00> : vector<64x64xf32>
    %dot_general3A_175 = tpu.matmul %convert_element_type3A_13, %convert_element_type3A_168, %dot_general3A_174 {dimension_numbers = #tpu.dot_dimension_numbers<[1], [1], [0], [0], [0, 0, 1, 0], [], []>, transpose_lhs_hint = false} : vector<64x128xbf16>, vector<64x128xbf16>, vector<64x64xf32> -> vector<64x64xf32>
    %swap3A_176 = arith.constant 704 : index
    %swap3A_177 = arith.constant 64 : index
    %swap3A_178 = vector.load %arg2[%swap3A_176, %swap3A_177] : memref<1024x128xf32, #tpu.memory_space<vmem>>, vector<64x64xf32>
    tpu.vector_store %arg2[%swap3A_176, %swap3A_177], %dot_general3A_175 {strides = array<i32>} : memref<1024x128xf32, #tpu.memory_space<vmem>>, vector<64x64xf32>,
    %get3A_179 = arith.constant 0 : index
    %get3A_180 = arith.constant 1536 : index
    %get3A_181 = vector.load %arg1[%get3A_179, %get3A_180] : memref<64x2048xf32, #tpu.memory_space<vmem>>, vector<64x128xf32>
    %convert_element_type3A_182 = arith.truncf %get3A_181 : vector<64x128xf32> to vector<64x128xbf16>
    %dot_general3A_183 = arith.constant dense<0.000000e+00> : vector<64x64xf32>
    %dot_general3A_184 = tpu.matmul %convert_element_type3A_4, %convert_element_type3A_182, %dot_general3A_183 {dimension_numbers = #tpu.dot_dimension_numbers<[1], [1], [0], [0], [0, 0, 1, 0], [], []>, transpose_lhs_hint = false} : vector<64x128xbf16>, vector<64x128xbf16>, vector<64x64xf32> -> vector<64x64xf32>
    %swap3A_185 = arith.constant 768 : index
    %swap3A_186 = arith.constant 0 : index
    %swap3A_187 = vector.load %arg2[%swap3A_185, %swap3A_186] : memref<1024x128xf32, #tpu.memory_space<vmem>>, vector<64x64xf32>
    tpu.vector_store %arg2[%swap3A_185, %swap3A_186], %dot_general3A_184 {strides = array<i32>} : memref<1024x128xf32, #tpu.memory_space<vmem>>, vector<64x64xf32>,
    %dot_general3A_188 = arith.constant dense<0.000000e+00> : vector<64x64xf32>
    %dot_general3A_189 = tpu.matmul %convert_element_type3A_13, %convert_element_type3A_182, %dot_general3A_188 {dimension_numbers = #tpu.dot_dimension_numbers<[1], [1], [0], [0], [0, 0, 1, 0], [], []>, transpose_lhs_hint = false} : vector<64x128xbf16>, vector<64x128xbf16>, vector<64x64xf32> -> vector<64x64xf32>
    %swap3A_190 = arith.constant 768 : index
    %swap3A_191 = arith.constant 64 : index
    %swap3A_192 = vector.load %arg2[%swap3A_190, %swap3A_191] : memref<1024x128xf32, #tpu.memory_space<vmem>>, vector<64x64xf32>
    tpu.vector_store %arg2[%swap3A_190, %swap3A_191], %dot_general3A_189 {strides = array<i32>} : memref<1024x128xf32, #tpu.memory_space<vmem>>, vector<64x64xf32>,
    %get3A_193 = arith.constant 0 : index
    %get3A_194 = arith.constant 1664 : index
    %get3A_195 = vector.load %arg1[%get3A_193, %get3A_194] : memref<64x2048xf32, #tpu.memory_space<vmem>>, vector<64x128xf32>
    %convert_element_type3A_196 = arith.truncf %get3A_195 : vector<64x128xf32> to vector<64x128xbf16>
    %dot_general3A_197 = arith.constant dense<0.000000e+00> : vector<64x64xf32>
    %dot_general3A_198 = tpu.matmul %convert_element_type3A_4, %convert_element_type3A_196, %dot_general3A_197 {dimension_numbers = #tpu.dot_dimension_numbers<[1], [1], [0], [0], [0, 0, 1, 0], [], []>, transpose_lhs_hint = false} : vector<64x128xbf16>, vector<64x128xbf16>, vector<64x64xf32> -> vector<64x64xf32>
    %swap3A_199 = arith.constant 832 : index
    %swap3A_200 = arith.constant 0 : index
    %swap3A_201 = vector.load %arg2[%swap3A_199, %swap3A_200] : memref<1024x128xf32, #tpu.memory_space<vmem>>, vector<64x64xf32>
    tpu.vector_store %arg2[%swap3A_199, %swap3A_200], %dot_general3A_198 {strides = array<i32>} : memref<1024x128xf32, #tpu.memory_space<vmem>>, vector<64x64xf32>,
    %dot_general3A_202 = arith.constant dense<0.000000e+00> : vector<64x64xf32>
    %dot_general3A_203 = tpu.matmul %convert_element_type3A_13, %convert_element_type3A_196, %dot_general3A_202 {dimension_numbers = #tpu.dot_dimension_numbers<[1], [1], [0], [0], [0, 0, 1, 0], [], []>, transpose_lhs_hint = false} : vector<64x128xbf16>, vector<64x128xbf16>, vector<64x64xf32> -> vector<64x64xf32>
    %swap3A_204 = arith.constant 832 : index
    %swap3A_205 = arith.constant 64 : index
    %swap3A_206 = vector.load %arg2[%swap3A_204, %swap3A_205] : memref<1024x128xf32, #tpu.memory_space<vmem>>, vector<64x64xf32>
    tpu.vector_store %arg2[%swap3A_204, %swap3A_205], %dot_general3A_203 {strides = array<i32>} : memref<1024x128xf32, #tpu.memory_space<vmem>>, vector<64x64xf32>,
    %get3A_207 = arith.constant 0 : index
    %get3A_208 = arith.constant 1792 : index
    %get3A_209 = vector.load %arg1[%get3A_207, %get3A_208] : memref<64x2048xf32, #tpu.memory_space<vmem>>, vector<64x128xf32>
    %convert_element_type3A_210 = arith.truncf %get3A_209 : vector<64x128xf32> to vector<64x128xbf16>
    %dot_general3A_211 = arith.constant dense<0.000000e+00> : vector<64x64xf32>
    %dot_general3A_212 = tpu.matmul %convert_element_type3A_4, %convert_element_type3A_210, %dot_general3A_211 {dimension_numbers = #tpu.dot_dimension_numbers<[1], [1], [0], [0], [0, 0, 1, 0], [], []>, transpose_lhs_hint = false} : vector<64x128xbf16>, vector<64x128xbf16>, vector<64x64xf32> -> vector<64x64xf32>
    %swap3A_213 = arith.constant 896 : index
    %swap3A_214 = arith.constant 0 : index
    %swap3A_215 = vector.load %arg2[%swap3A_213, %swap3A_214] : memref<1024x128xf32, #tpu.memory_space<vmem>>, vector<64x64xf32>
    tpu.vector_store %arg2[%swap3A_213, %swap3A_214], %dot_general3A_212 {strides = array<i32>} : memref<1024x128xf32, #tpu.memory_space<vmem>>, vector<64x64xf32>,
    %dot_general3A_216 = arith.constant dense<0.000000e+00> : vector<64x64xf32>
    %dot_general3A_217 = tpu.matmul %convert_element_type3A_13, %convert_element_type3A_210, %dot_general3A_216 {dimension_numbers = #tpu.dot_dimension_numbers<[1], [1], [0], [0], [0, 0, 1, 0], [], []>, transpose_lhs_hint = false} : vector<64x128xbf16>, vector<64x128xbf16>, vector<64x64xf32> -> vector<64x64xf32>
    %swap3A_218 = arith.constant 896 : index
    %swap3A_219 = arith.constant 64 : index
    %swap3A_220 = vector.load %arg2[%swap3A_218, %swap3A_219] : memref<1024x128xf32, #tpu.memory_space<vmem>>, vector<64x64xf32>
    tpu.vector_store %arg2[%swap3A_218, %swap3A_219], %dot_general3A_217 {strides = array<i32>} : memref<1024x128xf32, #tpu.memory_space<vmem>>, vector<64x64xf32>,
    %get3A_221 = arith.constant 0 : index
    %get3A_222 = arith.constant 1920 : index
    %get3A_223 = vector.load %arg1[%get3A_221, %get3A_222] : memref<64x2048xf32, #tpu.memory_space<vmem>>, vector<64x128xf32>
    %convert_element_type3A_224 = arith.truncf %get3A_223 : vector<64x128xf32> to vector<64x128xbf16>
    %dot_general3A_225 = arith.constant dense<0.000000e+00> : vector<64x64xf32>
    %dot_general3A_226 = tpu.matmul %convert_element_type3A_4, %convert_element_type3A_224, %dot_general3A_225 {dimension_numbers = #tpu.dot_dimension_numbers<[1], [1], [0], [0], [0, 0, 1, 0], [], []>, transpose_lhs_hint = false} : vector<64x128xbf16>, vector<64x128xbf16>, vector<64x64xf32> -> vector<64x64xf32>
    %swap3A_227 = arith.constant 960 : index
    %swap3A_228 = arith.constant 0 : index
    %swap3A_229 = vector.load %arg2[%swap3A_227, %swap3A_228] : memref<1024x128xf32, #tpu.memory_space<vmem>>, vector<64x64xf32>
    tpu.vector_store %arg2[%swap3A_227, %swap3A_228], %dot_general3A_226 {strides = array<i32>} : memref<1024x128xf32, #tpu.memory_space<vmem>>, vector<64x64xf32>,
    %dot_general3A_230 = arith.constant dense<0.000000e+00> : vector<64x64xf32>
    %dot_general3A_231 = tpu.matmul %convert_element_type3A_13, %convert_element_type3A_224, %dot_general3A_230 {dimension_numbers = #tpu.dot_dimension_numbers<[1], [1], [0], [0], [0, 0, 1, 0], [], []>, transpose_lhs_hint = false} : vector<64x128xbf16>, vector<64x128xbf16>, vector<64x64xf32> -> vector<64x64xf32>
    %swap3A_232 = arith.constant 960 : index
    %swap3A_233 = arith.constant 64 : index
    %swap3A_234 = vector.load %arg2[%swap3A_232, %swap3A_233] : memref<1024x128xf32, #tpu.memory_space<vmem>>, vector<64x64xf32>
    tpu.vector_store %arg2[%swap3A_232, %swap3A_233], %dot_general3A_231 {strides = array<i32>} : memref<1024x128xf32, #tpu.memory_space<vmem>>, vector<64x64xf32>,
    return
  }
  func.func @transform_0(%arg0: i32) -> (i32, i32) {
    %c0_i32 = arith.constant 0 : i32
    %c0_i32_0 = arith.constant 0 : i32
    return %c0_i32, %arg0 : i32, i32
  }
  func.func @transform_1(%arg0: i32) -> (i32, i32) {
    %c0_i32 = arith.constant 0 : i32
    %c0_i32_0 = arith.constant 0 : i32
    return %arg0, %c0_i32 : i32, i32
  }
}

</mosaic_0001>

<sc_bundles>
// kernel: kernel.4.cloned.1.call-start
scs
__scs_entry_jumppad:
0x0: {  	(pc) =	sbr.rel $0x88, $3  }
0x1: {  	(tag) =	ssettag $0x0;
	lr =	simm.s32 $0x1  }
0x2: {  	[smem:$0x3F9F] =	sst lr;
	_ =	strace $0xD0000000  }
0x3: {  	_ = 	snop  }
0x4: {  	_ = 	snop  }
0x5: {  	_ = 	snop  }
0x6: {  	_ = 	snop  }
0x7: {  	_ = 	snop  }
__scs_overlays_trampoline_lowered:
0x8: {  	[smem:$0x3FAE] =	sst s0  }
0x9: {  	[smem:$0x3FAF] =	sst s1  }
0xa: {  	[smem:$0x3FB0] =	sst s2  }
0xb: {  	[smem:$0x3FB1] =	sst s3  }
0xc: {  	[smem:$0x3FB2] =	sst s4  }
0xd: {  	[smem:$0x3FB3] =	sst s5  }
0xe: {  	[smem:$0x3FB4] =	sst s6  }
0xf: {  	[smem:$0x3FB5] =	sst s7  }
0x10: {  	[smem:$0x3FB6] =	sst s8  }
0x11: {  	[smem:$0x3FB7] =	sst s9;
	s0 =	simm.s32 @!p0 $0x0  }
0x12: {  	s1 =	sld [smem:$0x3F9D];
	s0 =	simm.s32 @p0 $0x1  }
0x13: {  	[smem:$0x3FB8] =	sst s0;
	s0 =	simm.s32 @!p1 $0x0  }
0x14: {  	s2 =	sld [smem:$0x3F9C];
	s0 =	simm.s32 @p1 $0x1  }
0x15: {  	[smem:$0x3FB9] =	sst s0;
	s0 =	simm.s32 @!p2 $0x0  }
0x16: {  	s3 =	sld [smem:$0x3FDB];
	s0 =	simm.s32 @p2 $0x1  }
0x17: {  	s4 =	simm.s32 $0x1BF5;
	[smem:$0x3FBB] =	sst s0  }
0x18: {  	s0 =	sld [smem:$0x3F9E];
	_ =	swait.ge [sflag:s4], $0x0  }
0x19: {  	s7 =	sld [smem:$0x3F9F]  }
0x1a: {  	s8 =	sadd.s32 $0xFFFFE003, lr  }
0x1b: {  	s9 =	sadd.s32 $0xFFFFFEF7, lr;
	s5 =	simm.s32 $0xFFFFFFFF;
	p2 =	slt.u32 s8, $0xFFFFF086  }
0x1c: {  	p1 =	slt.u32 s9, $0xF7A;
	s5 =	simm.s32 @!p2 $0x0  }
0x1d: {  	s5 =	simm.s32 @p1 $0x1;
	p0 =	seq.s32 s7, s2  }
0x1e: {  	s7 =	smul.u32 @!p0 $0xF7A, s2;
	p2 =	seq.s32 @!p0 s5, $0x0  }
0x1f: {  	s9 =	smul.u32 $0xF7A, s1;
	s8 =	simm.s32 @!p0 $0x1BF5;
	p2 =	por !p2, p0  }
0x20: {  	[sflag:s8] =	ssyncset.s32 @!p0 $0xFFFFF086;
	s6 =	sadd.s32 @!p0 s3, s7;
	s7 =	simm.s32 @!p0 $0x108  }
0x21: {  	s3 =	sadd.s32 s3, s9;
	s6 =	sadd.s32 @!p0 $0x88, s6;
	s7 =	simm.s32 @p2 $0x1082  }
0x22: {  	[simem:s7], [sflag:s8] =	dma.local @!p0 [hbm:s6], $0xF7A  }
0x23: {  	s9 =	sor.u32 $0xD0000000, s2;
	s6 =	simm.s32 $0x108;
	_ =	swait.ge @!p0 [sflag:s8], $0x0  }
0x24: {  	s3 =	sadd.s32 $0x88, s3;
	s6 =	simm.s32 @!p1 $0x1082;
	[sflag:s4] =	ssyncset.s32 $0xFFFFF086  }
0x25: {  	[simem:s6], [sflag:s4] =	dma.local [hbm:s3], $0xF7A  }
0x26: {  	[smem:$0x3F9F] =	sst s1;
	(tag) =	ssettag s2;
	_ =	strace s9  }
0x27: {  	s1 =	sld [smem:$0x3FAF]  }
0x28: {  	s2 =	sld [smem:$0x3FB0]  }
0x29: {  	s4 =	sld [smem:$0x3FB2]  }
0x2a: {  	p0 =	seq.s32 s5, $0x0;
	s5 =	sld [smem:$0x3FB3]  }
0x2b: {  	s6 =	sld [smem:$0x3FB4]  }
0x2c: {  	s7 =	sld [smem:$0x3FB5]  }
0x2d: {  	s3 =	simm.s32 $0x108;
	s8 =	sld [smem:$0x3FB6]  }
0x2e: {  	s3 =	simm.s32 @!p0 $0x1082;
	s9 =	sld [smem:$0x3FB7]  }
0x2f: {  	lr =	sadd.s32 s0, s3;
	s0 =	sld [smem:$0x3FAE]  }
0x30: {  	s3 =	sld [smem:$0x3FB1]  }
0x31: {  	[smem:$0x3FBA] =	sst s10  }
0x32: {  	s10 =	sld [smem:$0x3FB8];
	_ =	sdelay $0x3  }
0x33: {  	p0 =	seq.s32 s10, $0x1;
	s10 =	sld [smem:$0x3FBA];
	_ =	sdelay $0x3  }
0x34: {  	[smem:$0x3FBA] =	sst s10  }
0x35: {  	s10 =	sld [smem:$0x3FB9];
	_ =	sdelay $0x3  }
0x36: {  	p1 =	seq.s32 s10, $0x1;
	s10 =	sld [smem:$0x3FBA];
	_ =	sdelay $0x3  }
0x37: {  	[smem:$0x3FBA] =	sst s10  }
0x38: {  	s10 =	sld [smem:$0x3FBB]  }
0x39: {  	_ = 	snop;
	(pc) =	sbr.ind lr, $3  }
0x3a: {  	_ = 	snop  }
0x3b: {  	_ = 	snop  }
0x3c: {  	p2 =	seq.s32 s10, $0x1;
	s10 =	sld [smem:$0x3FBA]  }
0x3d: {  	_ =	shalt  }
0x3e: {  	_ =	shalt  }
0x3f: {  	_ =	shalt  }
0x40: {  	_ =	shalt  }
0x41: {  	_ =	shalt  }
0x42: {  	_ =	shalt  }
0x43: {  	_ =	shalt  }
0x44: {  	_ =	shalt  }
0x45: {  	_ =	shalt  }
0x46: {  	_ =	shalt  }
0x47: {  	_ =	shalt  }
0x48: {  	_ =	shalt  }
0x49: {  	_ =	shalt  }
0x4a: {  	_ =	shalt  }
0x4b: {  	_ =	shalt  }
0x4c: {  	_ =	shalt  }
0x4d: {  	_ =	shalt  }
0x4e: {  	_ =	shalt  }
0x4f: {  	_ =	shalt  }
0x50: {  	_ =	shalt  }
0x51: {  	_ =	shalt  }
0x52: {  	_ =	shalt  }
0x53: {  	_ =	shalt  }
0x54: {  	_ =	shalt  }
0x55: {  	_ =	shalt  }
0x56: {  	_ =	shalt  }
0x57: {  	_ =	shalt  }
0x58: {  	_ =	shalt  }
0x59: {  	_ =	shalt  }
0x5a: {  	_ =	shalt  }
0x5b: {  	_ =	shalt  }
0x5c: {  	_ =	shalt  }
0x5d: {  	_ =	shalt  }
0x5e: {  	_ =	shalt  }
0x5f: {  	_ =	shalt  }
0x60: {  	_ =	shalt  }
0x61: {  	_ =	shalt  }
0x62: {  	_ =	shalt  }
0x63: {  	_ =	shalt  }
0x64: {  	_ =	shalt  }
0x65: {  	_ =	shalt  }
0x66: {  	_ =	shalt  }
0x67: {  	_ =	shalt  }
0x68: {  	_ =	shalt  }
0x69: {  	_ =	shalt  }
0x6a: {  	_ =	shalt  }
0x6b: {  	_ =	shalt  }
0x6c: {  	_ =	shalt  }
0x6d: {  	_ =	shalt  }
0x6e: {  	_ =	shalt  }
0x6f: {  	_ =	shalt  }
0x70: {  	_ =	shalt  }
0x71: {  	_ =	shalt  }
0x72: {  	_ =	shalt  }
0x73: {  	_ =	shalt  }
0x74: {  	_ =	shalt  }
0x75: {  	_ =	shalt  }
0x76: {  	_ =	shalt  }
0x77: {  	_ =	shalt  }
0x78: {  	_ =	shalt  }
0x79: {  	_ =	shalt  }
0x7a: {  	_ =	shalt  }
0x7b: {  	_ =	shalt  }
0x7c: {  	_ =	shalt  }
0x7d: {  	_ =	shalt  }
0x7e: {  	_ =	shalt  }
0x7f: {  	_ =	shalt  }
0x80: {  	_ =	shalt  }
0x81: {  	_ =	shalt  }
0x82: {  	_ =	shalt  }
0x83: {  	_ =	shalt  }
0x84: {  	_ =	shalt  }
0x85: {  	_ =	shalt  }
0x86: {  	_ =	shalt  }
0x87: {  	_ =	shalt  }
.Lfunc_end0:
.L_simem_size_0:
called_computation_lowered:
.L_overlay_start_0:
0x88: {  	s2 =	sld [smem:$0x3FD9]  }
0x89: {  	s3 =	sld [smem:$0x3FFE];
	_ =	sdelay $0x1  }
0x8a: {  	s1 =	srdreg.scid  }
0x8b: {  	s0 =	sand.u32 $0x1, s1  }
0x8c: {  	s17 =	sshll.u32 s0, $0xA;
	s2 =	sadd.s32 s3, s2  }
0x8d: {  	s2 =	sadd.s32 s2, s17  }
0x8e: {  	[smem:$0x3FC6] =	sst s2  }
0x8f: {  	_ = 	snop  }
0x90: {  	s2 =	sld [smem:$0x3FD0];
	(tm) =	ssettm $0x1  }
0x91: {  	s18 =	sld [smem:$0x3FFB];
	_ =	sdelay $0x3  }
0x92: {  	_ =	strace s18  }
0x93: {  	s3 =	sld [smem:$0x3FFC];
	_ =	sdelay $0x3  }
0x94: {  	_ =	strace s3  }
0x95: {  	s3 =	sld [smem:$0x3FFD];
	_ =	sdelay $0x3  }
0x96: {  	_ =	strace s3  }
0x97: {  	_ =	strace $0x8FFFFFFF  }
0x98: {  	s19 =	sld [smem:$0x3FDB];
	_ =	sdelay $0x1  }
0x99: {  	s4 =	simm.s32 $_scs_section_size  }
0x9a: {  	s5 =	simm.s32 $_size__tile_overlayer_lowered;
	s6 =	simm.s32 $_tile_overlayer_lowered  }
0x9b: {  	s22 =	simm.s32 $0x1BFF;
	s21 =	sshll.u32 s6, $0x1;
	s3 =	sadd.s32 s4, s19  }
0x9c: {  	s7 =	simm.s32 $0x0;
	s20 =	sshll.u32 s5, $0x1;
	s5 =	sadd.s32 s21, s3  }
0x9d: {  	[timem:s7], [sflag:s22] =	dma.local [hbm:s5], s20  }
0x9e: {  	_ =	swait.ge [sflag:s22], s20  }
0x9f: {  	s4 =	ssub.s32 $0x0, s20;
	[sflag:s22] =	ssyncset.done $0x0  }
0xa0: {  	[sflag:s22] =	ssyncadd.s32 s4;
	_ =	sdelay $0x1  }
0xa1: {  	s23 =	simm.s32 $0x1B8B  }
0xa2: {  	_ =	swait.ge [sflag:s23], $0x1  }
0xa3: {  	[sflag:s23] =	ssyncset.done $0x0  }
0xa4: {  	s25 =	simm.s32 $0x1B8E;
	s24 =	sld [smem:$0x3FFE];
	[sflag:s23] =	ssyncadd.s32 $0xFFFFFFFF  }
0xa5: {  	s26 =	simm.s32 $execute0_lowered;
	[smem:$0x3FD2] =	sst s25  }
0xa6: {  	s5 =	sshll.u32 s26, $0x1;
	_ =	strace $0x80000046;
	[dreg:$0x1] =	wrdreg $0xFFFFFFFF  }
0xa7: {  	s28 =	simm.s32 $_size_execute0_lowered;
	s3 =	sadd.s32 s3, s5;
	[dreg:$0x0] =	wrdreg $0x0  }
0xa8: {  	s5 =	sshll.u32 s28, $0x1;
	[dreg:$0x2] =	wrdreg s3  }
0xa9: {  	[dreg:$0x3] =	wrdreg s5  }
0xaa: {  	[dreg:$0x4] =	wrdreg $0xC0  }
0xab: {  	_ =	task [dreg:s7], $0x5FFFF  }
0xac: {  	[dreg:$0x1] =	wrdreg $0xFFFFFFFF  }
0xad: {  	[dreg:$0x0] =	wrdreg $0x60  }
0xae: {  	[dreg:$0x2] =	wrdreg s24  }
0xaf: {  	[dreg:$0x3] =	wrdreg s2  }
0xb0: {  	[dreg:$0x4] =	wrdreg $0x9  }
0xb1: {  	_ =	task.clear_ibuf [dreg:s7], $0x5FFFF;
	_ =	strace $0x90000046  }
0xb2: {  	s29 =	simm.s32 $0x9;
	_ =	strace $0x80000048  }
0xb3: {  	_ =	swait.ge [sflag:s29], $0x1  }
0xb4: {  	[sflag:s29] =	ssyncadd.s32 $0xFFFFFFFF  }
0xb5: {  	_ =	strace $0x90000048  }
0xb6: {  	_ =	sfence  }
0xb7: {  	s30 =	sld [smem:$0x0];
	_ =	sdelay $0x2  }
0xb8: {  	s31 =	sshll.u32 s1, $0xD;
	s1 =	sshrl.u32 s1, $0x2  }
0xb9: {  	s3 =	sand.u32 $0x4000, s31;
	s1 =	sadd.s32 s1, s30  }
0xba: {  	s0 =	sor.u32 s3, s0;
	s1 =	sshll.u32 s1, $0x11  }
0xbb: {  	s0 =	sor.u32 s1, s0  }
0xbc: {  	s0 =	sadd.s32 $0x8F2B, s0  }
0xbd: {  	[sflag:s0] =	ssyncadd.remote.s32 $0x1  }
0xbe: {  	_ =	sfence.sel $0xFFFF  }
0xbf: {  	[dreg:$0x0] =	wrdreg $0xFFFFFFFF;
	(pc) =	sbr.abs _section_cstart, $3  }
0xc0: {  	[dreg:$0x1] =	wrdreg $0xFFFFFFFF  }
0xc1: {  	_ =	task.clear_ibuf [dreg:s7], $0x2FFFF;
	_ =	strace $0x9FFFFFFF  }
0xc2: {  	(tm) =	ssettm $0x7FFFFFFF  }
0xc3: {  	_ =	shalt  }
tec
execute0_lowered:
.L_overlay_start_1:
0x0: {  	(tag) =	ssettag $0x1  }
0x1: {  	s0 =	rddreg [dreg:$0x0];
	s1 =	srdreg.scid  }
0x2: {  	s2 =	stileid.u32;
	s5 =	rddreg [dreg:$0x1];
	s9 =	simm.s32 $0x3  }
0x3: {  	s10 =	simm.s32 $0x80;
	s18 =	simm.s32 $0x280;
	s19 =	simm.s32 $0x11800  }
0x4: {  	s20 =	simm.s32 $0x300;
	s21 =	simm.s32 $0x12800;
	s22 =	simm.s32 $0x380  }
0x5: {  	s23 =	simm.s32 $0x13800;
	s24 =	simm.s32 $0x14800;
	s25 =	simm.s32 $0x15800  }
0x6: {  	s28 =	simm.s32 $0x17800;
	s29 =	simm.s32 $0x18800;
	s30 =	simm.s32 $0x19800  }
0x7: {  	s31 =	simm.s32 $0x1A800;
	s8 =	simm.s32 $0x2;
	s11 =	simm.s32 $0x1C800  }
0x8: {  	s1 =	sand.u32 $0x1, s1;
	s3 =	sshll.u32 s2, $0x1;
	s2 =	simm.s32 $0x0  }
0x9: {  	s12 =	simm.s32 $0x0;
	s4 =	sor.u32 s1, s3;
	[smem:$0x7FF] =	sst s2  }
0xa: {  	s1 =	ssub.s32 $0x2, s1;
	s3 =	sshll.u32 s4, $0x5;
	_ =	strace $0x80000047  }
0xb: {  	s26 =	sshrl.u32 s1, $0x1;
	s7 =	sshll.u32 s4, $0xA;
	s6 =	sadd.s32 s3, s0  }
0xc: {  	s3 =	sadd.s32 $0x32600, s0;
	s0 =	ssub.s32 s1, s26;
	s5 =	sadd.s32 s5, s7  }
0xd: {  	s7 =	simm.s32 $0x100;
	s26 =	simm.s32 $0x16800;
	s1 =	simm.s32 $0x1B800  }
0xe: {  	v0 =	vimm.f32 $0.0e+00;
	s4 =	sadd.s32 $0x600, s6;
	s6 =	smax.u32 s0, $0x1;
	s0 =	simm.s32 $0x1  }
.LBB2_1:
0xf: {  	s13 =	simm.s32 $0x2000  }
0x10: {  	[tilespmem:s2], [sflag:$0x3] =	stream.strided.gather [hbm4b:s4+s7], $0xC800, s13, s7, $0x38;
	[tilespmem:$0x1E800] =	vst v63  }
0x11: {  	_ =	swait.ge [sflag:s9], $0xC800  }
0x12: {  	[sflag:s9] =	ssyncset.done $0x0  }
0x13: {  	s14 =	simm.s32 $0x400;
	s13 =	simm.s32 $0x0;
	[sflag:s9] =	ssyncadd.s32 $0xFFFF3800  }
.LBB2_2:
0x14: {  	p0 =	sne.s32 s14, $0x7C00;
	[tilespmem:s13+$0x1C8F0] =	vst v0  }
0x15: {  	[tilespmem:s13+$0x1C800] =	vst v0  }
0x16: {  	[tilespmem:s13+$0x1C810] =	vst v0  }
0x17: {  	[tilespmem:s13+$0x1C820] =	vst v0  }
0x18: {  	[tilespmem:s13+$0x1C830] =	vst v0  }
0x19: {  	[tilespmem:s13+$0x1C840] =	vst v0  }
0x1a: {  	[tilespmem:s13+$0x1C850] =	vst v0  }
0x1b: {  	[tilespmem:s13+$0x1C860] =	vst v0  }
0x1c: {  	[tilespmem:s13+$0x1C870] =	vst v0  }
0x1d: {  	[tilespmem:s13+$0x1C880] =	vst v0  }
0x1e: {  	[tilespmem:s13+$0x1C890] =	vst v0  }
.Ltmp0:
0x1f: {  	[tilespmem:s13+$0x1C8A0] =	vst v0;
	(pc) =	sbr.rel @p0 .LBB2_2-.Ltmp0, $4  }
0x20: {  	[tilespmem:s13+$0x1C8B0] =	vst v0  }
0x21: {  	[tilespmem:s13+$0x1C8C0] =	vst v0  }
0x22: {  	[tilespmem:s13+$0x1C8D0] =	vst v0  }
0x23: {  	[tilespmem:s13+$0x1C8E0] =	vst v0;
	s13 =	sshra.s32 s14, $0x2;
	s14 =	sadd.s32 $0x400, s14  }
0x24: {  	[tilespmem:s13+$0x1C8F0] =	vst v0  }
0x25: {  	[tilespmem:s13+$0x1C800] =	vst v0  }
0x26: {  	[tilespmem:s13+$0x1C810] =	vst v0  }
0x27: {  	[tilespmem:s13+$0x1C820] =	vst v0  }
0x28: {  	[tilespmem:s13+$0x1C830] =	vst v0  }
0x29: {  	[tilespmem:s13+$0x1C840] =	vst v0  }
0x2a: {  	[tilespmem:s13+$0x1C850] =	vst v0  }
0x2b: {  	[tilespmem:s13+$0x1C860] =	vst v0  }
0x2c: {  	[tilespmem:s13+$0x1C870] =	vst v0  }
0x2d: {  	[tilespmem:s13+$0x1C880] =	vst v0  }
0x2e: {  	[tilespmem:s13+$0x1C890] =	vst v0  }
0x2f: {  	[tilespmem:s13+$0x1C8A0] =	vst v0  }
0x30: {  	[tilespmem:s13+$0x1C8B0] =	vst v0  }
0x31: {  	[tilespmem:s13+$0x1C8C0] =	vst v0  }
0x32: {  	[tilespmem:s13+$0x1C8D0] =	vst v0  }
0x33: {  	[tilespmem:s13+$0x1C8E0] =	vst v0;
	s13 =	simm.s32 $0x0;
	s14 =	simm.s32 $0xC800  }
0x34: {  	[tilespmem:s14], [sflag:$0x1] =	stream.indirect.gather [hbm4b:s3+s10], $0x20, s13, s10, $0xb8;
	[tilespmem:$0x1E800] =	vst v63  }
0x35: {  	s15 =	simm.s32 $0xD800  }
0x36: {  	[tilespmem:s15], [sflag:$0x1] =	stream.indirect.gather [hbm4b:s3+s10], $0x20, s10, s10, $0xb8;
	[tilespmem:$0x1E800] =	vst v63  }
0x37: {  	s16 =	simm.s32 $0xE800  }
0x38: {  	[tilespmem:s16], [sflag:$0x1] =	stream.indirect.gather [hbm4b:s3+s10], $0x20, s7, s10, $0xb8;
	[tilespmem:$0x1E800] =	vst v63  }
0x39: {  	s17 =	simm.s32 $0x180;
	s15 =	simm.s32 $0xF800  }
0x3a: {  	[tilespmem:s15], [sflag:$0x1] =	stream.indirect.gather [hbm4b:s3+s10], $0x20, s17, s10, $0xb8;
	[tilespmem:$0x1E800] =	vst v63  }
0x3b: {  	s16 =	simm.s32 $0x200;
	s17 =	simm.s32 $0x10800  }
0x3c: {  	[tilespmem:s17], [sflag:$0x1] =	stream.indirect.gather [hbm4b:s3+s10], $0x20, s16, s10, $0xb8;
	[tilespmem:$0x1E800] =	vst v63  }
0x3d: {  	_ = 	snop  }
0x3e: {  	[tilespmem:s19], [sflag:$0x1] =	stream.indirect.gather [hbm4b:s3+s10], $0x20, s18, s10, $0xb8;
	[tilespmem:$0x1E800] =	vst v63  }
0x3f: {  	_ = 	snop  }
0x40: {  	[tilespmem:s21], [sflag:$0x1] =	stream.indirect.gather [hbm4b:s3+s10], $0x20, s20, s10, $0xb8;
	[tilespmem:$0x1E800] =	vst v63  }
0x41: {  	_ = 	snop  }
0x42: {  	[tilespmem:s23], [sflag:$0x1] =	stream.indirect.gather [hbm4b:s3+s10], $0x20, s22, s10, $0xb8;
	[tilespmem:$0x1E800] =	vst v63  }
.LBB2_4:
0x43: {  	s14 =	sshll.u32 s13, $0xB  }
0x44: {  	s14 =	sand.u32 $0x3FFFF800, s14  }
0x45: {  	s15 =	sor.u32 $0x400, s14  }
0x46: {  	[tilespmem:s24], [sflag:$0x2] =	stream.indirect.gather [hbm4b:s3+s10], $0x20, s15, s10, $0xb8;
	[tilespmem:$0x1E800] =	vst v63  }
0x47: {  	s17 =	sor.u32 $0x480, s14  }
0x48: {  	[tilespmem:s25], [sflag:$0x2] =	stream.indirect.gather [hbm4b:s3+s10], $0x20, s17, s10, $0xb8;
	[tilespmem:$0x1E800] =	vst v63  }
0x49: {  	s16 =	sor.u32 $0x500, s14  }
0x4a: {  	[tilespmem:s26], [sflag:$0x2] =	stream.indirect.gather [hbm4b:s3+s10], $0x20, s16, s10, $0xb8;
	[tilespmem:$0x1E800] =	vst v63  }
0x4b: {  	s17 =	sor.u32 $0x580, s14  }
0x4c: {  	[tilespmem:s28], [sflag:$0x2] =	stream.indirect.gather [hbm4b:s3+s10], $0x20, s17, s10, $0xb8;
	[tilespmem:$0x1E800] =	vst v63  }
0x4d: {  	s16 =	sor.u32 $0x600, s14  }
0x4e: {  	[tilespmem:s29], [sflag:$0x2] =	stream.indirect.gather [hbm4b:s3+s10], $0x20, s16, s10, $0xb8;
	[tilespmem:$0x1E800] =	vst v63  }
0x4f: {  	s17 =	sor.u32 $0x680, s14  }
0x50: {  	[tilespmem:s30], [sflag:$0x2] =	stream.indirect.gather [hbm4b:s3+s10], $0x20, s17, s10, $0xb8;
	[tilespmem:$0x1E800] =	vst v63  }
0x51: {  	s16 =	sor.u32 $0x700, s14  }
0x52: {  	[tilespmem:s31], [sflag:$0x2] =	stream.indirect.gather [hbm4b:s3+s10], $0x20, s16, s10, $0xb8;
	[tilespmem:$0x1E800] =	vst v63  }
0x53: {  	s17 =	sor.u32 $0x780, s14  }
0x54: {  	[tilespmem:s1], [sflag:$0x2] =	stream.indirect.gather [hbm4b:s3+s10], $0x20, s17, s10, $0xb8;
	[tilespmem:$0x1E800] =	vst v63  }
0x55: {  	_ =	swait.ge [sflag:s0], $0x1000  }
0x56: {  	[sflag:s0] =	ssyncset.done $0x0  }
0x57: {  	[sflag:s0] =	ssyncadd.s32 $0xFFFFF000  }
0x58: {  	_ =	swait.ge [sflag:s0], $0x1000  }
0x59: {  	[sflag:s0] =	ssyncset.done $0x0  }
0x5a: {  	[sflag:s0] =	ssyncadd.s32 $0xFFFFF000  }
0x5b: {  	_ =	swait.ge [sflag:s0], $0x1000  }
0x5c: {  	[sflag:s0] =	ssyncset.done $0x0  }
0x5d: {  	[sflag:s0] =	ssyncadd.s32 $0xFFFFF000  }
0x5e: {  	_ =	swait.ge [sflag:s0], $0x1000  }
0x5f: {  	[sflag:s0] =	ssyncset.done $0x0  }
0x60: {  	[sflag:s0] =	ssyncadd.s32 $0xFFFFF000  }
0x61: {  	_ =	swait.ge [sflag:s0], $0x1000  }
0x62: {  	[sflag:s0] =	ssyncset.done $0x0  }
0x63: {  	[sflag:s0] =	ssyncadd.s32 $0xFFFFF000  }
0x64: {  	_ =	swait.ge [sflag:s0], $0x1000  }
0x65: {  	[sflag:s0] =	ssyncset.done $0x0  }
0x66: {  	[sflag:s0] =	ssyncadd.s32 $0xFFFFF000  }
0x67: {  	_ =	swait.ge [sflag:s0], $0x1000  }
0x68: {  	[sflag:s0] =	ssyncset.done $0x0  }
0x69: {  	[sflag:s0] =	ssyncadd.s32 $0xFFFFF000  }
0x6a: {  	_ =	swait.ge [sflag:s0], $0x1000  }
0x6b: {  	[sflag:s0] =	ssyncset.done $0x0  }
0x6c: {  	s15 =	simm.s32 $0x0;
	s16 =	simm.s32 $0x400;
	[sflag:s0] =	ssyncadd.s32 $0xFFFFF000  }
.LBB2_5:
0x6d: {  	p0 =	sne.s32 s16, $0x7C00;
	v1 =	vld [tilespmem:s15+$0xC8F0]  }
0x6e: {  	v2 =	vld [tilespmem:s15+$0xC800]  }
0x6f: {  	v3 =	vld [tilespmem:s15+$0xC810]  }
0x70: {  	v4 =	vld [tilespmem:s15+$0xC820]  }
0x71: {  	v5 =	vld [tilespmem:s15+$0xC830]  }
0x72: {  	[tilespmem:s15+$0x1C8F0] =	vst.add.f32.msk $0xffff, v1  }
0x73: {  	v1 =	vld [tilespmem:s15+$0xC840]  }
0x74: {  	v6 =	vld [tilespmem:s15+$0xC850]  }
0x75: {  	v7 =	vld [tilespmem:s15+$0xC860]  }
0x76: {  	v8 =	vld [tilespmem:s15+$0xC870]  }
0x77: {  	v9 =	vld [tilespmem:s15+$0xC880]  }
0x78: {  	v10 =	vld [tilespmem:s15+$0xC890]  }
0x79: {  	v11 =	vld [tilespmem:s15+$0xC8A0]  }
0x7a: {  	v12 =	vld [tilespmem:s15+$0xC8B0]  }
0x7b: {  	v13 =	vld [tilespmem:s15+$0xC8C0]  }
0x7c: {  	v14 =	vld [tilespmem:s15+$0xC8D0]  }
0x7d: {  	v15 =	vld [tilespmem:s15+$0xC8E0]  }
0x7e: {  	[tilespmem:s15+$0x1C800] =	vst.add.f32.msk $0xffff, v2  }
0x7f: {  	[tilespmem:s15+$0x1C810] =	vst.add.f32.msk $0xffff, v3  }
0x80: {  	[tilespmem:s15+$0x1C820] =	vst.add.f32.msk $0xffff, v4  }
0x81: {  	[tilespmem:s15+$0x1C830] =	vst.add.f32.msk $0xffff, v5  }
0x82: {  	[tilespmem:s15+$0x1C840] =	vst.add.f32.msk $0xffff, v1  }
0x83: {  	[tilespmem:s15+$0x1C850] =	vst.add.f32.msk $0xffff, v6  }
0x84: {  	[tilespmem:s15+$0x1C860] =	vst.add.f32.msk $0xffff, v7  }
0x85: {  	[tilespmem:s15+$0x1C870] =	vst.add.f32.msk $0xffff, v8  }
0x86: {  	[tilespmem:s15+$0x1C880] =	vst.add.f32.msk $0xffff, v9  }
0x87: {  	[tilespmem:s15+$0x1C890] =	vst.add.f32.msk $0xffff, v10  }
.Ltmp1:
0x88: {  	[tilespmem:s15+$0x1C8A0] =	vst.add.f32.msk $0xffff, v11;
	(pc) =	sbr.rel @p0 .LBB2_5-.Ltmp1, $4  }
0x89: {  	[tilespmem:s15+$0x1C8B0] =	vst.add.f32.msk $0xffff, v12  }
0x8a: {  	[tilespmem:s15+$0x1C8C0] =	vst.add.f32.msk $0xffff, v13  }
0x8b: {  	[tilespmem:s15+$0x1C8D0] =	vst.add.f32.msk $0xffff, v14  }
0x8c: {  	[tilespmem:s15+$0x1C8E0] =	vst.add.f32.msk $0xffff, v15;
	s15 =	sshra.s32 s16, $0x2;
	s16 =	sadd.s32 $0x400, s16  }
0x8d: {  	v1 =	vld [tilespmem:s15+$0xC8F0]  }
0x8e: {  	v2 =	vld [tilespmem:s15+$0xC800]  }
0x8f: {  	v3 =	vld [tilespmem:s15+$0xC810]  }
0x90: {  	v4 =	vld [tilespmem:s15+$0xC820]  }
0x91: {  	v5 =	vld [tilespmem:s15+$0xC830]  }
0x92: {  	v6 =	vld [tilespmem:s15+$0xC850]  }
0x93: {  	v7 =	vld [tilespmem:s15+$0xC860]  }
0x94: {  	v8 =	vld [tilespmem:s15+$0xC870]  }
0x95: {  	v9 =	vld [tilespmem:s15+$0xC880]  }
0x96: {  	v10 =	vld [tilespmem:s15+$0xC890]  }
0x97: {  	v11 =	vld [tilespmem:s15+$0xC8A0]  }
0x98: {  	v12 =	vld [tilespmem:s15+$0xC8B0]  }
0x99: {  	v13 =	vld [tilespmem:s15+$0xC8C0]  }
0x9a: {  	v14 =	vld [tilespmem:s15+$0xC8D0]  }
0x9b: {  	v15 =	vld [tilespmem:s15+$0xC8E0]  }
0x9c: {  	[tilespmem:s15+$0x1C8F0] =	vst.add.f32.msk $0xffff, v1  }
0x9d: {  	v1 =	vld [tilespmem:s15+$0xC840]  }
0x9e: {  	[tilespmem:s15+$0x1C800] =	vst.add.f32.msk $0xffff, v2  }
0x9f: {  	[tilespmem:s15+$0x1C810] =	vst.add.f32.msk $0xffff, v3  }
0xa0: {  	[tilespmem:s15+$0x1C820] =	vst.add.f32.msk $0xffff, v4  }
0xa1: {  	[tilespmem:s15+$0x1C830] =	vst.add.f32.msk $0xffff, v5  }
0xa2: {  	[tilespmem:s15+$0x1C850] =	vst.add.f32.msk $0xffff, v6  }
0xa3: {  	[tilespmem:s15+$0x1C860] =	vst.add.f32.msk $0xffff, v7  }
0xa4: {  	[tilespmem:s15+$0x1C870] =	vst.add.f32.msk $0xffff, v8  }
0xa5: {  	[tilespmem:s15+$0x1C880] =	vst.add.f32.msk $0xffff, v9  }
0xa6: {  	[tilespmem:s15+$0x1C890] =	vst.add.f32.msk $0xffff, v10  }
0xa7: {  	[tilespmem:s15+$0x1C8A0] =	vst.add.f32.msk $0xffff, v11  }
0xa8: {  	[tilespmem:s15+$0x1C8B0] =	vst.add.f32.msk $0xffff, v12  }
0xa9: {  	[tilespmem:s15+$0x1C8C0] =	vst.add.f32.msk $0xffff, v13  }
0xaa: {  	[tilespmem:s15+$0x1C8D0] =	vst.add.f32.msk $0xffff, v14  }
0xab: {  	[tilespmem:s15+$0x1C8E0] =	vst.add.f32.msk $0xffff, v15  }
0xac: {  	s16 =	simm.s32 $0x400;
	[tilespmem:s15+$0x1C840] =	vst.add.f32.msk $0xffff, v1;
	s15 =	simm.s32 $0x0  }
.LBB2_7:
0xad: {  	p0 =	sne.s32 s16, $0x7C00;
	v1 =	vld [tilespmem:s15+$0xE8F0]  }
0xae: {  	v2 =	vld [tilespmem:s15+$0xE800]  }
0xaf: {  	v3 =	vld [tilespmem:s15+$0xE810]  }
0xb0: {  	v4 =	vld [tilespmem:s15+$0xE820]  }
0xb1: {  	v5 =	vld [tilespmem:s15+$0xE830]  }
0xb2: {  	[tilespmem:s15+$0x1C8F0] =	vst.add.f32.msk $0xffff, v1  }
0xb3: {  	v1 =	vld [tilespmem:s15+$0xE840]  }
0xb4: {  	v6 =	vld [tilespmem:s15+$0xE850]  }
0xb5: {  	v7 =	vld [tilespmem:s15+$0xE860]  }
0xb6: {  	v8 =	vld [tilespmem:s15+$0xE870]  }
0xb7: {  	v9 =	vld [tilespmem:s15+$0xE880]  }
0xb8: {  	v10 =	vld [tilespmem:s15+$0xE890]  }
0xb9: {  	v11 =	vld [tilespmem:s15+$0xE8A0]  }
0xba: {  	v12 =	vld [tilespmem:s15+$0xE8B0]  }
0xbb: {  	v13 =	vld [tilespmem:s15+$0xE8C0]  }
0xbc: {  	v14 =	vld [tilespmem:s15+$0xE8D0]  }
0xbd: {  	v15 =	vld [tilespmem:s15+$0xE8E0]  }
0xbe: {  	[tilespmem:s15+$0x1C800] =	vst.add.f32.msk $0xffff, v2  }
0xbf: {  	[tilespmem:s15+$0x1C810] =	vst.add.f32.msk $0xffff, v3  }
0xc0: {  	[tilespmem:s15+$0x1C820] =	vst.add.f32.msk $0xffff, v4  }
0xc1: {  	[tilespmem:s15+$0x1C830] =	vst.add.f32.msk $0xffff, v5  }
0xc2: {  	[tilespmem:s15+$0x1C840] =	vst.add.f32.msk $0xffff, v1  }
0xc3: {  	[tilespmem:s15+$0x1C850] =	vst.add.f32.msk $0xffff, v6  }
0xc4: {  	[tilespmem:s15+$0x1C860] =	vst.add.f32.msk $0xffff, v7  }
0xc5: {  	[tilespmem:s15+$0x1C870] =	vst.add.f32.msk $0xffff, v8  }
0xc6: {  	[tilespmem:s15+$0x1C880] =	vst.add.f32.msk $0xffff, v9  }
0xc7: {  	[tilespmem:s15+$0x1C890] =	vst.add.f32.msk $0xffff, v10  }
.Ltmp2:
0xc8: {  	[tilespmem:s15+$0x1C8A0] =	vst.add.f32.msk $0xffff, v11;
	(pc) =	sbr.rel @p0 .LBB2_7-.Ltmp2, $4  }
0xc9: {  	[tilespmem:s15+$0x1C8B0] =	vst.add.f32.msk $0xffff, v12  }
0xca: {  	[tilespmem:s15+$0x1C8C0] =	vst.add.f32.msk $0xffff, v13  }
0xcb: {  	[tilespmem:s15+$0x1C8D0] =	vst.add.f32.msk $0xffff, v14  }
0xcc: {  	[tilespmem:s15+$0x1C8E0] =	vst.add.f32.msk $0xffff, v15;
	s15 =	sshra.s32 s16, $0x2;
	s16 =	sadd.s32 $0x400, s16  }
0xcd: {  	v1 =	vld [tilespmem:s15+$0xE8F0]  }
0xce: {  	v2 =	vld [tilespmem:s15+$0xE800]  }
0xcf: {  	v3 =	vld [tilespmem:s15+$0xE810]  }
0xd0: {  	v4 =	vld [tilespmem:s15+$0xE820]  }
0xd1: {  	v5 =	vld [tilespmem:s15+$0xE830]  }
0xd2: {  	v6 =	vld [tilespmem:s15+$0xE850]  }
0xd3: {  	v7 =	vld [tilespmem:s15+$0xE860]  }
0xd4: {  	v8 =	vld [tilespmem:s15+$0xE870]  }
0xd5: {  	v9 =	vld [tilespmem:s15+$0xE880]  }
0xd6: {  	v10 =	vld [tilespmem:s15+$0xE890]  }
0xd7: {  	v11 =	vld [tilespmem:s15+$0xE8A0]  }
0xd8: {  	v12 =	vld [tilespmem:s15+$0xE8B0]  }
0xd9: {  	v13 =	vld [tilespmem:s15+$0xE8C0]  }
0xda: {  	v14 =	vld [tilespmem:s15+$0xE8D0]  }
0xdb: {  	v15 =	vld [tilespmem:s15+$0xE8E0]  }
0xdc: {  	[tilespmem:s15+$0x1C8F0] =	vst.add.f32.msk $0xffff, v1  }
0xdd: {  	v1 =	vld [tilespmem:s15+$0xE840]  }
0xde: {  	[tilespmem:s15+$0x1C800] =	vst.add.f32.msk $0xffff, v2  }
0xdf: {  	[tilespmem:s15+$0x1C810] =	vst.add.f32.msk $0xffff, v3  }
0xe0: {  	[tilespmem:s15+$0x1C820] =	vst.add.f32.msk $0xffff, v4  }
0xe1: {  	[tilespmem:s15+$0x1C830] =	vst.add.f32.msk $0xffff, v5  }
0xe2: {  	[tilespmem:s15+$0x1C850] =	vst.add.f32.msk $0xffff, v6  }
0xe3: {  	[tilespmem:s15+$0x1C860] =	vst.add.f32.msk $0xffff, v7  }
0xe4: {  	[tilespmem:s15+$0x1C870] =	vst.add.f32.msk $0xffff, v8  }
0xe5: {  	[tilespmem:s15+$0x1C880] =	vst.add.f32.msk $0xffff, v9  }
0xe6: {  	[tilespmem:s15+$0x1C890] =	vst.add.f32.msk $0xffff, v10  }
0xe7: {  	[tilespmem:s15+$0x1C8A0] =	vst.add.f32.msk $0xffff, v11  }
0xe8: {  	[tilespmem:s15+$0x1C8B0] =	vst.add.f32.msk $0xffff, v12  }
0xe9: {  	[tilespmem:s15+$0x1C8C0] =	vst.add.f32.msk $0xffff, v13  }
0xea: {  	[tilespmem:s15+$0x1C8D0] =	vst.add.f32.msk $0xffff, v14  }
0xeb: {  	[tilespmem:s15+$0x1C8E0] =	vst.add.f32.msk $0xffff, v15  }
0xec: {  	s16 =	simm.s32 $0x400;
	[tilespmem:s15+$0x1C840] =	vst.add.f32.msk $0xffff, v1;
	s15 =	simm.s32 $0x0  }
.LBB2_9:
0xed: {  	p0 =	sne.s32 s16, $0x7C00;
	v1 =	vld [tilespmem:s15+$0x108F0]  }
0xee: {  	v2 =	vld [tilespmem:s15+$0x10800]  }
0xef: {  	v3 =	vld [tilespmem:s15+$0x10810]  }
0xf0: {  	v4 =	vld [tilespmem:s15+$0x10820]  }
0xf1: {  	v5 =	vld [tilespmem:s15+$0x10830]  }
0xf2: {  	[tilespmem:s15+$0x1C8F0] =	vst.add.f32.msk $0xffff, v1  }
0xf3: {  	v1 =	vld [tilespmem:s15+$0x10840]  }
0xf4: {  	v6 =	vld [tilespmem:s15+$0x10850]  }
0xf5: {  	v7 =	vld [tilespmem:s15+$0x10860]  }
0xf6: {  	v8 =	vld [tilespmem:s15+$0x10870]  }
0xf7: {  	v9 =	vld [tilespmem:s15+$0x10880]  }
0xf8: {  	v10 =	vld [tilespmem:s15+$0x10890]  }
0xf9: {  	v11 =	vld [tilespmem:s15+$0x108A0]  }
0xfa: {  	v12 =	vld [tilespmem:s15+$0x108B0]  }
0xfb: {  	v13 =	vld [tilespmem:s15+$0x108C0]  }
0xfc: {  	v14 =	vld [tilespmem:s15+$0x108D0]  }
0xfd: {  	v15 =	vld [tilespmem:s15+$0x108E0]  }
0xfe: {  	[tilespmem:s15+$0x1C800] =	vst.add.f32.msk $0xffff, v2  }
0xff: {  	[tilespmem:s15+$0x1C810] =	vst.add.f32.msk $0xffff, v3  }
0x100: {  	[tilespmem:s15+$0x1C820] =	vst.add.f32.msk $0xffff, v4  }
0x101: {  	[tilespmem:s15+$0x1C830] =	vst.add.f32.msk $0xffff, v5  }
0x102: {  	[tilespmem:s15+$0x1C840] =	vst.add.f32.msk $0xffff, v1  }
0x103: {  	[tilespmem:s15+$0x1C850] =	vst.add.f32.msk $0xffff, v6  }
0x104: {  	[tilespmem:s15+$0x1C860] =	vst.add.f32.msk $0xffff, v7  }
0x105: {  	[tilespmem:s15+$0x1C870] =	vst.add.f32.msk $0xffff, v8  }
0x106: {  	[tilespmem:s15+$0x1C880] =	vst.add.f32.msk $0xffff, v9  }
0x107: {  	[tilespmem:s15+$0x1C890] =	vst.add.f32.msk $0xffff, v10  }
.Ltmp3:
0x108: {  	[tilespmem:s15+$0x1C8A0] =	vst.add.f32.msk $0xffff, v11;
	(pc) =	sbr.rel @p0 .LBB2_9-.Ltmp3, $4  }
0x109: {  	[tilespmem:s15+$0x1C8B0] =	vst.add.f32.msk $0xffff, v12  }
0x10a: {  	[tilespmem:s15+$0x1C8C0] =	vst.add.f32.msk $0xffff, v13  }
0x10b: {  	[tilespmem:s15+$0x1C8D0] =	vst.add.f32.msk $0xffff, v14  }
0x10c: {  	[tilespmem:s15+$0x1C8E0] =	vst.add.f32.msk $0xffff, v15;
	s15 =	sshra.s32 s16, $0x2;
	s16 =	sadd.s32 $0x400, s16  }
0x10d: {  	v1 =	vld [tilespmem:s15+$0x108F0]  }
0x10e: {  	v2 =	vld [tilespmem:s15+$0x10800]  }
0x10f: {  	v3 =	vld [tilespmem:s15+$0x10810]  }
0x110: {  	v4 =	vld [tilespmem:s15+$0x10820]  }
0x111: {  	v5 =	vld [tilespmem:s15+$0x10830]  }
0x112: {  	v6 =	vld [tilespmem:s15+$0x10850]  }
0x113: {  	v7 =	vld [tilespmem:s15+$0x10860]  }
0x114: {  	v8 =	vld [tilespmem:s15+$0x10870]  }
0x115: {  	v9 =	vld [tilespmem:s15+$0x10880]  }
0x116: {  	v10 =	vld [tilespmem:s15+$0x10890]  }
0x117: {  	v11 =	vld [tilespmem:s15+$0x108A0]  }
0x118: {  	v12 =	vld [tilespmem:s15+$0x108B0]  }
0x119: {  	v13 =	vld [tilespmem:s15+$0x108C0]  }
0x11a: {  	v14 =	vld [tilespmem:s15+$0x108D0]  }
0x11b: {  	v15 =	vld [tilespmem:s15+$0x108E0]  }
0x11c: {  	[tilespmem:s15+$0x1C8F0] =	vst.add.f32.msk $0xffff, v1  }
0x11d: {  	v1 =	vld [tilespmem:s15+$0x10840]  }
0x11e: {  	[tilespmem:s15+$0x1C800] =	vst.add.f32.msk $0xffff, v2  }
0x11f: {  	[tilespmem:s15+$0x1C810] =	vst.add.f32.msk $0xffff, v3  }
0x120: {  	[tilespmem:s15+$0x1C820] =	vst.add.f32.msk $0xffff, v4  }
0x121: {  	[tilespmem:s15+$0x1C830] =	vst.add.f32.msk $0xffff, v5  }
0x122: {  	[tilespmem:s15+$0x1C850] =	vst.add.f32.msk $0xffff, v6  }
0x123: {  	[tilespmem:s15+$0x1C860] =	vst.add.f32.msk $0xffff, v7  }
0x124: {  	[tilespmem:s15+$0x1C870] =	vst.add.f32.msk $0xffff, v8  }
0x125: {  	[tilespmem:s15+$0x1C880] =	vst.add.f32.msk $0xffff, v9  }
0x126: {  	[tilespmem:s15+$0x1C890] =	vst.add.f32.msk $0xffff, v10  }
0x127: {  	[tilespmem:s15+$0x1C8A0] =	vst.add.f32.msk $0xffff, v11  }
0x128: {  	[tilespmem:s15+$0x1C8B0] =	vst.add.f32.msk $0xffff, v12  }
0x129: {  	[tilespmem:s15+$0x1C8C0] =	vst.add.f32.msk $0xffff, v13  }
0x12a: {  	[tilespmem:s15+$0x1C8D0] =	vst.add.f32.msk $0xffff, v14  }
0x12b: {  	[tilespmem:s15+$0x1C8E0] =	vst.add.f32.msk $0xffff, v15  }
0x12c: {  	s16 =	simm.s32 $0x400;
	[tilespmem:s15+$0x1C840] =	vst.add.f32.msk $0xffff, v1;
	s15 =	simm.s32 $0x0  }
.LBB2_11:
0x12d: {  	p0 =	sne.s32 s16, $0x7C00;
	v1 =	vld [tilespmem:s15+$0x128F0]  }
0x12e: {  	v2 =	vld [tilespmem:s15+$0x12800]  }
0x12f: {  	v3 =	vld [tilespmem:s15+$0x12810]  }
0x130: {  	v4 =	vld [tilespmem:s15+$0x12820]  }
0x131: {  	v5 =	vld [tilespmem:s15+$0x12830]  }
0x132: {  	[tilespmem:s15+$0x1C8F0] =	vst.add.f32.msk $0xffff, v1  }
0x133: {  	v1 =	vld [tilespmem:s15+$0x12840]  }
0x134: {  	v6 =	vld [tilespmem:s15+$0x12850]  }
0x135: {  	v7 =	vld [tilespmem:s15+$0x12860]  }
0x136: {  	v8 =	vld [tilespmem:s15+$0x12870]  }
0x137: {  	v9 =	vld [tilespmem:s15+$0x12880]  }
0x138: {  	v10 =	vld [tilespmem:s15+$0x12890]  }
0x139: {  	v11 =	vld [tilespmem:s15+$0x128A0]  }
0x13a: {  	v12 =	vld [tilespmem:s15+$0x128B0]  }
0x13b: {  	v13 =	vld [tilespmem:s15+$0x128C0]  }
0x13c: {  	v14 =	vld [tilespmem:s15+$0x128D0]  }
0x13d: {  	v15 =	vld [tilespmem:s15+$0x128E0]  }
0x13e: {  	[tilespmem:s15+$0x1C800] =	vst.add.f32.msk $0xffff, v2  }
0x13f: {  	[tilespmem:s15+$0x1C810] =	vst.add.f32.msk $0xffff, v3  }
0x140: {  	[tilespmem:s15+$0x1C820] =	vst.add.f32.msk $0xffff, v4  }
0x141: {  	[tilespmem:s15+$0x1C830] =	vst.add.f32.msk $0xffff, v5  }
0x142: {  	[tilespmem:s15+$0x1C840] =	vst.add.f32.msk $0xffff, v1  }
0x143: {  	[tilespmem:s15+$0x1C850] =	vst.add.f32.msk $0xffff, v6  }
0x144: {  	[tilespmem:s15+$0x1C860] =	vst.add.f32.msk $0xffff, v7  }
0x145: {  	[tilespmem:s15+$0x1C870] =	vst.add.f32.msk $0xffff, v8  }
0x146: {  	[tilespmem:s15+$0x1C880] =	vst.add.f32.msk $0xffff, v9  }
0x147: {  	[tilespmem:s15+$0x1C890] =	vst.add.f32.msk $0xffff, v10  }
.Ltmp4:
0x148: {  	[tilespmem:s15+$0x1C8A0] =	vst.add.f32.msk $0xffff, v11;
	(pc) =	sbr.rel @p0 .LBB2_11-.Ltmp4, $4  }
0x149: {  	[tilespmem:s15+$0x1C8B0] =	vst.add.f32.msk $0xffff, v12  }
0x14a: {  	[tilespmem:s15+$0x1C8C0] =	vst.add.f32.msk $0xffff, v13  }
0x14b: {  	[tilespmem:s15+$0x1C8D0] =	vst.add.f32.msk $0xffff, v14  }
0x14c: {  	[tilespmem:s15+$0x1C8E0] =	vst.add.f32.msk $0xffff, v15;
	s15 =	sshra.s32 s16, $0x2;
	s16 =	sadd.s32 $0x400, s16  }
0x14d: {  	v1 =	vld [tilespmem:s15+$0x128F0]  }
0x14e: {  	v2 =	vld [tilespmem:s15+$0x12800]  }
0x14f: {  	v3 =	vld [tilespmem:s15+$0x12810]  }
0x150: {  	v4 =	vld [tilespmem:s15+$0x12820]  }
0x151: {  	v5 =	vld [tilespmem:s15+$0x12830]  }
0x152: {  	v6 =	vld [tilespmem:s15+$0x12850]  }
0x153: {  	v7 =	vld [tilespmem:s15+$0x12860]  }
0x154: {  	v8 =	vld [tilespmem:s15+$0x12870]  }
0x155: {  	v9 =	vld [tilespmem:s15+$0x12880]  }
0x156: {  	v10 =	vld [tilespmem:s15+$0x12890]  }
0x157: {  	v11 =	vld [tilespmem:s15+$0x128A0]  }
0x158: {  	v12 =	vld [tilespmem:s15+$0x128B0]  }
0x159: {  	v13 =	vld [tilespmem:s15+$0x128C0]  }
0x15a: {  	v14 =	vld [tilespmem:s15+$0x128D0]  }
0x15b: {  	v15 =	vld [tilespmem:s15+$0x128E0]  }
0x15c: {  	[tilespmem:s15+$0x1C8F0] =	vst.add.f32.msk $0xffff, v1  }
0x15d: {  	v1 =	vld [tilespmem:s15+$0x12840]  }
0x15e: {  	[tilespmem:s15+$0x1C800] =	vst.add.f32.msk $0xffff, v2  }
0x15f: {  	[tilespmem:s15+$0x1C810] =	vst.add.f32.msk $0xffff, v3  }
0x160: {  	[tilespmem:s15+$0x1C820] =	vst.add.f32.msk $0xffff, v4  }
0x161: {  	[tilespmem:s15+$0x1C830] =	vst.add.f32.msk $0xffff, v5  }
0x162: {  	[tilespmem:s15+$0x1C850] =	vst.add.f32.msk $0xffff, v6  }
0x163: {  	[tilespmem:s15+$0x1C860] =	vst.add.f32.msk $0xffff, v7  }
0x164: {  	[tilespmem:s15+$0x1C870] =	vst.add.f32.msk $0xffff, v8  }
0x165: {  	[tilespmem:s15+$0x1C880] =	vst.add.f32.msk $0xffff, v9  }
0x166: {  	[tilespmem:s15+$0x1C890] =	vst.add.f32.msk $0xffff, v10  }
0x167: {  	[tilespmem:s15+$0x1C8A0] =	vst.add.f32.msk $0xffff, v11  }
0x168: {  	[tilespmem:s15+$0x1C8B0] =	vst.add.f32.msk $0xffff, v12  }
0x169: {  	[tilespmem:s15+$0x1C8C0] =	vst.add.f32.msk $0xffff, v13  }
0x16a: {  	[tilespmem:s15+$0x1C8D0] =	vst.add.f32.msk $0xffff, v14  }
0x16b: {  	p0 =	seq.s32 s13, $0x18;
	[tilespmem:s15+$0x1C8E0] =	vst.add.f32.msk $0xffff, v15  }
0x16c: {  	s16 =	simm.s32 @!p0 $0x80;
	s17 =	simm.s32 @!p0 $0xC800;
	[tilespmem:s15+$0x1C840] =	vst.add.f32.msk $0xffff, v1;
	s15 =	sadd.s32 @!p0 $0x800, s14  }
0x16d: {  	[tilespmem:s17], [sflag:$0x1] =	stream.indirect.gather @!p0 [hbm4b:s3+s16], $0x20, s15, s16, $0xb8;
	[tilespmem:$0x1E800] =	vst v63  }
0x16e: {  	s15 =	sadd.s32 @!p0 $0x880, s14;
	s17 =	simm.s32 @!p0 $0xD800  }
0x16f: {  	[tilespmem:s17], [sflag:$0x1] =	stream.indirect.gather @!p0 [hbm4b:s3+s16], $0x20, s15, s16, $0xb8;
	[tilespmem:$0x1E800] =	vst v63  }
0x170: {  	s15 =	sadd.s32 @!p0 $0x900, s14;
	s17 =	simm.s32 @!p0 $0xE800  }
0x171: {  	[tilespmem:s17], [sflag:$0x1] =	stream.indirect.gather @!p0 [hbm4b:s3+s16], $0x20, s15, s16, $0xb8;
	[tilespmem:$0x1E800] =	vst v63  }
0x172: {  	s15 =	sadd.s32 @!p0 $0x980, s14;
	s17 =	simm.s32 @!p0 $0xF800  }
0x173: {  	[tilespmem:s17], [sflag:$0x1] =	stream.indirect.gather @!p0 [hbm4b:s3+s16], $0x20, s15, s16, $0xb8;
	[tilespmem:$0x1E800] =	vst v63  }
0x174: {  	s15 =	sadd.s32 @!p0 $0xA00, s14;
	s17 =	simm.s32 @!p0 $0x10800  }
0x175: {  	[tilespmem:s17], [sflag:$0x1] =	stream.indirect.gather @!p0 [hbm4b:s3+s16], $0x20, s15, s16, $0xb8;
	[tilespmem:$0x1E800] =	vst v63  }
0x176: {  	s15 =	sadd.s32 @!p0 $0xA80, s14;
	s17 =	simm.s32 @!p0 $0x11800  }
0x177: {  	[tilespmem:s17], [sflag:$0x1] =	stream.indirect.gather @!p0 [hbm4b:s3+s16], $0x20, s15, s16, $0xb8;
	[tilespmem:$0x1E800] =	vst v63  }
0x178: {  	s15 =	sadd.s32 @!p0 $0xB00, s14;
	s17 =	simm.s32 @!p0 $0x12800  }
0x179: {  	[tilespmem:s17], [sflag:$0x1] =	stream.indirect.gather @!p0 [hbm4b:s3+s16], $0x20, s15, s16, $0xb8;
	[tilespmem:$0x1E800] =	vst v63  }
0x17a: {  	s14 =	sadd.s32 @!p0 $0xB80, s14;
	s15 =	simm.s32 @!p0 $0x13800  }
0x17b: {  	[tilespmem:s15], [sflag:$0x1] =	stream.indirect.gather @!p0 [hbm4b:s3+s16], $0x20, s14, s16, $0xb8;
	[tilespmem:$0x1E800] =	vst v63  }
0x17c: {  	_ =	swait.ge [sflag:s8], $0x1000  }
0x17d: {  	[sflag:s8] =	ssyncset.done $0x0  }
0x17e: {  	[sflag:s8] =	ssyncadd.s32 $0xFFFFF000  }
0x17f: {  	_ =	swait.ge [sflag:s8], $0x1000  }
0x180: {  	[sflag:s8] =	ssyncset.done $0x0  }
0x181: {  	[sflag:s8] =	ssyncadd.s32 $0xFFFFF000  }
0x182: {  	_ =	swait.ge [sflag:s8], $0x1000  }
0x183: {  	[sflag:s8] =	ssyncset.done $0x0  }
0x184: {  	[sflag:s8] =	ssyncadd.s32 $0xFFFFF000  }
0x185: {  	_ =	swait.ge [sflag:s8], $0x1000  }
0x186: {  	[sflag:s8] =	ssyncset.done $0x0  }
0x187: {  	[sflag:s8] =	ssyncadd.s32 $0xFFFFF000  }
0x188: {  	_ =	swait.ge [sflag:s8], $0x1000  }
0x189: {  	[sflag:s8] =	ssyncset.done $0x0  }
0x18a: {  	[sflag:s8] =	ssyncadd.s32 $0xFFFFF000  }
0x18b: {  	_ =	swait.ge [sflag:s8], $0x1000  }
0x18c: {  	[sflag:s8] =	ssyncset.done $0x0  }
0x18d: {  	[sflag:s8] =	ssyncadd.s32 $0xFFFFF000  }
0x18e: {  	_ =	swait.ge [sflag:s8], $0x1000  }
0x18f: {  	[sflag:s8] =	ssyncset.done $0x0  }
0x190: {  	[sflag:s8] =	ssyncadd.s32 $0xFFFFF000  }
0x191: {  	_ =	swait.ge [sflag:s8], $0x1000  }
0x192: {  	[sflag:s8] =	ssyncset.done $0x0  }
0x193: {  	s14 =	simm.s32 $0x0;
	s15 =	simm.s32 $0x400;
	[sflag:s8] =	ssyncadd.s32 $0xFFFFF000  }
.LBB2_13:
0x194: {  	p0 =	sne.s32 s15, $0x7C00;
	v1 =	vld [tilespmem:s14+$0x148F0]  }
0x195: {  	v2 =	vld [tilespmem:s14+$0x14800]  }
0x196: {  	v3 =	vld [tilespmem:s14+$0x14810]  }
0x197: {  	v4 =	vld [tilespmem:s14+$0x14820]  }
0x198: {  	v5 =	vld [tilespmem:s14+$0x14830]  }
0x199: {  	[tilespmem:s14+$0x1C8F0] =	vst.add.f32.msk $0xffff, v1  }
0x19a: {  	v1 =	vld [tilespmem:s14+$0x14840]  }
0x19b: {  	v6 =	vld [tilespmem:s14+$0x14850]  }
0x19c: {  	v7 =	vld [tilespmem:s14+$0x14860]  }
0x19d: {  	v8 =	vld [tilespmem:s14+$0x14870]  }
0x19e: {  	v9 =	vld [tilespmem:s14+$0x14880]  }
0x19f: {  	v10 =	vld [tilespmem:s14+$0x14890]  }
0x1a0: {  	v11 =	vld [tilespmem:s14+$0x148A0]  }
0x1a1: {  	v12 =	vld [tilespmem:s14+$0x148B0]  }
0x1a2: {  	v13 =	vld [tilespmem:s14+$0x148C0]  }
0x1a3: {  	v14 =	vld [tilespmem:s14+$0x148D0]  }
0x1a4: {  	v15 =	vld [tilespmem:s14+$0x148E0]  }
0x1a5: {  	[tilespmem:s14+$0x1C800] =	vst.add.f32.msk $0xffff, v2  }
0x1a6: {  	[tilespmem:s14+$0x1C810] =	vst.add.f32.msk $0xffff, v3  }
0x1a7: {  	[tilespmem:s14+$0x1C820] =	vst.add.f32.msk $0xffff, v4  }
0x1a8: {  	[tilespmem:s14+$0x1C830] =	vst.add.f32.msk $0xffff, v5  }
0x1a9: {  	[tilespmem:s14+$0x1C840] =	vst.add.f32.msk $0xffff, v1  }
0x1aa: {  	[tilespmem:s14+$0x1C850] =	vst.add.f32.msk $0xffff, v6  }
0x1ab: {  	[tilespmem:s14+$0x1C860] =	vst.add.f32.msk $0xffff, v7  }
0x1ac: {  	[tilespmem:s14+$0x1C870] =	vst.add.f32.msk $0xffff, v8  }
0x1ad: {  	[tilespmem:s14+$0x1C880] =	vst.add.f32.msk $0xffff, v9  }
0x1ae: {  	[tilespmem:s14+$0x1C890] =	vst.add.f32.msk $0xffff, v10  }
.Ltmp5:
0x1af: {  	[tilespmem:s14+$0x1C8A0] =	vst.add.f32.msk $0xffff, v11;
	(pc) =	sbr.rel @p0 .LBB2_13-.Ltmp5, $4  }
0x1b0: {  	[tilespmem:s14+$0x1C8B0] =	vst.add.f32.msk $0xffff, v12  }
0x1b1: {  	[tilespmem:s14+$0x1C8C0] =	vst.add.f32.msk $0xffff, v13  }
0x1b2: {  	[tilespmem:s14+$0x1C8D0] =	vst.add.f32.msk $0xffff, v14  }
0x1b3: {  	[tilespmem:s14+$0x1C8E0] =	vst.add.f32.msk $0xffff, v15;
	s14 =	sshra.s32 s15, $0x2;
	s15 =	sadd.s32 $0x400, s15  }
0x1b4: {  	v1 =	vld [tilespmem:s14+$0x148F0]  }
0x1b5: {  	v2 =	vld [tilespmem:s14+$0x14800]  }
0x1b6: {  	v3 =	vld [tilespmem:s14+$0x14810]  }
0x1b7: {  	v4 =	vld [tilespmem:s14+$0x14820]  }
0x1b8: {  	v5 =	vld [tilespmem:s14+$0x14830]  }
0x1b9: {  	v6 =	vld [tilespmem:s14+$0x14850]  }
0x1ba: {  	v7 =	vld [tilespmem:s14+$0x14860]  }
0x1bb: {  	v8 =	vld [tilespmem:s14+$0x14870]  }
0x1bc: {  	v9 =	vld [tilespmem:s14+$0x14880]  }
0x1bd: {  	v10 =	vld [tilespmem:s14+$0x14890]  }
0x1be: {  	v11 =	vld [tilespmem:s14+$0x148A0]  }
0x1bf: {  	v12 =	vld [tilespmem:s14+$0x148B0]  }
0x1c0: {  	v13 =	vld [tilespmem:s14+$0x148C0]  }
0x1c1: {  	v14 =	vld [tilespmem:s14+$0x148D0]  }
0x1c2: {  	v15 =	vld [tilespmem:s14+$0x148E0]  }
0x1c3: {  	[tilespmem:s14+$0x1C8F0] =	vst.add.f32.msk $0xffff, v1  }
0x1c4: {  	v1 =	vld [tilespmem:s14+$0x14840]  }
0x1c5: {  	[tilespmem:s14+$0x1C800] =	vst.add.f32.msk $0xffff, v2  }
0x1c6: {  	[tilespmem:s14+$0x1C810] =	vst.add.f32.msk $0xffff, v3  }
0x1c7: {  	[tilespmem:s14+$0x1C820] =	vst.add.f32.msk $0xffff, v4  }
0x1c8: {  	[tilespmem:s14+$0x1C830] =	vst.add.f32.msk $0xffff, v5  }
0x1c9: {  	[tilespmem:s14+$0x1C850] =	vst.add.f32.msk $0xffff, v6  }
0x1ca: {  	[tilespmem:s14+$0x1C860] =	vst.add.f32.msk $0xffff, v7  }
0x1cb: {  	[tilespmem:s14+$0x1C870] =	vst.add.f32.msk $0xffff, v8  }
0x1cc: {  	[tilespmem:s14+$0x1C880] =	vst.add.f32.msk $0xffff, v9  }
0x1cd: {  	[tilespmem:s14+$0x1C890] =	vst.add.f32.msk $0xffff, v10  }
0x1ce: {  	[tilespmem:s14+$0x1C8A0] =	vst.add.f32.msk $0xffff, v11  }
0x1cf: {  	[tilespmem:s14+$0x1C8B0] =	vst.add.f32.msk $0xffff, v12  }
0x1d0: {  	[tilespmem:s14+$0x1C8C0] =	vst.add.f32.msk $0xffff, v13  }
0x1d1: {  	[tilespmem:s14+$0x1C8D0] =	vst.add.f32.msk $0xffff, v14  }
0x1d2: {  	[tilespmem:s14+$0x1C8E0] =	vst.add.f32.msk $0xffff, v15  }
0x1d3: {  	s15 =	simm.s32 $0x400;
	[tilespmem:s14+$0x1C840] =	vst.add.f32.msk $0xffff, v1;
	s14 =	simm.s32 $0x0  }
.LBB2_15:
0x1d4: {  	p0 =	sne.s32 s15, $0x7C00;
	v1 =	vld [tilespmem:s14+$0x168F0]  }
0x1d5: {  	v2 =	vld [tilespmem:s14+$0x16800]  }
0x1d6: {  	v3 =	vld [tilespmem:s14+$0x16810]  }
0x1d7: {  	v4 =	vld [tilespmem:s14+$0x16820]  }
0x1d8: {  	v5 =	vld [tilespmem:s14+$0x16830]  }
0x1d9: {  	[tilespmem:s14+$0x1C8F0] =	vst.add.f32.msk $0xffff, v1  }
0x1da: {  	v1 =	vld [tilespmem:s14+$0x16840]  }
0x1db: {  	v6 =	vld [tilespmem:s14+$0x16850]  }
0x1dc: {  	v7 =	vld [tilespmem:s14+$0x16860]  }
0x1dd: {  	v8 =	vld [tilespmem:s14+$0x16870]  }
0x1de: {  	v9 =	vld [tilespmem:s14+$0x16880]  }
0x1df: {  	v10 =	vld [tilespmem:s14+$0x16890]  }
0x1e0: {  	v11 =	vld [tilespmem:s14+$0x168A0]  }
0x1e1: {  	v12 =	vld [tilespmem:s14+$0x168B0]  }
0x1e2: {  	v13 =	vld [tilespmem:s14+$0x168C0]  }
0x1e3: {  	v14 =	vld [tilespmem:s14+$0x168D0]  }
0x1e4: {  	v15 =	vld [tilespmem:s14+$0x168E0]  }
0x1e5: {  	[tilespmem:s14+$0x1C800] =	vst.add.f32.msk $0xffff, v2  }
0x1e6: {  	[tilespmem:s14+$0x1C810] =	vst.add.f32.msk $0xffff, v3  }
0x1e7: {  	[tilespmem:s14+$0x1C820] =	vst.add.f32.msk $0xffff, v4  }
0x1e8: {  	[tilespmem:s14+$0x1C830] =	vst.add.f32.msk $0xffff, v5  }
0x1e9: {  	[tilespmem:s14+$0x1C840] =	vst.add.f32.msk $0xffff, v1  }
0x1ea: {  	[tilespmem:s14+$0x1C850] =	vst.add.f32.msk $0xffff, v6  }
0x1eb: {  	[tilespmem:s14+$0x1C860] =	vst.add.f32.msk $0xffff, v7  }
0x1ec: {  	[tilespmem:s14+$0x1C870] =	vst.add.f32.msk $0xffff, v8  }
0x1ed: {  	[tilespmem:s14+$0x1C880] =	vst.add.f32.msk $0xffff, v9  }
0x1ee: {  	[tilespmem:s14+$0x1C890] =	vst.add.f32.msk $0xffff, v10  }
.Ltmp6:
0x1ef: {  	[tilespmem:s14+$0x1C8A0] =	vst.add.f32.msk $0xffff, v11;
	(pc) =	sbr.rel @p0 .LBB2_15-.Ltmp6, $4  }
0x1f0: {  	[tilespmem:s14+$0x1C8B0] =	vst.add.f32.msk $0xffff, v12  }
0x1f1: {  	[tilespmem:s14+$0x1C8C0] =	vst.add.f32.msk $0xffff, v13  }
0x1f2: {  	[tilespmem:s14+$0x1C8D0] =	vst.add.f32.msk $0xffff, v14  }
0x1f3: {  	[tilespmem:s14+$0x1C8E0] =	vst.add.f32.msk $0xffff, v15;
	s14 =	sshra.s32 s15, $0x2;
	s15 =	sadd.s32 $0x400, s15  }
0x1f4: {  	v1 =	vld [tilespmem:s14+$0x168F0]  }
0x1f5: {  	v2 =	vld [tilespmem:s14+$0x16800]  }
0x1f6: {  	v3 =	vld [tilespmem:s14+$0x16810]  }
0x1f7: {  	v4 =	vld [tilespmem:s14+$0x16820]  }
0x1f8: {  	v5 =	vld [tilespmem:s14+$0x16830]  }
0x1f9: {  	v6 =	vld [tilespmem:s14+$0x16850]  }
0x1fa: {  	v7 =	vld [tilespmem:s14+$0x16860]  }
0x1fb: {  	v8 =	vld [tilespmem:s14+$0x16870]  }
0x1fc: {  	v9 =	vld [tilespmem:s14+$0x16880]  }
0x1fd: {  	v10 =	vld [tilespmem:s14+$0x16890]  }
0x1fe: {  	v11 =	vld [tilespmem:s14+$0x168A0]  }
0x1ff: {  	v12 =	vld [tilespmem:s14+$0x168B0]  }
0x200: {  	v13 =	vld [tilespmem:s14+$0x168C0]  }
0x201: {  	v14 =	vld [tilespmem:s14+$0x168D0]  }
0x202: {  	v15 =	vld [tilespmem:s14+$0x168E0]  }
0x203: {  	[tilespmem:s14+$0x1C8F0] =	vst.add.f32.msk $0xffff, v1  }
0x204: {  	v1 =	vld [tilespmem:s14+$0x16840]  }
0x205: {  	[tilespmem:s14+$0x1C800] =	vst.add.f32.msk $0xffff, v2  }
0x206: {  	[tilespmem:s14+$0x1C810] =	vst.add.f32.msk $0xffff, v3  }
0x207: {  	[tilespmem:s14+$0x1C820] =	vst.add.f32.msk $0xffff, v4  }
0x208: {  	[tilespmem:s14+$0x1C830] =	vst.add.f32.msk $0xffff, v5  }
0x209: {  	[tilespmem:s14+$0x1C850] =	vst.add.f32.msk $0xffff, v6  }
0x20a: {  	[tilespmem:s14+$0x1C860] =	vst.add.f32.msk $0xffff, v7  }
0x20b: {  	[tilespmem:s14+$0x1C870] =	vst.add.f32.msk $0xffff, v8  }
0x20c: {  	[tilespmem:s14+$0x1C880] =	vst.add.f32.msk $0xffff, v9  }
0x20d: {  	[tilespmem:s14+$0x1C890] =	vst.add.f32.msk $0xffff, v10  }
0x20e: {  	[tilespmem:s14+$0x1C8A0] =	vst.add.f32.msk $0xffff, v11  }
0x20f: {  	[tilespmem:s14+$0x1C8B0] =	vst.add.f32.msk $0xffff, v12  }
0x210: {  	[tilespmem:s14+$0x1C8C0] =	vst.add.f32.msk $0xffff, v13  }
0x211: {  	[tilespmem:s14+$0x1C8D0] =	vst.add.f32.msk $0xffff, v14  }
0x212: {  	[tilespmem:s14+$0x1C8E0] =	vst.add.f32.msk $0xffff, v15  }
0x213: {  	s15 =	simm.s32 $0x400;
	[tilespmem:s14+$0x1C840] =	vst.add.f32.msk $0xffff, v1;
	s14 =	simm.s32 $0x0  }
.LBB2_17:
0x214: {  	p0 =	sne.s32 s15, $0x7C00;
	v1 =	vld [tilespmem:s14+$0x188F0]  }
0x215: {  	v2 =	vld [tilespmem:s14+$0x18800]  }
0x216: {  	v3 =	vld [tilespmem:s14+$0x18810]  }
0x217: {  	v4 =	vld [tilespmem:s14+$0x18820]  }
0x218: {  	v5 =	vld [tilespmem:s14+$0x18830]  }
0x219: {  	[tilespmem:s14+$0x1C8F0] =	vst.add.f32.msk $0xffff, v1  }
0x21a: {  	v1 =	vld [tilespmem:s14+$0x18840]  }
0x21b: {  	v6 =	vld [tilespmem:s14+$0x18850]  }
0x21c: {  	v7 =	vld [tilespmem:s14+$0x18860]  }
0x21d: {  	v8 =	vld [tilespmem:s14+$0x18870]  }
0x21e: {  	v9 =	vld [tilespmem:s14+$0x18880]  }
0x21f: {  	v10 =	vld [tilespmem:s14+$0x18890]  }
0x220: {  	v11 =	vld [tilespmem:s14+$0x188A0]  }
0x221: {  	v12 =	vld [tilespmem:s14+$0x188B0]  }
0x222: {  	v13 =	vld [tilespmem:s14+$0x188C0]  }
0x223: {  	v14 =	vld [tilespmem:s14+$0x188D0]  }
0x224: {  	v15 =	vld [tilespmem:s14+$0x188E0]  }
0x225: {  	[tilespmem:s14+$0x1C800] =	vst.add.f32.msk $0xffff, v2  }
0x226: {  	[tilespmem:s14+$0x1C810] =	vst.add.f32.msk $0xffff, v3  }
0x227: {  	[tilespmem:s14+$0x1C820] =	vst.add.f32.msk $0xffff, v4  }
0x228: {  	[tilespmem:s14+$0x1C830] =	vst.add.f32.msk $0xffff, v5  }
0x229: {  	[tilespmem:s14+$0x1C840] =	vst.add.f32.msk $0xffff, v1  }
0x22a: {  	[tilespmem:s14+$0x1C850] =	vst.add.f32.msk $0xffff, v6  }
0x22b: {  	[tilespmem:s14+$0x1C860] =	vst.add.f32.msk $0xffff, v7  }
0x22c: {  	[tilespmem:s14+$0x1C870] =	vst.add.f32.msk $0xffff, v8  }
0x22d: {  	[tilespmem:s14+$0x1C880] =	vst.add.f32.msk $0xffff, v9  }
0x22e: {  	[tilespmem:s14+$0x1C890] =	vst.add.f32.msk $0xffff, v10  }
.Ltmp7:
0x22f: {  	[tilespmem:s14+$0x1C8A0] =	vst.add.f32.msk $0xffff, v11;
	(pc) =	sbr.rel @p0 .LBB2_17-.Ltmp7, $4  }
0x230: {  	[tilespmem:s14+$0x1C8B0] =	vst.add.f32.msk $0xffff, v12  }
0x231: {  	[tilespmem:s14+$0x1C8C0] =	vst.add.f32.msk $0xffff, v13  }
0x232: {  	[tilespmem:s14+$0x1C8D0] =	vst.add.f32.msk $0xffff, v14  }
0x233: {  	[tilespmem:s14+$0x1C8E0] =	vst.add.f32.msk $0xffff, v15;
	s14 =	sshra.s32 s15, $0x2;
	s15 =	sadd.s32 $0x400, s15  }
0x234: {  	v1 =	vld [tilespmem:s14+$0x188F0]  }
0x235: {  	v2 =	vld [tilespmem:s14+$0x18800]  }
0x236: {  	v3 =	vld [tilespmem:s14+$0x18810]  }
0x237: {  	v4 =	vld [tilespmem:s14+$0x18820]  }
0x238: {  	v5 =	vld [tilespmem:s14+$0x18830]  }
0x239: {  	v6 =	vld [tilespmem:s14+$0x18850]  }
0x23a: {  	v7 =	vld [tilespmem:s14+$0x18860]  }
0x23b: {  	v8 =	vld [tilespmem:s14+$0x18870]  }
0x23c: {  	v9 =	vld [tilespmem:s14+$0x18880]  }
0x23d: {  	v10 =	vld [tilespmem:s14+$0x18890]  }
0x23e: {  	v11 =	vld [tilespmem:s14+$0x188A0]  }
0x23f: {  	v12 =	vld [tilespmem:s14+$0x188B0]  }
0x240: {  	v13 =	vld [tilespmem:s14+$0x188C0]  }
0x241: {  	v14 =	vld [tilespmem:s14+$0x188D0]  }
0x242: {  	v15 =	vld [tilespmem:s14+$0x188E0]  }
0x243: {  	[tilespmem:s14+$0x1C8F0] =	vst.add.f32.msk $0xffff, v1  }
0x244: {  	v1 =	vld [tilespmem:s14+$0x18840]  }
0x245: {  	[tilespmem:s14+$0x1C800] =	vst.add.f32.msk $0xffff, v2  }
0x246: {  	[tilespmem:s14+$0x1C810] =	vst.add.f32.msk $0xffff, v3  }
0x247: {  	[tilespmem:s14+$0x1C820] =	vst.add.f32.msk $0xffff, v4  }
0x248: {  	[tilespmem:s14+$0x1C830] =	vst.add.f32.msk $0xffff, v5  }
0x249: {  	[tilespmem:s14+$0x1C850] =	vst.add.f32.msk $0xffff, v6  }
0x24a: {  	[tilespmem:s14+$0x1C860] =	vst.add.f32.msk $0xffff, v7  }
0x24b: {  	[tilespmem:s14+$0x1C870] =	vst.add.f32.msk $0xffff, v8  }
0x24c: {  	[tilespmem:s14+$0x1C880] =	vst.add.f32.msk $0xffff, v9  }
0x24d: {  	[tilespmem:s14+$0x1C890] =	vst.add.f32.msk $0xffff, v10  }
0x24e: {  	[tilespmem:s14+$0x1C8A0] =	vst.add.f32.msk $0xffff, v11  }
0x24f: {  	[tilespmem:s14+$0x1C8B0] =	vst.add.f32.msk $0xffff, v12  }
0x250: {  	[tilespmem:s14+$0x1C8C0] =	vst.add.f32.msk $0xffff, v13  }
0x251: {  	[tilespmem:s14+$0x1C8D0] =	vst.add.f32.msk $0xffff, v14  }
0x252: {  	[tilespmem:s14+$0x1C8E0] =	vst.add.f32.msk $0xffff, v15  }
0x253: {  	s15 =	simm.s32 $0x400;
	[tilespmem:s14+$0x1C840] =	vst.add.f32.msk $0xffff, v1;
	s14 =	simm.s32 $0x0  }
.LBB2_19:
0x254: {  	p0 =	sne.s32 s15, $0x7C00;
	v1 =	vld [tilespmem:s14+$0x1A8F0]  }
0x255: {  	v2 =	vld [tilespmem:s14+$0x1A800]  }
0x256: {  	v3 =	vld [tilespmem:s14+$0x1A810]  }
0x257: {  	v4 =	vld [tilespmem:s14+$0x1A820]  }
0x258: {  	v5 =	vld [tilespmem:s14+$0x1A830]  }
0x259: {  	[tilespmem:s14+$0x1C8F0] =	vst.add.f32.msk $0xffff, v1  }
0x25a: {  	v1 =	vld [tilespmem:s14+$0x1A840]  }
0x25b: {  	v6 =	vld [tilespmem:s14+$0x1A850]  }
0x25c: {  	v7 =	vld [tilespmem:s14+$0x1A860]  }
0x25d: {  	v8 =	vld [tilespmem:s14+$0x1A870]  }
0x25e: {  	v9 =	vld [tilespmem:s14+$0x1A880]  }
0x25f: {  	v10 =	vld [tilespmem:s14+$0x1A890]  }
0x260: {  	v11 =	vld [tilespmem:s14+$0x1A8A0]  }
0x261: {  	v12 =	vld [tilespmem:s14+$0x1A8B0]  }
0x262: {  	v13 =	vld [tilespmem:s14+$0x1A8C0]  }
0x263: {  	v14 =	vld [tilespmem:s14+$0x1A8D0]  }
0x264: {  	v15 =	vld [tilespmem:s14+$0x1A8E0]  }
0x265: {  	[tilespmem:s14+$0x1C800] =	vst.add.f32.msk $0xffff, v2  }
0x266: {  	[tilespmem:s14+$0x1C810] =	vst.add.f32.msk $0xffff, v3  }
0x267: {  	[tilespmem:s14+$0x1C820] =	vst.add.f32.msk $0xffff, v4  }
0x268: {  	[tilespmem:s14+$0x1C830] =	vst.add.f32.msk $0xffff, v5  }
0x269: {  	[tilespmem:s14+$0x1C840] =	vst.add.f32.msk $0xffff, v1  }
0x26a: {  	[tilespmem:s14+$0x1C850] =	vst.add.f32.msk $0xffff, v6  }
0x26b: {  	[tilespmem:s14+$0x1C860] =	vst.add.f32.msk $0xffff, v7  }
0x26c: {  	[tilespmem:s14+$0x1C870] =	vst.add.f32.msk $0xffff, v8  }
0x26d: {  	[tilespmem:s14+$0x1C880] =	vst.add.f32.msk $0xffff, v9  }
0x26e: {  	[tilespmem:s14+$0x1C890] =	vst.add.f32.msk $0xffff, v10  }
.Ltmp8:
0x26f: {  	[tilespmem:s14+$0x1C8A0] =	vst.add.f32.msk $0xffff, v11;
	(pc) =	sbr.rel @p0 .LBB2_19-.Ltmp8, $4  }
0x270: {  	[tilespmem:s14+$0x1C8B0] =	vst.add.f32.msk $0xffff, v12  }
0x271: {  	[tilespmem:s14+$0x1C8C0] =	vst.add.f32.msk $0xffff, v13  }
0x272: {  	[tilespmem:s14+$0x1C8D0] =	vst.add.f32.msk $0xffff, v14  }
0x273: {  	[tilespmem:s14+$0x1C8E0] =	vst.add.f32.msk $0xffff, v15;
	s14 =	sshra.s32 s15, $0x2;
	s15 =	sadd.s32 $0x400, s15  }
0x274: {  	v1 =	vld [tilespmem:s14+$0x1A8F0]  }
0x275: {  	v2 =	vld [tilespmem:s14+$0x1A800]  }
0x276: {  	v3 =	vld [tilespmem:s14+$0x1A810]  }
0x277: {  	v4 =	vld [tilespmem:s14+$0x1A820]  }
0x278: {  	v5 =	vld [tilespmem:s14+$0x1A830]  }
0x279: {  	v6 =	vld [tilespmem:s14+$0x1A850]  }
0x27a: {  	v7 =	vld [tilespmem:s14+$0x1A860]  }
0x27b: {  	v8 =	vld [tilespmem:s14+$0x1A870]  }
0x27c: {  	v9 =	vld [tilespmem:s14+$0x1A880]  }
0x27d: {  	v10 =	vld [tilespmem:s14+$0x1A890]  }
0x27e: {  	v11 =	vld [tilespmem:s14+$0x1A8A0]  }
0x27f: {  	v12 =	vld [tilespmem:s14+$0x1A8B0]  }
0x280: {  	v13 =	vld [tilespmem:s14+$0x1A8C0]  }
0x281: {  	v14 =	vld [tilespmem:s14+$0x1A8D0]  }
0x282: {  	v15 =	vld [tilespmem:s14+$0x1A8E0]  }
0x283: {  	[tilespmem:s14+$0x1C8F0] =	vst.add.f32.msk $0xffff, v1  }
0x284: {  	v1 =	vld [tilespmem:s14+$0x1A840]  }
0x285: {  	[tilespmem:s14+$0x1C800] =	vst.add.f32.msk $0xffff, v2  }
0x286: {  	[tilespmem:s14+$0x1C810] =	vst.add.f32.msk $0xffff, v3  }
0x287: {  	[tilespmem:s14+$0x1C820] =	vst.add.f32.msk $0xffff, v4  }
0x288: {  	[tilespmem:s14+$0x1C830] =	vst.add.f32.msk $0xffff, v5  }
0x289: {  	[tilespmem:s14+$0x1C850] =	vst.add.f32.msk $0xffff, v6  }
0x28a: {  	[tilespmem:s14+$0x1C860] =	vst.add.f32.msk $0xffff, v7  }
0x28b: {  	[tilespmem:s14+$0x1C870] =	vst.add.f32.msk $0xffff, v8  }
0x28c: {  	[tilespmem:s14+$0x1C880] =	vst.add.f32.msk $0xffff, v9  }
0x28d: {  	s13 =	sadd.s32 $0x1, s13;
	[tilespmem:s14+$0x1C890] =	vst.add.f32.msk $0xffff, v10  }
0x28e: {  	p0 =	sne.s32 s13, $0x19;
	[tilespmem:s14+$0x1C8A0] =	vst.add.f32.msk $0xffff, v11  }
.Ltmp9:
0x28f: {  	[tilespmem:s14+$0x1C8B0] =	vst.add.f32.msk $0xffff, v12;
	(pc) =	sbr.rel @p0 .LBB2_4-.Ltmp9, $4  }
0x290: {  	[tilespmem:s14+$0x1C8C0] =	vst.add.f32.msk $0xffff, v13  }
0x291: {  	[tilespmem:s14+$0x1C8D0] =	vst.add.f32.msk $0xffff, v14  }
0x292: {  	[tilespmem:s14+$0x1C8E0] =	vst.add.f32.msk $0xffff, v15  }
0x293: {  	[tilespmem:s14+$0x1C840] =	vst.add.f32.msk $0xffff, v1  }
0x294: {  	s12 =	sadd.s32 $0x1, s12  }
0x295: {  	p0 =	sne.s32 s12, s6  }
.Ltmp10:
0x296: {  	_ = 	snop;
	(pc) =	sbr.rel @p0 .LBB2_1-.Ltmp10, $4  }
0x297: {  	[hbm4b:s5+s2] =	stream.linear.scatter [tilespmem:s11], [sflag:$0x3], $0x2000, $0x38;
	[tilespmem:$0x1E800] =	vst v63  }
0x298: {  	_ =	swait.ge [sflag:s9], $0x2000  }
0x299: {  	[sflag:s9] =	ssyncset.done $0x0  }
0x29a: {  	[sflag:s9] =	ssyncadd.s32 $0xFFFFE000  }
0x29b: {  	_ =	sfence.sel $0x180000  }
0x29c: {  	[bflag:$0x0] =	sbarrier.arrive $0xFFFF  }
0x29d: {  	_ =	strace $0x90000047  }
0x29e: {  	s0 =	stileid.u32;
	[bflag:$0x2] =	sbarrier.arrive $0xFFFF  }
0x29f: {  	p0 =	sne.s32 s0, $0x0;
	s0 =	rddreg [dreg:$0x2]  }
0x2a0: {  	s0 =	sadd.s32 @!p0 $0x100000, s0  }
0x2a1: {  	[sflag:s0] =	ssyncadd.tile.s32 @!p0 $0x1;
	_ =	shalt  }
.Lfunc_end2:
_tile_overlayer_lowered:
.L_overlay_start_2:
0x2a2: {  	(tag) =	ssettag $0x2  }
0x2a3: {  	s0 =	rddreg [dreg:$0x0];
	s2 =	stileid.u32  }
0x2a4: {  	s1 =	rddreg [dreg:$0x1];
	p0 =	sne.s32 s2, $0x0  }
0x2a5: {  	s3 =	rddreg [dreg:$0x2];
	[bflag:$0x3] =	sbarrier.arrive $0xFFFF;
	s2 =	simm.s32 @!p0 $0x1C03  }
0x2a6: {  	[timem:s3], [sflag:s2] =	dma.local @!p0 [hbm:s0], s1  }
0x2a7: {  	s0 =	simm.s32 @!p0 $0x3  }
0x2a8: {  	_ =	swait.ge @!p0 [sflag:s0], s1  }
0x2a9: {  	s1 =	ssub.s32 @!p0 $0x0, s1;
	[sflag:s0] =	ssyncset.done @!p0 $0x0  }
0x2aa: {  	[sflag:s0] =	ssyncadd.s32 @!p0 s1  }
0x2ab: {  	[bflag:$0x3] =	sbarrier.arrive $0xFFFF  }
0x2ac: {  	_ =	shalt  }

</sc_bundles>
